<compile_context>
chip_gen: v7x
topology: tpu7x:2x2x1
jax: 0.10.2.dev20260603
libtpu: 0.0.44.dev20260713+nightly
codegen_flags: <defaults>
</compile_context>

<pallas_src>
import functools

import jax
import jax.numpy as jnp
from jax import lax
from jax.experimental import pallas as pl
from jax.experimental.pallas import tpu as pltpu
from jax.experimental.pallas import tpu_sc as plsc

BT = 128
T = 2048
D = 1024
I = 512
E = 16
K = 2
PAD_T = 4096 + E * BT
G = PAD_T // BT

NC = 2
NS = 16
NW = NC * NS
L = 16


def _meta_kernel(x_ref, r_ref, b_ref, tok_i_ref, w0e_ref, w1e_ref,
                 small_i_ref, small_f_ref):
    x = x_ref[...]
    logits = jnp.dot(x, r_ref[...], preferred_element_type=jnp.float32)
    biased = logits + b_ref[...]
    lane = jax.lax.broadcasted_iota(jnp.int32, (T, E), 1)
    m0 = jnp.max(biased, axis=1, keepdims=True)
    e0 = jnp.min(jnp.where(biased == m0, lane, jnp.int32(1 << 30)), axis=1,
                 keepdims=True)
    oh0 = (lane == e0).astype(jnp.float32)
    masked = jnp.where(oh0 > 0, jnp.float32(-1e30), biased)
    m1 = jnp.max(masked, axis=1, keepdims=True)
    e1 = jnp.min(jnp.where(masked == m1, lane, jnp.int32(1 << 30)), axis=1,
                 keepdims=True)
    oh1 = (lane == e1).astype(jnp.float32)
    l0 = jnp.sum(logits * oh0, axis=1, keepdims=True)
    l1 = jnp.sum(logits * oh1, axis=1, keepdims=True)
    s0 = jax.nn.sigmoid(l0)
    s1 = jax.nn.sigmoid(l1)
    den = s0 + s1
    w0e_ref[...] = jnp.broadcast_to(s0 / den, (T, L))
    w1e_ref[...] = jnp.broadcast_to(s1 / den, (T, L))
    counts0 = jnp.sum(oh0, axis=0, keepdims=True)
    counts1 = jnp.sum(oh1, axis=0, keepdims=True)
    counts = counts0 + counts1
    total = jnp.maximum(jnp.sum(counts), 1.0)
    frac = counts / total
    ent = -jnp.sum(frac * jnp.log(frac + 1e-6))
    small_f_ref[0:1, 0:E] = counts
    small_f_ref[1:2, :] = jnp.full((1, 128), ent, jnp.float32)
    ri = jax.lax.broadcasted_iota(jnp.int32, (T, T), 0)
    ci = jax.lax.broadcasted_iota(jnp.int32, (T, T), 1)
    Lm = (ci < ri).astype(jnp.float32)
    cs0 = jnp.dot(Lm, oh0, preferred_element_type=jnp.float32)
    cs1 = jnp.dot(Lm, oh1, preferred_element_type=jnp.float32)
    rank0 = jnp.sum(cs0 * oh0, axis=1, keepdims=True)
    rank1 = (jnp.sum(cs1 * oh1, axis=1, keepdims=True)
             + jnp.sum(counts0 * oh1, axis=1, keepdims=True))
    pc = jnp.ceil(counts / BT) * BT
    ui = jax.lax.broadcasted_iota(jnp.int32, (E, E), 0)
    uj = jax.lax.broadcasted_iota(jnp.int32, (E, E), 1)
    Um = (ui < uj).astype(jnp.float32)
    po = jnp.dot(pc, Um, preferred_element_type=jnp.float32)
    p0 = jnp.sum(po * oh0, axis=1, keepdims=True) + rank0
    p1 = jnp.sum(po * oh1, axis=1, keepdims=True) + rank1
    tok_i_ref[0:1, :] = jnp.transpose(p0.astype(jnp.int32))
    tok_i_ref[1:2, :] = jnp.transpose(p1.astype(jnp.int32))
    ends = po + pc
    qcol = (jax.lax.broadcasted_iota(jnp.int32, (64, 1), 0) * BT).astype(
        jnp.float32)
    be = jnp.sum((ends <= qcol).astype(jnp.float32), axis=1, keepdims=True)
    be = jnp.clip(be, 0.0, float(E - 1))
    small_i_ref[:, 0:1] = be.astype(jnp.int32)


def _sc_wid():
    return lax.axis_index("s") * NC + lax.axis_index("c")


_W_TOK = T // NW


@functools.partial(
    pl.kernel,
    mesh=plsc.VectorSubcoreMesh(core_axis_name="c", subcore_axis_name="s"),
    out_type=jax.ShapeDtypeStruct((PAD_T, D), jnp.float32),
    scratch_types=[
        pltpu.VMEM((K, _W_TOK), jnp.int32),
        pltpu.VMEM((_W_TOK, D), jnp.float32),
        pltpu.SemaphoreType.DMA,
        pltpu.SemaphoreType.DMA,
    ],
)
def _dispatch_sc(pos_hbm, x_hbm, xs_hbm, idx_v, rows_v, sem0, sem1):
    wid = _sc_wid()
    base = wid * _W_TOK
    pltpu.sync_copy(pos_hbm.at[0, pl.ds(base, _W_TOK)], idx_v.at[0])
    pltpu.sync_copy(pos_hbm.at[1, pl.ds(base, _W_TOK)], idx_v.at[1])
    pltpu.sync_copy(x_hbm.at[pl.ds(base, _W_TOK)], rows_v)
    c0 = pltpu.async_copy(rows_v, xs_hbm.at[idx_v.at[0]], sem0)
    c1 = pltpu.async_copy(rows_v, xs_hbm.at[idx_v.at[1]], sem1)
    c0.wait()
    c1.wait()


def _expert_kernel(be_ref, xs_ref, wgu_ref, wd_ref, y_ref):
    del be_ref
    xg = xs_ref[...]
    gu = jnp.dot(xg, wgu_ref[0], preferred_element_type=jnp.float32)
    gate = gu[:, :I]
    up = gu[:, I:]
    h = gate * jax.nn.sigmoid(gate) * up
    y_ref[...] = jnp.dot(h, wd_ref[0], preferred_element_type=jnp.float32)


_C_TOK = T // NW
_C_CH = 32
_C_NCH = _C_TOK // _C_CH


@functools.partial(
    pl.kernel,
    mesh=plsc.VectorSubcoreMesh(core_axis_name="c", subcore_axis_name="s"),
    out_type=jax.ShapeDtypeStruct((T, D), jnp.float32),
    scratch_types=[
        pltpu.VMEM((K, _C_TOK), jnp.int32),
        pltpu.VMEM((_C_TOK, L), jnp.float32),
        pltpu.VMEM((_C_TOK, L), jnp.float32),
        pltpu.VMEM((_C_CH, D), jnp.float32),
        pltpu.VMEM((_C_CH, D), jnp.float32),
        pltpu.VMEM((_C_CH, D), jnp.float32),
        pltpu.SemaphoreType.DMA,
        pltpu.SemaphoreType.DMA,
    ],
)
def _combine_sc(pos_hbm, w0_hbm, w1_hbm, y_hbm, out_hbm, idx_v, w0_v, w1_v,
                buf0, buf1, obuf, sem0, sem1):
    wid = _sc_wid()
    base = wid * _C_TOK
    pltpu.sync_copy(pos_hbm.at[0, pl.ds(base, _C_TOK)], idx_v.at[0])
    pltpu.sync_copy(pos_hbm.at[1, pl.ds(base, _C_TOK)], idx_v.at[1])
    pltpu.sync_copy(w0_hbm.at[pl.ds(base, _C_TOK)], w0_v)
    pltpu.sync_copy(w1_hbm.at[pl.ds(base, _C_TOK)], w1_v)
    for c in range(_C_NCH):
        c0 = pltpu.async_copy(y_hbm.at[idx_v.at[0, pl.ds(c * _C_CH, _C_CH)]],
                              buf0, sem0)
        c1 = pltpu.async_copy(y_hbm.at[idx_v.at[1, pl.ds(c * _C_CH, _C_CH)]],
                              buf1, sem1)
        c0.wait()
        c1.wait()

        def tok(t, carry):
            w0b = w0_v[c * _C_CH + t, :]
            w1b = w1_v[c * _C_CH + t, :]
            for u in range(D // L):
                obuf[t, pl.ds(u * L, L)] = (
                    buf0[t, pl.ds(u * L, L)] * w0b
                    + buf1[t, pl.ds(u * L, L)] * w1b)
            return carry

        lax.fori_loop(0, _C_CH, tok, 0)
        pltpu.sync_copy(obuf, out_hbm.at[pl.ds(base + c * _C_CH, _C_CH)])


def kernel(x, router, router_bias, w_gate_up, w_down):
    b, s, d = x.shape
    x_flat = x.reshape(b * s, d)

    pos, w0e, w1e, small_i, small_f = pl.pallas_call(
        _meta_kernel,
        out_shape=[
            jax.ShapeDtypeStruct((8, T), jnp.int32),
            jax.ShapeDtypeStruct((T, L), jnp.float32),
            jax.ShapeDtypeStruct((T, L), jnp.float32),
            jax.ShapeDtypeStruct((64, 8), jnp.int32),
            jax.ShapeDtypeStruct((8, 128), jnp.float32),
        ],
    )(x_flat, router, router_bias.reshape(1, E))

    expert_counts = small_f[0, :E]
    entropy = small_f[1, 0]

    xs = _dispatch_sc(pos, x_flat)

    y = pl.pallas_call(
        _expert_kernel,
        grid_spec=pltpu.PrefetchScalarGridSpec(
            num_scalar_prefetch=1,
            grid=(G,),
            in_specs=[
                pl.BlockSpec((BT, D), lambda g, be: (g, 0)),
                pl.BlockSpec((1, D, 2 * I), lambda g, be: (be[g, 0], 0, 0)),
                pl.BlockSpec((1, I, D), lambda g, be: (be[g, 0], 0, 0)),
            ],
            out_specs=pl.BlockSpec((BT, D), lambda g, be: (g, 0)),
        ),
        out_shape=jax.ShapeDtypeStruct((PAD_T, D), jnp.float32),
    )(small_i, xs, w_gate_up, w_down)

    routed = _combine_sc(pos, w0e, w1e, y)

    return routed.reshape(b, s, d), expert_counts, entropy

# --- scband reference (transcript-rebuilt; emitter-appended) ---
"""Pipeline reference for scband-mo-emlp-3762391351684 (READ-ONLY COPY).

The authoritative reference and input builder live on the scoring server;
editing this copy changes nothing except your own understanding.
"""

import jax, jax.numpy as jnp
import numpy as np

B, S, D, I, E, K = 1, 2048, 1024, 512, 16, 2


def setup_inputs(seed: int = 0) -> dict:
    key = jax.random.key(seed)
    k1, k2, k3, k4, k5 = jax.random.split(key, 5)
    x = jax.random.normal(k1, (B, S, D), dtype=jnp.float32)
    router = jax.random.normal(k2, (D, E), dtype=jnp.float32) * (1.0 / np.sqrt(D))
    router_bias = jnp.zeros((E,), dtype=jnp.float32)
    w_gate = jax.random.normal(k3, (E, D, I), dtype=jnp.float32) * (1.0 / np.sqrt(D))
    w_up = jax.random.normal(k4, (E, D, I), dtype=jnp.float32) * (1.0 / np.sqrt(D))
    w_gate_up = jnp.concatenate([w_gate, w_up], axis=-1)
    alpha_ffn = I / D
    w_down = jax.random.normal(k5, (E, I, D), dtype=jnp.float32) * (1.0 / (alpha_ffn * np.sqrt(D)))
    return {"x": x, "router": router, "router_bias": router_bias, "w_gate_up": w_gate_up, "w_down": w_down}


def reference(x, router, router_bias, w_gate_up, w_down):
    b, s, d = x.shape
    e = router.shape[1]
    x_flat = x.reshape(b * s, d)
    # router
    router_logits = jnp.einsum('td,de->te', x_flat, router)
    biased_logits = router_logits + jax.lax.stop_gradient(router_bias)
    _topk_logits, selected_experts = jax.lax.top_k(biased_logits, K)
    unbiased_topk = jnp.take_along_axis(router_logits, selected_experts, axis=-1)
    topk_weights = jax.nn.sigmoid(unbiased_topk)
    combine_weights = (topk_weights / jnp.sum(topk_weights, axis=-1, keepdims=True)).astype(x.dtype)
    # routing stats
    expert_counts = jnp.sum(jax.nn.one_hot(selected_experts, e, dtype=jnp.float32), axis=(0, 1))
    total_assignments = jnp.maximum(jnp.sum(expert_counts), 1.0)
    assignment_fraction = expert_counts / total_assignments
    routing_entropy = -jnp.sum(assignment_fraction * jnp.log(assignment_fraction + 1e-06))
    # moe_mlp: dropless dense-dispatch equivalent (scatter combine weights into [T, E])
    T = x_flat.shape[0]
    C = jnp.zeros((T, e), dtype=x.dtype).at[jnp.arange(T)[:, None], selected_experts].set(combine_weights)
    gu = jnp.einsum('td,edi->tei', x_flat, w_gate_up)
    gate, up = jnp.split(gu, 2, axis=-1)
    h = jax.nn.silu(gate) * up
    out_e = jnp.einsum('tei,eid->ted', h, w_down)
    routed_flat = jnp.einsum('te,ted->td', C, out_e)
    routed = routed_flat.reshape(b, s, d)
    return routed, expert_counts, routing_entropy

if __name__ == "__main__":
    import jax
    _d = setup_inputs()
    print(jax.jit(kernel)(*tuple(_d.values())))

</pallas_src>

<mosaic_0001>
#map = affine_map<(d0, d1) -> (0, 0)>
module attributes {stable_mosaic.version = 14 : i64} {
  func.func @_combine_sc(%arg0: i32, %arg1: i32, %arg2: memref<8x2048xi32, #tpu.memory_space<hbm>>, %arg3: memref<2048x16xf32, #tpu.memory_space<hbm>>, %arg4: memref<2048x16xf32, #tpu.memory_space<hbm>>, %arg5: memref<6144x1024xf32, #tpu.memory_space<hbm>>, %arg6: memref<2048x1024xf32, #tpu.memory_space<hbm>>, %arg7: memref<2x64xi32, #tpu.memory_space<vmem>>, %arg8: memref<64x16xf32, #tpu.memory_space<vmem>>, %arg9: memref<64x16xf32, #tpu.memory_space<vmem>>, %arg10: memref<32x1024xf32, #tpu.memory_space<vmem>>, %arg11: memref<32x1024xf32, #tpu.memory_space<vmem>>, %arg12: memref<32x1024xf32, #tpu.memory_space<vmem>>, %arg13: memref<!tpu.dma_semaphore, #tpu.memory_space<semaphore_mem>>, %arg14: memref<!tpu.dma_semaphore, #tpu.memory_space<semaphore_mem>>) attributes {dimension_semantics = [#tpu.dimension_semantics<core_parallel>, #tpu.dimension_semantics<subcore_parallel>], iteration_bounds = array<i64: 2, 16>, scalar_prefetch = 0 : i64, scratch_operands = 8 : i64, tpu.core_type = #tpu.core_type<sc_vector_subcore>, window_params = [{transform_indices = #map}, {transform_indices = #map}, {transform_indices = #map}, {transform_indices = #map}, {transform_indices = #map}]} {
    %mul3A = arith.constant 2 : i32
    %mul3A_0 = arith.muli %arg1, %mul3A : i32
    %add3A = arith.addi %mul3A_0, %arg0 : i32
    %mul3A_1 = arith.constant 64 : i32
    %mul3A_2 = arith.muli %add3A, %mul3A_1 : i32
    %run_scoped3A = arith.constant 0 : i32
    %run_scoped3A_3 = arith.constant 0 : i32
    "tpu.region"() ({
      %run_scoped3A_75 = tpu.sem_alloc : memref<!tpu.dma_semaphore, #tpu.memory_space<semaphore_mem>>
      %dma_start3A_76 = arith.constant 0 : i32
      %dma_start3A_77 = tpu.memref_slice %arg7[%run_scoped3A_3, %dma_start3A_76] : memref<2x64xi32, #tpu.memory_space<vmem>> -> memref<1x64xi32, #tpu.memory_space<vmem>>
      %dma_start3A_78 = tpu.memref_squeeze %dma_start3A_77 : memref<1x64xi32, #tpu.memory_space<vmem>> -> memref<64xi32, #tpu.memory_space<vmem>>
      %dma_start3A_79 = tpu.memref_slice %arg2[%run_scoped3A, %mul3A_2] : memref<8x2048xi32, #tpu.memory_space<hbm>> -> memref<1x64xi32, #tpu.memory_space<hbm>>
      %dma_start3A_80 = tpu.memref_squeeze %dma_start3A_79 : memref<1x64xi32, #tpu.memory_space<hbm>> -> memref<64xi32, #tpu.memory_space<hbm>>
      %dma_start3A_81 = arith.constant 0 : i32
      %dma_start3A_82 = tpu.memref_slice %arg7[%run_scoped3A_3, %dma_start3A_81] : memref<2x64xi32, #tpu.memory_space<vmem>> -> memref<1x64xi32, #tpu.memory_space<vmem>>
      %dma_start3A_83 = tpu.memref_squeeze %dma_start3A_82 : memref<1x64xi32, #tpu.memory_space<vmem>> -> memref<64xi32, #tpu.memory_space<vmem>>
      %dma_start3A_84 = tpu.memref_slice %arg2[%run_scoped3A, %mul3A_2] : memref<8x2048xi32, #tpu.memory_space<hbm>> -> memref<1x64xi32, #tpu.memory_space<hbm>>
      %dma_start3A_85 = tpu.memref_squeeze %dma_start3A_84 : memref<1x64xi32, #tpu.memory_space<hbm>> -> memref<64xi32, #tpu.memory_space<hbm>>
      tpu.enqueue_dma source(%dma_start3A_85 : memref<64xi32, #tpu.memory_space<hbm>>) target(%dma_start3A_83 : memref<64xi32, #tpu.memory_space<vmem>>) target_semaphore(%run_scoped3A_75 : memref<!tpu.dma_semaphore, #tpu.memory_space<semaphore_mem>>)
      %dma_wait3A_86 = arith.constant 0 : i32
      %dma_wait3A_87 = tpu.memref_slice %arg7[%run_scoped3A_3, %dma_wait3A_86] : memref<2x64xi32, #tpu.memory_space<vmem>> -> memref<1x64xi32, #tpu.memory_space<vmem>>
      %dma_wait3A_88 = tpu.memref_squeeze %dma_wait3A_87 : memref<1x64xi32, #tpu.memory_space<vmem>> -> memref<64xi32, #tpu.memory_space<vmem>>
      %dma_wait3A_89 = tpu.memref_slice %arg2[%run_scoped3A, %mul3A_2] : memref<8x2048xi32, #tpu.memory_space<hbm>> -> memref<1x64xi32, #tpu.memory_space<hbm>>
      %dma_wait3A_90 = tpu.memref_squeeze %dma_wait3A_89 : memref<1x64xi32, #tpu.memory_space<hbm>> -> memref<64xi32, #tpu.memory_space<hbm>>
      %dma_wait3A_91 = arith.constant 0 : i32
      %dma_wait3A_92 = tpu.memref_slice %arg7[%run_scoped3A_3, %dma_wait3A_91] : memref<2x64xi32, #tpu.memory_space<vmem>> -> memref<1x64xi32, #tpu.memory_space<vmem>>
      %dma_wait3A_93 = tpu.memref_squeeze %dma_wait3A_92 : memref<1x64xi32, #tpu.memory_space<vmem>> -> memref<64xi32, #tpu.memory_space<vmem>>
      %dma_wait3A_94 = tpu.memref_slice %arg2[%run_scoped3A, %mul3A_2] : memref<8x2048xi32, #tpu.memory_space<hbm>> -> memref<1x64xi32, #tpu.memory_space<hbm>>
      %dma_wait3A_95 = tpu.memref_squeeze %dma_wait3A_94 : memref<1x64xi32, #tpu.memory_space<hbm>> -> memref<64xi32, #tpu.memory_space<hbm>>
      tpu.wait_dma2 semaphore(%run_scoped3A_75 : memref<!tpu.dma_semaphore, #tpu.memory_space<semaphore_mem>>) src(%dma_wait3A_95 : memref<64xi32, #tpu.memory_space<hbm>>) dst(%dma_wait3A_93 : memref<64xi32, #tpu.memory_space<vmem>>)
      tpu.yield
    }) : () -> ()
    %run_scoped3A_4 = arith.constant 1 : i32
    %run_scoped3A_5 = arith.constant 1 : i32
    "tpu.region"() ({
      %run_scoped3A_75 = tpu.sem_alloc : memref<!tpu.dma_semaphore, #tpu.memory_space<semaphore_mem>>
      %dma_start3A_76 = arith.constant 0 : i32
      %dma_start3A_77 = tpu.memref_slice %arg7[%run_scoped3A_5, %dma_start3A_76] : memref<2x64xi32, #tpu.memory_space<vmem>> -> memref<1x64xi32, #tpu.memory_space<vmem>>
      %dma_start3A_78 = tpu.memref_squeeze %dma_start3A_77 : memref<1x64xi32, #tpu.memory_space<vmem>> -> memref<64xi32, #tpu.memory_space<vmem>>
      %dma_start3A_79 = tpu.memref_slice %arg2[%run_scoped3A_4, %mul3A_2] : memref<8x2048xi32, #tpu.memory_space<hbm>> -> memref<1x64xi32, #tpu.memory_space<hbm>>
      %dma_start3A_80 = tpu.memref_squeeze %dma_start3A_79 : memref<1x64xi32, #tpu.memory_space<hbm>> -> memref<64xi32, #tpu.memory_space<hbm>>
      %dma_start3A_81 = arith.constant 0 : i32
      %dma_start3A_82 = tpu.memref_slice %arg7[%run_scoped3A_5, %dma_start3A_81] : memref<2x64xi32, #tpu.memory_space<vmem>> -> memref<1x64xi32, #tpu.memory_space<vmem>>
      %dma_start3A_83 = tpu.memref_squeeze %dma_start3A_82 : memref<1x64xi32, #tpu.memory_space<vmem>> -> memref<64xi32, #tpu.memory_space<vmem>>
      %dma_start3A_84 = tpu.memref_slice %arg2[%run_scoped3A_4, %mul3A_2] : memref<8x2048xi32, #tpu.memory_space<hbm>> -> memref<1x64xi32, #tpu.memory_space<hbm>>
      %dma_start3A_85 = tpu.memref_squeeze %dma_start3A_84 : memref<1x64xi32, #tpu.memory_space<hbm>> -> memref<64xi32, #tpu.memory_space<hbm>>
      tpu.enqueue_dma source(%dma_start3A_85 : memref<64xi32, #tpu.memory_space<hbm>>) target(%dma_start3A_83 : memref<64xi32, #tpu.memory_space<vmem>>) target_semaphore(%run_scoped3A_75 : memref<!tpu.dma_semaphore, #tpu.memory_space<semaphore_mem>>)
      %dma_wait3A_86 = arith.constant 0 : i32
      %dma_wait3A_87 = tpu.memref_slice %arg7[%run_scoped3A_5, %dma_wait3A_86] : memref<2x64xi32, #tpu.memory_space<vmem>> -> memref<1x64xi32, #tpu.memory_space<vmem>>
      %dma_wait3A_88 = tpu.memref_squeeze %dma_wait3A_87 : memref<1x64xi32, #tpu.memory_space<vmem>> -> memref<64xi32, #tpu.memory_space<vmem>>
      %dma_wait3A_89 = tpu.memref_slice %arg2[%run_scoped3A_4, %mul3A_2] : memref<8x2048xi32, #tpu.memory_space<hbm>> -> memref<1x64xi32, #tpu.memory_space<hbm>>
      %dma_wait3A_90 = tpu.memref_squeeze %dma_wait3A_89 : memref<1x64xi32, #tpu.memory_space<hbm>> -> memref<64xi32, #tpu.memory_space<hbm>>
      %dma_wait3A_91 = arith.constant 0 : i32
      %dma_wait3A_92 = tpu.memref_slice %arg7[%run_scoped3A_5, %dma_wait3A_91] : memref<2x64xi32, #tpu.memory_space<vmem>> -> memref<1x64xi32, #tpu.memory_space<vmem>>
      %dma_wait3A_93 = tpu.memref_squeeze %dma_wait3A_92 : memref<1x64xi32, #tpu.memory_space<vmem>> -> memref<64xi32, #tpu.memory_space<vmem>>
      %dma_wait3A_94 = tpu.memref_slice %arg2[%run_scoped3A_4, %mul3A_2] : memref<8x2048xi32, #tpu.memory_space<hbm>> -> memref<1x64xi32, #tpu.memory_space<hbm>>
      %dma_wait3A_95 = tpu.memref_squeeze %dma_wait3A_94 : memref<1x64xi32, #tpu.memory_space<hbm>> -> memref<64xi32, #tpu.memory_space<hbm>>
      tpu.wait_dma2 semaphore(%run_scoped3A_75 : memref<!tpu.dma_semaphore, #tpu.memory_space<semaphore_mem>>) src(%dma_wait3A_95 : memref<64xi32, #tpu.memory_space<hbm>>) dst(%dma_wait3A_93 : memref<64xi32, #tpu.memory_space<vmem>>)
      tpu.yield
    }) : () -> ()
    "tpu.region"() ({
      %run_scoped3A_75 = tpu.sem_alloc : memref<!tpu.dma_semaphore, #tpu.memory_space<semaphore_mem>>
      %dma_start3A_76 = arith.constant 0 : i32
      %dma_start3A_77 = tpu.memref_slice %arg3[%mul3A_2, %dma_start3A_76] : memref<2048x16xf32, #tpu.memory_space<hbm>> -> memref<64x16xf32, #tpu.memory_space<hbm>>
      %dma_start3A_78 = arith.constant 0 : i32
      %dma_start3A_79 = tpu.memref_slice %arg3[%mul3A_2, %dma_start3A_78] : memref<2048x16xf32, #tpu.memory_space<hbm>> -> memref<64x16xf32, #tpu.memory_space<hbm>>
      tpu.enqueue_dma source(%dma_start3A_79 : memref<64x16xf32, #tpu.memory_space<hbm>>) target(%arg8 : memref<64x16xf32, #tpu.memory_space<vmem>>) target_semaphore(%run_scoped3A_75 : memref<!tpu.dma_semaphore, #tpu.memory_space<semaphore_mem>>)
      %dma_wait3A_80 = arith.constant 0 : i32
      %dma_wait3A_81 = tpu.memref_slice %arg3[%mul3A_2, %dma_wait3A_80] : memref<2048x16xf32, #tpu.memory_space<hbm>> -> memref<64x16xf32, #tpu.memory_space<hbm>>
      %dma_wait3A_82 = arith.constant 0 : i32
      %dma_wait3A_83 = tpu.memref_slice %arg3[%mul3A_2, %dma_wait3A_82] : memref<2048x16xf32, #tpu.memory_space<hbm>> -> memref<64x16xf32, #tpu.memory_space<hbm>>
      tpu.wait_dma2 semaphore(%run_scoped3A_75 : memref<!tpu.dma_semaphore, #tpu.memory_space<semaphore_mem>>) src(%dma_wait3A_83 : memref<64x16xf32, #tpu.memory_space<hbm>>) dst(%arg8 : memref<64x16xf32, #tpu.memory_space<vmem>>)
      tpu.yield
    }) : () -> ()
    "tpu.region"() ({
      %run_scoped3A_75 = tpu.sem_alloc : memref<!tpu.dma_semaphore, #tpu.memory_space<semaphore_mem>>
      %dma_start3A_76 = arith.constant 0 : i32
      %dma_start3A_77 = tpu.memref_slice %arg4[%mul3A_2, %dma_start3A_76] : memref<2048x16xf32, #tpu.memory_space<hbm>> -> memref<64x16xf32, #tpu.memory_space<hbm>>
      %dma_start3A_78 = arith.constant 0 : i32
      %dma_start3A_79 = tpu.memref_slice %arg4[%mul3A_2, %dma_start3A_78] : memref<2048x16xf32, #tpu.memory_space<hbm>> -> memref<64x16xf32, #tpu.memory_space<hbm>>
      tpu.enqueue_dma source(%dma_start3A_79 : memref<64x16xf32, #tpu.memory_space<hbm>>) target(%arg9 : memref<64x16xf32, #tpu.memory_space<vmem>>) target_semaphore(%run_scoped3A_75 : memref<!tpu.dma_semaphore, #tpu.memory_space<semaphore_mem>>)
      %dma_wait3A_80 = arith.constant 0 : i32
      %dma_wait3A_81 = tpu.memref_slice %arg4[%mul3A_2, %dma_wait3A_80] : memref<2048x16xf32, #tpu.memory_space<hbm>> -> memref<64x16xf32, #tpu.memory_space<hbm>>
      %dma_wait3A_82 = arith.constant 0 : i32
      %dma_wait3A_83 = tpu.memref_slice %arg4[%mul3A_2, %dma_wait3A_82] : memref<2048x16xf32, #tpu.memory_space<hbm>> -> memref<64x16xf32, #tpu.memory_space<hbm>>
      tpu.wait_dma2 semaphore(%run_scoped3A_75 : memref<!tpu.dma_semaphore, #tpu.memory_space<semaphore_mem>>) src(%dma_wait3A_83 : memref<64x16xf32, #tpu.memory_space<hbm>>) dst(%arg9 : memref<64x16xf32, #tpu.memory_space<vmem>>)
      tpu.yield
    }) : () -> ()
    %dma_start3A = arith.constant 0 : i32
    %dma_start3A_6 = arith.constant 0 : i32
    %dma_start3A_7 = tpu.memref_slice %arg7[%dma_start3A, %dma_start3A_6] : memref<2x64xi32, #tpu.memory_space<vmem>> -> memref<1x32xi32, #tpu.memory_space<vmem>>
    %dma_start3A_8 = tpu.memref_squeeze %dma_start3A_7 : memref<1x32xi32, #tpu.memory_space<vmem>> -> memref<32xi32, #tpu.memory_space<vmem>>
    %dma_start3A_9 = arith.constant 0 : i32
    %dma_start3A_10 = arith.constant 0 : i32
    %dma_start3A_11 = tpu.memref_slice %arg5[%dma_start3A_9, %dma_start3A_10] : memref<6144x1024xf32, #tpu.memory_space<hbm>> -> memref<6144x1024xf32, #tpu.memory_space<hbm>>
    tpu.enqueue_indirect_dma source(%dma_start3A_11 : memref<6144x1024xf32, #tpu.memory_space<hbm>>) target(%arg10 : memref<32x1024xf32, #tpu.memory_space<vmem>>) offsets(%dma_start3A_8 : memref<32xi32, #tpu.memory_space<vmem>>) semaphore(%arg13 : memref<!tpu.dma_semaphore, #tpu.memory_space<semaphore_mem>>)
    %dma_start3A_12 = arith.constant 1 : i32
    %dma_start3A_13 = arith.constant 0 : i32
    %dma_start3A_14 = tpu.memref_slice %arg7[%dma_start3A_12, %dma_start3A_13] : memref<2x64xi32, #tpu.memory_space<vmem>> -> memref<1x32xi32, #tpu.memory_space<vmem>>
    %dma_start3A_15 = tpu.memref_squeeze %dma_start3A_14 : memref<1x32xi32, #tpu.memory_space<vmem>> -> memref<32xi32, #tpu.memory_space<vmem>>
    %dma_start3A_16 = arith.constant 0 : i32
    %dma_start3A_17 = arith.constant 0 : i32
    %dma_start3A_18 = tpu.memref_slice %arg5[%dma_start3A_16, %dma_start3A_17] : memref<6144x1024xf32, #tpu.memory_space<hbm>> -> memref<6144x1024xf32, #tpu.memory_space<hbm>>
    tpu.enqueue_indirect_dma source(%dma_start3A_18 : memref<6144x1024xf32, #tpu.memory_space<hbm>>) target(%arg11 : memref<32x1024xf32, #tpu.memory_space<vmem>>) offsets(%dma_start3A_15 : memref<32xi32, #tpu.memory_space<vmem>>) semaphore(%arg14 : memref<!tpu.dma_semaphore, #tpu.memory_space<semaphore_mem>>)
    %dma_wait3A = arith.constant 0 : i32
    %dma_wait3A_19 = arith.constant 0 : i32
    %dma_wait3A_20 = tpu.memref_slice %arg7[%dma_wait3A, %dma_wait3A_19] : memref<2x64xi32, #tpu.memory_space<vmem>> -> memref<1x32xi32, #tpu.memory_space<vmem>>
    %dma_wait3A_21 = tpu.memref_squeeze %dma_wait3A_20 : memref<1x32xi32, #tpu.memory_space<vmem>> -> memref<32xi32, #tpu.memory_space<vmem>>
    %dma_wait3A_22 = arith.constant 0 : i32
    %dma_wait3A_23 = arith.constant 0 : i32
    %dma_wait3A_24 = tpu.memref_slice %arg5[%dma_wait3A_22, %dma_wait3A_23] : memref<6144x1024xf32, #tpu.memory_space<hbm>> -> memref<6144x1024xf32, #tpu.memory_space<hbm>>
    tpu.wait_indirect_dma semaphore(%arg13 : memref<!tpu.dma_semaphore, #tpu.memory_space<semaphore_mem>>) src(%dma_wait3A_24 : memref<6144x1024xf32, #tpu.memory_space<hbm>>) dst(%arg10 : memref<32x1024xf32, #tpu.memory_space<vmem>>)
    %dma_wait3A_25 = arith.constant 1 : i32
    %dma_wait3A_26 = arith.constant 0 : i32
    %dma_wait3A_27 = tpu.memref_slice %arg7[%dma_wait3A_25, %dma_wait3A_26] : memref<2x64xi32, #tpu.memory_space<vmem>> -> memref<1x32xi32, #tpu.memory_space<vmem>>
    %dma_wait3A_28 = tpu.memref_squeeze %dma_wait3A_27 : memref<1x32xi32, #tpu.memory_space<vmem>> -> memref<32xi32, #tpu.memory_space<vmem>>
    %dma_wait3A_29 = arith.constant 0 : i32
    %dma_wait3A_30 = arith.constant 0 : i32
    %dma_wait3A_31 = tpu.memref_slice %arg5[%dma_wait3A_29, %dma_wait3A_30] : memref<6144x1024xf32, #tpu.memory_space<hbm>> -> memref<6144x1024xf32, #tpu.memory_space<hbm>>
    tpu.wait_indirect_dma semaphore(%arg14 : memref<!tpu.dma_semaphore, #tpu.memory_space<semaphore_mem>>) src(%dma_wait3A_31 : memref<6144x1024xf32, #tpu.memory_space<hbm>>) dst(%arg11 : memref<32x1024xf32, #tpu.memory_space<vmem>>)
    %scan3A = arith.constant 0 : i32
    %scan3A_32 = arith.constant 0 : i32
    %scan3A_33 = arith.constant 32 : i32
    %scan3A_34 = arith.addi %scan3A_32, %scan3A_33 : i32
    %scan3A_35 = arith.constant 1 : i32
    scf.for %scan3A_75 = %scan3A_32 to %scan3A_34 step %scan3A_35  : i32 {
      %add3A_76 = arith.constant 0 : i32
      %add3A_77 = arith.addi %add3A_76, %scan3A_75 : i32
      %get3A = arith.index_cast %add3A_77 : i32 to index
      %get3A_78 = arith.constant 0 : index
      %get3A_79 = tpu.vector_load %arg8[%get3A, %get3A_78] {strides = array<i32>} : memref<64x16xf32, #tpu.memory_space<vmem>>, vector<1x16xf32>,
      %get3A_80 = vector.shape_cast %get3A_79 : vector<1x16xf32> to vector<16xf32>
      %add3A_81 = arith.constant 0 : i32
      %add3A_82 = arith.addi %add3A_81, %scan3A_75 : i32
      %get3A_83 = arith.index_cast %add3A_82 : i32 to index
      %get3A_84 = arith.constant 0 : index
      %get3A_85 = tpu.vector_load %arg9[%get3A_83, %get3A_84] {strides = array<i32>} : memref<64x16xf32, #tpu.memory_space<vmem>>, vector<1x16xf32>,
      %get3A_86 = vector.shape_cast %get3A_85 : vector<1x16xf32> to vector<16xf32>
      %get3A_87 = arith.index_cast %scan3A_75 : i32 to index
      %get3A_88 = arith.constant 0 : index
      %get3A_89 = tpu.vector_load %arg10[%get3A_87, %get3A_88] {strides = array<i32>} : memref<32x1024xf32, #tpu.memory_space<vmem>>, vector<1x16xf32>,
      %get3A_90 = vector.shape_cast %get3A_89 : vector<1x16xf32> to vector<16xf32>
      %mul3A_91 = arith.mulf %get3A_90, %get3A_80 : vector<16xf32>
      %get3A_92 = arith.index_cast %scan3A_75 : i32 to index
      %get3A_93 = arith.constant 0 : index
      %get3A_94 = tpu.vector_load %arg11[%get3A_92, %get3A_93] {strides = array<i32>} : memref<32x1024xf32, #tpu.memory_space<vmem>>, vector<1x16xf32>,
      %get3A_95 = vector.shape_cast %get3A_94 : vector<1x16xf32> to vector<16xf32>
      %mul3A_96 = arith.mulf %get3A_95, %get3A_86 : vector<16xf32>
      %add3A_97 = arith.addf %mul3A_91, %mul3A_96 : vector<16xf32>
      %swap3A = arith.index_cast %scan3A_75 : i32 to index
      %swap3A_98 = arith.constant 0 : index
      %swap3A_99 = tpu.vector_load %arg12[%swap3A, %swap3A_98] {strides = array<i32>} : memref<32x1024xf32, #tpu.memory_space<vmem>>, vector<1x16xf32>,
      %swap3A_100 = vector.shape_cast %swap3A_99 : vector<1x16xf32> to vector<16xf32>
      %swap3A_101 = vector.shape_cast %add3A_97 : vector<16xf32> to vector<1x16xf32>
      tpu.vector_store %arg12[%swap3A, %swap3A_98], %swap3A_101 {strides = array<i32>} : memref<32x1024xf32, #tpu.memory_space<vmem>>, vector<1x16xf32>,
      %get3A_102 = arith.index_cast %scan3A_75 : i32 to index
      %get3A_103 = arith.constant 16 : index
      %get3A_104 = tpu.vector_load %arg10[%get3A_102, %get3A_103] {strides = array<i32>} : memref<32x1024xf32, #tpu.memory_space<vmem>>, vector<1x16xf32>,
      %get3A_105 = vector.shape_cast %get3A_104 : vector<1x16xf32> to vector<16xf32>
      %mul3A_106 = arith.mulf %get3A_105, %get3A_80 : vector<16xf32>
      %get3A_107 = arith.index_cast %scan3A_75 : i32 to index
      %get3A_108 = arith.constant 16 : index
      %get3A_109 = tpu.vector_load %arg11[%get3A_107, %get3A_108] {strides = array<i32>} : memref<32x1024xf32, #tpu.memory_space<vmem>>, vector<1x16xf32>,
      %get3A_110 = vector.shape_cast %get3A_109 : vector<1x16xf32> to vector<16xf32>
      %mul3A_111 = arith.mulf %get3A_110, %get3A_86 : vector<16xf32>
      %add3A_112 = arith.addf %mul3A_106, %mul3A_111 : vector<16xf32>
      %swap3A_113 = arith.index_cast %scan3A_75 : i32 to index
      %swap3A_114 = arith.constant 16 : index
      %swap3A_115 = tpu.vector_load %arg12[%swap3A_113, %swap3A_114] {strides = array<i32>} : memref<32x1024xf32, #tpu.memory_space<vmem>>, vector<1x16xf32>,
      %swap3A_116 = vector.shape_cast %swap3A_115 : vector<1x16xf32> to vector<16xf32>
      %swap3A_117 = vector.shape_cast %add3A_112 : vector<16xf32> to vector<1x16xf32>
      tpu.vector_store %arg12[%swap3A_113, %swap3A_114], %swap3A_117 {strides = array<i32>} : memref<32x1024xf32, #tpu.memory_space<vmem>>, vector<1x16xf32>,
      %get3A_118 = arith.index_cast %scan3A_75 : i32 to index
      %get3A_119 = arith.constant 32 : index
      %get3A_120 = tpu.vector_load %arg10[%get3A_118, %get3A_119] {strides = array<i32>} : memref<32x1024xf32, #tpu.memory_space<vmem>>, vector<1x16xf32>,
      %get3A_121 = vector.shape_cast %get3A_120 : vector<1x16xf32> to vector<16xf32>
      %mul3A_122 = arith.mulf %get3A_121, %get3A_80 : vector<16xf32>
      %get3A_123 = arith.index_cast %scan3A_75 : i32 to index
      %get3A_124 = arith.constant 32 : index
      %get3A_125 = tpu.vector_load %arg11[%get3A_123, %get3A_124] {strides = array<i32>} : memref<32x1024xf32, #tpu.memory_space<vmem>>, vector<1x16xf32>,
      %get3A_126 = vector.shape_cast %get3A_125 : vector<1x16xf32> to vector<16xf32>
      %mul3A_127 = arith.mulf %get3A_126, %get3A_86 : vector<16xf32>
      %add3A_128 = arith.addf %mul3A_122, %mul3A_127 : vector<16xf32>
      %swap3A_129 = arith.index_cast %scan3A_75 : i32 to index
      %swap3A_130 = arith.constant 32 : index
      %swap3A_131 = tpu.vector_load %arg12[%swap3A_129, %swap3A_130] {strides = array<i32>} : memref<32x1024xf32, #tpu.memory_space<vmem>>, vector<1x16xf32>,
      %swap3A_132 = vector.shape_cast %swap3A_131 : vector<1x16xf32> to vector<16xf32>
      %swap3A_133 = vector.shape_cast %add3A_128 : vector<16xf32> to vector<1x16xf32>
      tpu.vector_store %arg12[%swap3A_129, %swap3A_130], %swap3A_133 {strides = array<i32>} : memref<32x1024xf32, #tpu.memory_space<vmem>>, vector<1x16xf32>,
      %get3A_134 = arith.index_cast %scan3A_75 : i32 to index
      %get3A_135 = arith.constant 48 : index
      %get3A_136 = tpu.vector_load %arg10[%get3A_134, %get3A_135] {strides = array<i32>} : memref<32x1024xf32, #tpu.memory_space<vmem>>, vector<1x16xf32>,
      %get3A_137 = vector.shape_cast %get3A_136 : vector<1x16xf32> to vector<16xf32>
      %mul3A_138 = arith.mulf %get3A_137, %get3A_80 : vector<16xf32>
      %get3A_139 = arith.index_cast %scan3A_75 : i32 to index
      %get3A_140 = arith.constant 48 : index
      %get3A_141 = tpu.vector_load %arg11[%get3A_139, %get3A_140] {strides = array<i32>} : memref<32x1024xf32, #tpu.memory_space<vmem>>, vector<1x16xf32>,
      %get3A_142 = vector.shape_cast %get3A_141 : vector<1x16xf32> to vector<16xf32>
      %mul3A_143 = arith.mulf %get3A_142, %get3A_86 : vector<16xf32>
      %add3A_144 = arith.addf %mul3A_138, %mul3A_143 : vector<16xf32>
      %swap3A_145 = arith.index_cast %scan3A_75 : i32 to index
      %swap3A_146 = arith.constant 48 : index
      %swap3A_147 = tpu.vector_load %arg12[%swap3A_145, %swap3A_146] {strides = array<i32>} : memref<32x1024xf32, #tpu.memory_space<vmem>>, vector<1x16xf32>,
      %swap3A_148 = vector.shape_cast %swap3A_147 : vector<1x16xf32> to vector<16xf32>
      %swap3A_149 = vector.shape_cast %add3A_144 : vector<16xf32> to vector<1x16xf32>
      tpu.vector_store %arg12[%swap3A_145, %swap3A_146], %swap3A_149 {strides = array<i32>} : memref<32x1024xf32, #tpu.memory_space<vmem>>, vector<1x16xf32>,
      %get3A_150 = arith.index_cast %scan3A_75 : i32 to index
      %get3A_151 = arith.constant 64 : index
      %get3A_152 = tpu.vector_load %arg10[%get3A_150, %get3A_151] {strides = array<i32>} : memref<32x1024xf32, #tpu.memory_space<vmem>>, vector<1x16xf32>,
      %get3A_153 = vector.shape_cast %get3A_152 : vector<1x16xf32> to vector<16xf32>
      %mul3A_154 = arith.mulf %get3A_153, %get3A_80 : vector<16xf32>
      %get3A_155 = arith.index_cast %scan3A_75 : i32 to index
      %get3A_156 = arith.constant 64 : index
      %get3A_157 = tpu.vector_load %arg11[%get3A_155, %get3A_156] {strides = array<i32>} : memref<32x1024xf32, #tpu.memory_space<vmem>>, vector<1x16xf32>,
      %get3A_158 = vector.shape_cast %get3A_157 : vector<1x16xf32> to vector<16xf32>
      %mul3A_159 = arith.mulf %get3A_158, %get3A_86 : vector<16xf32>
      %add3A_160 = arith.addf %mul3A_154, %mul3A_159 : vector<16xf32>
      %swap3A_161 = arith.index_cast %scan3A_75 : i32 to index
      %swap3A_162 = arith.constant 64 : index
      %swap3A_163 = tpu.vector_load %arg12[%swap3A_161, %swap3A_162] {strides = array<i32>} : memref<32x1024xf32, #tpu.memory_space<vmem>>, vector<1x16xf32>,
      %swap3A_164 = vector.shape_cast %swap3A_163 : vector<1x16xf32> to vector<16xf32>
      %swap3A_165 = vector.shape_cast %add3A_160 : vector<16xf32> to vector<1x16xf32>
      tpu.vector_store %arg12[%swap3A_161, %swap3A_162], %swap3A_165 {strides = array<i32>} : memref<32x1024xf32, #tpu.memory_space<vmem>>, vector<1x16xf32>,
      %get3A_166 = arith.index_cast %scan3A_75 : i32 to index
      %get3A_167 = arith.constant 80 : index
      %get3A_168 = tpu.vector_load %arg10[%get3A_166, %get3A_167] {strides = array<i32>} : memref<32x1024xf32, #tpu.memory_space<vmem>>, vector<1x16xf32>,
      %get3A_169 = vector.shape_cast %get3A_168 : vector<1x16xf32> to vector<16xf32>
      %mul3A_170 = arith.mulf %get3A_169, %get3A_80 : vector<16xf32>
      %get3A_171 = arith.index_cast %scan3A_75 : i32 to index
      %get3A_172 = arith.constant 80 : index
      %get3A_173 = tpu.vector_load %arg11[%get3A_171, %get3A_172] {strides = array<i32>} : memref<32x1024xf32, #tpu.memory_space<vmem>>, vector<1x16xf32>,
      %get3A_174 = vector.shape_cast %get3A_173 : vector<1x16xf32> to vector<16xf32>
      %mul3A_175 = arith.mulf %get3A_174, %get3A_86 : vector<16xf32>
      %add3A_176 = arith.addf %mul3A_170, %mul3A_175 : vector<16xf32>
      %swap3A_177 = arith.index_cast %scan3A_75 : i32 to index
      %swap3A_178 = arith.constant 80 : index
      %swap3A_179 = tpu.vector_load %arg12[%swap3A_177, %swap3A_178] {strides = array<i32>} : memref<32x1024xf32, #tpu.memory_space<vmem>>, vector<1x16xf32>,
      %swap3A_180 = vector.shape_cast %swap3A_179 : vector<1x16xf32> to vector<16xf32>
      %swap3A_181 = vector.shape_cast %add3A_176 : vector<16xf32> to vector<1x16xf32>
      tpu.vector_store %arg12[%swap3A_177, %swap3A_178], %swap3A_181 {strides = array<i32>} : memref<32x1024xf32, #tpu.memory_space<vmem>>, vector<1x16xf32>,
      %get3A_182 = arith.index_cast %scan3A_75 : i32 to index
      %get3A_183 = arith.constant 96 : index
      %get3A_184 = tpu.vector_load %arg10[%get3A_182, %get3A_183] {strides = array<i32>} : memref<32x1024xf32, #tpu.memory_space<vmem>>, vector<1x16xf32>,
      %get3A_185 = vector.shape_cast %get3A_184 : vector<1x16xf32> to vector<16xf32>
      %mul3A_186 = arith.mulf %get3A_185, %get3A_80 : vector<16xf32>
      %get3A_187 = arith.index_cast %scan3A_75 : i32 to index
      %get3A_188 = arith.constant 96 : index
      %get3A_189 = tpu.vector_load %arg11[%get3A_187, %get3A_188] {strides = array<i32>} : memref<32x1024xf32, #tpu.memory_space<vmem>>, vector<1x16xf32>,
      %get3A_190 = vector.shape_cast %get3A_189 : vector<1x16xf32> to vector<16xf32>
      %mul3A_191 = arith.mulf %get3A_190, %get3A_86 : vector<16xf32>
      %add3A_192 = arith.addf %mul3A_186, %mul3A_191 : vector<16xf32>
      %swap3A_193 = arith.index_cast %scan3A_75 : i32 to index
      %swap3A_194 = arith.constant 96 : index
      %swap3A_195 = tpu.vector_load %arg12[%swap3A_193, %swap3A_194] {strides = array<i32>} : memref<32x1024xf32, #tpu.memory_space<vmem>>, vector<1x16xf32>,
      %swap3A_196 = vector.shape_cast %swap3A_195 : vector<1x16xf32> to vector<16xf32>
      %swap3A_197 = vector.shape_cast %add3A_192 : vector<16xf32> to vector<1x16xf32>
      tpu.vector_store %arg12[%swap3A_193, %swap3A_194], %swap3A_197 {strides = array<i32>} : memref<32x1024xf32, #tpu.memory_space<vmem>>, vector<1x16xf32>,
      %get3A_198 = arith.index_cast %scan3A_75 : i32 to index
      %get3A_199 = arith.constant 112 : index
      %get3A_200 = tpu.vector_load %arg10[%get3A_198, %get3A_199] {strides = array<i32>} : memref<32x1024xf32, #tpu.memory_space<vmem>>, vector<1x16xf32>,
      %get3A_201 = vector.shape_cast %get3A_200 : vector<1x16xf32> to vector<16xf32>
      %mul3A_202 = arith.mulf %get3A_201, %get3A_80 : vector<16xf32>
      %get3A_203 = arith.index_cast %scan3A_75 : i32 to index
      %get3A_204 = arith.constant 112 : index
      %get3A_205 = tpu.vector_load %arg11[%get3A_203, %get3A_204] {strides = array<i32>} : memref<32x1024xf32, #tpu.memory_space<vmem>>, vector<1x16xf32>,
      %get3A_206 = vector.shape_cast %get3A_205 : vector<1x16xf32> to vector<16xf32>
      %mul3A_207 = arith.mulf %get3A_206, %get3A_86 : vector<16xf32>
      %add3A_208 = arith.addf %mul3A_202, %mul3A_207 : vector<16xf32>
      %swap3A_209 = arith.index_cast %scan3A_75 : i32 to index
      %swap3A_210 = arith.constant 112 : index
      %swap3A_211 = tpu.vector_load %arg12[%swap3A_209, %swap3A_210] {strides = array<i32>} : memref<32x1024xf32, #tpu.memory_space<vmem>>, vector<1x16xf32>,
      %swap3A_212 = vector.shape_cast %swap3A_211 : vector<1x16xf32> to vector<16xf32>
      %swap3A_213 = vector.shape_cast %add3A_208 : vector<16xf32> to vector<1x16xf32>
      tpu.vector_store %arg12[%swap3A_209, %swap3A_210], %swap3A_213 {strides = array<i32>} : memref<32x1024xf32, #tpu.memory_space<vmem>>, vector<1x16xf32>,
      %get3A_214 = arith.index_cast %scan3A_75 : i32 to index
      %get3A_215 = arith.constant 128 : index
      %get3A_216 = tpu.vector_load %arg10[%get3A_214, %get3A_215] {strides = array<i32>} : memref<32x1024xf32, #tpu.memory_space<vmem>>, vector<1x16xf32>,
      %get3A_217 = vector.shape_cast %get3A_216 : vector<1x16xf32> to vector<16xf32>
      %mul3A_218 = arith.mulf %get3A_217, %get3A_80 : vector<16xf32>
      %get3A_219 = arith.index_cast %scan3A_75 : i32 to index
      %get3A_220 = arith.constant 128 : index
      %get3A_221 = tpu.vector_load %arg11[%get3A_219, %get3A_220] {strides = array<i32>} : memref<32x1024xf32, #tpu.memory_space<vmem>>, vector<1x16xf32>,
      %get3A_222 = vector.shape_cast %get3A_221 : vector<1x16xf32> to vector<16xf32>
      %mul3A_223 = arith.mulf %get3A_222, %get3A_86 : vector<16xf32>
      %add3A_224 = arith.addf %mul3A_218, %mul3A_223 : vector<16xf32>
      %swap3A_225 = arith.index_cast %scan3A_75 : i32 to index
      %swap3A_226 = arith.constant 128 : index
      %swap3A_227 = tpu.vector_load %arg12[%swap3A_225, %swap3A_226] {strides = array<i32>} : memref<32x1024xf32, #tpu.memory_space<vmem>>, vector<1x16xf32>,
      %swap3A_228 = vector.shape_cast %swap3A_227 : vector<1x16xf32> to vector<16xf32>
      %swap3A_229 = vector.shape_cast %add3A_224 : vector<16xf32> to vector<1x16xf32>
      tpu.vector_store %arg12[%swap3A_225, %swap3A_226], %swap3A_229 {strides = array<i32>} : memref<32x1024xf32, #tpu.memory_space<vmem>>, vector<1x16xf32>,
      %get3A_230 = arith.index_cast %scan3A_75 : i32 to index
      %get3A_231 = arith.constant 144 : index
      %get3A_232 = tpu.vector_load %arg10[%get3A_230, %get3A_231] {strides = array<i32>} : memref<32x1024xf32, #tpu.memory_space<vmem>>, vector<1x16xf32>,
      %get3A_233 = vector.shape_cast %get3A_232 : vector<1x16xf32> to vector<16xf32>
      %mul3A_234 = arith.mulf %get3A_233, %get3A_80 : vector<16xf32>
      %get3A_235 = arith.index_cast %scan3A_75 : i32 to index
      %get3A_236 = arith.constant 144 : index
      %get3A_237 = tpu.vector_load %arg11[%get3A_235, %get3A_236] {strides = array<i32>} : memref<32x1024xf32, #tpu.memory_space<vmem>>, vector<1x16xf32>,
      %get3A_238 = vector.shape_cast %get3A_237 : vector<1x16xf32> to vector<16xf32>
      %mul3A_239 = arith.mulf %get3A_238, %get3A_86 : vector<16xf32>
      %add3A_240 = arith.addf %mul3A_234, %mul3A_239 : vector<16xf32>
      %swap3A_241 = arith.index_cast %scan3A_75 : i32 to index
      %swap3A_242 = arith.constant 144 : index
      %swap3A_243 = tpu.vector_load %arg12[%swap3A_241, %swap3A_242] {strides = array<i32>} : memref<32x1024xf32, #tpu.memory_space<vmem>>, vector<1x16xf32>,
      %swap3A_244 = vector.shape_cast %swap3A_243 : vector<1x16xf32> to vector<16xf32>
      %swap3A_245 = vector.shape_cast %add3A_240 : vector<16xf32> to vector<1x16xf32>
      tpu.vector_store %arg12[%swap3A_241, %swap3A_242], %swap3A_245 {strides = array<i32>} : memref<32x1024xf32, #tpu.memory_space<vmem>>, vector<1x16xf32>,
      %get3A_246 = arith.index_cast %scan3A_75 : i32 to index
      %get3A_247 = arith.constant 160 : index
      %get3A_248 = tpu.vector_load %arg10[%get3A_246, %get3A_247] {strides = array<i32>} : memref<32x1024xf32, #tpu.memory_space<vmem>>, vector<1x16xf32>,
      %get3A_249 = vector.shape_cast %get3A_248 : vector<1x16xf32> to vector<16xf32>
      %mul3A_250 = arith.mulf %get3A_249, %get3A_80 : vector<16xf32>
      %get3A_251 = arith.index_cast %scan3A_75 : i32 to index
      %get3A_252 = arith.constant 160 : index
      %get3A_253 = tpu.vector_load %arg11[%get3A_251, %get3A_252] {strides = array<i32>} : memref<32x1024xf32, #tpu.memory_space<vmem>>, vector<1x16xf32>,
      %get3A_254 = vector.shape_cast %get3A_253 : vector<1x16xf32> to vector<16xf32>
      %mul3A_255 = arith.mulf %get3A_254, %get3A_86 : vector<16xf32>
      %add3A_256 = arith.addf %mul3A_250, %mul3A_255 : vector<16xf32>
      %swap3A_257 = arith.index_cast %scan3A_75 : i32 to index
      %swap3A_258 = arith.constant 160 : index
      %swap3A_259 = tpu.vector_load %arg12[%swap3A_257, %swap3A_258] {strides = array<i32>} : memref<32x1024xf32, #tpu.memory_space<vmem>>, vector<1x16xf32>,
      %swap3A_260 = vector.shape_cast %swap3A_259 : vector<1x16xf32> to vector<16xf32>
      %swap3A_261 = vector.shape_cast %add3A_256 : vector<16xf32> to vector<1x16xf32>
      tpu.vector_store %arg12[%swap3A_257, %swap3A_258], %swap3A_261 {strides = array<i32>} : memref<32x1024xf32, #tpu.memory_space<vmem>>, vector<1x16xf32>,
      %get3A_262 = arith.index_cast %scan3A_75 : i32 to index
      %get3A_263 = arith.constant 176 : index
      %get3A_264 = tpu.vector_load %arg10[%get3A_262, %get3A_263] {strides = array<i32>} : memref<32x1024xf32, #tpu.memory_space<vmem>>, vector<1x16xf32>,
      %get3A_265 = vector.shape_cast %get3A_264 : vector<1x16xf32> to vector<16xf32>
      %mul3A_266 = arith.mulf %get3A_265, %get3A_80 : vector<16xf32>
      %get3A_267 = arith.index_cast %scan3A_75 : i32 to index
      %get3A_268 = arith.constant 176 : index
      %get3A_269 = tpu.vector_load %arg11[%get3A_267, %get3A_268] {strides = array<i32>} : memref<32x1024xf32, #tpu.memory_space<vmem>>, vector<1x16xf32>,
      %get3A_270 = vector.shape_cast %get3A_269 : vector<1x16xf32> to vector<16xf32>
      %mul3A_271 = arith.mulf %get3A_270, %get3A_86 : vector<16xf32>
      %add3A_272 = arith.addf %mul3A_266, %mul3A_271 : vector<16xf32>
      %swap3A_273 = arith.index_cast %scan3A_75 : i32 to index
      %swap3A_274 = arith.constant 176 : index
      %swap3A_275 = tpu.vector_load %arg12[%swap3A_273, %swap3A_274] {strides = array<i32>} : memref<32x1024xf32, #tpu.memory_space<vmem>>, vector<1x16xf32>,
      %swap3A_276 = vector.shape_cast %swap3A_275 : vector<1x16xf32> to vector<16xf32>
      %swap3A_277 = vector.shape_cast %add3A_272 : vector<16xf32> to vector<1x16xf32>
      tpu.vector_store %arg12[%swap3A_273, %swap3A_274], %swap3A_277 {strides = array<i32>} : memref<32x1024xf32, #tpu.memory_space<vmem>>, vector<1x16xf32>,
      %get3A_278 = arith.index_cast %scan3A_75 : i32 to index
      %get3A_279 = arith.constant 192 : index
      %get3A_280 = tpu.vector_load %arg10[%get3A_278, %get3A_279] {strides = array<i32>} : memref<32x1024xf32, #tpu.memory_space<vmem>>, vector<1x16xf32>,
      %get3A_281 = vector.shape_cast %get3A_280 : vector<1x16xf32> to vector<16xf32>
      %mul3A_282 = arith.mulf %get3A_281, %get3A_80 : vector<16xf32>
      %get3A_283 = arith.index_cast %scan3A_75 : i32 to index
      %get3A_284 = arith.constant 192 : index
      %get3A_285 = tpu.vector_load %arg11[%get3A_283, %get3A_284] {strides = array<i32>} : memref<32x1024xf32, #tpu.memory_space<vmem>>, vector<1x16xf32>,
      %get3A_286 = vector.shape_cast %get3A_285 : vector<1x16xf32> to vector<16xf32>
      %mul3A_287 = arith.mulf %get3A_286, %get3A_86 : vector<16xf32>
      %add3A_288 = arith.addf %mul3A_282, %mul3A_287 : vector<16xf32>
      %swap3A_289 = arith.index_cast %scan3A_75 : i32 to index
      %swap3A_290 = arith.constant 192 : index
      %swap3A_291 = tpu.vector_load %arg12[%swap3A_289, %swap3A_290] {strides = array<i32>} : memref<32x1024xf32, #tpu.memory_space<vmem>>, vector<1x16xf32>,
      %swap3A_292 = vector.shape_cast %swap3A_291 : vector<1x16xf32> to vector<16xf32>
      %swap3A_293 = vector.shape_cast %add3A_288 : vector<16xf32> to vector<1x16xf32>
      tpu.vector_store %arg12[%swap3A_289, %swap3A_290], %swap3A_293 {strides = array<i32>} : memref<32x1024xf32, #tpu.memory_space<vmem>>, vector<1x16xf32>,
      %get3A_294 = arith.index_cast %scan3A_75 : i32 to index
      %get3A_295 = arith.constant 208 : index
      %get3A_296 = tpu.vector_load %arg10[%get3A_294, %get3A_295] {strides = array<i32>} : memref<32x1024xf32, #tpu.memory_space<vmem>>, vector<1x16xf32>,
      %get3A_297 = vector.shape_cast %get3A_296 : vector<1x16xf32> to vector<16xf32>
      %mul3A_298 = arith.mulf %get3A_297, %get3A_80 : vector<16xf32>
      %get3A_299 = arith.index_cast %scan3A_75 : i32 to index
      %get3A_300 = arith.constant 208 : index
      %get3A_301 = tpu.vector_load %arg11[%get3A_299, %get3A_300] {strides = array<i32>} : memref<32x1024xf32, #tpu.memory_space<vmem>>, vector<1x16xf32>,
      %get3A_302 = vector.shape_cast %get3A_301 : vector<1x16xf32> to vector<16xf32>
      %mul3A_303 = arith.mulf %get3A_302, %get3A_86 : vector<16xf32>
      %add3A_304 = arith.addf %mul3A_298, %mul3A_303 : vector<16xf32>
      %swap3A_305 = arith.index_cast %scan3A_75 : i32 to index
      %swap3A_306 = arith.constant 208 : index
      %swap3A_307 = tpu.vector_load %arg12[%swap3A_305, %swap3A_306] {strides = array<i32>} : memref<32x1024xf32, #tpu.memory_space<vmem>>, vector<1x16xf32>,
      %swap3A_308 = vector.shape_cast %swap3A_307 : vector<1x16xf32> to vector<16xf32>
      %swap3A_309 = vector.shape_cast %add3A_304 : vector<16xf32> to vector<1x16xf32>
      tpu.vector_store %arg12[%swap3A_305, %swap3A_306], %swap3A_309 {strides = array<i32>} : memref<32x1024xf32, #tpu.memory_space<vmem>>, vector<1x16xf32>,
      %get3A_310 = arith.index_cast %scan3A_75 : i32 to index
      %get3A_311 = arith.constant 224 : index
      %get3A_312 = tpu.vector_load %arg10[%get3A_310, %get3A_311] {strides = array<i32>} : memref<32x1024xf32, #tpu.memory_space<vmem>>, vector<1x16xf32>,
      %get3A_313 = vector.shape_cast %get3A_312 : vector<1x16xf32> to vector<16xf32>
      %mul3A_314 = arith.mulf %get3A_313, %get3A_80 : vector<16xf32>
      %get3A_315 = arith.index_cast %scan3A_75 : i32 to index
      %get3A_316 = arith.constant 224 : index
      %get3A_317 = tpu.vector_load %arg11[%get3A_315, %get3A_316] {strides = array<i32>} : memref<32x1024xf32, #tpu.memory_space<vmem>>, vector<1x16xf32>,
      %get3A_318 = vector.shape_cast %get3A_317 : vector<1x16xf32> to vector<16xf32>
      %mul3A_319 = arith.mulf %get3A_318, %get3A_86 : vector<16xf32>
      %add3A_320 = arith.addf %mul3A_314, %mul3A_319 : vector<16xf32>
      %swap3A_321 = arith.index_cast %scan3A_75 : i32 to index
      %swap3A_322 = arith.constant 224 : index
      %swap3A_323 = tpu.vector_load %arg12[%swap3A_321, %swap3A_322] {strides = array<i32>} : memref<32x1024xf32, #tpu.memory_space<vmem>>, vector<1x16xf32>,
      %swap3A_324 = vector.shape_cast %swap3A_323 : vector<1x16xf32> to vector<16xf32>
      %swap3A_325 = vector.shape_cast %add3A_320 : vector<16xf32> to vector<1x16xf32>
      tpu.vector_store %arg12[%swap3A_321, %swap3A_322], %swap3A_325 {strides = array<i32>} : memref<32x1024xf32, #tpu.memory_space<vmem>>, vector<1x16xf32>,
      %get3A_326 = arith.index_cast %scan3A_75 : i32 to index
      %get3A_327 = arith.constant 240 : index
      %get3A_328 = tpu.vector_load %arg10[%get3A_326, %get3A_327] {strides = array<i32>} : memref<32x1024xf32, #tpu.memory_space<vmem>>, vector<1x16xf32>,
      %get3A_329 = vector.shape_cast %get3A_328 : vector<1x16xf32> to vector<16xf32>
      %mul3A_330 = arith.mulf %get3A_329, %get3A_80 : vector<16xf32>
      %get3A_331 = arith.index_cast %scan3A_75 : i32 to index
      %get3A_332 = arith.constant 240 : index
      %get3A_333 = tpu.vector_load %arg11[%get3A_331, %get3A_332] {strides = array<i32>} : memref<32x1024xf32, #tpu.memory_space<vmem>>, vector<1x16xf32>,
      %get3A_334 = vector.shape_cast %get3A_333 : vector<1x16xf32> to vector<16xf32>
      %mul3A_335 = arith.mulf %get3A_334, %get3A_86 : vector<16xf32>
      %add3A_336 = arith.addf %mul3A_330, %mul3A_335 : vector<16xf32>
      %swap3A_337 = arith.index_cast %scan3A_75 : i32 to index
      %swap3A_338 = arith.constant 240 : index
      %swap3A_339 = tpu.vector_load %arg12[%swap3A_337, %swap3A_338] {strides = array<i32>} : memref<32x1024xf32, #tpu.memory_space<vmem>>, vector<1x16xf32>,
      %swap3A_340 = vector.shape_cast %swap3A_339 : vector<1x16xf32> to vector<16xf32>
      %swap3A_341 = vector.shape_cast %add3A_336 : vector<16xf32> to vector<1x16xf32>
      tpu.vector_store %arg12[%swap3A_337, %swap3A_338], %swap3A_341 {strides = array<i32>} : memref<32x1024xf32, #tpu.memory_space<vmem>>, vector<1x16xf32>,
      %get3A_342 = arith.index_cast %scan3A_75 : i32 to index
      %get3A_343 = arith.constant 256 : index
      %get3A_344 = tpu.vector_load %arg10[%get3A_342, %get3A_343] {strides = array<i32>} : memref<32x1024xf32, #tpu.memory_space<vmem>>, vector<1x16xf32>,
      %get3A_345 = vector.shape_cast %get3A_344 : vector<1x16xf32> to vector<16xf32>
      %mul3A_346 = arith.mulf %get3A_345, %get3A_80 : vector<16xf32>
      %get3A_347 = arith.index_cast %scan3A_75 : i32 to index
      %get3A_348 = arith.constant 256 : index
      %get3A_349 = tpu.vector_load %arg11[%get3A_347, %get3A_348] {strides = array<i32>} : memref<32x1024xf32, #tpu.memory_space<vmem>>, vector<1x16xf32>,
      %get3A_350 = vector.shape_cast %get3A_349 : vector<1x16xf32> to vector<16xf32>
      %mul3A_351 = arith.mulf %get3A_350, %get3A_86 : vector<16xf32>
      %add3A_352 = arith.addf %mul3A_346, %mul3A_351 : vector<16xf32>
      %swap3A_353 = arith.index_cast %scan3A_75 : i32 to index
      %swap3A_354 = arith.constant 256 : index
      %swap3A_355 = tpu.vector_load %arg12[%swap3A_353, %swap3A_354] {strides = array<i32>} : memref<32x1024xf32, #tpu.memory_space<vmem>>, vector<1x16xf32>,
      %swap3A_356 = vector.shape_cast %swap3A_355 : vector<1x16xf32> to vector<16xf32>
      %swap3A_357 = vector.shape_cast %add3A_352 : vector<16xf32> to vector<1x16xf32>
      tpu.vector_store %arg12[%swap3A_353, %swap3A_354], %swap3A_357 {strides = array<i32>} : memref<32x1024xf32, #tpu.memory_space<vmem>>, vector<1x16xf32>,
      %get3A_358 = arith.index_cast %scan3A_75 : i32 to index
      %get3A_359 = arith.constant 272 : index
      %get3A_360 = tpu.vector_load %arg10[%get3A_358, %get3A_359] {strides = array<i32>} : memref<32x1024xf32, #tpu.memory_space<vmem>>, vector<1x16xf32>,
      %get3A_361 = vector.shape_cast %get3A_360 : vector<1x16xf32> to vector<16xf32>
      %mul3A_362 = arith.mulf %get3A_361, %get3A_80 : vector<16xf32>
      %get3A_363 = arith.index_cast %scan3A_75 : i32 to index
      %get3A_364 = arith.constant 272 : index
      %get3A_365 = tpu.vector_load %arg11[%get3A_363, %get3A_364] {strides = array<i32>} : memref<32x1024xf32, #tpu.memory_space<vmem>>, vector<1x16xf32>,
      %get3A_366 = vector.shape_cast %get3A_365 : vector<1x16xf32> to vector<16xf32>
      %mul3A_367 = arith.mulf %get3A_366, %get3A_86 : vector<16xf32>
      %add3A_368 = arith.addf %mul3A_362, %mul3A_367 : vector<16xf32>
      %swap3A_369 = arith.index_cast %scan3A_75 : i32 to index
      %swap3A_370 = arith.constant 272 : index
      %swap3A_371 = tpu.vector_load %arg12[%swap3A_369, %swap3A_370] {strides = array<i32>} : memref<32x1024xf32, #tpu.memory_space<vmem>>, vector<1x16xf32>,
      %swap3A_372 = vector.shape_cast %swap3A_371 : vector<1x16xf32> to vector<16xf32>
      %swap3A_373 = vector.shape_cast %add3A_368 : vector<16xf32> to vector<1x16xf32>
      tpu.vector_store %arg12[%swap3A_369, %swap3A_370], %swap3A_373 {strides = array<i32>} : memref<32x1024xf32, #tpu.memory_space<vmem>>, vector<1x16xf32>,
      %get3A_374 = arith.index_cast %scan3A_75 : i32 to index
      %get3A_375 = arith.constant 288 : index
      %get3A_376 = tpu.vector_load %arg10[%get3A_374, %get3A_375] {strides = array<i32>} : memref<32x1024xf32, #tpu.memory_space<vmem>>, vector<1x16xf32>,
      %get3A_377 = vector.shape_cast %get3A_376 : vector<1x16xf32> to vector<16xf32>
      %mul3A_378 = arith.mulf %get3A_377, %get3A_80 : vector<16xf32>
      %get3A_379 = arith.index_cast %scan3A_75 : i32 to index
      %get3A_380 = arith.constant 288 : index
      %get3A_381 = tpu.vector_load %arg11[%get3A_379, %get3A_380] {strides = array<i32>} : memref<32x1024xf32, #tpu.memory_space<vmem>>, vector<1x16xf32>,
      %get3A_382 = vector.shape_cast %get3A_381 : vector<1x16xf32> to vector<16xf32>
      %mul3A_383 = arith.mulf %get3A_382, %get3A_86 : vector<16xf32>
      %add3A_384 = arith.addf %mul3A_378, %mul3A_383 : vector<16xf32>
      %swap3A_385 = arith.index_cast %scan3A_75 : i32 to index
      %swap3A_386 = arith.constant 288 : index
      %swap3A_387 = tpu.vector_load %arg12[%swap3A_385, %swap3A_386] {strides = array<i32>} : memref<32x1024xf32, #tpu.memory_space<vmem>>, vector<1x16xf32>,
      %swap3A_388 = vector.shape_cast %swap3A_387 : vector<1x16xf32> to vector<16xf32>
      %swap3A_389 = vector.shape_cast %add3A_384 : vector<16xf32> to vector<1x16xf32>
      tpu.vector_store %arg12[%swap3A_385, %swap3A_386], %swap3A_389 {strides = array<i32>} : memref<32x1024xf32, #tpu.memory_space<vmem>>, vector<1x16xf32>,
      %get3A_390 = arith.index_cast %scan3A_75 : i32 to index
      %get3A_391 = arith.constant 304 : index
      %get3A_392 = tpu.vector_load %arg10[%get3A_390, %get3A_391] {strides = array<i32>} : memref<32x1024xf32, #tpu.memory_space<vmem>>, vector<1x16xf32>,
      %get3A_393 = vector.shape_cast %get3A_392 : vector<1x16xf32> to vector<16xf32>
      %mul3A_394 = arith.mulf %get3A_393, %get3A_80 : vector<16xf32>
      %get3A_395 = arith.index_cast %scan3A_75 : i32 to index
      %get3A_396 = arith.constant 304 : index
      %get3A_397 = tpu.vector_load %arg11[%get3A_395, %get3A_396] {strides = array<i32>} : memref<32x1024xf32, #tpu.memory_space<vmem>>, vector<1x16xf32>,
      %get3A_398 = vector.shape_cast %get3A_397 : vector<1x16xf32> to vector<16xf32>
      %mul3A_399 = arith.mulf %get3A_398, %get3A_86 : vector<16xf32>
      %add3A_400 = arith.addf %mul3A_394, %mul3A_399 : vector<16xf32>
      %swap3A_401 = arith.index_cast %scan3A_75 : i32 to index
      %swap3A_402 = arith.constant 304 : index
      %swap3A_403 = tpu.vector_load %arg12[%swap3A_401, %swap3A_402] {strides = array<i32>} : memref<32x1024xf32, #tpu.memory_space<vmem>>, vector<1x16xf32>,
      %swap3A_404 = vector.shape_cast %swap3A_403 : vector<1x16xf32> to vector<16xf32>
      %swap3A_405 = vector.shape_cast %add3A_400 : vector<16xf32> to vector<1x16xf32>
      tpu.vector_store %arg12[%swap3A_401, %swap3A_402], %swap3A_405 {strides = array<i32>} : memref<32x1024xf32, #tpu.memory_space<vmem>>, vector<1x16xf32>,
      %get3A_406 = arith.index_cast %scan3A_75 : i32 to index
      %get3A_407 = arith.constant 320 : index
      %get3A_408 = tpu.vector_load %arg10[%get3A_406, %get3A_407] {strides = array<i32>} : memref<32x1024xf32, #tpu.memory_space<vmem>>, vector<1x16xf32>,
      %get3A_409 = vector.shape_cast %get3A_408 : vector<1x16xf32> to vector<16xf32>
      %mul3A_410 = arith.mulf %get3A_409, %get3A_80 : vector<16xf32>
      %get3A_411 = arith.index_cast %scan3A_75 : i32 to index
      %get3A_412 = arith.constant 320 : index
      %get3A_413 = tpu.vector_load %arg11[%get3A_411, %get3A_412] {strides = array<i32>} : memref<32x1024xf32, #tpu.memory_space<vmem>>, vector<1x16xf32>,
      %get3A_414 = vector.shape_cast %get3A_413 : vector<1x16xf32> to vector<16xf32>
      %mul3A_415 = arith.mulf %get3A_414, %get3A_86 : vector<16xf32>
      %add3A_416 = arith.addf %mul3A_410, %mul3A_415 : vector<16xf32>
      %swap3A_417 = arith.index_cast %scan3A_75 : i32 to index
      %swap3A_418 = arith.constant 320 : index
      %swap3A_419 = tpu.vector_load %arg12[%swap3A_417, %swap3A_418] {strides = array<i32>} : memref<32x1024xf32, #tpu.memory_space<vmem>>, vector<1x16xf32>,
      %swap3A_420 = vector.shape_cast %swap3A_419 : vector<1x16xf32> to vector<16xf32>
      %swap3A_421 = vector.shape_cast %add3A_416 : vector<16xf32> to vector<1x16xf32>
      tpu.vector_store %arg12[%swap3A_417, %swap3A_418], %swap3A_421 {strides = array<i32>} : memref<32x1024xf32, #tpu.memory_space<vmem>>, vector<1x16xf32>,
      %get3A_422 = arith.index_cast %scan3A_75 : i32 to index
      %get3A_423 = arith.constant 336 : index
      %get3A_424 = tpu.vector_load %arg10[%get3A_422, %get3A_423] {strides = array<i32>} : memref<32x1024xf32, #tpu.memory_space<vmem>>, vector<1x16xf32>,
      %get3A_425 = vector.shape_cast %get3A_424 : vector<1x16xf32> to vector<16xf32>
      %mul3A_426 = arith.mulf %get3A_425, %get3A_80 : vector<16xf32>
      %get3A_427 = arith.index_cast %scan3A_75 : i32 to index
      %get3A_428 = arith.constant 336 : index
      %get3A_429 = tpu.vector_load %arg11[%get3A_427, %get3A_428] {strides = array<i32>} : memref<32x1024xf32, #tpu.memory_space<vmem>>, vector<1x16xf32>,
      %get3A_430 = vector.shape_cast %get3A_429 : vector<1x16xf32> to vector<16xf32>
      %mul3A_431 = arith.mulf %get3A_430, %get3A_86 : vector<16xf32>
      %add3A_432 = arith.addf %mul3A_426, %mul3A_431 : vector<16xf32>
      %swap3A_433 = arith.index_cast %scan3A_75 : i32 to index
      %swap3A_434 = arith.constant 336 : index
      %swap3A_435 = tpu.vector_load %arg12[%swap3A_433, %swap3A_434] {strides = array<i32>} : memref<32x1024xf32, #tpu.memory_space<vmem>>, vector<1x16xf32>,
      %swap3A_436 = vector.shape_cast %swap3A_435 : vector<1x16xf32> to vector<16xf32>
      %swap3A_437 = vector.shape_cast %add3A_432 : vector<16xf32> to vector<1x16xf32>
      tpu.vector_store %arg12[%swap3A_433, %swap3A_434], %swap3A_437 {strides = array<i32>} : memref<32x1024xf32, #tpu.memory_space<vmem>>, vector<1x16xf32>,
      %get3A_438 = arith.index_cast %scan3A_75 : i32 to index
      %get3A_439 = arith.constant 352 : index
      %get3A_440 = tpu.vector_load %arg10[%get3A_438, %get3A_439] {strides = array<i32>} : memref<32x1024xf32, #tpu.memory_space<vmem>>, vector<1x16xf32>,
      %get3A_441 = vector.shape_cast %get3A_440 : vector<1x16xf32> to vector<16xf32>
      %mul3A_442 = arith.mulf %get3A_441, %get3A_80 : vector<16xf32>
      %get3A_443 = arith.index_cast %scan3A_75 : i32 to index
      %get3A_444 = arith.constant 352 : index
      %get3A_445 = tpu.vector_load %arg11[%get3A_443, %get3A_444] {strides = array<i32>} : memref<32x1024xf32, #tpu.memory_space<vmem>>, vector<1x16xf32>,
      %get3A_446 = vector.shape_cast %get3A_445 : vector<1x16xf32> to vector<16xf32>
      %mul3A_447 = arith.mulf %get3A_446, %get3A_86 : vector<16xf32>
      %add3A_448 = arith.addf %mul3A_442, %mul3A_447 : vector<16xf32>
      %swap3A_449 = arith.index_cast %scan3A_75 : i32 to index
      %swap3A_450 = arith.constant 352 : index
      %swap3A_451 = tpu.vector_load %arg12[%swap3A_449, %swap3A_450] {strides = array<i32>} : memref<32x1024xf32, #tpu.memory_space<vmem>>, vector<1x16xf32>,
      %swap3A_452 = vector.shape_cast %swap3A_451 : vector<1x16xf32> to vector<16xf32>
      %swap3A_453 = vector.shape_cast %add3A_448 : vector<16xf32> to vector<1x16xf32>
      tpu.vector_store %arg12[%swap3A_449, %swap3A_450], %swap3A_453 {strides = array<i32>} : memref<32x1024xf32, #tpu.memory_space<vmem>>, vector<1x16xf32>,
      %get3A_454 = arith.index_cast %scan3A_75 : i32 to index
      %get3A_455 = arith.constant 368 : index
      %get3A_456 = tpu.vector_load %arg10[%get3A_454, %get3A_455] {strides = array<i32>} : memref<32x1024xf32, #tpu.memory_space<vmem>>, vector<1x16xf32>,
      %get3A_457 = vector.shape_cast %get3A_456 : vector<1x16xf32> to vector<16xf32>
      %mul3A_458 = arith.mulf %get3A_457, %get3A_80 : vector<16xf32>
      %get3A_459 = arith.index_cast %scan3A_75 : i32 to index
      %get3A_460 = arith.constant 368 : index
      %get3A_461 = tpu.vector_load %arg11[%get3A_459, %get3A_460] {strides = array<i32>} : memref<32x1024xf32, #tpu.memory_space<vmem>>, vector<1x16xf32>,
      %get3A_462 = vector.shape_cast %get3A_461 : vector<1x16xf32> to vector<16xf32>
      %mul3A_463 = arith.mulf %get3A_462, %get3A_86 : vector<16xf32>
      %add3A_464 = arith.addf %mul3A_458, %mul3A_463 : vector<16xf32>
      %swap3A_465 = arith.index_cast %scan3A_75 : i32 to index
      %swap3A_466 = arith.constant 368 : index
      %swap3A_467 = tpu.vector_load %arg12[%swap3A_465, %swap3A_466] {strides = array<i32>} : memref<32x1024xf32, #tpu.memory_space<vmem>>, vector<1x16xf32>,
      %swap3A_468 = vector.shape_cast %swap3A_467 : vector<1x16xf32> to vector<16xf32>
      %swap3A_469 = vector.shape_cast %add3A_464 : vector<16xf32> to vector<1x16xf32>
      tpu.vector_store %arg12[%swap3A_465, %swap3A_466], %swap3A_469 {strides = array<i32>} : memref<32x1024xf32, #tpu.memory_space<vmem>>, vector<1x16xf32>,
      %get3A_470 = arith.index_cast %scan3A_75 : i32 to index
      %get3A_471 = arith.constant 384 : index
      %get3A_472 = tpu.vector_load %arg10[%get3A_470, %get3A_471] {strides = array<i32>} : memref<32x1024xf32, #tpu.memory_space<vmem>>, vector<1x16xf32>,
      %get3A_473 = vector.shape_cast %get3A_472 : vector<1x16xf32> to vector<16xf32>
      %mul3A_474 = arith.mulf %get3A_473, %get3A_80 : vector<16xf32>
      %get3A_475 = arith.index_cast %scan3A_75 : i32 to index
      %get3A_476 = arith.constant 384 : index
      %get3A_477 = tpu.vector_load %arg11[%get3A_475, %get3A_476] {strides = array<i32>} : memref<32x1024xf32, #tpu.memory_space<vmem>>, vector<1x16xf32>,
      %get3A_478 = vector.shape_cast %get3A_477 : vector<1x16xf32> to vector<16xf32>
      %mul3A_479 = arith.mulf %get3A_478, %get3A_86 : vector<16xf32>
      %add3A_480 = arith.addf %mul3A_474, %mul3A_479 : vector<16xf32>
      %swap3A_481 = arith.index_cast %scan3A_75 : i32 to index
      %swap3A_482 = arith.constant 384 : index
      %swap3A_483 = tpu.vector_load %arg12[%swap3A_481, %swap3A_482] {strides = array<i32>} : memref<32x1024xf32, #tpu.memory_space<vmem>>, vector<1x16xf32>,
      %swap3A_484 = vector.shape_cast %swap3A_483 : vector<1x16xf32> to vector<16xf32>
      %swap3A_485 = vector.shape_cast %add3A_480 : vector<16xf32> to vector<1x16xf32>
      tpu.vector_store %arg12[%swap3A_481, %swap3A_482], %swap3A_485 {strides = array<i32>} : memref<32x1024xf32, #tpu.memory_space<vmem>>, vector<1x16xf32>,
      %get3A_486 = arith.index_cast %scan3A_75 : i32 to index
      %get3A_487 = arith.constant 400 : index
      %get3A_488 = tpu.vector_load %arg10[%get3A_486, %get3A_487] {strides = array<i32>} : memref<32x1024xf32, #tpu.memory_space<vmem>>, vector<1x16xf32>,
      %get3A_489 = vector.shape_cast %get3A_488 : vector<1x16xf32> to vector<16xf32>
      %mul3A_490 = arith.mulf %get3A_489, %get3A_80 : vector<16xf32>
      %get3A_491 = arith.index_cast %scan3A_75 : i32 to index
      %get3A_492 = arith.constant 400 : index
      %get3A_493 = tpu.vector_load %arg11[%get3A_491, %get3A_492] {strides = array<i32>} : memref<32x1024xf32, #tpu.memory_space<vmem>>, vector<1x16xf32>,
      %get3A_494 = vector.shape_cast %get3A_493 : vector<1x16xf32> to vector<16xf32>
      %mul3A_495 = arith.mulf %get3A_494, %get3A_86 : vector<16xf32>
      %add3A_496 = arith.addf %mul3A_490, %mul3A_495 : vector<16xf32>
      %swap3A_497 = arith.index_cast %scan3A_75 : i32 to index
      %swap3A_498 = arith.constant 400 : index
      %swap3A_499 = tpu.vector_load %arg12[%swap3A_497, %swap3A_498] {strides = array<i32>} : memref<32x1024xf32, #tpu.memory_space<vmem>>, vector<1x16xf32>,
      %swap3A_500 = vector.shape_cast %swap3A_499 : vector<1x16xf32> to vector<16xf32>
      %swap3A_501 = vector.shape_cast %add3A_496 : vector<16xf32> to vector<1x16xf32>
      tpu.vector_store %arg12[%swap3A_497, %swap3A_498], %swap3A_501 {strides = array<i32>} : memref<32x1024xf32, #tpu.memory_space<vmem>>, vector<1x16xf32>,
      %get3A_502 = arith.index_cast %scan3A_75 : i32 to index
      %get3A_503 = arith.constant 416 : index
      %get3A_504 = tpu.vector_load %arg10[%get3A_502, %get3A_503] {strides = array<i32>} : memref<32x1024xf32, #tpu.memory_space<vmem>>, vector<1x16xf32>,
      %get3A_505 = vector.shape_cast %get3A_504 : vector<1x16xf32> to vector<16xf32>
      %mul3A_506 = arith.mulf %get3A_505, %get3A_80 : vector<16xf32>
      %get3A_507 = arith.index_cast %scan3A_75 : i32 to index
      %get3A_508 = arith.constant 416 : index
      %get3A_509 = tpu.vector_load %arg11[%get3A_507, %get3A_508] {strides = array<i32>} : memref<32x1024xf32, #tpu.memory_space<vmem>>, vector<1x16xf32>,
      %get3A_510 = vector.shape_cast %get3A_509 : vector<1x16xf32> to vector<16xf32>
      %mul3A_511 = arith.mulf %get3A_510, %get3A_86 : vector<16xf32>
      %add3A_512 = arith.addf %mul3A_506, %mul3A_511 : vector<16xf32>
      %swap3A_513 = arith.index_cast %scan3A_75 : i32 to index
      %swap3A_514 = arith.constant 416 : index
      %swap3A_515 = tpu.vector_load %arg12[%swap3A_513, %swap3A_514] {strides = array<i32>} : memref<32x1024xf32, #tpu.memory_space<vmem>>, vector<1x16xf32>,
      %swap3A_516 = vector.shape_cast %swap3A_515 : vector<1x16xf32> to vector<16xf32>
      %swap3A_517 = vector.shape_cast %add3A_512 : vector<16xf32> to vector<1x16xf32>
      tpu.vector_store %arg12[%swap3A_513, %swap3A_514], %swap3A_517 {strides = array<i32>} : memref<32x1024xf32, #tpu.memory_space<vmem>>, vector<1x16xf32>,
      %get3A_518 = arith.index_cast %scan3A_75 : i32 to index
      %get3A_519 = arith.constant 432 : index
      %get3A_520 = tpu.vector_load %arg10[%get3A_518, %get3A_519] {strides = array<i32>} : memref<32x1024xf32, #tpu.memory_space<vmem>>, vector<1x16xf32>,
      %get3A_521 = vector.shape_cast %get3A_520 : vector<1x16xf32> to vector<16xf32>
      %mul3A_522 = arith.mulf %get3A_521, %get3A_80 : vector<16xf32>
      %get3A_523 = arith.index_cast %scan3A_75 : i32 to index
      %get3A_524 = arith.constant 432 : index
      %get3A_525 = tpu.vector_load %arg11[%get3A_523, %get3A_524] {strides = array<i32>} : memref<32x1024xf32, #tpu.memory_space<vmem>>, vector<1x16xf32>,
      %get3A_526 = vector.shape_cast %get3A_525 : vector<1x16xf32> to vector<16xf32>
      %mul3A_527 = arith.mulf %get3A_526, %get3A_86 : vector<16xf32>
      %add3A_528 = arith.addf %mul3A_522, %mul3A_527 : vector<16xf32>
      %swap3A_529 = arith.index_cast %scan3A_75 : i32 to index
      %swap3A_530 = arith.constant 432 : index
      %swap3A_531 = tpu.vector_load %arg12[%swap3A_529, %swap3A_530] {strides = array<i32>} : memref<32x1024xf32, #tpu.memory_space<vmem>>, vector<1x16xf32>,
      %swap3A_532 = vector.shape_cast %swap3A_531 : vector<1x16xf32> to vector<16xf32>
      %swap3A_533 = vector.shape_cast %add3A_528 : vector<16xf32> to vector<1x16xf32>
      tpu.vector_store %arg12[%swap3A_529, %swap3A_530], %swap3A_533 {strides = array<i32>} : memref<32x1024xf32, #tpu.memory_space<vmem>>, vector<1x16xf32>,
      %get3A_534 = arith.index_cast %scan3A_75 : i32 to index
      %get3A_535 = arith.constant 448 : index
      %get3A_536 = tpu.vector_load %arg10[%get3A_534, %get3A_535] {strides = array<i32>} : memref<32x1024xf32, #tpu.memory_space<vmem>>, vector<1x16xf32>,
      %get3A_537 = vector.shape_cast %get3A_536 : vector<1x16xf32> to vector<16xf32>
      %mul3A_538 = arith.mulf %get3A_537, %get3A_80 : vector<16xf32>
      %get3A_539 = arith.index_cast %scan3A_75 : i32 to index
      %get3A_540 = arith.constant 448 : index
      %get3A_541 = tpu.vector_load %arg11[%get3A_539, %get3A_540] {strides = array<i32>} : memref<32x1024xf32, #tpu.memory_space<vmem>>, vector<1x16xf32>,
      %get3A_542 = vector.shape_cast %get3A_541 : vector<1x16xf32> to vector<16xf32>
      %mul3A_543 = arith.mulf %get3A_542, %get3A_86 : vector<16xf32>
      %add3A_544 = arith.addf %mul3A_538, %mul3A_543 : vector<16xf32>
      %swap3A_545 = arith.index_cast %scan3A_75 : i32 to index
      %swap3A_546 = arith.constant 448 : index
      %swap3A_547 = tpu.vector_load %arg12[%swap3A_545, %swap3A_546] {strides = array<i32>} : memref<32x1024xf32, #tpu.memory_space<vmem>>, vector<1x16xf32>,
      %swap3A_548 = vector.shape_cast %swap3A_547 : vector<1x16xf32> to vector<16xf32>
      %swap3A_549 = vector.shape_cast %add3A_544 : vector<16xf32> to vector<1x16xf32>
      tpu.vector_store %arg12[%swap3A_545, %swap3A_546], %swap3A_549 {strides = array<i32>} : memref<32x1024xf32, #tpu.memory_space<vmem>>, vector<1x16xf32>,
      %get3A_550 = arith.index_cast %scan3A_75 : i32 to index
      %get3A_551 = arith.constant 464 : index
      %get3A_552 = tpu.vector_load %arg10[%get3A_550, %get3A_551] {strides = array<i32>} : memref<32x1024xf32, #tpu.memory_space<vmem>>, vector<1x16xf32>,
      %get3A_553 = vector.shape_cast %get3A_552 : vector<1x16xf32> to vector<16xf32>
      %mul3A_554 = arith.mulf %get3A_553, %get3A_80 : vector<16xf32>
      %get3A_555 = arith.index_cast %scan3A_75 : i32 to index
      %get3A_556 = arith.constant 464 : index
      %get3A_557 = tpu.vector_load %arg11[%get3A_555, %get3A_556] {strides = array<i32>} : memref<32x1024xf32, #tpu.memory_space<vmem>>, vector<1x16xf32>,
      %get3A_558 = vector.shape_cast %get3A_557 : vector<1x16xf32> to vector<16xf32>
      %mul3A_559 = arith.mulf %get3A_558, %get3A_86 : vector<16xf32>
      %add3A_560 = arith.addf %mul3A_554, %mul3A_559 : vector<16xf32>
      %swap3A_561 = arith.index_cast %scan3A_75 : i32 to index
      %swap3A_562 = arith.constant 464 : index
      %swap3A_563 = tpu.vector_load %arg12[%swap3A_561, %swap3A_562] {strides = array<i32>} : memref<32x1024xf32, #tpu.memory_space<vmem>>, vector<1x16xf32>,
      %swap3A_564 = vector.shape_cast %swap3A_563 : vector<1x16xf32> to vector<16xf32>
      %swap3A_565 = vector.shape_cast %add3A_560 : vector<16xf32> to vector<1x16xf32>
      tpu.vector_store %arg12[%swap3A_561, %swap3A_562], %swap3A_565 {strides = array<i32>} : memref<32x1024xf32, #tpu.memory_space<vmem>>, vector<1x16xf32>,
      %get3A_566 = arith.index_cast %scan3A_75 : i32 to index
      %get3A_567 = arith.constant 480 : index
      %get3A_568 = tpu.vector_load %arg10[%get3A_566, %get3A_567] {strides = array<i32>} : memref<32x1024xf32, #tpu.memory_space<vmem>>, vector<1x16xf32>,
      %get3A_569 = vector.shape_cast %get3A_568 : vector<1x16xf32> to vector<16xf32>
      %mul3A_570 = arith.mulf %get3A_569, %get3A_80 : vector<16xf32>
      %get3A_571 = arith.index_cast %scan3A_75 : i32 to index
      %get3A_572 = arith.constant 480 : index
      %get3A_573 = tpu.vector_load %arg11[%get3A_571, %get3A_572] {strides = array<i32>} : memref<32x1024xf32, #tpu.memory_space<vmem>>, vector<1x16xf32>,
      %get3A_574 = vector.shape_cast %get3A_573 : vector<1x16xf32> to vector<16xf32>
      %mul3A_575 = arith.mulf %get3A_574, %get3A_86 : vector<16xf32>
      %add3A_576 = arith.addf %mul3A_570, %mul3A_575 : vector<16xf32>
      %swap3A_577 = arith.index_cast %scan3A_75 : i32 to index
      %swap3A_578 = arith.constant 480 : index
      %swap3A_579 = tpu.vector_load %arg12[%swap3A_577, %swap3A_578] {strides = array<i32>} : memref<32x1024xf32, #tpu.memory_space<vmem>>, vector<1x16xf32>,
      %swap3A_580 = vector.shape_cast %swap3A_579 : vector<1x16xf32> to vector<16xf32>
      %swap3A_581 = vector.shape_cast %add3A_576 : vector<16xf32> to vector<1x16xf32>
      tpu.vector_store %arg12[%swap3A_577, %swap3A_578], %swap3A_581 {strides = array<i32>} : memref<32x1024xf32, #tpu.memory_space<vmem>>, vector<1x16xf32>,
      %get3A_582 = arith.index_cast %scan3A_75 : i32 to index
      %get3A_583 = arith.constant 496 : index
      %get3A_584 = tpu.vector_load %arg10[%get3A_582, %get3A_583] {strides = array<i32>} : memref<32x1024xf32, #tpu.memory_space<vmem>>, vector<1x16xf32>,
      %get3A_585 = vector.shape_cast %get3A_584 : vector<1x16xf32> to vector<16xf32>
      %mul3A_586 = arith.mulf %get3A_585, %get3A_80 : vector<16xf32>
      %get3A_587 = arith.index_cast %scan3A_75 : i32 to index
      %get3A_588 = arith.constant 496 : index
      %get3A_589 = tpu.vector_load %arg11[%get3A_587, %get3A_588] {strides = array<i32>} : memref<32x1024xf32, #tpu.memory_space<vmem>>, vector<1x16xf32>,
      %get3A_590 = vector.shape_cast %get3A_589 : vector<1x16xf32> to vector<16xf32>
      %mul3A_591 = arith.mulf %get3A_590, %get3A_86 : vector<16xf32>
      %add3A_592 = arith.addf %mul3A_586, %mul3A_591 : vector<16xf32>
      %swap3A_593 = arith.index_cast %scan3A_75 : i32 to index
      %swap3A_594 = arith.constant 496 : index
      %swap3A_595 = tpu.vector_load %arg12[%swap3A_593, %swap3A_594] {strides = array<i32>} : memref<32x1024xf32, #tpu.memory_space<vmem>>, vector<1x16xf32>,
      %swap3A_596 = vector.shape_cast %swap3A_595 : vector<1x16xf32> to vector<16xf32>
      %swap3A_597 = vector.shape_cast %add3A_592 : vector<16xf32> to vector<1x16xf32>
      tpu.vector_store %arg12[%swap3A_593, %swap3A_594], %swap3A_597 {strides = array<i32>} : memref<32x1024xf32, #tpu.memory_space<vmem>>, vector<1x16xf32>,
      %get3A_598 = arith.index_cast %scan3A_75 : i32 to index
      %get3A_599 = arith.constant 512 : index
      %get3A_600 = tpu.vector_load %arg10[%get3A_598, %get3A_599] {strides = array<i32>} : memref<32x1024xf32, #tpu.memory_space<vmem>>, vector<1x16xf32>,
      %get3A_601 = vector.shape_cast %get3A_600 : vector<1x16xf32> to vector<16xf32>
      %mul3A_602 = arith.mulf %get3A_601, %get3A_80 : vector<16xf32>
      %get3A_603 = arith.index_cast %scan3A_75 : i32 to index
      %get3A_604 = arith.constant 512 : index
      %get3A_605 = tpu.vector_load %arg11[%get3A_603, %get3A_604] {strides = array<i32>} : memref<32x1024xf32, #tpu.memory_space<vmem>>, vector<1x16xf32>,
      %get3A_606 = vector.shape_cast %get3A_605 : vector<1x16xf32> to vector<16xf32>
      %mul3A_607 = arith.mulf %get3A_606, %get3A_86 : vector<16xf32>
      %add3A_608 = arith.addf %mul3A_602, %mul3A_607 : vector<16xf32>
      %swap3A_609 = arith.index_cast %scan3A_75 : i32 to index
      %swap3A_610 = arith.constant 512 : index
      %swap3A_611 = tpu.vector_load %arg12[%swap3A_609, %swap3A_610] {strides = array<i32>} : memref<32x1024xf32, #tpu.memory_space<vmem>>, vector<1x16xf32>,
      %swap3A_612 = vector.shape_cast %swap3A_611 : vector<1x16xf32> to vector<16xf32>
      %swap3A_613 = vector.shape_cast %add3A_608 : vector<16xf32> to vector<1x16xf32>
      tpu.vector_store %arg12[%swap3A_609, %swap3A_610], %swap3A_613 {strides = array<i32>} : memref<32x1024xf32, #tpu.memory_space<vmem>>, vector<1x16xf32>,
      %get3A_614 = arith.index_cast %scan3A_75 : i32 to index
      %get3A_615 = arith.constant 528 : index
      %get3A_616 = tpu.vector_load %arg10[%get3A_614, %get3A_615] {strides = array<i32>} : memref<32x1024xf32, #tpu.memory_space<vmem>>, vector<1x16xf32>,
      %get3A_617 = vector.shape_cast %get3A_616 : vector<1x16xf32> to vector<16xf32>
      %mul3A_618 = arith.mulf %get3A_617, %get3A_80 : vector<16xf32>
      %get3A_619 = arith.index_cast %scan3A_75 : i32 to index
      %get3A_620 = arith.constant 528 : index
      %get3A_621 = tpu.vector_load %arg11[%get3A_619, %get3A_620] {strides = array<i32>} : memref<32x1024xf32, #tpu.memory_space<vmem>>, vector<1x16xf32>,
      %get3A_622 = vector.shape_cast %get3A_621 : vector<1x16xf32> to vector<16xf32>
      %mul3A_623 = arith.mulf %get3A_622, %get3A_86 : vector<16xf32>
      %add3A_624 = arith.addf %mul3A_618, %mul3A_623 : vector<16xf32>
      %swap3A_625 = arith.index_cast %scan3A_75 : i32 to index
      %swap3A_626 = arith.constant 528 : index
      %swap3A_627 = tpu.vector_load %arg12[%swap3A_625, %swap3A_626] {strides = array<i32>} : memref<32x1024xf32, #tpu.memory_space<vmem>>, vector<1x16xf32>,
      %swap3A_628 = vector.shape_cast %swap3A_627 : vector<1x16xf32> to vector<16xf32>
      %swap3A_629 = vector.shape_cast %add3A_624 : vector<16xf32> to vector<1x16xf32>
      tpu.vector_store %arg12[%swap3A_625, %swap3A_626], %swap3A_629 {strides = array<i32>} : memref<32x1024xf32, #tpu.memory_space<vmem>>, vector<1x16xf32>,
      %get3A_630 = arith.index_cast %scan3A_75 : i32 to index
      %get3A_631 = arith.constant 544 : index
      %get3A_632 = tpu.vector_load %arg10[%get3A_630, %get3A_631] {strides = array<i32>} : memref<32x1024xf32, #tpu.memory_space<vmem>>, vector<1x16xf32>,
      %get3A_633 = vector.shape_cast %get3A_632 : vector<1x16xf32> to vector<16xf32>
      %mul3A_634 = arith.mulf %get3A_633, %get3A_80 : vector<16xf32>
      %get3A_635 = arith.index_cast %scan3A_75 : i32 to index
      %get3A_636 = arith.constant 544 : index
      %get3A_637 = tpu.vector_load %arg11[%get3A_635, %get3A_636] {strides = array<i32>} : memref<32x1024xf32, #tpu.memory_space<vmem>>, vector<1x16xf32>,
      %get3A_638 = vector.shape_cast %get3A_637 : vector<1x16xf32> to vector<16xf32>
      %mul3A_639 = arith.mulf %get3A_638, %get3A_86 : vector<16xf32>
      %add3A_640 = arith.addf %mul3A_634, %mul3A_639 : vector<16xf32>
      %swap3A_641 = arith.index_cast %scan3A_75 : i32 to index
      %swap3A_642 = arith.constant 544 : index
      %swap3A_643 = tpu.vector_load %arg12[%swap3A_641, %swap3A_642] {strides = array<i32>} : memref<32x1024xf32, #tpu.memory_space<vmem>>, vector<1x16xf32>,
      %swap3A_644 = vector.shape_cast %swap3A_643 : vector<1x16xf32> to vector<16xf32>
      %swap3A_645 = vector.shape_cast %add3A_640 : vector<16xf32> to vector<1x16xf32>
      tpu.vector_store %arg12[%swap3A_641, %swap3A_642], %swap3A_645 {strides = array<i32>} : memref<32x1024xf32, #tpu.memory_space<vmem>>, vector<1x16xf32>,
      %get3A_646 = arith.index_cast %scan3A_75 : i32 to index
      %get3A_647 = arith.constant 560 : index
      %get3A_648 = tpu.vector_load %arg10[%get3A_646, %get3A_647] {strides = array<i32>} : memref<32x1024xf32, #tpu.memory_space<vmem>>, vector<1x16xf32>,
      %get3A_649 = vector.shape_cast %get3A_648 : vector<1x16xf32> to vector<16xf32>
      %mul3A_650 = arith.mulf %get3A_649, %get3A_80 : vector<16xf32>
      %get3A_651 = arith.index_cast %scan3A_75 : i32 to index
      %get3A_652 = arith.constant 560 : index
      %get3A_653 = tpu.vector_load %arg11[%get3A_651, %get3A_652] {strides = array<i32>} : memref<32x1024xf32, #tpu.memory_space<vmem>>, vector<1x16xf32>,
      %get3A_654 = vector.shape_cast %get3A_653 : vector<1x16xf32> to vector<16xf32>
      %mul3A_655 = arith.mulf %get3A_654, %get3A_86 : vector<16xf32>
      %add3A_656 = arith.addf %mul3A_650, %mul3A_655 : vector<16xf32>
      %swap3A_657 = arith.index_cast %scan3A_75 : i32 to index
      %swap3A_658 = arith.constant 560 : index
      %swap3A_659 = tpu.vector_load %arg12[%swap3A_657, %swap3A_658] {strides = array<i32>} : memref<32x1024xf32, #tpu.memory_space<vmem>>, vector<1x16xf32>,
      %swap3A_660 = vector.shape_cast %swap3A_659 : vector<1x16xf32> to vector<16xf32>
      %swap3A_661 = vector.shape_cast %add3A_656 : vector<16xf32> to vector<1x16xf32>
      tpu.vector_store %arg12[%swap3A_657, %swap3A_658], %swap3A_661 {strides = array<i32>} : memref<32x1024xf32, #tpu.memory_space<vmem>>, vector<1x16xf32>,
      %get3A_662 = arith.index_cast %scan3A_75 : i32 to index
      %get3A_663 = arith.constant 576 : index
      %get3A_664 = tpu.vector_load %arg10[%get3A_662, %get3A_663] {strides = array<i32>} : memref<32x1024xf32, #tpu.memory_space<vmem>>, vector<1x16xf32>,
      %get3A_665 = vector.shape_cast %get3A_664 : vector<1x16xf32> to vector<16xf32>
      %mul3A_666 = arith.mulf %get3A_665, %get3A_80 : vector<16xf32>
      %get3A_667 = arith.index_cast %scan3A_75 : i32 to index
      %get3A_668 = arith.constant 576 : index
      %get3A_669 = tpu.vector_load %arg11[%get3A_667, %get3A_668] {strides = array<i32>} : memref<32x1024xf32, #tpu.memory_space<vmem>>, vector<1x16xf32>,
      %get3A_670 = vector.shape_cast %get3A_669 : vector<1x16xf32> to vector<16xf32>
      %mul3A_671 = arith.mulf %get3A_670, %get3A_86 : vector<16xf32>
      %add3A_672 = arith.addf %mul3A_666, %mul3A_671 : vector<16xf32>
      %swap3A_673 = arith.index_cast %scan3A_75 : i32 to index
      %swap3A_674 = arith.constant 576 : index
      %swap3A_675 = tpu.vector_load %arg12[%swap3A_673, %swap3A_674] {strides = array<i32>} : memref<32x1024xf32, #tpu.memory_space<vmem>>, vector<1x16xf32>,
      %swap3A_676 = vector.shape_cast %swap3A_675 : vector<1x16xf32> to vector<16xf32>
      %swap3A_677 = vector.shape_cast %add3A_672 : vector<16xf32> to vector<1x16xf32>
      tpu.vector_store %arg12[%swap3A_673, %swap3A_674], %swap3A_677 {strides = array<i32>} : memref<32x1024xf32, #tpu.memory_space<vmem>>, vector<1x16xf32>,
      %get3A_678 = arith.index_cast %scan3A_75 : i32 to index
      %get3A_679 = arith.constant 592 : index
      %get3A_680 = tpu.vector_load %arg10[%get3A_678, %get3A_679] {strides = array<i32>} : memref<32x1024xf32, #tpu.memory_space<vmem>>, vector<1x16xf32>,
      %get3A_681 = vector.shape_cast %get3A_680 : vector<1x16xf32> to vector<16xf32>
      %mul3A_682 = arith.mulf %get3A_681, %get3A_80 : vector<16xf32>
      %get3A_683 = arith.index_cast %scan3A_75 : i32 to index
      %get3A_684 = arith.constant 592 : index
      %get3A_685 = tpu.vector_load %arg11[%get3A_683, %get3A_684] {strides = array<i32>} : memref<32x1024xf32, #tpu.memory_space<vmem>>, vector<1x16xf32>,
      %get3A_686 = vector.shape_cast %get3A_685 : vector<1x16xf32> to vector<16xf32>
      %mul3A_687 = arith.mulf %get3A_686, %get3A_86 : vector<16xf32>
      %add3A_688 = arith.addf %mul3A_682, %mul3A_687 : vector<16xf32>
      %swap3A_689 = arith.index_cast %scan3A_75 : i32 to index
      %swap3A_690 = arith.constant 592 : index
      %swap3A_691 = tpu.vector_load %arg12[%swap3A_689, %swap3A_690] {strides = array<i32>} : memref<32x1024xf32, #tpu.memory_space<vmem>>, vector<1x16xf32>,
      %swap3A_692 = vector.shape_cast %swap3A_691 : vector<1x16xf32> to vector<16xf32>
      %swap3A_693 = vector.shape_cast %add3A_688 : vector<16xf32> to vector<1x16xf32>
      tpu.vector_store %arg12[%swap3A_689, %swap3A_690], %swap3A_693 {strides = array<i32>} : memref<32x1024xf32, #tpu.memory_space<vmem>>, vector<1x16xf32>,
      %get3A_694 = arith.index_cast %scan3A_75 : i32 to index
      %get3A_695 = arith.constant 608 : index
      %get3A_696 = tpu.vector_load %arg10[%get3A_694, %get3A_695] {strides = array<i32>} : memref<32x1024xf32, #tpu.memory_space<vmem>>, vector<1x16xf32>,
      %get3A_697 = vector.shape_cast %get3A_696 : vector<1x16xf32> to vector<16xf32>
      %mul3A_698 = arith.mulf %get3A_697, %get3A_80 : vector<16xf32>
      %get3A_699 = arith.index_cast %scan3A_75 : i32 to index
      %get3A_700 = arith.constant 608 : index
      %get3A_701 = tpu.vector_load %arg11[%get3A_699, %get3A_700] {strides = array<i32>} : memref<32x1024xf32, #tpu.memory_space<vmem>>, vector<1x16xf32>,
      %get3A_702 = vector.shape_cast %get3A_701 : vector<1x16xf32> to vector<16xf32>
      %mul3A_703 = arith.mulf %get3A_702, %get3A_86 : vector<16xf32>
      %add3A_704 = arith.addf %mul3A_698, %mul3A_703 : vector<16xf32>
      %swap3A_705 = arith.index_cast %scan3A_75 : i32 to index
      %swap3A_706 = arith.constant 608 : index
      %swap3A_707 = tpu.vector_load %arg12[%swap3A_705, %swap3A_706] {strides = array<i32>} : memref<32x1024xf32, #tpu.memory_space<vmem>>, vector<1x16xf32>,
      %swap3A_708 = vector.shape_cast %swap3A_707 : vector<1x16xf32> to vector<16xf32>
      %swap3A_709 = vector.shape_cast %add3A_704 : vector<16xf32> to vector<1x16xf32>
      tpu.vector_store %arg12[%swap3A_705, %swap3A_706], %swap3A_709 {strides = array<i32>} : memref<32x1024xf32, #tpu.memory_space<vmem>>, vector<1x16xf32>,
      %get3A_710 = arith.index_cast %scan3A_75 : i32 to index
      %get3A_711 = arith.constant 624 : index
      %get3A_712 = tpu.vector_load %arg10[%get3A_710, %get3A_711] {strides = array<i32>} : memref<32x1024xf32, #tpu.memory_space<vmem>>, vector<1x16xf32>,
      %get3A_713 = vector.shape_cast %get3A_712 : vector<1x16xf32> to vector<16xf32>
      %mul3A_714 = arith.mulf %get3A_713, %get3A_80 : vector<16xf32>
      %get3A_715 = arith.index_cast %scan3A_75 : i32 to index
      %get3A_716 = arith.constant 624 : index
      %get3A_717 = tpu.vector_load %arg11[%get3A_715, %get3A_716] {strides = array<i32>} : memref<32x1024xf32, #tpu.memory_space<vmem>>, vector<1x16xf32>,
      %get3A_718 = vector.shape_cast %get3A_717 : vector<1x16xf32> to vector<16xf32>
      %mul3A_719 = arith.mulf %get3A_718, %get3A_86 : vector<16xf32>
      %add3A_720 = arith.addf %mul3A_714, %mul3A_719 : vector<16xf32>
      %swap3A_721 = arith.index_cast %scan3A_75 : i32 to index
      %swap3A_722 = arith.constant 624 : index
      %swap3A_723 = tpu.vector_load %arg12[%swap3A_721, %swap3A_722] {strides = array<i32>} : memref<32x1024xf32, #tpu.memory_space<vmem>>, vector<1x16xf32>,
      %swap3A_724 = vector.shape_cast %swap3A_723 : vector<1x16xf32> to vector<16xf32>
      %swap3A_725 = vector.shape_cast %add3A_720 : vector<16xf32> to vector<1x16xf32>
      tpu.vector_store %arg12[%swap3A_721, %swap3A_722], %swap3A_725 {strides = array<i32>} : memref<32x1024xf32, #tpu.memory_space<vmem>>, vector<1x16xf32>,
      %get3A_726 = arith.index_cast %scan3A_75 : i32 to index
      %get3A_727 = arith.constant 640 : index
      %get3A_728 = tpu.vector_load %arg10[%get3A_726, %get3A_727] {strides = array<i32>} : memref<32x1024xf32, #tpu.memory_space<vmem>>, vector<1x16xf32>,
      %get3A_729 = vector.shape_cast %get3A_728 : vector<1x16xf32> to vector<16xf32>
      %mul3A_730 = arith.mulf %get3A_729, %get3A_80 : vector<16xf32>
      %get3A_731 = arith.index_cast %scan3A_75 : i32 to index
      %get3A_732 = arith.constant 640 : index
      %get3A_733 = tpu.vector_load %arg11[%get3A_731, %get3A_732] {strides = array<i32>} : memref<32x1024xf32, #tpu.memory_space<vmem>>, vector<1x16xf32>,
      %get3A_734 = vector.shape_cast %get3A_733 : vector<1x16xf32> to vector<16xf32>
      %mul3A_735 = arith.mulf %get3A_734, %get3A_86 : vector<16xf32>
      %add3A_736 = arith.addf %mul3A_730, %mul3A_735 : vector<16xf32>
      %swap3A_737 = arith.index_cast %scan3A_75 : i32 to index
      %swap3A_738 = arith.constant 640 : index
      %swap3A_739 = tpu.vector_load %arg12[%swap3A_737, %swap3A_738] {strides = array<i32>} : memref<32x1024xf32, #tpu.memory_space<vmem>>, vector<1x16xf32>,
      %swap3A_740 = vector.shape_cast %swap3A_739 : vector<1x16xf32> to vector<16xf32>
      %swap3A_741 = vector.shape_cast %add3A_736 : vector<16xf32> to vector<1x16xf32>
      tpu.vector_store %arg12[%swap3A_737, %swap3A_738], %swap3A_741 {strides = array<i32>} : memref<32x1024xf32, #tpu.memory_space<vmem>>, vector<1x16xf32>,
      %get3A_742 = arith.index_cast %scan3A_75 : i32 to index
      %get3A_743 = arith.constant 656 : index
      %get3A_744 = tpu.vector_load %arg10[%get3A_742, %get3A_743] {strides = array<i32>} : memref<32x1024xf32, #tpu.memory_space<vmem>>, vector<1x16xf32>,
      %get3A_745 = vector.shape_cast %get3A_744 : vector<1x16xf32> to vector<16xf32>
      %mul3A_746 = arith.mulf %get3A_745, %get3A_80 : vector<16xf32>
      %get3A_747 = arith.index_cast %scan3A_75 : i32 to index
      %get3A_748 = arith.constant 656 : index
      %get3A_749 = tpu.vector_load %arg11[%get3A_747, %get3A_748] {strides = array<i32>} : memref<32x1024xf32, #tpu.memory_space<vmem>>, vector<1x16xf32>,
      %get3A_750 = vector.shape_cast %get3A_749 : vector<1x16xf32> to vector<16xf32>
      %mul3A_751 = arith.mulf %get3A_750, %get3A_86 : vector<16xf32>
      %add3A_752 = arith.addf %mul3A_746, %mul3A_751 : vector<16xf32>
      %swap3A_753 = arith.index_cast %scan3A_75 : i32 to index
      %swap3A_754 = arith.constant 656 : index
      %swap3A_755 = tpu.vector_load %arg12[%swap3A_753, %swap3A_754] {strides = array<i32>} : memref<32x1024xf32, #tpu.memory_space<vmem>>, vector<1x16xf32>,
      %swap3A_756 = vector.shape_cast %swap3A_755 : vector<1x16xf32> to vector<16xf32>
      %swap3A_757 = vector.shape_cast %add3A_752 : vector<16xf32> to vector<1x16xf32>
      tpu.vector_store %arg12[%swap3A_753, %swap3A_754], %swap3A_757 {strides = array<i32>} : memref<32x1024xf32, #tpu.memory_space<vmem>>, vector<1x16xf32>,
      %get3A_758 = arith.index_cast %scan3A_75 : i32 to index
      %get3A_759 = arith.constant 672 : index
      %get3A_760 = tpu.vector_load %arg10[%get3A_758, %get3A_759] {strides = array<i32>} : memref<32x1024xf32, #tpu.memory_space<vmem>>, vector<1x16xf32>,
      %get3A_761 = vector.shape_cast %get3A_760 : vector<1x16xf32> to vector<16xf32>
      %mul3A_762 = arith.mulf %get3A_761, %get3A_80 : vector<16xf32>
      %get3A_763 = arith.index_cast %scan3A_75 : i32 to index
      %get3A_764 = arith.constant 672 : index
      %get3A_765 = tpu.vector_load %arg11[%get3A_763, %get3A_764] {strides = array<i32>} : memref<32x1024xf32, #tpu.memory_space<vmem>>, vector<1x16xf32>,
      %get3A_766 = vector.shape_cast %get3A_765 : vector<1x16xf32> to vector<16xf32>
      %mul3A_767 = arith.mulf %get3A_766, %get3A_86 : vector<16xf32>
      %add3A_768 = arith.addf %mul3A_762, %mul3A_767 : vector<16xf32>
      %swap3A_769 = arith.index_cast %scan3A_75 : i32 to index
      %swap3A_770 = arith.constant 672 : index
      %swap3A_771 = tpu.vector_load %arg12[%swap3A_769, %swap3A_770] {strides = array<i32>} : memref<32x1024xf32, #tpu.memory_space<vmem>>, vector<1x16xf32>,
      %swap3A_772 = vector.shape_cast %swap3A_771 : vector<1x16xf32> to vector<16xf32>
      %swap3A_773 = vector.shape_cast %add3A_768 : vector<16xf32> to vector<1x16xf32>
      tpu.vector_store %arg12[%swap3A_769, %swap3A_770], %swap3A_773 {strides = array<i32>} : memref<32x1024xf32, #tpu.memory_space<vmem>>, vector<1x16xf32>,
      %get3A_774 = arith.index_cast %scan3A_75 : i32 to index
      %get3A_775 = arith.constant 688 : index
      %get3A_776 = tpu.vector_load %arg10[%get3A_774, %get3A_775] {strides = array<i32>} : memref<32x1024xf32, #tpu.memory_space<vmem>>, vector<1x16xf32>,
      %get3A_777 = vector.shape_cast %get3A_776 : vector<1x16xf32> to vector<16xf32>
      %mul3A_778 = arith.mulf %get3A_777, %get3A_80 : vector<16xf32>
      %get3A_779 = arith.index_cast %scan3A_75 : i32 to index
      %get3A_780 = arith.constant 688 : index
      %get3A_781 = tpu.vector_load %arg11[%get3A_779, %get3A_780] {strides = array<i32>} : memref<32x1024xf32, #tpu.memory_space<vmem>>, vector<1x16xf32>,
      %get3A_782 = vector.shape_cast %get3A_781 : vector<1x16xf32> to vector<16xf32>
      %mul3A_783 = arith.mulf %get3A_782, %get3A_86 : vector<16xf32>
      %add3A_784 = arith.addf %mul3A_778, %mul3A_783 : vector<16xf32>
      %swap3A_785 = arith.index_cast %scan3A_75 : i32 to index
      %swap3A_786 = arith.constant 688 : index
      %swap3A_787 = tpu.vector_load %arg12[%swap3A_785, %swap3A_786] {strides = array<i32>} : memref<32x1024xf32, #tpu.memory_space<vmem>>, vector<1x16xf32>,
      %swap3A_788 = vector.shape_cast %swap3A_787 : vector<1x16xf32> to vector<16xf32>
      %swap3A_789 = vector.shape_cast %add3A_784 : vector<16xf32> to vector<1x16xf32>
      tpu.vector_store %arg12[%swap3A_785, %swap3A_786], %swap3A_789 {strides = array<i32>} : memref<32x1024xf32, #tpu.memory_space<vmem>>, vector<1x16xf32>,
      %get3A_790 = arith.index_cast %scan3A_75 : i32 to index
      %get3A_791 = arith.constant 704 : index
      %get3A_792 = tpu.vector_load %arg10[%get3A_790, %get3A_791] {strides = array<i32>} : memref<32x1024xf32, #tpu.memory_space<vmem>>, vector<1x16xf32>,
      %get3A_793 = vector.shape_cast %get3A_792 : vector<1x16xf32> to vector<16xf32>
      %mul3A_794 = arith.mulf %get3A_793, %get3A_80 : vector<16xf32>
      %get3A_795 = arith.index_cast %scan3A_75 : i32 to index
      %get3A_796 = arith.constant 704 : index
      %get3A_797 = tpu.vector_load %arg11[%get3A_795, %get3A_796] {strides = array<i32>} : memref<32x1024xf32, #tpu.memory_space<vmem>>, vector<1x16xf32>,
      %get3A_798 = vector.shape_cast %get3A_797 : vector<1x16xf32> to vector<16xf32>
      %mul3A_799 = arith.mulf %get3A_798, %get3A_86 : vector<16xf32>
      %add3A_800 = arith.addf %mul3A_794, %mul3A_799 : vector<16xf32>
      %swap3A_801 = arith.index_cast %scan3A_75 : i32 to index
      %swap3A_802 = arith.constant 704 : index
      %swap3A_803 = tpu.vector_load %arg12[%swap3A_801, %swap3A_802] {strides = array<i32>} : memref<32x1024xf32, #tpu.memory_space<vmem>>, vector<1x16xf32>,
      %swap3A_804 = vector.shape_cast %swap3A_803 : vector<1x16xf32> to vector<16xf32>
      %swap3A_805 = vector.shape_cast %add3A_800 : vector<16xf32> to vector<1x16xf32>
      tpu.vector_store %arg12[%swap3A_801, %swap3A_802], %swap3A_805 {strides = array<i32>} : memref<32x1024xf32, #tpu.memory_space<vmem>>, vector<1x16xf32>,
      %get3A_806 = arith.index_cast %scan3A_75 : i32 to index
      %get3A_807 = arith.constant 720 : index
      %get3A_808 = tpu.vector_load %arg10[%get3A_806, %get3A_807] {strides = array<i32>} : memref<32x1024xf32, #tpu.memory_space<vmem>>, vector<1x16xf32>,
      %get3A_809 = vector.shape_cast %get3A_808 : vector<1x16xf32> to vector<16xf32>
      %mul3A_810 = arith.mulf %get3A_809, %get3A_80 : vector<16xf32>
      %get3A_811 = arith.index_cast %scan3A_75 : i32 to index
      %get3A_812 = arith.constant 720 : index
      %get3A_813 = tpu.vector_load %arg11[%get3A_811, %get3A_812] {strides = array<i32>} : memref<32x1024xf32, #tpu.memory_space<vmem>>, vector<1x16xf32>,
      %get3A_814 = vector.shape_cast %get3A_813 : vector<1x16xf32> to vector<16xf32>
      %mul3A_815 = arith.mulf %get3A_814, %get3A_86 : vector<16xf32>
      %add3A_816 = arith.addf %mul3A_810, %mul3A_815 : vector<16xf32>
      %swap3A_817 = arith.index_cast %scan3A_75 : i32 to index
      %swap3A_818 = arith.constant 720 : index
      %swap3A_819 = tpu.vector_load %arg12[%swap3A_817, %swap3A_818] {strides = array<i32>} : memref<32x1024xf32, #tpu.memory_space<vmem>>, vector<1x16xf32>,
      %swap3A_820 = vector.shape_cast %swap3A_819 : vector<1x16xf32> to vector<16xf32>
      %swap3A_821 = vector.shape_cast %add3A_816 : vector<16xf32> to vector<1x16xf32>
      tpu.vector_store %arg12[%swap3A_817, %swap3A_818], %swap3A_821 {strides = array<i32>} : memref<32x1024xf32, #tpu.memory_space<vmem>>, vector<1x16xf32>,
      %get3A_822 = arith.index_cast %scan3A_75 : i32 to index
      %get3A_823 = arith.constant 736 : index
      %get3A_824 = tpu.vector_load %arg10[%get3A_822, %get3A_823] {strides = array<i32>} : memref<32x1024xf32, #tpu.memory_space<vmem>>, vector<1x16xf32>,
      %get3A_825 = vector.shape_cast %get3A_824 : vector<1x16xf32> to vector<16xf32>
      %mul3A_826 = arith.mulf %get3A_825, %get3A_80 : vector<16xf32>
      %get3A_827 = arith.index_cast %scan3A_75 : i32 to index
      %get3A_828 = arith.constant 736 : index
      %get3A_829 = tpu.vector_load %arg11[%get3A_827, %get3A_828] {strides = array<i32>} : memref<32x1024xf32, #tpu.memory_space<vmem>>, vector<1x16xf32>,
      %get3A_830 = vector.shape_cast %get3A_829 : vector<1x16xf32> to vector<16xf32>
      %mul3A_831 = arith.mulf %get3A_830, %get3A_86 : vector<16xf32>
      %add3A_832 = arith.addf %mul3A_826, %mul3A_831 : vector<16xf32>
      %swap3A_833 = arith.index_cast %scan3A_75 : i32 to index
      %swap3A_834 = arith.constant 736 : index
      %swap3A_835 = tpu.vector_load %arg12[%swap3A_833, %swap3A_834] {strides = array<i32>} : memref<32x1024xf32, #tpu.memory_space<vmem>>, vector<1x16xf32>,
      %swap3A_836 = vector.shape_cast %swap3A_835 : vector<1x16xf32> to vector<16xf32>
      %swap3A_837 = vector.shape_cast %add3A_832 : vector<16xf32> to vector<1x16xf32>
      tpu.vector_store %arg12[%swap3A_833, %swap3A_834], %swap3A_837 {strides = array<i32>} : memref<32x1024xf32, #tpu.memory_space<vmem>>, vector<1x16xf32>,
      %get3A_838 = arith.index_cast %scan3A_75 : i32 to index
      %get3A_839 = arith.constant 752 : index
      %get3A_840 = tpu.vector_load %arg10[%get3A_838, %get3A_839] {strides = array<i32>} : memref<32x1024xf32, #tpu.memory_space<vmem>>, vector<1x16xf32>,
      %get3A_841 = vector.shape_cast %get3A_840 : vector<1x16xf32> to vector<16xf32>
      %mul3A_842 = arith.mulf %get3A_841, %get3A_80 : vector<16xf32>
      %get3A_843 = arith.index_cast %scan3A_75 : i32 to index
      %get3A_844 = arith.constant 752 : index
      %get3A_845 = tpu.vector_load %arg11[%get3A_843, %get3A_844] {strides = array<i32>} : memref<32x1024xf32, #tpu.memory_space<vmem>>, vector<1x16xf32>,
      %get3A_846 = vector.shape_cast %get3A_845 : vector<1x16xf32> to vector<16xf32>
      %mul3A_847 = arith.mulf %get3A_846, %get3A_86 : vector<16xf32>
      %add3A_848 = arith.addf %mul3A_842, %mul3A_847 : vector<16xf32>
      %swap3A_849 = arith.index_cast %scan3A_75 : i32 to index
      %swap3A_850 = arith.constant 752 : index
      %swap3A_851 = tpu.vector_load %arg12[%swap3A_849, %swap3A_850] {strides = array<i32>} : memref<32x1024xf32, #tpu.memory_space<vmem>>, vector<1x16xf32>,
      %swap3A_852 = vector.shape_cast %swap3A_851 : vector<1x16xf32> to vector<16xf32>
      %swap3A_853 = vector.shape_cast %add3A_848 : vector<16xf32> to vector<1x16xf32>
      tpu.vector_store %arg12[%swap3A_849, %swap3A_850], %swap3A_853 {strides = array<i32>} : memref<32x1024xf32, #tpu.memory_space<vmem>>, vector<1x16xf32>,
      %get3A_854 = arith.index_cast %scan3A_75 : i32 to index
      %get3A_855 = arith.constant 768 : index
      %get3A_856 = tpu.vector_load %arg10[%get3A_854, %get3A_855] {strides = array<i32>} : memref<32x1024xf32, #tpu.memory_space<vmem>>, vector<1x16xf32>,
      %get3A_857 = vector.shape_cast %get3A_856 : vector<1x16xf32> to vector<16xf32>
      %mul3A_858 = arith.mulf %get3A_857, %get3A_80 : vector<16xf32>
      %get3A_859 = arith.index_cast %scan3A_75 : i32 to index
      %get3A_860 = arith.constant 768 : index
      %get3A_861 = tpu.vector_load %arg11[%get3A_859, %get3A_860] {strides = array<i32>} : memref<32x1024xf32, #tpu.memory_space<vmem>>, vector<1x16xf32>,
      %get3A_862 = vector.shape_cast %get3A_861 : vector<1x16xf32> to vector<16xf32>
      %mul3A_863 = arith.mulf %get3A_862, %get3A_86 : vector<16xf32>
      %add3A_864 = arith.addf %mul3A_858, %mul3A_863 : vector<16xf32>
      %swap3A_865 = arith.index_cast %scan3A_75 : i32 to index
      %swap3A_866 = arith.constant 768 : index
      %swap3A_867 = tpu.vector_load %arg12[%swap3A_865, %swap3A_866] {strides = array<i32>} : memref<32x1024xf32, #tpu.memory_space<vmem>>, vector<1x16xf32>,
      %swap3A_868 = vector.shape_cast %swap3A_867 : vector<1x16xf32> to vector<16xf32>
      %swap3A_869 = vector.shape_cast %add3A_864 : vector<16xf32> to vector<1x16xf32>
      tpu.vector_store %arg12[%swap3A_865, %swap3A_866], %swap3A_869 {strides = array<i32>} : memref<32x1024xf32, #tpu.memory_space<vmem>>, vector<1x16xf32>,
      %get3A_870 = arith.index_cast %scan3A_75 : i32 to index
      %get3A_871 = arith.constant 784 : index
      %get3A_872 = tpu.vector_load %arg10[%get3A_870, %get3A_871] {strides = array<i32>} : memref<32x1024xf32, #tpu.memory_space<vmem>>, vector<1x16xf32>,
      %get3A_873 = vector.shape_cast %get3A_872 : vector<1x16xf32> to vector<16xf32>
      %mul3A_874 = arith.mulf %get3A_873, %get3A_80 : vector<16xf32>
      %get3A_875 = arith.index_cast %scan3A_75 : i32 to index
      %get3A_876 = arith.constant 784 : index
      %get3A_877 = tpu.vector_load %arg11[%get3A_875, %get3A_876] {strides = array<i32>} : memref<32x1024xf32, #tpu.memory_space<vmem>>, vector<1x16xf32>,
      %get3A_878 = vector.shape_cast %get3A_877 : vector<1x16xf32> to vector<16xf32>
      %mul3A_879 = arith.mulf %get3A_878, %get3A_86 : vector<16xf32>
      %add3A_880 = arith.addf %mul3A_874, %mul3A_879 : vector<16xf32>
      %swap3A_881 = arith.index_cast %scan3A_75 : i32 to index
      %swap3A_882 = arith.constant 784 : index
      %swap3A_883 = tpu.vector_load %arg12[%swap3A_881, %swap3A_882] {strides = array<i32>} : memref<32x1024xf32, #tpu.memory_space<vmem>>, vector<1x16xf32>,
      %swap3A_884 = vector.shape_cast %swap3A_883 : vector<1x16xf32> to vector<16xf32>
      %swap3A_885 = vector.shape_cast %add3A_880 : vector<16xf32> to vector<1x16xf32>
      tpu.vector_store %arg12[%swap3A_881, %swap3A_882], %swap3A_885 {strides = array<i32>} : memref<32x1024xf32, #tpu.memory_space<vmem>>, vector<1x16xf32>,
      %get3A_886 = arith.index_cast %scan3A_75 : i32 to index
      %get3A_887 = arith.constant 800 : index
      %get3A_888 = tpu.vector_load %arg10[%get3A_886, %get3A_887] {strides = array<i32>} : memref<32x1024xf32, #tpu.memory_space<vmem>>, vector<1x16xf32>,
      %get3A_889 = vector.shape_cast %get3A_888 : vector<1x16xf32> to vector<16xf32>
      %mul3A_890 = arith.mulf %get3A_889, %get3A_80 : vector<16xf32>
      %get3A_891 = arith.index_cast %scan3A_75 : i32 to index
      %get3A_892 = arith.constant 800 : index
      %get3A_893 = tpu.vector_load %arg11[%get3A_891, %get3A_892] {strides = array<i32>} : memref<32x1024xf32, #tpu.memory_space<vmem>>, vector<1x16xf32>,
      %get3A_894 = vector.shape_cast %get3A_893 : vector<1x16xf32> to vector<16xf32>
      %mul3A_895 = arith.mulf %get3A_894, %get3A_86 : vector<16xf32>
      %add3A_896 = arith.addf %mul3A_890, %mul3A_895 : vector<16xf32>
      %swap3A_897 = arith.index_cast %scan3A_75 : i32 to index
      %swap3A_898 = arith.constant 800 : index
      %swap3A_899 = tpu.vector_load %arg12[%swap3A_897, %swap3A_898] {strides = array<i32>} : memref<32x1024xf32, #tpu.memory_space<vmem>>, vector<1x16xf32>,
      %swap3A_900 = vector.shape_cast %swap3A_899 : vector<1x16xf32> to vector<16xf32>
      %swap3A_901 = vector.shape_cast %add3A_896 : vector<16xf32> to vector<1x16xf32>
      tpu.vector_store %arg12[%swap3A_897, %swap3A_898], %swap3A_901 {strides = array<i32>} : memref<32x1024xf32, #tpu.memory_space<vmem>>, vector<1x16xf32>,
      %get3A_902 = arith.index_cast %scan3A_75 : i32 to index
      %get3A_903 = arith.constant 816 : index
      %get3A_904 = tpu.vector_load %arg10[%get3A_902, %get3A_903] {strides = array<i32>} : memref<32x1024xf32, #tpu.memory_space<vmem>>, vector<1x16xf32>,
      %get3A_905 = vector.shape_cast %get3A_904 : vector<1x16xf32> to vector<16xf32>
      %mul3A_906 = arith.mulf %get3A_905, %get3A_80 : vector<16xf32>
      %get3A_907 = arith.index_cast %scan3A_75 : i32 to index
      %get3A_908 = arith.constant 816 : index
      %get3A_909 = tpu.vector_load %arg11[%get3A_907, %get3A_908] {strides = array<i32>} : memref<32x1024xf32, #tpu.memory_space<vmem>>, vector<1x16xf32>,
      %get3A_910 = vector.shape_cast %get3A_909 : vector<1x16xf32> to vector<16xf32>
      %mul3A_911 = arith.mulf %get3A_910, %get3A_86 : vector<16xf32>
      %add3A_912 = arith.addf %mul3A_906, %mul3A_911 : vector<16xf32>
      %swap3A_913 = arith.index_cast %scan3A_75 : i32 to index
      %swap3A_914 = arith.constant 816 : index
      %swap3A_915 = tpu.vector_load %arg12[%swap3A_913, %swap3A_914] {strides = array<i32>} : memref<32x1024xf32, #tpu.memory_space<vmem>>, vector<1x16xf32>,
      %swap3A_916 = vector.shape_cast %swap3A_915 : vector<1x16xf32> to vector<16xf32>
      %swap3A_917 = vector.shape_cast %add3A_912 : vector<16xf32> to vector<1x16xf32>
      tpu.vector_store %arg12[%swap3A_913, %swap3A_914], %swap3A_917 {strides = array<i32>} : memref<32x1024xf32, #tpu.memory_space<vmem>>, vector<1x16xf32>,
      %get3A_918 = arith.index_cast %scan3A_75 : i32 to index
      %get3A_919 = arith.constant 832 : index
      %get3A_920 = tpu.vector_load %arg10[%get3A_918, %get3A_919] {strides = array<i32>} : memref<32x1024xf32, #tpu.memory_space<vmem>>, vector<1x16xf32>,
      %get3A_921 = vector.shape_cast %get3A_920 : vector<1x16xf32> to vector<16xf32>
      %mul3A_922 = arith.mulf %get3A_921, %get3A_80 : vector<16xf32>
      %get3A_923 = arith.index_cast %scan3A_75 : i32 to index
      %get3A_924 = arith.constant 832 : index
      %get3A_925 = tpu.vector_load %arg11[%get3A_923, %get3A_924] {strides = array<i32>} : memref<32x1024xf32, #tpu.memory_space<vmem>>, vector<1x16xf32>,
      %get3A_926 = vector.shape_cast %get3A_925 : vector<1x16xf32> to vector<16xf32>
      %mul3A_927 = arith.mulf %get3A_926, %get3A_86 : vector<16xf32>
      %add3A_928 = arith.addf %mul3A_922, %mul3A_927 : vector<16xf32>
      %swap3A_929 = arith.index_cast %scan3A_75 : i32 to index
      %swap3A_930 = arith.constant 832 : index
      %swap3A_931 = tpu.vector_load %arg12[%swap3A_929, %swap3A_930] {strides = array<i32>} : memref<32x1024xf32, #tpu.memory_space<vmem>>, vector<1x16xf32>,
      %swap3A_932 = vector.shape_cast %swap3A_931 : vector<1x16xf32> to vector<16xf32>
      %swap3A_933 = vector.shape_cast %add3A_928 : vector<16xf32> to vector<1x16xf32>
      tpu.vector_store %arg12[%swap3A_929, %swap3A_930], %swap3A_933 {strides = array<i32>} : memref<32x1024xf32, #tpu.memory_space<vmem>>, vector<1x16xf32>,
      %get3A_934 = arith.index_cast %scan3A_75 : i32 to index
      %get3A_935 = arith.constant 848 : index
      %get3A_936 = tpu.vector_load %arg10[%get3A_934, %get3A_935] {strides = array<i32>} : memref<32x1024xf32, #tpu.memory_space<vmem>>, vector<1x16xf32>,
      %get3A_937 = vector.shape_cast %get3A_936 : vector<1x16xf32> to vector<16xf32>
      %mul3A_938 = arith.mulf %get3A_937, %get3A_80 : vector<16xf32>
      %get3A_939 = arith.index_cast %scan3A_75 : i32 to index
      %get3A_940 = arith.constant 848 : index
      %get3A_941 = tpu.vector_load %arg11[%get3A_939, %get3A_940] {strides = array<i32>} : memref<32x1024xf32, #tpu.memory_space<vmem>>, vector<1x16xf32>,
      %get3A_942 = vector.shape_cast %get3A_941 : vector<1x16xf32> to vector<16xf32>
      %mul3A_943 = arith.mulf %get3A_942, %get3A_86 : vector<16xf32>
      %add3A_944 = arith.addf %mul3A_938, %mul3A_943 : vector<16xf32>
      %swap3A_945 = arith.index_cast %scan3A_75 : i32 to index
      %swap3A_946 = arith.constant 848 : index
      %swap3A_947 = tpu.vector_load %arg12[%swap3A_945, %swap3A_946] {strides = array<i32>} : memref<32x1024xf32, #tpu.memory_space<vmem>>, vector<1x16xf32>,
      %swap3A_948 = vector.shape_cast %swap3A_947 : vector<1x16xf32> to vector<16xf32>
      %swap3A_949 = vector.shape_cast %add3A_944 : vector<16xf32> to vector<1x16xf32>
      tpu.vector_store %arg12[%swap3A_945, %swap3A_946], %swap3A_949 {strides = array<i32>} : memref<32x1024xf32, #tpu.memory_space<vmem>>, vector<1x16xf32>,
      %get3A_950 = arith.index_cast %scan3A_75 : i32 to index
      %get3A_951 = arith.constant 864 : index
      %get3A_952 = tpu.vector_load %arg10[%get3A_950, %get3A_951] {strides = array<i32>} : memref<32x1024xf32, #tpu.memory_space<vmem>>, vector<1x16xf32>,
      %get3A_953 = vector.shape_cast %get3A_952 : vector<1x16xf32> to vector<16xf32>
      %mul3A_954 = arith.mulf %get3A_953, %get3A_80 : vector<16xf32>
      %get3A_955 = arith.index_cast %scan3A_75 : i32 to index
      %get3A_956 = arith.constant 864 : index
      %get3A_957 = tpu.vector_load %arg11[%get3A_955, %get3A_956] {strides = array<i32>} : memref<32x1024xf32, #tpu.memory_space<vmem>>, vector<1x16xf32>,
      %get3A_958 = vector.shape_cast %get3A_957 : vector<1x16xf32> to vector<16xf32>
      %mul3A_959 = arith.mulf %get3A_958, %get3A_86 : vector<16xf32>
      %add3A_960 = arith.addf %mul3A_954, %mul3A_959 : vector<16xf32>
      %swap3A_961 = arith.index_cast %scan3A_75 : i32 to index
      %swap3A_962 = arith.constant 864 : index
      %swap3A_963 = tpu.vector_load %arg12[%swap3A_961, %swap3A_962] {strides = array<i32>} : memref<32x1024xf32, #tpu.memory_space<vmem>>, vector<1x16xf32>,
      %swap3A_964 = vector.shape_cast %swap3A_963 : vector<1x16xf32> to vector<16xf32>
      %swap3A_965 = vector.shape_cast %add3A_960 : vector<16xf32> to vector<1x16xf32>
      tpu.vector_store %arg12[%swap3A_961, %swap3A_962], %swap3A_965 {strides = array<i32>} : memref<32x1024xf32, #tpu.memory_space<vmem>>, vector<1x16xf32>,
      %get3A_966 = arith.index_cast %scan3A_75 : i32 to index
      %get3A_967 = arith.constant 880 : index
      %get3A_968 = tpu.vector_load %arg10[%get3A_966, %get3A_967] {strides = array<i32>} : memref<32x1024xf32, #tpu.memory_space<vmem>>, vector<1x16xf32>,
      %get3A_969 = vector.shape_cast %get3A_968 : vector<1x16xf32> to vector<16xf32>
      %mul3A_970 = arith.mulf %get3A_969, %get3A_80 : vector<16xf32>
      %get3A_971 = arith.index_cast %scan3A_75 : i32 to index
      %get3A_972 = arith.constant 880 : index
      %get3A_973 = tpu.vector_load %arg11[%get3A_971, %get3A_972] {strides = array<i32>} : memref<32x1024xf32, #tpu.memory_space<vmem>>, vector<1x16xf32>,
      %get3A_974 = vector.shape_cast %get3A_973 : vector<1x16xf32> to vector<16xf32>
      %mul3A_975 = arith.mulf %get3A_974, %get3A_86 : vector<16xf32>
      %add3A_976 = arith.addf %mul3A_970, %mul3A_975 : vector<16xf32>
      %swap3A_977 = arith.index_cast %scan3A_75 : i32 to index
      %swap3A_978 = arith.constant 880 : index
      %swap3A_979 = tpu.vector_load %arg12[%swap3A_977, %swap3A_978] {strides = array<i32>} : memref<32x1024xf32, #tpu.memory_space<vmem>>, vector<1x16xf32>,
      %swap3A_980 = vector.shape_cast %swap3A_979 : vector<1x16xf32> to vector<16xf32>
      %swap3A_981 = vector.shape_cast %add3A_976 : vector<16xf32> to vector<1x16xf32>
      tpu.vector_store %arg12[%swap3A_977, %swap3A_978], %swap3A_981 {strides = array<i32>} : memref<32x1024xf32, #tpu.memory_space<vmem>>, vector<1x16xf32>,
      %get3A_982 = arith.index_cast %scan3A_75 : i32 to index
      %get3A_983 = arith.constant 896 : index
      %get3A_984 = tpu.vector_load %arg10[%get3A_982, %get3A_983] {strides = array<i32>} : memref<32x1024xf32, #tpu.memory_space<vmem>>, vector<1x16xf32>,
      %get3A_985 = vector.shape_cast %get3A_984 : vector<1x16xf32> to vector<16xf32>
      %mul3A_986 = arith.mulf %get3A_985, %get3A_80 : vector<16xf32>
      %get3A_987 = arith.index_cast %scan3A_75 : i32 to index
      %get3A_988 = arith.constant 896 : index
      %get3A_989 = tpu.vector_load %arg11[%get3A_987, %get3A_988] {strides = array<i32>} : memref<32x1024xf32, #tpu.memory_space<vmem>>, vector<1x16xf32>,
      %get3A_990 = vector.shape_cast %get3A_989 : vector<1x16xf32> to vector<16xf32>
      %mul3A_991 = arith.mulf %get3A_990, %get3A_86 : vector<16xf32>
      %add3A_992 = arith.addf %mul3A_986, %mul3A_991 : vector<16xf32>
      %swap3A_993 = arith.index_cast %scan3A_75 : i32 to index
      %swap3A_994 = arith.constant 896 : index
      %swap3A_995 = tpu.vector_load %arg12[%swap3A_993, %swap3A_994] {strides = array<i32>} : memref<32x1024xf32, #tpu.memory_space<vmem>>, vector<1x16xf32>,
      %swap3A_996 = vector.shape_cast %swap3A_995 : vector<1x16xf32> to vector<16xf32>
      %swap3A_997 = vector.shape_cast %add3A_992 : vector<16xf32> to vector<1x16xf32>
      tpu.vector_store %arg12[%swap3A_993, %swap3A_994], %swap3A_997 {strides = array<i32>} : memref<32x1024xf32, #tpu.memory_space<vmem>>, vector<1x16xf32>,
      %get3A_998 = arith.index_cast %scan3A_75 : i32 to index
      %get3A_999 = arith.constant 912 : index
      %get3A_1000 = tpu.vector_load %arg10[%get3A_998, %get3A_999] {strides = array<i32>} : memref<32x1024xf32, #tpu.memory_space<vmem>>, vector<1x16xf32>,
      %get3A_1001 = vector.shape_cast %get3A_1000 : vector<1x16xf32> to vector<16xf32>
      %mul3A_1002 = arith.mulf %get3A_1001, %get3A_80 : vector<16xf32>
      %get3A_1003 = arith.index_cast %scan3A_75 : i32 to index
      %get3A_1004 = arith.constant 912 : index
      %get3A_1005 = tpu.vector_load %arg11[%get3A_1003, %get3A_1004] {strides = array<i32>} : memref<32x1024xf32, #tpu.memory_space<vmem>>, vector<1x16xf32>,
      %get3A_1006 = vector.shape_cast %get3A_1005 : vector<1x16xf32> to vector<16xf32>
      %mul3A_1007 = arith.mulf %get3A_1006, %get3A_86 : vector<16xf32>
      %add3A_1008 = arith.addf %mul3A_1002, %mul3A_1007 : vector<16xf32>
      %swap3A_1009 = arith.index_cast %scan3A_75 : i32 to index
      %swap3A_1010 = arith.constant 912 : index
      %swap3A_1011 = tpu.vector_load %arg12[%swap3A_1009, %swap3A_1010] {strides = array<i32>} : memref<32x1024xf32, #tpu.memory_space<vmem>>, vector<1x16xf32>,
      %swap3A_1012 = vector.shape_cast %swap3A_1011 : vector<1x16xf32> to vector<16xf32>
      %swap3A_1013 = vector.shape_cast %add3A_1008 : vector<16xf32> to vector<1x16xf32>
      tpu.vector_store %arg12[%swap3A_1009, %swap3A_1010], %swap3A_1013 {strides = array<i32>} : memref<32x1024xf32, #tpu.memory_space<vmem>>, vector<1x16xf32>,
      %get3A_1014 = arith.index_cast %scan3A_75 : i32 to index
      %get3A_1015 = arith.constant 928 : index
      %get3A_1016 = tpu.vector_load %arg10[%get3A_1014, %get3A_1015] {strides = array<i32>} : memref<32x1024xf32, #tpu.memory_space<vmem>>, vector<1x16xf32>,
      %get3A_1017 = vector.shape_cast %get3A_1016 : vector<1x16xf32> to vector<16xf32>
      %mul3A_1018 = arith.mulf %get3A_1017, %get3A_80 : vector<16xf32>
      %get3A_1019 = arith.index_cast %scan3A_75 : i32 to index
      %get3A_1020 = arith.constant 928 : index
      %get3A_1021 = tpu.vector_load %arg11[%get3A_1019, %get3A_1020] {strides = array<i32>} : memref<32x1024xf32, #tpu.memory_space<vmem>>, vector<1x16xf32>,
      %get3A_1022 = vector.shape_cast %get3A_1021 : vector<1x16xf32> to vector<16xf32>
      %mul3A_1023 = arith.mulf %get3A_1022, %get3A_86 : vector<16xf32>
      %add3A_1024 = arith.addf %mul3A_1018, %mul3A_1023 : vector<16xf32>
      %swap3A_1025 = arith.index_cast %scan3A_75 : i32 to index
      %swap3A_1026 = arith.constant 928 : index
      %swap3A_1027 = tpu.vector_load %arg12[%swap3A_1025, %swap3A_1026] {strides = array<i32>} : memref<32x1024xf32, #tpu.memory_space<vmem>>, vector<1x16xf32>,
      %swap3A_1028 = vector.shape_cast %swap3A_1027 : vector<1x16xf32> to vector<16xf32>
      %swap3A_1029 = vector.shape_cast %add3A_1024 : vector<16xf32> to vector<1x16xf32>
      tpu.vector_store %arg12[%swap3A_1025, %swap3A_1026], %swap3A_1029 {strides = array<i32>} : memref<32x1024xf32, #tpu.memory_space<vmem>>, vector<1x16xf32>,
      %get3A_1030 = arith.index_cast %scan3A_75 : i32 to index
      %get3A_1031 = arith.constant 944 : index
      %get3A_1032 = tpu.vector_load %arg10[%get3A_1030, %get3A_1031] {strides = array<i32>} : memref<32x1024xf32, #tpu.memory_space<vmem>>, vector<1x16xf32>,
      %get3A_1033 = vector.shape_cast %get3A_1032 : vector<1x16xf32> to vector<16xf32>
      %mul3A_1034 = arith.mulf %get3A_1033, %get3A_80 : vector<16xf32>
      %get3A_1035 = arith.index_cast %scan3A_75 : i32 to index
      %get3A_1036 = arith.constant 944 : index
      %get3A_1037 = tpu.vector_load %arg11[%get3A_1035, %get3A_1036] {strides = array<i32>} : memref<32x1024xf32, #tpu.memory_space<vmem>>, vector<1x16xf32>,
      %get3A_1038 = vector.shape_cast %get3A_1037 : vector<1x16xf32> to vector<16xf32>
      %mul3A_1039 = arith.mulf %get3A_1038, %get3A_86 : vector<16xf32>
      %add3A_1040 = arith.addf %mul3A_1034, %mul3A_1039 : vector<16xf32>
      %swap3A_1041 = arith.index_cast %scan3A_75 : i32 to index
      %swap3A_1042 = arith.constant 944 : index
      %swap3A_1043 = tpu.vector_load %arg12[%swap3A_1041, %swap3A_1042] {strides = array<i32>} : memref<32x1024xf32, #tpu.memory_space<vmem>>, vector<1x16xf32>,
      %swap3A_1044 = vector.shape_cast %swap3A_1043 : vector<1x16xf32> to vector<16xf32>
      %swap3A_1045 = vector.shape_cast %add3A_1040 : vector<16xf32> to vector<1x16xf32>
      tpu.vector_store %arg12[%swap3A_1041, %swap3A_1042], %swap3A_1045 {strides = array<i32>} : memref<32x1024xf32, #tpu.memory_space<vmem>>, vector<1x16xf32>,
      %get3A_1046 = arith.index_cast %scan3A_75 : i32 to index
      %get3A_1047 = arith.constant 960 : index
      %get3A_1048 = tpu.vector_load %arg10[%get3A_1046, %get3A_1047] {strides = array<i32>} : memref<32x1024xf32, #tpu.memory_space<vmem>>, vector<1x16xf32>,
      %get3A_1049 = vector.shape_cast %get3A_1048 : vector<1x16xf32> to vector<16xf32>
      %mul3A_1050 = arith.mulf %get3A_1049, %get3A_80 : vector<16xf32>
      %get3A_1051 = arith.index_cast %scan3A_75 : i32 to index
      %get3A_1052 = arith.constant 960 : index
      %get3A_1053 = tpu.vector_load %arg11[%get3A_1051, %get3A_1052] {strides = array<i32>} : memref<32x1024xf32, #tpu.memory_space<vmem>>, vector<1x16xf32>,
      %get3A_1054 = vector.shape_cast %get3A_1053 : vector<1x16xf32> to vector<16xf32>
      %mul3A_1055 = arith.mulf %get3A_1054, %get3A_86 : vector<16xf32>
      %add3A_1056 = arith.addf %mul3A_1050, %mul3A_1055 : vector<16xf32>
      %swap3A_1057 = arith.index_cast %scan3A_75 : i32 to index
      %swap3A_1058 = arith.constant 960 : index
      %swap3A_1059 = tpu.vector_load %arg12[%swap3A_1057, %swap3A_1058] {strides = array<i32>} : memref<32x1024xf32, #tpu.memory_space<vmem>>, vector<1x16xf32>,
      %swap3A_1060 = vector.shape_cast %swap3A_1059 : vector<1x16xf32> to vector<16xf32>
      %swap3A_1061 = vector.shape_cast %add3A_1056 : vector<16xf32> to vector<1x16xf32>
      tpu.vector_store %arg12[%swap3A_1057, %swap3A_1058], %swap3A_1061 {strides = array<i32>} : memref<32x1024xf32, #tpu.memory_space<vmem>>, vector<1x16xf32>,
      %get3A_1062 = arith.index_cast %scan3A_75 : i32 to index
      %get3A_1063 = arith.constant 976 : index
      %get3A_1064 = tpu.vector_load %arg10[%get3A_1062, %get3A_1063] {strides = array<i32>} : memref<32x1024xf32, #tpu.memory_space<vmem>>, vector<1x16xf32>,
      %get3A_1065 = vector.shape_cast %get3A_1064 : vector<1x16xf32> to vector<16xf32>
      %mul3A_1066 = arith.mulf %get3A_1065, %get3A_80 : vector<16xf32>
      %get3A_1067 = arith.index_cast %scan3A_75 : i32 to index
      %get3A_1068 = arith.constant 976 : index
      %get3A_1069 = tpu.vector_load %arg11[%get3A_1067, %get3A_1068] {strides = array<i32>} : memref<32x1024xf32, #tpu.memory_space<vmem>>, vector<1x16xf32>,
      %get3A_1070 = vector.shape_cast %get3A_1069 : vector<1x16xf32> to vector<16xf32>
      %mul3A_1071 = arith.mulf %get3A_1070, %get3A_86 : vector<16xf32>
      %add3A_1072 = arith.addf %mul3A_1066, %mul3A_1071 : vector<16xf32>
      %swap3A_1073 = arith.index_cast %scan3A_75 : i32 to index
      %swap3A_1074 = arith.constant 976 : index
      %swap3A_1075 = tpu.vector_load %arg12[%swap3A_1073, %swap3A_1074] {strides = array<i32>} : memref<32x1024xf32, #tpu.memory_space<vmem>>, vector<1x16xf32>,
      %swap3A_1076 = vector.shape_cast %swap3A_1075 : vector<1x16xf32> to vector<16xf32>
      %swap3A_1077 = vector.shape_cast %add3A_1072 : vector<16xf32> to vector<1x16xf32>
      tpu.vector_store %arg12[%swap3A_1073, %swap3A_1074], %swap3A_1077 {strides = array<i32>} : memref<32x1024xf32, #tpu.memory_space<vmem>>, vector<1x16xf32>,
      %get3A_1078 = arith.index_cast %scan3A_75 : i32 to index
      %get3A_1079 = arith.constant 992 : index
      %get3A_1080 = tpu.vector_load %arg10[%get3A_1078, %get3A_1079] {strides = array<i32>} : memref<32x1024xf32, #tpu.memory_space<vmem>>, vector<1x16xf32>,
      %get3A_1081 = vector.shape_cast %get3A_1080 : vector<1x16xf32> to vector<16xf32>
      %mul3A_1082 = arith.mulf %get3A_1081, %get3A_80 : vector<16xf32>
      %get3A_1083 = arith.index_cast %scan3A_75 : i32 to index
      %get3A_1084 = arith.constant 992 : index
      %get3A_1085 = tpu.vector_load %arg11[%get3A_1083, %get3A_1084] {strides = array<i32>} : memref<32x1024xf32, #tpu.memory_space<vmem>>, vector<1x16xf32>,
      %get3A_1086 = vector.shape_cast %get3A_1085 : vector<1x16xf32> to vector<16xf32>
      %mul3A_1087 = arith.mulf %get3A_1086, %get3A_86 : vector<16xf32>
      %add3A_1088 = arith.addf %mul3A_1082, %mul3A_1087 : vector<16xf32>
      %swap3A_1089 = arith.index_cast %scan3A_75 : i32 to index
      %swap3A_1090 = arith.constant 992 : index
      %swap3A_1091 = tpu.vector_load %arg12[%swap3A_1089, %swap3A_1090] {strides = array<i32>} : memref<32x1024xf32, #tpu.memory_space<vmem>>, vector<1x16xf32>,
      %swap3A_1092 = vector.shape_cast %swap3A_1091 : vector<1x16xf32> to vector<16xf32>
      %swap3A_1093 = vector.shape_cast %add3A_1088 : vector<16xf32> to vector<1x16xf32>
      tpu.vector_store %arg12[%swap3A_1089, %swap3A_1090], %swap3A_1093 {strides = array<i32>} : memref<32x1024xf32, #tpu.memory_space<vmem>>, vector<1x16xf32>,
      %get3A_1094 = arith.index_cast %scan3A_75 : i32 to index
      %get3A_1095 = arith.constant 1008 : index
      %get3A_1096 = tpu.vector_load %arg10[%get3A_1094, %get3A_1095] {strides = array<i32>} : memref<32x1024xf32, #tpu.memory_space<vmem>>, vector<1x16xf32>,
      %get3A_1097 = vector.shape_cast %get3A_1096 : vector<1x16xf32> to vector<16xf32>
      %mul3A_1098 = arith.mulf %get3A_1097, %get3A_80 : vector<16xf32>
      %get3A_1099 = arith.index_cast %scan3A_75 : i32 to index
      %get3A_1100 = arith.constant 1008 : index
      %get3A_1101 = tpu.vector_load %arg11[%get3A_1099, %get3A_1100] {strides = array<i32>} : memref<32x1024xf32, #tpu.memory_space<vmem>>, vector<1x16xf32>,
      %get3A_1102 = vector.shape_cast %get3A_1101 : vector<1x16xf32> to vector<16xf32>
      %mul3A_1103 = arith.mulf %get3A_1102, %get3A_86 : vector<16xf32>
      %add3A_1104 = arith.addf %mul3A_1098, %mul3A_1103 : vector<16xf32>
      %swap3A_1105 = arith.index_cast %scan3A_75 : i32 to index
      %swap3A_1106 = arith.constant 1008 : index
      %swap3A_1107 = tpu.vector_load %arg12[%swap3A_1105, %swap3A_1106] {strides = array<i32>} : memref<32x1024xf32, #tpu.memory_space<vmem>>, vector<1x16xf32>,
      %swap3A_1108 = vector.shape_cast %swap3A_1107 : vector<1x16xf32> to vector<16xf32>
      %swap3A_1109 = vector.shape_cast %add3A_1104 : vector<16xf32> to vector<1x16xf32>
      tpu.vector_store %arg12[%swap3A_1105, %swap3A_1106], %swap3A_1109 {strides = array<i32>} : memref<32x1024xf32, #tpu.memory_space<vmem>>, vector<1x16xf32>,
    }
    %scan3A_36 = arith.constant 32 : i32
    %add3A_37 = arith.constant 0 : i32
    %add3A_38 = arith.addi %mul3A_2, %add3A_37 : i32
    "tpu.region"() ({
      %run_scoped3A_75 = tpu.sem_alloc : memref<!tpu.dma_semaphore, #tpu.memory_space<semaphore_mem>>
      %dma_start3A_76 = arith.constant 0 : i32
      %dma_start3A_77 = tpu.memref_slice %arg6[%add3A_38, %dma_start3A_76] : memref<2048x1024xf32, #tpu.memory_space<hbm>> -> memref<32x1024xf32, #tpu.memory_space<hbm>>
      %dma_start3A_78 = arith.constant 0 : i32
      %dma_start3A_79 = tpu.memref_slice %arg6[%add3A_38, %dma_start3A_78] : memref<2048x1024xf32, #tpu.memory_space<hbm>> -> memref<32x1024xf32, #tpu.memory_space<hbm>>
      tpu.enqueue_dma source(%arg12 : memref<32x1024xf32, #tpu.memory_space<vmem>>) target(%dma_start3A_79 : memref<32x1024xf32, #tpu.memory_space<hbm>>) target_semaphore(%run_scoped3A_75 : memref<!tpu.dma_semaphore, #tpu.memory_space<semaphore_mem>>)
      %dma_wait3A_80 = arith.constant 0 : i32
      %dma_wait3A_81 = tpu.memref_slice %arg6[%add3A_38, %dma_wait3A_80] : memref<2048x1024xf32, #tpu.memory_space<hbm>> -> memref<32x1024xf32, #tpu.memory_space<hbm>>
      %dma_wait3A_82 = arith.constant 0 : i32
      %dma_wait3A_83 = tpu.memref_slice %arg6[%add3A_38, %dma_wait3A_82] : memref<2048x1024xf32, #tpu.memory_space<hbm>> -> memref<32x1024xf32, #tpu.memory_space<hbm>>
      tpu.wait_dma2 semaphore(%run_scoped3A_75 : memref<!tpu.dma_semaphore, #tpu.memory_space<semaphore_mem>>) src(%arg12 : memref<32x1024xf32, #tpu.memory_space<vmem>>) dst(%dma_wait3A_83 : memref<32x1024xf32, #tpu.memory_space<hbm>>)
      tpu.yield
    }) : () -> ()
    %dma_start3A_39 = arith.constant 0 : i32
    %dma_start3A_40 = arith.constant 32 : i32
    %dma_start3A_41 = tpu.memref_slice %arg7[%dma_start3A_39, %dma_start3A_40] : memref<2x64xi32, #tpu.memory_space<vmem>> -> memref<1x32xi32, #tpu.memory_space<vmem>>
    %dma_start3A_42 = tpu.memref_squeeze %dma_start3A_41 : memref<1x32xi32, #tpu.memory_space<vmem>> -> memref<32xi32, #tpu.memory_space<vmem>>
    %dma_start3A_43 = arith.constant 0 : i32
    %dma_start3A_44 = arith.constant 0 : i32
    %dma_start3A_45 = tpu.memref_slice %arg5[%dma_start3A_43, %dma_start3A_44] : memref<6144x1024xf32, #tpu.memory_space<hbm>> -> memref<6144x1024xf32, #tpu.memory_space<hbm>>
    tpu.enqueue_indirect_dma source(%dma_start3A_45 : memref<6144x1024xf32, #tpu.memory_space<hbm>>) target(%arg10 : memref<32x1024xf32, #tpu.memory_space<vmem>>) offsets(%dma_start3A_42 : memref<32xi32, #tpu.memory_space<vmem>>) semaphore(%arg13 : memref<!tpu.dma_semaphore, #tpu.memory_space<semaphore_mem>>)
    %dma_start3A_46 = arith.constant 1 : i32
    %dma_start3A_47 = arith.constant 32 : i32
    %dma_start3A_48 = tpu.memref_slice %arg7[%dma_start3A_46, %dma_start3A_47] : memref<2x64xi32, #tpu.memory_space<vmem>> -> memref<1x32xi32, #tpu.memory_space<vmem>>
    %dma_start3A_49 = tpu.memref_squeeze %dma_start3A_48 : memref<1x32xi32, #tpu.memory_space<vmem>> -> memref<32xi32, #tpu.memory_space<vmem>>
    %dma_start3A_50 = arith.constant 0 : i32
    %dma_start3A_51 = arith.constant 0 : i32
    %dma_start3A_52 = tpu.memref_slice %arg5[%dma_start3A_50, %dma_start3A_51] : memref<6144x1024xf32, #tpu.memory_space<hbm>> -> memref<6144x1024xf32, #tpu.memory_space<hbm>>
    tpu.enqueue_indirect_dma source(%dma_start3A_52 : memref<6144x1024xf32, #tpu.memory_space<hbm>>) target(%arg11 : memref<32x1024xf32, #tpu.memory_space<vmem>>) offsets(%dma_start3A_49 : memref<32xi32, #tpu.memory_space<vmem>>) semaphore(%arg14 : memref<!tpu.dma_semaphore, #tpu.memory_space<semaphore_mem>>)
    %dma_wait3A_53 = arith.constant 0 : i32
    %dma_wait3A_54 = arith.constant 32 : i32
    %dma_wait3A_55 = tpu.memref_slice %arg7[%dma_wait3A_53, %dma_wait3A_54] : memref<2x64xi32, #tpu.memory_space<vmem>> -> memref<1x32xi32, #tpu.memory_space<vmem>>
    %dma_wait3A_56 = tpu.memref_squeeze %dma_wait3A_55 : memref<1x32xi32, #tpu.memory_space<vmem>> -> memref<32xi32, #tpu.memory_space<vmem>>
    %dma_wait3A_57 = arith.constant 0 : i32
    %dma_wait3A_58 = arith.constant 0 : i32
    %dma_wait3A_59 = tpu.memref_slice %arg5[%dma_wait3A_57, %dma_wait3A_58] : memref<6144x1024xf32, #tpu.memory_space<hbm>> -> memref<6144x1024xf32, #tpu.memory_space<hbm>>
    tpu.wait_indirect_dma semaphore(%arg13 : memref<!tpu.dma_semaphore, #tpu.memory_space<semaphore_mem>>) src(%dma_wait3A_59 : memref<6144x1024xf32, #tpu.memory_space<hbm>>) dst(%arg10 : memref<32x1024xf32, #tpu.memory_space<vmem>>)
    %dma_wait3A_60 = arith.constant 1 : i32
    %dma_wait3A_61 = arith.constant 32 : i32
    %dma_wait3A_62 = tpu.memref_slice %arg7[%dma_wait3A_60, %dma_wait3A_61] : memref<2x64xi32, #tpu.memory_space<vmem>> -> memref<1x32xi32, #tpu.memory_space<vmem>>
    %dma_wait3A_63 = tpu.memref_squeeze %dma_wait3A_62 : memref<1x32xi32, #tpu.memory_space<vmem>> -> memref<32xi32, #tpu.memory_space<vmem>>
    %dma_wait3A_64 = arith.constant 0 : i32
    %dma_wait3A_65 = arith.constant 0 : i32
    %dma_wait3A_66 = tpu.memref_slice %arg5[%dma_wait3A_64, %dma_wait3A_65] : memref<6144x1024xf32, #tpu.memory_space<hbm>> -> memref<6144x1024xf32, #tpu.memory_space<hbm>>
    tpu.wait_indirect_dma semaphore(%arg14 : memref<!tpu.dma_semaphore, #tpu.memory_space<semaphore_mem>>) src(%dma_wait3A_66 : memref<6144x1024xf32, #tpu.memory_space<hbm>>) dst(%arg11 : memref<32x1024xf32, #tpu.memory_space<vmem>>)
    %scan3A_67 = arith.constant 0 : i32
    %scan3A_68 = arith.constant 0 : i32
    %scan3A_69 = arith.constant 32 : i32
    %scan3A_70 = arith.addi %scan3A_68, %scan3A_69 : i32
    %scan3A_71 = arith.constant 1 : i32
    scf.for %scan3A_75 = %scan3A_68 to %scan3A_70 step %scan3A_71  : i32 {
      %add3A_76 = arith.constant 32 : i32
      %add3A_77 = arith.addi %add3A_76, %scan3A_75 : i32
      %get3A = arith.index_cast %add3A_77 : i32 to index
      %get3A_78 = arith.constant 0 : index
      %get3A_79 = tpu.vector_load %arg8[%get3A, %get3A_78] {strides = array<i32>} : memref<64x16xf32, #tpu.memory_space<vmem>>, vector<1x16xf32>,
      %get3A_80 = vector.shape_cast %get3A_79 : vector<1x16xf32> to vector<16xf32>
      %add3A_81 = arith.constant 32 : i32
      %add3A_82 = arith.addi %add3A_81, %scan3A_75 : i32
      %get3A_83 = arith.index_cast %add3A_82 : i32 to index
      %get3A_84 = arith.constant 0 : index
      %get3A_85 = tpu.vector_load %arg9[%get3A_83, %get3A_84] {strides = array<i32>} : memref<64x16xf32, #tpu.memory_space<vmem>>, vector<1x16xf32>,
      %get3A_86 = vector.shape_cast %get3A_85 : vector<1x16xf32> to vector<16xf32>
      %get3A_87 = arith.index_cast %scan3A_75 : i32 to index
      %get3A_88 = arith.constant 0 : index
      %get3A_89 = tpu.vector_load %arg10[%get3A_87, %get3A_88] {strides = array<i32>} : memref<32x1024xf32, #tpu.memory_space<vmem>>, vector<1x16xf32>,
      %get3A_90 = vector.shape_cast %get3A_89 : vector<1x16xf32> to vector<16xf32>
      %mul3A_91 = arith.mulf %get3A_90, %get3A_80 : vector<16xf32>
      %get3A_92 = arith.index_cast %scan3A_75 : i32 to index
      %get3A_93 = arith.constant 0 : index
      %get3A_94 = tpu.vector_load %arg11[%get3A_92, %get3A_93] {strides = array<i32>} : memref<32x1024xf32, #tpu.memory_space<vmem>>, vector<1x16xf32>,
      %get3A_95 = vector.shape_cast %get3A_94 : vector<1x16xf32> to vector<16xf32>
      %mul3A_96 = arith.mulf %get3A_95, %get3A_86 : vector<16xf32>
      %add3A_97 = arith.addf %mul3A_91, %mul3A_96 : vector<16xf32>
      %swap3A = arith.index_cast %scan3A_75 : i32 to index
      %swap3A_98 = arith.constant 0 : index
      %swap3A_99 = tpu.vector_load %arg12[%swap3A, %swap3A_98] {strides = array<i32>} : memref<32x1024xf32, #tpu.memory_space<vmem>>, vector<1x16xf32>,
      %swap3A_100 = vector.shape_cast %swap3A_99 : vector<1x16xf32> to vector<16xf32>
      %swap3A_101 = vector.shape_cast %add3A_97 : vector<16xf32> to vector<1x16xf32>
      tpu.vector_store %arg12[%swap3A, %swap3A_98], %swap3A_101 {strides = array<i32>} : memref<32x1024xf32, #tpu.memory_space<vmem>>, vector<1x16xf32>,
      %get3A_102 = arith.index_cast %scan3A_75 : i32 to index
      %get3A_103 = arith.constant 16 : index
      %get3A_104 = tpu.vector_load %arg10[%get3A_102, %get3A_103] {strides = array<i32>} : memref<32x1024xf32, #tpu.memory_space<vmem>>, vector<1x16xf32>,
      %get3A_105 = vector.shape_cast %get3A_104 : vector<1x16xf32> to vector<16xf32>
      %mul3A_106 = arith.mulf %get3A_105, %get3A_80 : vector<16xf32>
      %get3A_107 = arith.index_cast %scan3A_75 : i32 to index
      %get3A_108 = arith.constant 16 : index
      %get3A_109 = tpu.vector_load %arg11[%get3A_107, %get3A_108] {strides = array<i32>} : memref<32x1024xf32, #tpu.memory_space<vmem>>, vector<1x16xf32>,
      %get3A_110 = vector.shape_cast %get3A_109 : vector<1x16xf32> to vector<16xf32>
      %mul3A_111 = arith.mulf %get3A_110, %get3A_86 : vector<16xf32>
      %add3A_112 = arith.addf %mul3A_106, %mul3A_111 : vector<16xf32>
      %swap3A_113 = arith.index_cast %scan3A_75 : i32 to index
      %swap3A_114 = arith.constant 16 : index
      %swap3A_115 = tpu.vector_load %arg12[%swap3A_113, %swap3A_114] {strides = array<i32>} : memref<32x1024xf32, #tpu.memory_space<vmem>>, vector<1x16xf32>,
      %swap3A_116 = vector.shape_cast %swap3A_115 : vector<1x16xf32> to vector<16xf32>
      %swap3A_117 = vector.shape_cast %add3A_112 : vector<16xf32> to vector<1x16xf32>
      tpu.vector_store %arg12[%swap3A_113, %swap3A_114], %swap3A_117 {strides = array<i32>} : memref<32x1024xf32, #tpu.memory_space<vmem>>, vector<1x16xf32>,
      %get3A_118 = arith.index_cast %scan3A_75 : i32 to index
      %get3A_119 = arith.constant 32 : index
      %get3A_120 = tpu.vector_load %arg10[%get3A_118, %get3A_119] {strides = array<i32>} : memref<32x1024xf32, #tpu.memory_space<vmem>>, vector<1x16xf32>,
      %get3A_121 = vector.shape_cast %get3A_120 : vector<1x16xf32> to vector<16xf32>
      %mul3A_122 = arith.mulf %get3A_121, %get3A_80 : vector<16xf32>
      %get3A_123 = arith.index_cast %scan3A_75 : i32 to index
      %get3A_124 = arith.constant 32 : index
      %get3A_125 = tpu.vector_load %arg11[%get3A_123, %get3A_124] {strides = array<i32>} : memref<32x1024xf32, #tpu.memory_space<vmem>>, vector<1x16xf32>,
      %get3A_126 = vector.shape_cast %get3A_125 : vector<1x16xf32> to vector<16xf32>
      %mul3A_127 = arith.mulf %get3A_126, %get3A_86 : vector<16xf32>
      %add3A_128 = arith.addf %mul3A_122, %mul3A_127 : vector<16xf32>
      %swap3A_129 = arith.index_cast %scan3A_75 : i32 to index
      %swap3A_130 = arith.constant 32 : index
      %swap3A_131 = tpu.vector_load %arg12[%swap3A_129, %swap3A_130] {strides = array<i32>} : memref<32x1024xf32, #tpu.memory_space<vmem>>, vector<1x16xf32>,
      %swap3A_132 = vector.shape_cast %swap3A_131 : vector<1x16xf32> to vector<16xf32>
      %swap3A_133 = vector.shape_cast %add3A_128 : vector<16xf32> to vector<1x16xf32>
      tpu.vector_store %arg12[%swap3A_129, %swap3A_130], %swap3A_133 {strides = array<i32>} : memref<32x1024xf32, #tpu.memory_space<vmem>>, vector<1x16xf32>,
      %get3A_134 = arith.index_cast %scan3A_75 : i32 to index
      %get3A_135 = arith.constant 48 : index
      %get3A_136 = tpu.vector_load %arg10[%get3A_134, %get3A_135] {strides = array<i32>} : memref<32x1024xf32, #tpu.memory_space<vmem>>, vector<1x16xf32>,
      %get3A_137 = vector.shape_cast %get3A_136 : vector<1x16xf32> to vector<16xf32>
      %mul3A_138 = arith.mulf %get3A_137, %get3A_80 : vector<16xf32>
      %get3A_139 = arith.index_cast %scan3A_75 : i32 to index
      %get3A_140 = arith.constant 48 : index
      %get3A_141 = tpu.vector_load %arg11[%get3A_139, %get3A_140] {strides = array<i32>} : memref<32x1024xf32, #tpu.memory_space<vmem>>, vector<1x16xf32>,
      %get3A_142 = vector.shape_cast %get3A_141 : vector<1x16xf32> to vector<16xf32>
      %mul3A_143 = arith.mulf %get3A_142, %get3A_86 : vector<16xf32>
      %add3A_144 = arith.addf %mul3A_138, %mul3A_143 : vector<16xf32>
      %swap3A_145 = arith.index_cast %scan3A_75 : i32 to index
      %swap3A_146 = arith.constant 48 : index
      %swap3A_147 = tpu.vector_load %arg12[%swap3A_145, %swap3A_146] {strides = array<i32>} : memref<32x1024xf32, #tpu.memory_space<vmem>>, vector<1x16xf32>,
      %swap3A_148 = vector.shape_cast %swap3A_147 : vector<1x16xf32> to vector<16xf32>
      %swap3A_149 = vector.shape_cast %add3A_144 : vector<16xf32> to vector<1x16xf32>
      tpu.vector_store %arg12[%swap3A_145, %swap3A_146], %swap3A_149 {strides = array<i32>} : memref<32x1024xf32, #tpu.memory_space<vmem>>, vector<1x16xf32>,
      %get3A_150 = arith.index_cast %scan3A_75 : i32 to index
      %get3A_151 = arith.constant 64 : index
      %get3A_152 = tpu.vector_load %arg10[%get3A_150, %get3A_151] {strides = array<i32>} : memref<32x1024xf32, #tpu.memory_space<vmem>>, vector<1x16xf32>,
      %get3A_153 = vector.shape_cast %get3A_152 : vector<1x16xf32> to vector<16xf32>
      %mul3A_154 = arith.mulf %get3A_153, %get3A_80 : vector<16xf32>
      %get3A_155 = arith.index_cast %scan3A_75 : i32 to index
      %get3A_156 = arith.constant 64 : index
      %get3A_157 = tpu.vector_load %arg11[%get3A_155, %get3A_156] {strides = array<i32>} : memref<32x1024xf32, #tpu.memory_space<vmem>>, vector<1x16xf32>,
      %get3A_158 = vector.shape_cast %get3A_157 : vector<1x16xf32> to vector<16xf32>
      %mul3A_159 = arith.mulf %get3A_158, %get3A_86 : vector<16xf32>
      %add3A_160 = arith.addf %mul3A_154, %mul3A_159 : vector<16xf32>
      %swap3A_161 = arith.index_cast %scan3A_75 : i32 to index
      %swap3A_162 = arith.constant 64 : index
      %swap3A_163 = tpu.vector_load %arg12[%swap3A_161, %swap3A_162] {strides = array<i32>} : memref<32x1024xf32, #tpu.memory_space<vmem>>, vector<1x16xf32>,
      %swap3A_164 = vector.shape_cast %swap3A_163 : vector<1x16xf32> to vector<16xf32>
      %swap3A_165 = vector.shape_cast %add3A_160 : vector<16xf32> to vector<1x16xf32>
      tpu.vector_store %arg12[%swap3A_161, %swap3A_162], %swap3A_165 {strides = array<i32>} : memref<32x1024xf32, #tpu.memory_space<vmem>>, vector<1x16xf32>,
      %get3A_166 = arith.index_cast %scan3A_75 : i32 to index
      %get3A_167 = arith.constant 80 : index
      %get3A_168 = tpu.vector_load %arg10[%get3A_166, %get3A_167] {strides = array<i32>} : memref<32x1024xf32, #tpu.memory_space<vmem>>, vector<1x16xf32>,
      %get3A_169 = vector.shape_cast %get3A_168 : vector<1x16xf32> to vector<16xf32>
      %mul3A_170 = arith.mulf %get3A_169, %get3A_80 : vector<16xf32>
      %get3A_171 = arith.index_cast %scan3A_75 : i32 to index
      %get3A_172 = arith.constant 80 : index
      %get3A_173 = tpu.vector_load %arg11[%get3A_171, %get3A_172] {strides = array<i32>} : memref<32x1024xf32, #tpu.memory_space<vmem>>, vector<1x16xf32>,
      %get3A_174 = vector.shape_cast %get3A_173 : vector<1x16xf32> to vector<16xf32>
      %mul3A_175 = arith.mulf %get3A_174, %get3A_86 : vector<16xf32>
      %add3A_176 = arith.addf %mul3A_170, %mul3A_175 : vector<16xf32>
      %swap3A_177 = arith.index_cast %scan3A_75 : i32 to index
      %swap3A_178 = arith.constant 80 : index
      %swap3A_179 = tpu.vector_load %arg12[%swap3A_177, %swap3A_178] {strides = array<i32>} : memref<32x1024xf32, #tpu.memory_space<vmem>>, vector<1x16xf32>,
      %swap3A_180 = vector.shape_cast %swap3A_179 : vector<1x16xf32> to vector<16xf32>
      %swap3A_181 = vector.shape_cast %add3A_176 : vector<16xf32> to vector<1x16xf32>
      tpu.vector_store %arg12[%swap3A_177, %swap3A_178], %swap3A_181 {strides = array<i32>} : memref<32x1024xf32, #tpu.memory_space<vmem>>, vector<1x16xf32>,
      %get3A_182 = arith.index_cast %scan3A_75 : i32 to index
      %get3A_183 = arith.constant 96 : index
      %get3A_184 = tpu.vector_load %arg10[%get3A_182, %get3A_183] {strides = array<i32>} : memref<32x1024xf32, #tpu.memory_space<vmem>>, vector<1x16xf32>,
      %get3A_185 = vector.shape_cast %get3A_184 : vector<1x16xf32> to vector<16xf32>
      %mul3A_186 = arith.mulf %get3A_185, %get3A_80 : vector<16xf32>
      %get3A_187 = arith.index_cast %scan3A_75 : i32 to index
      %get3A_188 = arith.constant 96 : index
      %get3A_189 = tpu.vector_load %arg11[%get3A_187, %get3A_188] {strides = array<i32>} : memref<32x1024xf32, #tpu.memory_space<vmem>>, vector<1x16xf32>,
      %get3A_190 = vector.shape_cast %get3A_189 : vector<1x16xf32> to vector<16xf32>
      %mul3A_191 = arith.mulf %get3A_190, %get3A_86 : vector<16xf32>
      %add3A_192 = arith.addf %mul3A_186, %mul3A_191 : vector<16xf32>
      %swap3A_193 = arith.index_cast %scan3A_75 : i32 to index
      %swap3A_194 = arith.constant 96 : index
      %swap3A_195 = tpu.vector_load %arg12[%swap3A_193, %swap3A_194] {strides = array<i32>} : memref<32x1024xf32, #tpu.memory_space<vmem>>, vector<1x16xf32>,
      %swap3A_196 = vector.shape_cast %swap3A_195 : vector<1x16xf32> to vector<16xf32>
      %swap3A_197 = vector.shape_cast %add3A_192 : vector<16xf32> to vector<1x16xf32>
      tpu.vector_store %arg12[%swap3A_193, %swap3A_194], %swap3A_197 {strides = array<i32>} : memref<32x1024xf32, #tpu.memory_space<vmem>>, vector<1x16xf32>,
      %get3A_198 = arith.index_cast %scan3A_75 : i32 to index
      %get3A_199 = arith.constant 112 : index
      %get3A_200 = tpu.vector_load %arg10[%get3A_198, %get3A_199] {strides = array<i32>} : memref<32x1024xf32, #tpu.memory_space<vmem>>, vector<1x16xf32>,
      %get3A_201 = vector.shape_cast %get3A_200 : vector<1x16xf32> to vector<16xf32>
      %mul3A_202 = arith.mulf %get3A_201, %get3A_80 : vector<16xf32>
      %get3A_203 = arith.index_cast %scan3A_75 : i32 to index
      %get3A_204 = arith.constant 112 : index
      %get3A_205 = tpu.vector_load %arg11[%get3A_203, %get3A_204] {strides = array<i32>} : memref<32x1024xf32, #tpu.memory_space<vmem>>, vector<1x16xf32>,
      %get3A_206 = vector.shape_cast %get3A_205 : vector<1x16xf32> to vector<16xf32>
      %mul3A_207 = arith.mulf %get3A_206, %get3A_86 : vector<16xf32>
      %add3A_208 = arith.addf %mul3A_202, %mul3A_207 : vector<16xf32>
      %swap3A_209 = arith.index_cast %scan3A_75 : i32 to index
      %swap3A_210 = arith.constant 112 : index
      %swap3A_211 = tpu.vector_load %arg12[%swap3A_209, %swap3A_210] {strides = array<i32>} : memref<32x1024xf32, #tpu.memory_space<vmem>>, vector<1x16xf32>,
      %swap3A_212 = vector.shape_cast %swap3A_211 : vector<1x16xf32> to vector<16xf32>
      %swap3A_213 = vector.shape_cast %add3A_208 : vector<16xf32> to vector<1x16xf32>
      tpu.vector_store %arg12[%swap3A_209, %swap3A_210], %swap3A_213 {strides = array<i32>} : memref<32x1024xf32, #tpu.memory_space<vmem>>, vector<1x16xf32>,
      %get3A_214 = arith.index_cast %scan3A_75 : i32 to index
      %get3A_215 = arith.constant 128 : index
      %get3A_216 = tpu.vector_load %arg10[%get3A_214, %get3A_215] {strides = array<i32>} : memref<32x1024xf32, #tpu.memory_space<vmem>>, vector<1x16xf32>,
      %get3A_217 = vector.shape_cast %get3A_216 : vector<1x16xf32> to vector<16xf32>
      %mul3A_218 = arith.mulf %get3A_217, %get3A_80 : vector<16xf32>
      %get3A_219 = arith.index_cast %scan3A_75 : i32 to index
      %get3A_220 = arith.constant 128 : index
      %get3A_221 = tpu.vector_load %arg11[%get3A_219, %get3A_220] {strides = array<i32>} : memref<32x1024xf32, #tpu.memory_space<vmem>>, vector<1x16xf32>,
      %get3A_222 = vector.shape_cast %get3A_221 : vector<1x16xf32> to vector<16xf32>
      %mul3A_223 = arith.mulf %get3A_222, %get3A_86 : vector<16xf32>
      %add3A_224 = arith.addf %mul3A_218, %mul3A_223 : vector<16xf32>
      %swap3A_225 = arith.index_cast %scan3A_75 : i32 to index
      %swap3A_226 = arith.constant 128 : index
      %swap3A_227 = tpu.vector_load %arg12[%swap3A_225, %swap3A_226] {strides = array<i32>} : memref<32x1024xf32, #tpu.memory_space<vmem>>, vector<1x16xf32>,
      %swap3A_228 = vector.shape_cast %swap3A_227 : vector<1x16xf32> to vector<16xf32>
      %swap3A_229 = vector.shape_cast %add3A_224 : vector<16xf32> to vector<1x16xf32>
      tpu.vector_store %arg12[%swap3A_225, %swap3A_226], %swap3A_229 {strides = array<i32>} : memref<32x1024xf32, #tpu.memory_space<vmem>>, vector<1x16xf32>,
      %get3A_230 = arith.index_cast %scan3A_75 : i32 to index
      %get3A_231 = arith.constant 144 : index
      %get3A_232 = tpu.vector_load %arg10[%get3A_230, %get3A_231] {strides = array<i32>} : memref<32x1024xf32, #tpu.memory_space<vmem>>, vector<1x16xf32>,
      %get3A_233 = vector.shape_cast %get3A_232 : vector<1x16xf32> to vector<16xf32>
      %mul3A_234 = arith.mulf %get3A_233, %get3A_80 : vector<16xf32>
      %get3A_235 = arith.index_cast %scan3A_75 : i32 to index
      %get3A_236 = arith.constant 144 : index
      %get3A_237 = tpu.vector_load %arg11[%get3A_235, %get3A_236] {strides = array<i32>} : memref<32x1024xf32, #tpu.memory_space<vmem>>, vector<1x16xf32>,
      %get3A_238 = vector.shape_cast %get3A_237 : vector<1x16xf32> to vector<16xf32>
      %mul3A_239 = arith.mulf %get3A_238, %get3A_86 : vector<16xf32>
      %add3A_240 = arith.addf %mul3A_234, %mul3A_239 : vector<16xf32>
      %swap3A_241 = arith.index_cast %scan3A_75 : i32 to index
      %swap3A_242 = arith.constant 144 : index
      %swap3A_243 = tpu.vector_load %arg12[%swap3A_241, %swap3A_242] {strides = array<i32>} : memref<32x1024xf32, #tpu.memory_space<vmem>>, vector<1x16xf32>,
      %swap3A_244 = vector.shape_cast %swap3A_243 : vector<1x16xf32> to vector<16xf32>
      %swap3A_245 = vector.shape_cast %add3A_240 : vector<16xf32> to vector<1x16xf32>
      tpu.vector_store %arg12[%swap3A_241, %swap3A_242], %swap3A_245 {strides = array<i32>} : memref<32x1024xf32, #tpu.memory_space<vmem>>, vector<1x16xf32>,
      %get3A_246 = arith.index_cast %scan3A_75 : i32 to index
      %get3A_247 = arith.constant 160 : index
      %get3A_248 = tpu.vector_load %arg10[%get3A_246, %get3A_247] {strides = array<i32>} : memref<32x1024xf32, #tpu.memory_space<vmem>>, vector<1x16xf32>,
      %get3A_249 = vector.shape_cast %get3A_248 : vector<1x16xf32> to vector<16xf32>
      %mul3A_250 = arith.mulf %get3A_249, %get3A_80 : vector<16xf32>
      %get3A_251 = arith.index_cast %scan3A_75 : i32 to index
      %get3A_252 = arith.constant 160 : index
      %get3A_253 = tpu.vector_load %arg11[%get3A_251, %get3A_252] {strides = array<i32>} : memref<32x1024xf32, #tpu.memory_space<vmem>>, vector<1x16xf32>,
      %get3A_254 = vector.shape_cast %get3A_253 : vector<1x16xf32> to vector<16xf32>
      %mul3A_255 = arith.mulf %get3A_254, %get3A_86 : vector<16xf32>
      %add3A_256 = arith.addf %mul3A_250, %mul3A_255 : vector<16xf32>
      %swap3A_257 = arith.index_cast %scan3A_75 : i32 to index
      %swap3A_258 = arith.constant 160 : index
      %swap3A_259 = tpu.vector_load %arg12[%swap3A_257, %swap3A_258] {strides = array<i32>} : memref<32x1024xf32, #tpu.memory_space<vmem>>, vector<1x16xf32>,
      %swap3A_260 = vector.shape_cast %swap3A_259 : vector<1x16xf32> to vector<16xf32>
      %swap3A_261 = vector.shape_cast %add3A_256 : vector<16xf32> to vector<1x16xf32>
      tpu.vector_store %arg12[%swap3A_257, %swap3A_258], %swap3A_261 {strides = array<i32>} : memref<32x1024xf32, #tpu.memory_space<vmem>>, vector<1x16xf32>,
      %get3A_262 = arith.index_cast %scan3A_75 : i32 to index
      %get3A_263 = arith.constant 176 : index
      %get3A_264 = tpu.vector_load %arg10[%get3A_262, %get3A_263] {strides = array<i32>} : memref<32x1024xf32, #tpu.memory_space<vmem>>, vector<1x16xf32>,
      %get3A_265 = vector.shape_cast %get3A_264 : vector<1x16xf32> to vector<16xf32>
      %mul3A_266 = arith.mulf %get3A_265, %get3A_80 : vector<16xf32>
      %get3A_267 = arith.index_cast %scan3A_75 : i32 to index
      %get3A_268 = arith.constant 176 : index
      %get3A_269 = tpu.vector_load %arg11[%get3A_267, %get3A_268] {strides = array<i32>} : memref<32x1024xf32, #tpu.memory_space<vmem>>, vector<1x16xf32>,
      %get3A_270 = vector.shape_cast %get3A_269 : vector<1x16xf32> to vector<16xf32>
      %mul3A_271 = arith.mulf %get3A_270, %get3A_86 : vector<16xf32>
      %add3A_272 = arith.addf %mul3A_266, %mul3A_271 : vector<16xf32>
      %swap3A_273 = arith.index_cast %scan3A_75 : i32 to index
      %swap3A_274 = arith.constant 176 : index
      %swap3A_275 = tpu.vector_load %arg12[%swap3A_273, %swap3A_274] {strides = array<i32>} : memref<32x1024xf32, #tpu.memory_space<vmem>>, vector<1x16xf32>,
      %swap3A_276 = vector.shape_cast %swap3A_275 : vector<1x16xf32> to vector<16xf32>
      %swap3A_277 = vector.shape_cast %add3A_272 : vector<16xf32> to vector<1x16xf32>
      tpu.vector_store %arg12[%swap3A_273, %swap3A_274], %swap3A_277 {strides = array<i32>} : memref<32x1024xf32, #tpu.memory_space<vmem>>, vector<1x16xf32>,
      %get3A_278 = arith.index_cast %scan3A_75 : i32 to index
      %get3A_279 = arith.constant 192 : index
      %get3A_280 = tpu.vector_load %arg10[%get3A_278, %get3A_279] {strides = array<i32>} : memref<32x1024xf32, #tpu.memory_space<vmem>>, vector<1x16xf32>,
      %get3A_281 = vector.shape_cast %get3A_280 : vector<1x16xf32> to vector<16xf32>
      %mul3A_282 = arith.mulf %get3A_281, %get3A_80 : vector<16xf32>
      %get3A_283 = arith.index_cast %scan3A_75 : i32 to index
      %get3A_284 = arith.constant 192 : index
      %get3A_285 = tpu.vector_load %arg11[%get3A_283, %get3A_284] {strides = array<i32>} : memref<32x1024xf32, #tpu.memory_space<vmem>>, vector<1x16xf32>,
      %get3A_286 = vector.shape_cast %get3A_285 : vector<1x16xf32> to vector<16xf32>
      %mul3A_287 = arith.mulf %get3A_286, %get3A_86 : vector<16xf32>
      %add3A_288 = arith.addf %mul3A_282, %mul3A_287 : vector<16xf32>
      %swap3A_289 = arith.index_cast %scan3A_75 : i32 to index
      %swap3A_290 = arith.constant 192 : index
      %swap3A_291 = tpu.vector_load %arg12[%swap3A_289, %swap3A_290] {strides = array<i32>} : memref<32x1024xf32, #tpu.memory_space<vmem>>, vector<1x16xf32>,
      %swap3A_292 = vector.shape_cast %swap3A_291 : vector<1x16xf32> to vector<16xf32>
      %swap3A_293 = vector.shape_cast %add3A_288 : vector<16xf32> to vector<1x16xf32>
      tpu.vector_store %arg12[%swap3A_289, %swap3A_290], %swap3A_293 {strides = array<i32>} : memref<32x1024xf32, #tpu.memory_space<vmem>>, vector<1x16xf32>,
      %get3A_294 = arith.index_cast %scan3A_75 : i32 to index
      %get3A_295 = arith.constant 208 : index
      %get3A_296 = tpu.vector_load %arg10[%get3A_294, %get3A_295] {strides = array<i32>} : memref<32x1024xf32, #tpu.memory_space<vmem>>, vector<1x16xf32>,
      %get3A_297 = vector.shape_cast %get3A_296 : vector<1x16xf32> to vector<16xf32>
      %mul3A_298 = arith.mulf %get3A_297, %get3A_80 : vector<16xf32>
      %get3A_299 = arith.index_cast %scan3A_75 : i32 to index
      %get3A_300 = arith.constant 208 : index
      %get3A_301 = tpu.vector_load %arg11[%get3A_299, %get3A_300] {strides = array<i32>} : memref<32x1024xf32, #tpu.memory_space<vmem>>, vector<1x16xf32>,
      %get3A_302 = vector.shape_cast %get3A_301 : vector<1x16xf32> to vector<16xf32>
      %mul3A_303 = arith.mulf %get3A_302, %get3A_86 : vector<16xf32>
      %add3A_304 = arith.addf %mul3A_298, %mul3A_303 : vector<16xf32>
      %swap3A_305 = arith.index_cast %scan3A_75 : i32 to index
      %swap3A_306 = arith.constant 208 : index
      %swap3A_307 = tpu.vector_load %arg12[%swap3A_305, %swap3A_306] {strides = array<i32>} : memref<32x1024xf32, #tpu.memory_space<vmem>>, vector<1x16xf32>,
      %swap3A_308 = vector.shape_cast %swap3A_307 : vector<1x16xf32> to vector<16xf32>
      %swap3A_309 = vector.shape_cast %add3A_304 : vector<16xf32> to vector<1x16xf32>
      tpu.vector_store %arg12[%swap3A_305, %swap3A_306], %swap3A_309 {strides = array<i32>} : memref<32x1024xf32, #tpu.memory_space<vmem>>, vector<1x16xf32>,
      %get3A_310 = arith.index_cast %scan3A_75 : i32 to index
      %get3A_311 = arith.constant 224 : index
      %get3A_312 = tpu.vector_load %arg10[%get3A_310, %get3A_311] {strides = array<i32>} : memref<32x1024xf32, #tpu.memory_space<vmem>>, vector<1x16xf32>,
      %get3A_313 = vector.shape_cast %get3A_312 : vector<1x16xf32> to vector<16xf32>
      %mul3A_314 = arith.mulf %get3A_313, %get3A_80 : vector<16xf32>
      %get3A_315 = arith.index_cast %scan3A_75 : i32 to index
      %get3A_316 = arith.constant 224 : index
      %get3A_317 = tpu.vector_load %arg11[%get3A_315, %get3A_316] {strides = array<i32>} : memref<32x1024xf32, #tpu.memory_space<vmem>>, vector<1x16xf32>,
      %get3A_318 = vector.shape_cast %get3A_317 : vector<1x16xf32> to vector<16xf32>
      %mul3A_319 = arith.mulf %get3A_318, %get3A_86 : vector<16xf32>
      %add3A_320 = arith.addf %mul3A_314, %mul3A_319 : vector<16xf32>
      %swap3A_321 = arith.index_cast %scan3A_75 : i32 to index
      %swap3A_322 = arith.constant 224 : index
      %swap3A_323 = tpu.vector_load %arg12[%swap3A_321, %swap3A_322] {strides = array<i32>} : memref<32x1024xf32, #tpu.memory_space<vmem>>, vector<1x16xf32>,
      %swap3A_324 = vector.shape_cast %swap3A_323 : vector<1x16xf32> to vector<16xf32>
      %swap3A_325 = vector.shape_cast %add3A_320 : vector<16xf32> to vector<1x16xf32>
      tpu.vector_store %arg12[%swap3A_321, %swap3A_322], %swap3A_325 {strides = array<i32>} : memref<32x1024xf32, #tpu.memory_space<vmem>>, vector<1x16xf32>,
      %get3A_326 = arith.index_cast %scan3A_75 : i32 to index
      %get3A_327 = arith.constant 240 : index
      %get3A_328 = tpu.vector_load %arg10[%get3A_326, %get3A_327] {strides = array<i32>} : memref<32x1024xf32, #tpu.memory_space<vmem>>, vector<1x16xf32>,
      %get3A_329 = vector.shape_cast %get3A_328 : vector<1x16xf32> to vector<16xf32>
      %mul3A_330 = arith.mulf %get3A_329, %get3A_80 : vector<16xf32>
      %get3A_331 = arith.index_cast %scan3A_75 : i32 to index
      %get3A_332 = arith.constant 240 : index
      %get3A_333 = tpu.vector_load %arg11[%get3A_331, %get3A_332] {strides = array<i32>} : memref<32x1024xf32, #tpu.memory_space<vmem>>, vector<1x16xf32>,
      %get3A_334 = vector.shape_cast %get3A_333 : vector<1x16xf32> to vector<16xf32>
      %mul3A_335 = arith.mulf %get3A_334, %get3A_86 : vector<16xf32>
      %add3A_336 = arith.addf %mul3A_330, %mul3A_335 : vector<16xf32>
      %swap3A_337 = arith.index_cast %scan3A_75 : i32 to index
      %swap3A_338 = arith.constant 240 : index
      %swap3A_339 = tpu.vector_load %arg12[%swap3A_337, %swap3A_338] {strides = array<i32>} : memref<32x1024xf32, #tpu.memory_space<vmem>>, vector<1x16xf32>,
      %swap3A_340 = vector.shape_cast %swap3A_339 : vector<1x16xf32> to vector<16xf32>
      %swap3A_341 = vector.shape_cast %add3A_336 : vector<16xf32> to vector<1x16xf32>
      tpu.vector_store %arg12[%swap3A_337, %swap3A_338], %swap3A_341 {strides = array<i32>} : memref<32x1024xf32, #tpu.memory_space<vmem>>, vector<1x16xf32>,
      %get3A_342 = arith.index_cast %scan3A_75 : i32 to index
      %get3A_343 = arith.constant 256 : index
      %get3A_344 = tpu.vector_load %arg10[%get3A_342, %get3A_343] {strides = array<i32>} : memref<32x1024xf32, #tpu.memory_space<vmem>>, vector<1x16xf32>,
      %get3A_345 = vector.shape_cast %get3A_344 : vector<1x16xf32> to vector<16xf32>
      %mul3A_346 = arith.mulf %get3A_345, %get3A_80 : vector<16xf32>
      %get3A_347 = arith.index_cast %scan3A_75 : i32 to index
      %get3A_348 = arith.constant 256 : index
      %get3A_349 = tpu.vector_load %arg11[%get3A_347, %get3A_348] {strides = array<i32>} : memref<32x1024xf32, #tpu.memory_space<vmem>>, vector<1x16xf32>,
      %get3A_350 = vector.shape_cast %get3A_349 : vector<1x16xf32> to vector<16xf32>
      %mul3A_351 = arith.mulf %get3A_350, %get3A_86 : vector<16xf32>
      %add3A_352 = arith.addf %mul3A_346, %mul3A_351 : vector<16xf32>
      %swap3A_353 = arith.index_cast %scan3A_75 : i32 to index
      %swap3A_354 = arith.constant 256 : index
      %swap3A_355 = tpu.vector_load %arg12[%swap3A_353, %swap3A_354] {strides = array<i32>} : memref<32x1024xf32, #tpu.memory_space<vmem>>, vector<1x16xf32>,
      %swap3A_356 = vector.shape_cast %swap3A_355 : vector<1x16xf32> to vector<16xf32>
      %swap3A_357 = vector.shape_cast %add3A_352 : vector<16xf32> to vector<1x16xf32>
      tpu.vector_store %arg12[%swap3A_353, %swap3A_354], %swap3A_357 {strides = array<i32>} : memref<32x1024xf32, #tpu.memory_space<vmem>>, vector<1x16xf32>,
      %get3A_358 = arith.index_cast %scan3A_75 : i32 to index
      %get3A_359 = arith.constant 272 : index
      %get3A_360 = tpu.vector_load %arg10[%get3A_358, %get3A_359] {strides = array<i32>} : memref<32x1024xf32, #tpu.memory_space<vmem>>, vector<1x16xf32>,
      %get3A_361 = vector.shape_cast %get3A_360 : vector<1x16xf32> to vector<16xf32>
      %mul3A_362 = arith.mulf %get3A_361, %get3A_80 : vector<16xf32>
      %get3A_363 = arith.index_cast %scan3A_75 : i32 to index
      %get3A_364 = arith.constant 272 : index
      %get3A_365 = tpu.vector_load %arg11[%get3A_363, %get3A_364] {strides = array<i32>} : memref<32x1024xf32, #tpu.memory_space<vmem>>, vector<1x16xf32>,
      %get3A_366 = vector.shape_cast %get3A_365 : vector<1x16xf32> to vector<16xf32>
      %mul3A_367 = arith.mulf %get3A_366, %get3A_86 : vector<16xf32>
      %add3A_368 = arith.addf %mul3A_362, %mul3A_367 : vector<16xf32>
      %swap3A_369 = arith.index_cast %scan3A_75 : i32 to index
      %swap3A_370 = arith.constant 272 : index
      %swap3A_371 = tpu.vector_load %arg12[%swap3A_369, %swap3A_370] {strides = array<i32>} : memref<32x1024xf32, #tpu.memory_space<vmem>>, vector<1x16xf32>,
      %swap3A_372 = vector.shape_cast %swap3A_371 : vector<1x16xf32> to vector<16xf32>
      %swap3A_373 = vector.shape_cast %add3A_368 : vector<16xf32> to vector<1x16xf32>
      tpu.vector_store %arg12[%swap3A_369, %swap3A_370], %swap3A_373 {strides = array<i32>} : memref<32x1024xf32, #tpu.memory_space<vmem>>, vector<1x16xf32>,
      %get3A_374 = arith.index_cast %scan3A_75 : i32 to index
      %get3A_375 = arith.constant 288 : index
      %get3A_376 = tpu.vector_load %arg10[%get3A_374, %get3A_375] {strides = array<i32>} : memref<32x1024xf32, #tpu.memory_space<vmem>>, vector<1x16xf32>,
      %get3A_377 = vector.shape_cast %get3A_376 : vector<1x16xf32> to vector<16xf32>
      %mul3A_378 = arith.mulf %get3A_377, %get3A_80 : vector<16xf32>
      %get3A_379 = arith.index_cast %scan3A_75 : i32 to index
      %get3A_380 = arith.constant 288 : index
      %get3A_381 = tpu.vector_load %arg11[%get3A_379, %get3A_380] {strides = array<i32>} : memref<32x1024xf32, #tpu.memory_space<vmem>>, vector<1x16xf32>,
      %get3A_382 = vector.shape_cast %get3A_381 : vector<1x16xf32> to vector<16xf32>
      %mul3A_383 = arith.mulf %get3A_382, %get3A_86 : vector<16xf32>
      %add3A_384 = arith.addf %mul3A_378, %mul3A_383 : vector<16xf32>
      %swap3A_385 = arith.index_cast %scan3A_75 : i32 to index
      %swap3A_386 = arith.constant 288 : index
      %swap3A_387 = tpu.vector_load %arg12[%swap3A_385, %swap3A_386] {strides = array<i32>} : memref<32x1024xf32, #tpu.memory_space<vmem>>, vector<1x16xf32>,
      %swap3A_388 = vector.shape_cast %swap3A_387 : vector<1x16xf32> to vector<16xf32>
      %swap3A_389 = vector.shape_cast %add3A_384 : vector<16xf32> to vector<1x16xf32>
      tpu.vector_store %arg12[%swap3A_385, %swap3A_386], %swap3A_389 {strides = array<i32>} : memref<32x1024xf32, #tpu.memory_space<vmem>>, vector<1x16xf32>,
      %get3A_390 = arith.index_cast %scan3A_75 : i32 to index
      %get3A_391 = arith.constant 304 : index
      %get3A_392 = tpu.vector_load %arg10[%get3A_390, %get3A_391] {strides = array<i32>} : memref<32x1024xf32, #tpu.memory_space<vmem>>, vector<1x16xf32>,
      %get3A_393 = vector.shape_cast %get3A_392 : vector<1x16xf32> to vector<16xf32>
      %mul3A_394 = arith.mulf %get3A_393, %get3A_80 : vector<16xf32>
      %get3A_395 = arith.index_cast %scan3A_75 : i32 to index
      %get3A_396 = arith.constant 304 : index
      %get3A_397 = tpu.vector_load %arg11[%get3A_395, %get3A_396] {strides = array<i32>} : memref<32x1024xf32, #tpu.memory_space<vmem>>, vector<1x16xf32>,
      %get3A_398 = vector.shape_cast %get3A_397 : vector<1x16xf32> to vector<16xf32>
      %mul3A_399 = arith.mulf %get3A_398, %get3A_86 : vector<16xf32>
      %add3A_400 = arith.addf %mul3A_394, %mul3A_399 : vector<16xf32>
      %swap3A_401 = arith.index_cast %scan3A_75 : i32 to index
      %swap3A_402 = arith.constant 304 : index
      %swap3A_403 = tpu.vector_load %arg12[%swap3A_401, %swap3A_402] {strides = array<i32>} : memref<32x1024xf32, #tpu.memory_space<vmem>>, vector<1x16xf32>,
      %swap3A_404 = vector.shape_cast %swap3A_403 : vector<1x16xf32> to vector<16xf32>
      %swap3A_405 = vector.shape_cast %add3A_400 : vector<16xf32> to vector<1x16xf32>
      tpu.vector_store %arg12[%swap3A_401, %swap3A_402], %swap3A_405 {strides = array<i32>} : memref<32x1024xf32, #tpu.memory_space<vmem>>, vector<1x16xf32>,
      %get3A_406 = arith.index_cast %scan3A_75 : i32 to index
      %get3A_407 = arith.constant 320 : index
      %get3A_408 = tpu.vector_load %arg10[%get3A_406, %get3A_407] {strides = array<i32>} : memref<32x1024xf32, #tpu.memory_space<vmem>>, vector<1x16xf32>,
      %get3A_409 = vector.shape_cast %get3A_408 : vector<1x16xf32> to vector<16xf32>
      %mul3A_410 = arith.mulf %get3A_409, %get3A_80 : vector<16xf32>
      %get3A_411 = arith.index_cast %scan3A_75 : i32 to index
      %get3A_412 = arith.constant 320 : index
      %get3A_413 = tpu.vector_load %arg11[%get3A_411, %get3A_412] {strides = array<i32>} : memref<32x1024xf32, #tpu.memory_space<vmem>>, vector<1x16xf32>,
      %get3A_414 = vector.shape_cast %get3A_413 : vector<1x16xf32> to vector<16xf32>
      %mul3A_415 = arith.mulf %get3A_414, %get3A_86 : vector<16xf32>
      %add3A_416 = arith.addf %mul3A_410, %mul3A_415 : vector<16xf32>
      %swap3A_417 = arith.index_cast %scan3A_75 : i32 to index
      %swap3A_418 = arith.constant 320 : index
      %swap3A_419 = tpu.vector_load %arg12[%swap3A_417, %swap3A_418] {strides = array<i32>} : memref<32x1024xf32, #tpu.memory_space<vmem>>, vector<1x16xf32>,
      %swap3A_420 = vector.shape_cast %swap3A_419 : vector<1x16xf32> to vector<16xf32>
      %swap3A_421 = vector.shape_cast %add3A_416 : vector<16xf32> to vector<1x16xf32>
      tpu.vector_store %arg12[%swap3A_417, %swap3A_418], %swap3A_421 {strides = array<i32>} : memref<32x1024xf32, #tpu.memory_space<vmem>>, vector<1x16xf32>,
      %get3A_422 = arith.index_cast %scan3A_75 : i32 to index
      %get3A_423 = arith.constant 336 : index
      %get3A_424 = tpu.vector_load %arg10[%get3A_422, %get3A_423] {strides = array<i32>} : memref<32x1024xf32, #tpu.memory_space<vmem>>, vector<1x16xf32>,
      %get3A_425 = vector.shape_cast %get3A_424 : vector<1x16xf32> to vector<16xf32>
      %mul3A_426 = arith.mulf %get3A_425, %get3A_80 : vector<16xf32>
      %get3A_427 = arith.index_cast %scan3A_75 : i32 to index
      %get3A_428 = arith.constant 336 : index
      %get3A_429 = tpu.vector_load %arg11[%get3A_427, %get3A_428] {strides = array<i32>} : memref<32x1024xf32, #tpu.memory_space<vmem>>, vector<1x16xf32>,
      %get3A_430 = vector.shape_cast %get3A_429 : vector<1x16xf32> to vector<16xf32>
      %mul3A_431 = arith.mulf %get3A_430, %get3A_86 : vector<16xf32>
      %add3A_432 = arith.addf %mul3A_426, %mul3A_431 : vector<16xf32>
      %swap3A_433 = arith.index_cast %scan3A_75 : i32 to index
      %swap3A_434 = arith.constant 336 : index
      %swap3A_435 = tpu.vector_load %arg12[%swap3A_433, %swap3A_434] {strides = array<i32>} : memref<32x1024xf32, #tpu.memory_space<vmem>>, vector<1x16xf32>,
      %swap3A_436 = vector.shape_cast %swap3A_435 : vector<1x16xf32> to vector<16xf32>
      %swap3A_437 = vector.shape_cast %add3A_432 : vector<16xf32> to vector<1x16xf32>
      tpu.vector_store %arg12[%swap3A_433, %swap3A_434], %swap3A_437 {strides = array<i32>} : memref<32x1024xf32, #tpu.memory_space<vmem>>, vector<1x16xf32>,
      %get3A_438 = arith.index_cast %scan3A_75 : i32 to index
      %get3A_439 = arith.constant 352 : index
      %get3A_440 = tpu.vector_load %arg10[%get3A_438, %get3A_439] {strides = array<i32>} : memref<32x1024xf32, #tpu.memory_space<vmem>>, vector<1x16xf32>,
      %get3A_441 = vector.shape_cast %get3A_440 : vector<1x16xf32> to vector<16xf32>
      %mul3A_442 = arith.mulf %get3A_441, %get3A_80 : vector<16xf32>
      %get3A_443 = arith.index_cast %scan3A_75 : i32 to index
      %get3A_444 = arith.constant 352 : index
      %get3A_445 = tpu.vector_load %arg11[%get3A_443, %get3A_444] {strides = array<i32>} : memref<32x1024xf32, #tpu.memory_space<vmem>>, vector<1x16xf32>,
      %get3A_446 = vector.shape_cast %get3A_445 : vector<1x16xf32> to vector<16xf32>
      %mul3A_447 = arith.mulf %get3A_446, %get3A_86 : vector<16xf32>
      %add3A_448 = arith.addf %mul3A_442, %mul3A_447 : vector<16xf32>
      %swap3A_449 = arith.index_cast %scan3A_75 : i32 to index
      %swap3A_450 = arith.constant 352 : index
      %swap3A_451 = tpu.vector_load %arg12[%swap3A_449, %swap3A_450] {strides = array<i32>} : memref<32x1024xf32, #tpu.memory_space<vmem>>, vector<1x16xf32>,
      %swap3A_452 = vector.shape_cast %swap3A_451 : vector<1x16xf32> to vector<16xf32>
      %swap3A_453 = vector.shape_cast %add3A_448 : vector<16xf32> to vector<1x16xf32>
      tpu.vector_store %arg12[%swap3A_449, %swap3A_450], %swap3A_453 {strides = array<i32>} : memref<32x1024xf32, #tpu.memory_space<vmem>>, vector<1x16xf32>,
      %get3A_454 = arith.index_cast %scan3A_75 : i32 to index
      %get3A_455 = arith.constant 368 : index
      %get3A_456 = tpu.vector_load %arg10[%get3A_454, %get3A_455] {strides = array<i32>} : memref<32x1024xf32, #tpu.memory_space<vmem>>, vector<1x16xf32>,
      %get3A_457 = vector.shape_cast %get3A_456 : vector<1x16xf32> to vector<16xf32>
      %mul3A_458 = arith.mulf %get3A_457, %get3A_80 : vector<16xf32>
      %get3A_459 = arith.index_cast %scan3A_75 : i32 to index
      %get3A_460 = arith.constant 368 : index
      %get3A_461 = tpu.vector_load %arg11[%get3A_459, %get3A_460] {strides = array<i32>} : memref<32x1024xf32, #tpu.memory_space<vmem>>, vector<1x16xf32>,
      %get3A_462 = vector.shape_cast %get3A_461 : vector<1x16xf32> to vector<16xf32>
      %mul3A_463 = arith.mulf %get3A_462, %get3A_86 : vector<16xf32>
      %add3A_464 = arith.addf %mul3A_458, %mul3A_463 : vector<16xf32>
      %swap3A_465 = arith.index_cast %scan3A_75 : i32 to index
      %swap3A_466 = arith.constant 368 : index
      %swap3A_467 = tpu.vector_load %arg12[%swap3A_465, %swap3A_466] {strides = array<i32>} : memref<32x1024xf32, #tpu.memory_space<vmem>>, vector<1x16xf32>,
      %swap3A_468 = vector.shape_cast %swap3A_467 : vector<1x16xf32> to vector<16xf32>
      %swap3A_469 = vector.shape_cast %add3A_464 : vector<16xf32> to vector<1x16xf32>
      tpu.vector_store %arg12[%swap3A_465, %swap3A_466], %swap3A_469 {strides = array<i32>} : memref<32x1024xf32, #tpu.memory_space<vmem>>, vector<1x16xf32>,
      %get3A_470 = arith.index_cast %scan3A_75 : i32 to index
      %get3A_471 = arith.constant 384 : index
      %get3A_472 = tpu.vector_load %arg10[%get3A_470, %get3A_471] {strides = array<i32>} : memref<32x1024xf32, #tpu.memory_space<vmem>>, vector<1x16xf32>,
      %get3A_473 = vector.shape_cast %get3A_472 : vector<1x16xf32> to vector<16xf32>
      %mul3A_474 = arith.mulf %get3A_473, %get3A_80 : vector<16xf32>
      %get3A_475 = arith.index_cast %scan3A_75 : i32 to index
      %get3A_476 = arith.constant 384 : index
      %get3A_477 = tpu.vector_load %arg11[%get3A_475, %get3A_476] {strides = array<i32>} : memref<32x1024xf32, #tpu.memory_space<vmem>>, vector<1x16xf32>,
      %get3A_478 = vector.shape_cast %get3A_477 : vector<1x16xf32> to vector<16xf32>
      %mul3A_479 = arith.mulf %get3A_478, %get3A_86 : vector<16xf32>
      %add3A_480 = arith.addf %mul3A_474, %mul3A_479 : vector<16xf32>
      %swap3A_481 = arith.index_cast %scan3A_75 : i32 to index
      %swap3A_482 = arith.constant 384 : index
      %swap3A_483 = tpu.vector_load %arg12[%swap3A_481, %swap3A_482] {strides = array<i32>} : memref<32x1024xf32, #tpu.memory_space<vmem>>, vector<1x16xf32>,
      %swap3A_484 = vector.shape_cast %swap3A_483 : vector<1x16xf32> to vector<16xf32>
      %swap3A_485 = vector.shape_cast %add3A_480 : vector<16xf32> to vector<1x16xf32>
      tpu.vector_store %arg12[%swap3A_481, %swap3A_482], %swap3A_485 {strides = array<i32>} : memref<32x1024xf32, #tpu.memory_space<vmem>>, vector<1x16xf32>,
      %get3A_486 = arith.index_cast %scan3A_75 : i32 to index
      %get3A_487 = arith.constant 400 : index
      %get3A_488 = tpu.vector_load %arg10[%get3A_486, %get3A_487] {strides = array<i32>} : memref<32x1024xf32, #tpu.memory_space<vmem>>, vector<1x16xf32>,
      %get3A_489 = vector.shape_cast %get3A_488 : vector<1x16xf32> to vector<16xf32>
      %mul3A_490 = arith.mulf %get3A_489, %get3A_80 : vector<16xf32>
      %get3A_491 = arith.index_cast %scan3A_75 : i32 to index
      %get3A_492 = arith.constant 400 : index
      %get3A_493 = tpu.vector_load %arg11[%get3A_491, %get3A_492] {strides = array<i32>} : memref<32x1024xf32, #tpu.memory_space<vmem>>, vector<1x16xf32>,
      %get3A_494 = vector.shape_cast %get3A_493 : vector<1x16xf32> to vector<16xf32>
      %mul3A_495 = arith.mulf %get3A_494, %get3A_86 : vector<16xf32>
      %add3A_496 = arith.addf %mul3A_490, %mul3A_495 : vector<16xf32>
      %swap3A_497 = arith.index_cast %scan3A_75 : i32 to index
      %swap3A_498 = arith.constant 400 : index
      %swap3A_499 = tpu.vector_load %arg12[%swap3A_497, %swap3A_498] {strides = array<i32>} : memref<32x1024xf32, #tpu.memory_space<vmem>>, vector<1x16xf32>,
      %swap3A_500 = vector.shape_cast %swap3A_499 : vector<1x16xf32> to vector<16xf32>
      %swap3A_501 = vector.shape_cast %add3A_496 : vector<16xf32> to vector<1x16xf32>
      tpu.vector_store %arg12[%swap3A_497, %swap3A_498], %swap3A_501 {strides = array<i32>} : memref<32x1024xf32, #tpu.memory_space<vmem>>, vector<1x16xf32>,
      %get3A_502 = arith.index_cast %scan3A_75 : i32 to index
      %get3A_503 = arith.constant 416 : index
      %get3A_504 = tpu.vector_load %arg10[%get3A_502, %get3A_503] {strides = array<i32>} : memref<32x1024xf32, #tpu.memory_space<vmem>>, vector<1x16xf32>,
      %get3A_505 = vector.shape_cast %get3A_504 : vector<1x16xf32> to vector<16xf32>
      %mul3A_506 = arith.mulf %get3A_505, %get3A_80 : vector<16xf32>
      %get3A_507 = arith.index_cast %scan3A_75 : i32 to index
      %get3A_508 = arith.constant 416 : index
      %get3A_509 = tpu.vector_load %arg11[%get3A_507, %get3A_508] {strides = array<i32>} : memref<32x1024xf32, #tpu.memory_space<vmem>>, vector<1x16xf32>,
      %get3A_510 = vector.shape_cast %get3A_509 : vector<1x16xf32> to vector<16xf32>
      %mul3A_511 = arith.mulf %get3A_510, %get3A_86 : vector<16xf32>
      %add3A_512 = arith.addf %mul3A_506, %mul3A_511 : vector<16xf32>
      %swap3A_513 = arith.index_cast %scan3A_75 : i32 to index
      %swap3A_514 = arith.constant 416 : index
      %swap3A_515 = tpu.vector_load %arg12[%swap3A_513, %swap3A_514] {strides = array<i32>} : memref<32x1024xf32, #tpu.memory_space<vmem>>, vector<1x16xf32>,
      %swap3A_516 = vector.shape_cast %swap3A_515 : vector<1x16xf32> to vector<16xf32>
      %swap3A_517 = vector.shape_cast %add3A_512 : vector<16xf32> to vector<1x16xf32>
      tpu.vector_store %arg12[%swap3A_513, %swap3A_514], %swap3A_517 {strides = array<i32>} : memref<32x1024xf32, #tpu.memory_space<vmem>>, vector<1x16xf32>,
      %get3A_518 = arith.index_cast %scan3A_75 : i32 to index
      %get3A_519 = arith.constant 432 : index
      %get3A_520 = tpu.vector_load %arg10[%get3A_518, %get3A_519] {strides = array<i32>} : memref<32x1024xf32, #tpu.memory_space<vmem>>, vector<1x16xf32>,
      %get3A_521 = vector.shape_cast %get3A_520 : vector<1x16xf32> to vector<16xf32>
      %mul3A_522 = arith.mulf %get3A_521, %get3A_80 : vector<16xf32>
      %get3A_523 = arith.index_cast %scan3A_75 : i32 to index
      %get3A_524 = arith.constant 432 : index
      %get3A_525 = tpu.vector_load %arg11[%get3A_523, %get3A_524] {strides = array<i32>} : memref<32x1024xf32, #tpu.memory_space<vmem>>, vector<1x16xf32>,
      %get3A_526 = vector.shape_cast %get3A_525 : vector<1x16xf32> to vector<16xf32>
      %mul3A_527 = arith.mulf %get3A_526, %get3A_86 : vector<16xf32>
      %add3A_528 = arith.addf %mul3A_522, %mul3A_527 : vector<16xf32>
      %swap3A_529 = arith.index_cast %scan3A_75 : i32 to index
      %swap3A_530 = arith.constant 432 : index
      %swap3A_531 = tpu.vector_load %arg12[%swap3A_529, %swap3A_530] {strides = array<i32>} : memref<32x1024xf32, #tpu.memory_space<vmem>>, vector<1x16xf32>,
      %swap3A_532 = vector.shape_cast %swap3A_531 : vector<1x16xf32> to vector<16xf32>
      %swap3A_533 = vector.shape_cast %add3A_528 : vector<16xf32> to vector<1x16xf32>
      tpu.vector_store %arg12[%swap3A_529, %swap3A_530], %swap3A_533 {strides = array<i32>} : memref<32x1024xf32, #tpu.memory_space<vmem>>, vector<1x16xf32>,
      %get3A_534 = arith.index_cast %scan3A_75 : i32 to index
      %get3A_535 = arith.constant 448 : index
      %get3A_536 = tpu.vector_load %arg10[%get3A_534, %get3A_535] {strides = array<i32>} : memref<32x1024xf32, #tpu.memory_space<vmem>>, vector<1x16xf32>,
      %get3A_537 = vector.shape_cast %get3A_536 : vector<1x16xf32> to vector<16xf32>
      %mul3A_538 = arith.mulf %get3A_537, %get3A_80 : vector<16xf32>
      %get3A_539 = arith.index_cast %scan3A_75 : i32 to index
      %get3A_540 = arith.constant 448 : index
      %get3A_541 = tpu.vector_load %arg11[%get3A_539, %get3A_540] {strides = array<i32>} : memref<32x1024xf32, #tpu.memory_space<vmem>>, vector<1x16xf32>,
      %get3A_542 = vector.shape_cast %get3A_541 : vector<1x16xf32> to vector<16xf32>
      %mul3A_543 = arith.mulf %get3A_542, %get3A_86 : vector<16xf32>
      %add3A_544 = arith.addf %mul3A_538, %mul3A_543 : vector<16xf32>
      %swap3A_545 = arith.index_cast %scan3A_75 : i32 to index
      %swap3A_546 = arith.constant 448 : index
      %swap3A_547 = tpu.vector_load %arg12[%swap3A_545, %swap3A_546] {strides = array<i32>} : memref<32x1024xf32, #tpu.memory_space<vmem>>, vector<1x16xf32>,
      %swap3A_548 = vector.shape_cast %swap3A_547 : vector<1x16xf32> to vector<16xf32>
      %swap3A_549 = vector.shape_cast %add3A_544 : vector<16xf32> to vector<1x16xf32>
      tpu.vector_store %arg12[%swap3A_545, %swap3A_546], %swap3A_549 {strides = array<i32>} : memref<32x1024xf32, #tpu.memory_space<vmem>>, vector<1x16xf32>,
      %get3A_550 = arith.index_cast %scan3A_75 : i32 to index
      %get3A_551 = arith.constant 464 : index
      %get3A_552 = tpu.vector_load %arg10[%get3A_550, %get3A_551] {strides = array<i32>} : memref<32x1024xf32, #tpu.memory_space<vmem>>, vector<1x16xf32>,
      %get3A_553 = vector.shape_cast %get3A_552 : vector<1x16xf32> to vector<16xf32>
      %mul3A_554 = arith.mulf %get3A_553, %get3A_80 : vector<16xf32>
      %get3A_555 = arith.index_cast %scan3A_75 : i32 to index
      %get3A_556 = arith.constant 464 : index
      %get3A_557 = tpu.vector_load %arg11[%get3A_555, %get3A_556] {strides = array<i32>} : memref<32x1024xf32, #tpu.memory_space<vmem>>, vector<1x16xf32>,
      %get3A_558 = vector.shape_cast %get3A_557 : vector<1x16xf32> to vector<16xf32>
      %mul3A_559 = arith.mulf %get3A_558, %get3A_86 : vector<16xf32>
      %add3A_560 = arith.addf %mul3A_554, %mul3A_559 : vector<16xf32>
      %swap3A_561 = arith.index_cast %scan3A_75 : i32 to index
      %swap3A_562 = arith.constant 464 : index
      %swap3A_563 = tpu.vector_load %arg12[%swap3A_561, %swap3A_562] {strides = array<i32>} : memref<32x1024xf32, #tpu.memory_space<vmem>>, vector<1x16xf32>,
      %swap3A_564 = vector.shape_cast %swap3A_563 : vector<1x16xf32> to vector<16xf32>
      %swap3A_565 = vector.shape_cast %add3A_560 : vector<16xf32> to vector<1x16xf32>
      tpu.vector_store %arg12[%swap3A_561, %swap3A_562], %swap3A_565 {strides = array<i32>} : memref<32x1024xf32, #tpu.memory_space<vmem>>, vector<1x16xf32>,
      %get3A_566 = arith.index_cast %scan3A_75 : i32 to index
      %get3A_567 = arith.constant 480 : index
      %get3A_568 = tpu.vector_load %arg10[%get3A_566, %get3A_567] {strides = array<i32>} : memref<32x1024xf32, #tpu.memory_space<vmem>>, vector<1x16xf32>,
      %get3A_569 = vector.shape_cast %get3A_568 : vector<1x16xf32> to vector<16xf32>
      %mul3A_570 = arith.mulf %get3A_569, %get3A_80 : vector<16xf32>
      %get3A_571 = arith.index_cast %scan3A_75 : i32 to index
      %get3A_572 = arith.constant 480 : index
      %get3A_573 = tpu.vector_load %arg11[%get3A_571, %get3A_572] {strides = array<i32>} : memref<32x1024xf32, #tpu.memory_space<vmem>>, vector<1x16xf32>,
      %get3A_574 = vector.shape_cast %get3A_573 : vector<1x16xf32> to vector<16xf32>
      %mul3A_575 = arith.mulf %get3A_574, %get3A_86 : vector<16xf32>
      %add3A_576 = arith.addf %mul3A_570, %mul3A_575 : vector<16xf32>
      %swap3A_577 = arith.index_cast %scan3A_75 : i32 to index
      %swap3A_578 = arith.constant 480 : index
      %swap3A_579 = tpu.vector_load %arg12[%swap3A_577, %swap3A_578] {strides = array<i32>} : memref<32x1024xf32, #tpu.memory_space<vmem>>, vector<1x16xf32>,
      %swap3A_580 = vector.shape_cast %swap3A_579 : vector<1x16xf32> to vector<16xf32>
      %swap3A_581 = vector.shape_cast %add3A_576 : vector<16xf32> to vector<1x16xf32>
      tpu.vector_store %arg12[%swap3A_577, %swap3A_578], %swap3A_581 {strides = array<i32>} : memref<32x1024xf32, #tpu.memory_space<vmem>>, vector<1x16xf32>,
      %get3A_582 = arith.index_cast %scan3A_75 : i32 to index
      %get3A_583 = arith.constant 496 : index
      %get3A_584 = tpu.vector_load %arg10[%get3A_582, %get3A_583] {strides = array<i32>} : memref<32x1024xf32, #tpu.memory_space<vmem>>, vector<1x16xf32>,
      %get3A_585 = vector.shape_cast %get3A_584 : vector<1x16xf32> to vector<16xf32>
      %mul3A_586 = arith.mulf %get3A_585, %get3A_80 : vector<16xf32>
      %get3A_587 = arith.index_cast %scan3A_75 : i32 to index
      %get3A_588 = arith.constant 496 : index
      %get3A_589 = tpu.vector_load %arg11[%get3A_587, %get3A_588] {strides = array<i32>} : memref<32x1024xf32, #tpu.memory_space<vmem>>, vector<1x16xf32>,
      %get3A_590 = vector.shape_cast %get3A_589 : vector<1x16xf32> to vector<16xf32>
      %mul3A_591 = arith.mulf %get3A_590, %get3A_86 : vector<16xf32>
      %add3A_592 = arith.addf %mul3A_586, %mul3A_591 : vector<16xf32>
      %swap3A_593 = arith.index_cast %scan3A_75 : i32 to index
      %swap3A_594 = arith.constant 496 : index
      %swap3A_595 = tpu.vector_load %arg12[%swap3A_593, %swap3A_594] {strides = array<i32>} : memref<32x1024xf32, #tpu.memory_space<vmem>>, vector<1x16xf32>,
      %swap3A_596 = vector.shape_cast %swap3A_595 : vector<1x16xf32> to vector<16xf32>
      %swap3A_597 = vector.shape_cast %add3A_592 : vector<16xf32> to vector<1x16xf32>
      tpu.vector_store %arg12[%swap3A_593, %swap3A_594], %swap3A_597 {strides = array<i32>} : memref<32x1024xf32, #tpu.memory_space<vmem>>, vector<1x16xf32>,
      %get3A_598 = arith.index_cast %scan3A_75 : i32 to index
      %get3A_599 = arith.constant 512 : index
      %get3A_600 = tpu.vector_load %arg10[%get3A_598, %get3A_599] {strides = array<i32>} : memref<32x1024xf32, #tpu.memory_space<vmem>>, vector<1x16xf32>,
      %get3A_601 = vector.shape_cast %get3A_600 : vector<1x16xf32> to vector<16xf32>
      %mul3A_602 = arith.mulf %get3A_601, %get3A_80 : vector<16xf32>
      %get3A_603 = arith.index_cast %scan3A_75 : i32 to index
      %get3A_604 = arith.constant 512 : index
      %get3A_605 = tpu.vector_load %arg11[%get3A_603, %get3A_604] {strides = array<i32>} : memref<32x1024xf32, #tpu.memory_space<vmem>>, vector<1x16xf32>,
      %get3A_606 = vector.shape_cast %get3A_605 : vector<1x16xf32> to vector<16xf32>
      %mul3A_607 = arith.mulf %get3A_606, %get3A_86 : vector<16xf32>
      %add3A_608 = arith.addf %mul3A_602, %mul3A_607 : vector<16xf32>
      %swap3A_609 = arith.index_cast %scan3A_75 : i32 to index
      %swap3A_610 = arith.constant 512 : index
      %swap3A_611 = tpu.vector_load %arg12[%swap3A_609, %swap3A_610] {strides = array<i32>} : memref<32x1024xf32, #tpu.memory_space<vmem>>, vector<1x16xf32>,
      %swap3A_612 = vector.shape_cast %swap3A_611 : vector<1x16xf32> to vector<16xf32>
      %swap3A_613 = vector.shape_cast %add3A_608 : vector<16xf32> to vector<1x16xf32>
      tpu.vector_store %arg12[%swap3A_609, %swap3A_610], %swap3A_613 {strides = array<i32>} : memref<32x1024xf32, #tpu.memory_space<vmem>>, vector<1x16xf32>,
      %get3A_614 = arith.index_cast %scan3A_75 : i32 to index
      %get3A_615 = arith.constant 528 : index
      %get3A_616 = tpu.vector_load %arg10[%get3A_614, %get3A_615] {strides = array<i32>} : memref<32x1024xf32, #tpu.memory_space<vmem>>, vector<1x16xf32>,
      %get3A_617 = vector.shape_cast %get3A_616 : vector<1x16xf32> to vector<16xf32>
      %mul3A_618 = arith.mulf %get3A_617, %get3A_80 : vector<16xf32>
      %get3A_619 = arith.index_cast %scan3A_75 : i32 to index
      %get3A_620 = arith.constant 528 : index
      %get3A_621 = tpu.vector_load %arg11[%get3A_619, %get3A_620] {strides = array<i32>} : memref<32x1024xf32, #tpu.memory_space<vmem>>, vector<1x16xf32>,
      %get3A_622 = vector.shape_cast %get3A_621 : vector<1x16xf32> to vector<16xf32>
      %mul3A_623 = arith.mulf %get3A_622, %get3A_86 : vector<16xf32>
      %add3A_624 = arith.addf %mul3A_618, %mul3A_623 : vector<16xf32>
      %swap3A_625 = arith.index_cast %scan3A_75 : i32 to index
      %swap3A_626 = arith.constant 528 : index
      %swap3A_627 = tpu.vector_load %arg12[%swap3A_625, %swap3A_626] {strides = array<i32>} : memref<32x1024xf32, #tpu.memory_space<vmem>>, vector<1x16xf32>,
      %swap3A_628 = vector.shape_cast %swap3A_627 : vector<1x16xf32> to vector<16xf32>
      %swap3A_629 = vector.shape_cast %add3A_624 : vector<16xf32> to vector<1x16xf32>
      tpu.vector_store %arg12[%swap3A_625, %swap3A_626], %swap3A_629 {strides = array<i32>} : memref<32x1024xf32, #tpu.memory_space<vmem>>, vector<1x16xf32>,
      %get3A_630 = arith.index_cast %scan3A_75 : i32 to index
      %get3A_631 = arith.constant 544 : index
      %get3A_632 = tpu.vector_load %arg10[%get3A_630, %get3A_631] {strides = array<i32>} : memref<32x1024xf32, #tpu.memory_space<vmem>>, vector<1x16xf32>,
      %get3A_633 = vector.shape_cast %get3A_632 : vector<1x16xf32> to vector<16xf32>
      %mul3A_634 = arith.mulf %get3A_633, %get3A_80 : vector<16xf32>
      %get3A_635 = arith.index_cast %scan3A_75 : i32 to index
      %get3A_636 = arith.constant 544 : index
      %get3A_637 = tpu.vector_load %arg11[%get3A_635, %get3A_636] {strides = array<i32>} : memref<32x1024xf32, #tpu.memory_space<vmem>>, vector<1x16xf32>,
      %get3A_638 = vector.shape_cast %get3A_637 : vector<1x16xf32> to vector<16xf32>
      %mul3A_639 = arith.mulf %get3A_638, %get3A_86 : vector<16xf32>
      %add3A_640 = arith.addf %mul3A_634, %mul3A_639 : vector<16xf32>
      %swap3A_641 = arith.index_cast %scan3A_75 : i32 to index
      %swap3A_642 = arith.constant 544 : index
      %swap3A_643 = tpu.vector_load %arg12[%swap3A_641, %swap3A_642] {strides = array<i32>} : memref<32x1024xf32, #tpu.memory_space<vmem>>, vector<1x16xf32>,
      %swap3A_644 = vector.shape_cast %swap3A_643 : vector<1x16xf32> to vector<16xf32>
      %swap3A_645 = vector.shape_cast %add3A_640 : vector<16xf32> to vector<1x16xf32>
      tpu.vector_store %arg12[%swap3A_641, %swap3A_642], %swap3A_645 {strides = array<i32>} : memref<32x1024xf32, #tpu.memory_space<vmem>>, vector<1x16xf32>,
      %get3A_646 = arith.index_cast %scan3A_75 : i32 to index
      %get3A_647 = arith.constant 560 : index
      %get3A_648 = tpu.vector_load %arg10[%get3A_646, %get3A_647] {strides = array<i32>} : memref<32x1024xf32, #tpu.memory_space<vmem>>, vector<1x16xf32>,
      %get3A_649 = vector.shape_cast %get3A_648 : vector<1x16xf32> to vector<16xf32>
      %mul3A_650 = arith.mulf %get3A_649, %get3A_80 : vector<16xf32>
      %get3A_651 = arith.index_cast %scan3A_75 : i32 to index
      %get3A_652 = arith.constant 560 : index
      %get3A_653 = tpu.vector_load %arg11[%get3A_651, %get3A_652] {strides = array<i32>} : memref<32x1024xf32, #tpu.memory_space<vmem>>, vector<1x16xf32>,
      %get3A_654 = vector.shape_cast %get3A_653 : vector<1x16xf32> to vector<16xf32>
      %mul3A_655 = arith.mulf %get3A_654, %get3A_86 : vector<16xf32>
      %add3A_656 = arith.addf %mul3A_650, %mul3A_655 : vector<16xf32>
      %swap3A_657 = arith.index_cast %scan3A_75 : i32 to index
      %swap3A_658 = arith.constant 560 : index
      %swap3A_659 = tpu.vector_load %arg12[%swap3A_657, %swap3A_658] {strides = array<i32>} : memref<32x1024xf32, #tpu.memory_space<vmem>>, vector<1x16xf32>,
      %swap3A_660 = vector.shape_cast %swap3A_659 : vector<1x16xf32> to vector<16xf32>
      %swap3A_661 = vector.shape_cast %add3A_656 : vector<16xf32> to vector<1x16xf32>
      tpu.vector_store %arg12[%swap3A_657, %swap3A_658], %swap3A_661 {strides = array<i32>} : memref<32x1024xf32, #tpu.memory_space<vmem>>, vector<1x16xf32>,
      %get3A_662 = arith.index_cast %scan3A_75 : i32 to index
      %get3A_663 = arith.constant 576 : index
      %get3A_664 = tpu.vector_load %arg10[%get3A_662, %get3A_663] {strides = array<i32>} : memref<32x1024xf32, #tpu.memory_space<vmem>>, vector<1x16xf32>,
      %get3A_665 = vector.shape_cast %get3A_664 : vector<1x16xf32> to vector<16xf32>
      %mul3A_666 = arith.mulf %get3A_665, %get3A_80 : vector<16xf32>
      %get3A_667 = arith.index_cast %scan3A_75 : i32 to index
      %get3A_668 = arith.constant 576 : index
      %get3A_669 = tpu.vector_load %arg11[%get3A_667, %get3A_668] {strides = array<i32>} : memref<32x1024xf32, #tpu.memory_space<vmem>>, vector<1x16xf32>,
      %get3A_670 = vector.shape_cast %get3A_669 : vector<1x16xf32> to vector<16xf32>
      %mul3A_671 = arith.mulf %get3A_670, %get3A_86 : vector<16xf32>
      %add3A_672 = arith.addf %mul3A_666, %mul3A_671 : vector<16xf32>
      %swap3A_673 = arith.index_cast %scan3A_75 : i32 to index
      %swap3A_674 = arith.constant 576 : index
      %swap3A_675 = tpu.vector_load %arg12[%swap3A_673, %swap3A_674] {strides = array<i32>} : memref<32x1024xf32, #tpu.memory_space<vmem>>, vector<1x16xf32>,
      %swap3A_676 = vector.shape_cast %swap3A_675 : vector<1x16xf32> to vector<16xf32>
      %swap3A_677 = vector.shape_cast %add3A_672 : vector<16xf32> to vector<1x16xf32>
      tpu.vector_store %arg12[%swap3A_673, %swap3A_674], %swap3A_677 {strides = array<i32>} : memref<32x1024xf32, #tpu.memory_space<vmem>>, vector<1x16xf32>,
      %get3A_678 = arith.index_cast %scan3A_75 : i32 to index
      %get3A_679 = arith.constant 592 : index
      %get3A_680 = tpu.vector_load %arg10[%get3A_678, %get3A_679] {strides = array<i32>} : memref<32x1024xf32, #tpu.memory_space<vmem>>, vector<1x16xf32>,
      %get3A_681 = vector.shape_cast %get3A_680 : vector<1x16xf32> to vector<16xf32>
      %mul3A_682 = arith.mulf %get3A_681, %get3A_80 : vector<16xf32>
      %get3A_683 = arith.index_cast %scan3A_75 : i32 to index
      %get3A_684 = arith.constant 592 : index
      %get3A_685 = tpu.vector_load %arg11[%get3A_683, %get3A_684] {strides = array<i32>} : memref<32x1024xf32, #tpu.memory_space<vmem>>, vector<1x16xf32>,
      %get3A_686 = vector.shape_cast %get3A_685 : vector<1x16xf32> to vector<16xf32>
      %mul3A_687 = arith.mulf %get3A_686, %get3A_86 : vector<16xf32>
      %add3A_688 = arith.addf %mul3A_682, %mul3A_687 : vector<16xf32>
      %swap3A_689 = arith.index_cast %scan3A_75 : i32 to index
      %swap3A_690 = arith.constant 592 : index
      %swap3A_691 = tpu.vector_load %arg12[%swap3A_689, %swap3A_690] {strides = array<i32>} : memref<32x1024xf32, #tpu.memory_space<vmem>>, vector<1x16xf32>,
      %swap3A_692 = vector.shape_cast %swap3A_691 : vector<1x16xf32> to vector<16xf32>
      %swap3A_693 = vector.shape_cast %add3A_688 : vector<16xf32> to vector<1x16xf32>
      tpu.vector_store %arg12[%swap3A_689, %swap3A_690], %swap3A_693 {strides = array<i32>} : memref<32x1024xf32, #tpu.memory_space<vmem>>, vector<1x16xf32>,
      %get3A_694 = arith.index_cast %scan3A_75 : i32 to index
      %get3A_695 = arith.constant 608 : index
      %get3A_696 = tpu.vector_load %arg10[%get3A_694, %get3A_695] {strides = array<i32>} : memref<32x1024xf32, #tpu.memory_space<vmem>>, vector<1x16xf32>,
      %get3A_697 = vector.shape_cast %get3A_696 : vector<1x16xf32> to vector<16xf32>
      %mul3A_698 = arith.mulf %get3A_697, %get3A_80 : vector<16xf32>
      %get3A_699 = arith.index_cast %scan3A_75 : i32 to index
      %get3A_700 = arith.constant 608 : index
      %get3A_701 = tpu.vector_load %arg11[%get3A_699, %get3A_700] {strides = array<i32>} : memref<32x1024xf32, #tpu.memory_space<vmem>>, vector<1x16xf32>,
      %get3A_702 = vector.shape_cast %get3A_701 : vector<1x16xf32> to vector<16xf32>
      %mul3A_703 = arith.mulf %get3A_702, %get3A_86 : vector<16xf32>
      %add3A_704 = arith.addf %mul3A_698, %mul3A_703 : vector<16xf32>
      %swap3A_705 = arith.index_cast %scan3A_75 : i32 to index
      %swap3A_706 = arith.constant 608 : index
      %swap3A_707 = tpu.vector_load %arg12[%swap3A_705, %swap3A_706] {strides = array<i32>} : memref<32x1024xf32, #tpu.memory_space<vmem>>, vector<1x16xf32>,
      %swap3A_708 = vector.shape_cast %swap3A_707 : vector<1x16xf32> to vector<16xf32>
      %swap3A_709 = vector.shape_cast %add3A_704 : vector<16xf32> to vector<1x16xf32>
      tpu.vector_store %arg12[%swap3A_705, %swap3A_706], %swap3A_709 {strides = array<i32>} : memref<32x1024xf32, #tpu.memory_space<vmem>>, vector<1x16xf32>,
      %get3A_710 = arith.index_cast %scan3A_75 : i32 to index
      %get3A_711 = arith.constant 624 : index
      %get3A_712 = tpu.vector_load %arg10[%get3A_710, %get3A_711] {strides = array<i32>} : memref<32x1024xf32, #tpu.memory_space<vmem>>, vector<1x16xf32>,
      %get3A_713 = vector.shape_cast %get3A_712 : vector<1x16xf32> to vector<16xf32>
      %mul3A_714 = arith.mulf %get3A_713, %get3A_80 : vector<16xf32>
      %get3A_715 = arith.index_cast %scan3A_75 : i32 to index
      %get3A_716 = arith.constant 624 : index
      %get3A_717 = tpu.vector_load %arg11[%get3A_715, %get3A_716] {strides = array<i32>} : memref<32x1024xf32, #tpu.memory_space<vmem>>, vector<1x16xf32>,
      %get3A_718 = vector.shape_cast %get3A_717 : vector<1x16xf32> to vector<16xf32>
      %mul3A_719 = arith.mulf %get3A_718, %get3A_86 : vector<16xf32>
      %add3A_720 = arith.addf %mul3A_714, %mul3A_719 : vector<16xf32>
      %swap3A_721 = arith.index_cast %scan3A_75 : i32 to index
      %swap3A_722 = arith.constant 624 : index
      %swap3A_723 = tpu.vector_load %arg12[%swap3A_721, %swap3A_722] {strides = array<i32>} : memref<32x1024xf32, #tpu.memory_space<vmem>>, vector<1x16xf32>,
      %swap3A_724 = vector.shape_cast %swap3A_723 : vector<1x16xf32> to vector<16xf32>
      %swap3A_725 = vector.shape_cast %add3A_720 : vector<16xf32> to vector<1x16xf32>
      tpu.vector_store %arg12[%swap3A_721, %swap3A_722], %swap3A_725 {strides = array<i32>} : memref<32x1024xf32, #tpu.memory_space<vmem>>, vector<1x16xf32>,
      %get3A_726 = arith.index_cast %scan3A_75 : i32 to index
      %get3A_727 = arith.constant 640 : index
      %get3A_728 = tpu.vector_load %arg10[%get3A_726, %get3A_727] {strides = array<i32>} : memref<32x1024xf32, #tpu.memory_space<vmem>>, vector<1x16xf32>,
      %get3A_729 = vector.shape_cast %get3A_728 : vector<1x16xf32> to vector<16xf32>
      %mul3A_730 = arith.mulf %get3A_729, %get3A_80 : vector<16xf32>
      %get3A_731 = arith.index_cast %scan3A_75 : i32 to index
      %get3A_732 = arith.constant 640 : index
      %get3A_733 = tpu.vector_load %arg11[%get3A_731, %get3A_732] {strides = array<i32>} : memref<32x1024xf32, #tpu.memory_space<vmem>>, vector<1x16xf32>,
      %get3A_734 = vector.shape_cast %get3A_733 : vector<1x16xf32> to vector<16xf32>
      %mul3A_735 = arith.mulf %get3A_734, %get3A_86 : vector<16xf32>
      %add3A_736 = arith.addf %mul3A_730, %mul3A_735 : vector<16xf32>
      %swap3A_737 = arith.index_cast %scan3A_75 : i32 to index
      %swap3A_738 = arith.constant 640 : index
      %swap3A_739 = tpu.vector_load %arg12[%swap3A_737, %swap3A_738] {strides = array<i32>} : memref<32x1024xf32, #tpu.memory_space<vmem>>, vector<1x16xf32>,
      %swap3A_740 = vector.shape_cast %swap3A_739 : vector<1x16xf32> to vector<16xf32>
      %swap3A_741 = vector.shape_cast %add3A_736 : vector<16xf32> to vector<1x16xf32>
      tpu.vector_store %arg12[%swap3A_737, %swap3A_738], %swap3A_741 {strides = array<i32>} : memref<32x1024xf32, #tpu.memory_space<vmem>>, vector<1x16xf32>,
      %get3A_742 = arith.index_cast %scan3A_75 : i32 to index
      %get3A_743 = arith.constant 656 : index
      %get3A_744 = tpu.vector_load %arg10[%get3A_742, %get3A_743] {strides = array<i32>} : memref<32x1024xf32, #tpu.memory_space<vmem>>, vector<1x16xf32>,
      %get3A_745 = vector.shape_cast %get3A_744 : vector<1x16xf32> to vector<16xf32>
      %mul3A_746 = arith.mulf %get3A_745, %get3A_80 : vector<16xf32>
      %get3A_747 = arith.index_cast %scan3A_75 : i32 to index
      %get3A_748 = arith.constant 656 : index
      %get3A_749 = tpu.vector_load %arg11[%get3A_747, %get3A_748] {strides = array<i32>} : memref<32x1024xf32, #tpu.memory_space<vmem>>, vector<1x16xf32>,
      %get3A_750 = vector.shape_cast %get3A_749 : vector<1x16xf32> to vector<16xf32>
      %mul3A_751 = arith.mulf %get3A_750, %get3A_86 : vector<16xf32>
      %add3A_752 = arith.addf %mul3A_746, %mul3A_751 : vector<16xf32>
      %swap3A_753 = arith.index_cast %scan3A_75 : i32 to index
      %swap3A_754 = arith.constant 656 : index
      %swap3A_755 = tpu.vector_load %arg12[%swap3A_753, %swap3A_754] {strides = array<i32>} : memref<32x1024xf32, #tpu.memory_space<vmem>>, vector<1x16xf32>,
      %swap3A_756 = vector.shape_cast %swap3A_755 : vector<1x16xf32> to vector<16xf32>
      %swap3A_757 = vector.shape_cast %add3A_752 : vector<16xf32> to vector<1x16xf32>
      tpu.vector_store %arg12[%swap3A_753, %swap3A_754], %swap3A_757 {strides = array<i32>} : memref<32x1024xf32, #tpu.memory_space<vmem>>, vector<1x16xf32>,
      %get3A_758 = arith.index_cast %scan3A_75 : i32 to index
      %get3A_759 = arith.constant 672 : index
      %get3A_760 = tpu.vector_load %arg10[%get3A_758, %get3A_759] {strides = array<i32>} : memref<32x1024xf32, #tpu.memory_space<vmem>>, vector<1x16xf32>,
      %get3A_761 = vector.shape_cast %get3A_760 : vector<1x16xf32> to vector<16xf32>
      %mul3A_762 = arith.mulf %get3A_761, %get3A_80 : vector<16xf32>
      %get3A_763 = arith.index_cast %scan3A_75 : i32 to index
      %get3A_764 = arith.constant 672 : index
      %get3A_765 = tpu.vector_load %arg11[%get3A_763, %get3A_764] {strides = array<i32>} : memref<32x1024xf32, #tpu.memory_space<vmem>>, vector<1x16xf32>,
      %get3A_766 = vector.shape_cast %get3A_765 : vector<1x16xf32> to vector<16xf32>
      %mul3A_767 = arith.mulf %get3A_766, %get3A_86 : vector<16xf32>
      %add3A_768 = arith.addf %mul3A_762, %mul3A_767 : vector<16xf32>
      %swap3A_769 = arith.index_cast %scan3A_75 : i32 to index
      %swap3A_770 = arith.constant 672 : index
      %swap3A_771 = tpu.vector_load %arg12[%swap3A_769, %swap3A_770] {strides = array<i32>} : memref<32x1024xf32, #tpu.memory_space<vmem>>, vector<1x16xf32>,
      %swap3A_772 = vector.shape_cast %swap3A_771 : vector<1x16xf32> to vector<16xf32>
      %swap3A_773 = vector.shape_cast %add3A_768 : vector<16xf32> to vector<1x16xf32>
      tpu.vector_store %arg12[%swap3A_769, %swap3A_770], %swap3A_773 {strides = array<i32>} : memref<32x1024xf32, #tpu.memory_space<vmem>>, vector<1x16xf32>,
      %get3A_774 = arith.index_cast %scan3A_75 : i32 to index
      %get3A_775 = arith.constant 688 : index
      %get3A_776 = tpu.vector_load %arg10[%get3A_774, %get3A_775] {strides = array<i32>} : memref<32x1024xf32, #tpu.memory_space<vmem>>, vector<1x16xf32>,
      %get3A_777 = vector.shape_cast %get3A_776 : vector<1x16xf32> to vector<16xf32>
      %mul3A_778 = arith.mulf %get3A_777, %get3A_80 : vector<16xf32>
      %get3A_779 = arith.index_cast %scan3A_75 : i32 to index
      %get3A_780 = arith.constant 688 : index
      %get3A_781 = tpu.vector_load %arg11[%get3A_779, %get3A_780] {strides = array<i32>} : memref<32x1024xf32, #tpu.memory_space<vmem>>, vector<1x16xf32>,
      %get3A_782 = vector.shape_cast %get3A_781 : vector<1x16xf32> to vector<16xf32>
      %mul3A_783 = arith.mulf %get3A_782, %get3A_86 : vector<16xf32>
      %add3A_784 = arith.addf %mul3A_778, %mul3A_783 : vector<16xf32>
      %swap3A_785 = arith.index_cast %scan3A_75 : i32 to index
      %swap3A_786 = arith.constant 688 : index
      %swap3A_787 = tpu.vector_load %arg12[%swap3A_785, %swap3A_786] {strides = array<i32>} : memref<32x1024xf32, #tpu.memory_space<vmem>>, vector<1x16xf32>,
      %swap3A_788 = vector.shape_cast %swap3A_787 : vector<1x16xf32> to vector<16xf32>
      %swap3A_789 = vector.shape_cast %add3A_784 : vector<16xf32> to vector<1x16xf32>
      tpu.vector_store %arg12[%swap3A_785, %swap3A_786], %swap3A_789 {strides = array<i32>} : memref<32x1024xf32, #tpu.memory_space<vmem>>, vector<1x16xf32>,
      %get3A_790 = arith.index_cast %scan3A_75 : i32 to index
      %get3A_791 = arith.constant 704 : index
      %get3A_792 = tpu.vector_load %arg10[%get3A_790, %get3A_791] {strides = array<i32>} : memref<32x1024xf32, #tpu.memory_space<vmem>>, vector<1x16xf32>,
      %get3A_793 = vector.shape_cast %get3A_792 : vector<1x16xf32> to vector<16xf32>
      %mul3A_794 = arith.mulf %get3A_793, %get3A_80 : vector<16xf32>
      %get3A_795 = arith.index_cast %scan3A_75 : i32 to index
      %get3A_796 = arith.constant 704 : index
      %get3A_797 = tpu.vector_load %arg11[%get3A_795, %get3A_796] {strides = array<i32>} : memref<32x1024xf32, #tpu.memory_space<vmem>>, vector<1x16xf32>,
      %get3A_798 = vector.shape_cast %get3A_797 : vector<1x16xf32> to vector<16xf32>
      %mul3A_799 = arith.mulf %get3A_798, %get3A_86 : vector<16xf32>
      %add3A_800 = arith.addf %mul3A_794, %mul3A_799 : vector<16xf32>
      %swap3A_801 = arith.index_cast %scan3A_75 : i32 to index
      %swap3A_802 = arith.constant 704 : index
      %swap3A_803 = tpu.vector_load %arg12[%swap3A_801, %swap3A_802] {strides = array<i32>} : memref<32x1024xf32, #tpu.memory_space<vmem>>, vector<1x16xf32>,
      %swap3A_804 = vector.shape_cast %swap3A_803 : vector<1x16xf32> to vector<16xf32>
      %swap3A_805 = vector.shape_cast %add3A_800 : vector<16xf32> to vector<1x16xf32>
      tpu.vector_store %arg12[%swap3A_801, %swap3A_802], %swap3A_805 {strides = array<i32>} : memref<32x1024xf32, #tpu.memory_space<vmem>>, vector<1x16xf32>,
      %get3A_806 = arith.index_cast %scan3A_75 : i32 to index
      %get3A_807 = arith.constant 720 : index
      %get3A_808 = tpu.vector_load %arg10[%get3A_806, %get3A_807] {strides = array<i32>} : memref<32x1024xf32, #tpu.memory_space<vmem>>, vector<1x16xf32>,
      %get3A_809 = vector.shape_cast %get3A_808 : vector<1x16xf32> to vector<16xf32>
      %mul3A_810 = arith.mulf %get3A_809, %get3A_80 : vector<16xf32>
      %get3A_811 = arith.index_cast %scan3A_75 : i32 to index
      %get3A_812 = arith.constant 720 : index
      %get3A_813 = tpu.vector_load %arg11[%get3A_811, %get3A_812] {strides = array<i32>} : memref<32x1024xf32, #tpu.memory_space<vmem>>, vector<1x16xf32>,
      %get3A_814 = vector.shape_cast %get3A_813 : vector<1x16xf32> to vector<16xf32>
      %mul3A_815 = arith.mulf %get3A_814, %get3A_86 : vector<16xf32>
      %add3A_816 = arith.addf %mul3A_810, %mul3A_815 : vector<16xf32>
      %swap3A_817 = arith.index_cast %scan3A_75 : i32 to index
      %swap3A_818 = arith.constant 720 : index
      %swap3A_819 = tpu.vector_load %arg12[%swap3A_817, %swap3A_818] {strides = array<i32>} : memref<32x1024xf32, #tpu.memory_space<vmem>>, vector<1x16xf32>,
      %swap3A_820 = vector.shape_cast %swap3A_819 : vector<1x16xf32> to vector<16xf32>
      %swap3A_821 = vector.shape_cast %add3A_816 : vector<16xf32> to vector<1x16xf32>
      tpu.vector_store %arg12[%swap3A_817, %swap3A_818], %swap3A_821 {strides = array<i32>} : memref<32x1024xf32, #tpu.memory_space<vmem>>, vector<1x16xf32>,
      %get3A_822 = arith.index_cast %scan3A_75 : i32 to index
      %get3A_823 = arith.constant 736 : index
      %get3A_824 = tpu.vector_load %arg10[%get3A_822, %get3A_823] {strides = array<i32>} : memref<32x1024xf32, #tpu.memory_space<vmem>>, vector<1x16xf32>,
      %get3A_825 = vector.shape_cast %get3A_824 : vector<1x16xf32> to vector<16xf32>
      %mul3A_826 = arith.mulf %get3A_825, %get3A_80 : vector<16xf32>
      %get3A_827 = arith.index_cast %scan3A_75 : i32 to index
      %get3A_828 = arith.constant 736 : index
      %get3A_829 = tpu.vector_load %arg11[%get3A_827, %get3A_828] {strides = array<i32>} : memref<32x1024xf32, #tpu.memory_space<vmem>>, vector<1x16xf32>,
      %get3A_830 = vector.shape_cast %get3A_829 : vector<1x16xf32> to vector<16xf32>
      %mul3A_831 = arith.mulf %get3A_830, %get3A_86 : vector<16xf32>
      %add3A_832 = arith.addf %mul3A_826, %mul3A_831 : vector<16xf32>
      %swap3A_833 = arith.index_cast %scan3A_75 : i32 to index
      %swap3A_834 = arith.constant 736 : index
      %swap3A_835 = tpu.vector_load %arg12[%swap3A_833, %swap3A_834] {strides = array<i32>} : memref<32x1024xf32, #tpu.memory_space<vmem>>, vector<1x16xf32>,
      %swap3A_836 = vector.shape_cast %swap3A_835 : vector<1x16xf32> to vector<16xf32>
      %swap3A_837 = vector.shape_cast %add3A_832 : vector<16xf32> to vector<1x16xf32>
      tpu.vector_store %arg12[%swap3A_833, %swap3A_834], %swap3A_837 {strides = array<i32>} : memref<32x1024xf32, #tpu.memory_space<vmem>>, vector<1x16xf32>,
      %get3A_838 = arith.index_cast %scan3A_75 : i32 to index
      %get3A_839 = arith.constant 752 : index
      %get3A_840 = tpu.vector_load %arg10[%get3A_838, %get3A_839] {strides = array<i32>} : memref<32x1024xf32, #tpu.memory_space<vmem>>, vector<1x16xf32>,
      %get3A_841 = vector.shape_cast %get3A_840 : vector<1x16xf32> to vector<16xf32>
      %mul3A_842 = arith.mulf %get3A_841, %get3A_80 : vector<16xf32>
      %get3A_843 = arith.index_cast %scan3A_75 : i32 to index
      %get3A_844 = arith.constant 752 : index
      %get3A_845 = tpu.vector_load %arg11[%get3A_843, %get3A_844] {strides = array<i32>} : memref<32x1024xf32, #tpu.memory_space<vmem>>, vector<1x16xf32>,
      %get3A_846 = vector.shape_cast %get3A_845 : vector<1x16xf32> to vector<16xf32>
      %mul3A_847 = arith.mulf %get3A_846, %get3A_86 : vector<16xf32>
      %add3A_848 = arith.addf %mul3A_842, %mul3A_847 : vector<16xf32>
      %swap3A_849 = arith.index_cast %scan3A_75 : i32 to index
      %swap3A_850 = arith.constant 752 : index
      %swap3A_851 = tpu.vector_load %arg12[%swap3A_849, %swap3A_850] {strides = array<i32>} : memref<32x1024xf32, #tpu.memory_space<vmem>>, vector<1x16xf32>,
      %swap3A_852 = vector.shape_cast %swap3A_851 : vector<1x16xf32> to vector<16xf32>
      %swap3A_853 = vector.shape_cast %add3A_848 : vector<16xf32> to vector<1x16xf32>
      tpu.vector_store %arg12[%swap3A_849, %swap3A_850], %swap3A_853 {strides = array<i32>} : memref<32x1024xf32, #tpu.memory_space<vmem>>, vector<1x16xf32>,
      %get3A_854 = arith.index_cast %scan3A_75 : i32 to index
      %get3A_855 = arith.constant 768 : index
      %get3A_856 = tpu.vector_load %arg10[%get3A_854, %get3A_855] {strides = array<i32>} : memref<32x1024xf32, #tpu.memory_space<vmem>>, vector<1x16xf32>,
      %get3A_857 = vector.shape_cast %get3A_856 : vector<1x16xf32> to vector<16xf32>
      %mul3A_858 = arith.mulf %get3A_857, %get3A_80 : vector<16xf32>
      %get3A_859 = arith.index_cast %scan3A_75 : i32 to index
      %get3A_860 = arith.constant 768 : index
      %get3A_861 = tpu.vector_load %arg11[%get3A_859, %get3A_860] {strides = array<i32>} : memref<32x1024xf32, #tpu.memory_space<vmem>>, vector<1x16xf32>,
      %get3A_862 = vector.shape_cast %get3A_861 : vector<1x16xf32> to vector<16xf32>
      %mul3A_863 = arith.mulf %get3A_862, %get3A_86 : vector<16xf32>
      %add3A_864 = arith.addf %mul3A_858, %mul3A_863 : vector<16xf32>
      %swap3A_865 = arith.index_cast %scan3A_75 : i32 to index
      %swap3A_866 = arith.constant 768 : index
      %swap3A_867 = tpu.vector_load %arg12[%swap3A_865, %swap3A_866] {strides = array<i32>} : memref<32x1024xf32, #tpu.memory_space<vmem>>, vector<1x16xf32>,
      %swap3A_868 = vector.shape_cast %swap3A_867 : vector<1x16xf32> to vector<16xf32>
      %swap3A_869 = vector.shape_cast %add3A_864 : vector<16xf32> to vector<1x16xf32>
      tpu.vector_store %arg12[%swap3A_865, %swap3A_866], %swap3A_869 {strides = array<i32>} : memref<32x1024xf32, #tpu.memory_space<vmem>>, vector<1x16xf32>,
      %get3A_870 = arith.index_cast %scan3A_75 : i32 to index
      %get3A_871 = arith.constant 784 : index
      %get3A_872 = tpu.vector_load %arg10[%get3A_870, %get3A_871] {strides = array<i32>} : memref<32x1024xf32, #tpu.memory_space<vmem>>, vector<1x16xf32>,
      %get3A_873 = vector.shape_cast %get3A_872 : vector<1x16xf32> to vector<16xf32>
      %mul3A_874 = arith.mulf %get3A_873, %get3A_80 : vector<16xf32>
      %get3A_875 = arith.index_cast %scan3A_75 : i32 to index
      %get3A_876 = arith.constant 784 : index
      %get3A_877 = tpu.vector_load %arg11[%get3A_875, %get3A_876] {strides = array<i32>} : memref<32x1024xf32, #tpu.memory_space<vmem>>, vector<1x16xf32>,
      %get3A_878 = vector.shape_cast %get3A_877 : vector<1x16xf32> to vector<16xf32>
      %mul3A_879 = arith.mulf %get3A_878, %get3A_86 : vector<16xf32>
      %add3A_880 = arith.addf %mul3A_874, %mul3A_879 : vector<16xf32>
      %swap3A_881 = arith.index_cast %scan3A_75 : i32 to index
      %swap3A_882 = arith.constant 784 : index
      %swap3A_883 = tpu.vector_load %arg12[%swap3A_881, %swap3A_882] {strides = array<i32>} : memref<32x1024xf32, #tpu.memory_space<vmem>>, vector<1x16xf32>,
      %swap3A_884 = vector.shape_cast %swap3A_883 : vector<1x16xf32> to vector<16xf32>
      %swap3A_885 = vector.shape_cast %add3A_880 : vector<16xf32> to vector<1x16xf32>
      tpu.vector_store %arg12[%swap3A_881, %swap3A_882], %swap3A_885 {strides = array<i32>} : memref<32x1024xf32, #tpu.memory_space<vmem>>, vector<1x16xf32>,
      %get3A_886 = arith.index_cast %scan3A_75 : i32 to index
      %get3A_887 = arith.constant 800 : index
      %get3A_888 = tpu.vector_load %arg10[%get3A_886, %get3A_887] {strides = array<i32>} : memref<32x1024xf32, #tpu.memory_space<vmem>>, vector<1x16xf32>,
      %get3A_889 = vector.shape_cast %get3A_888 : vector<1x16xf32> to vector<16xf32>
      %mul3A_890 = arith.mulf %get3A_889, %get3A_80 : vector<16xf32>
      %get3A_891 = arith.index_cast %scan3A_75 : i32 to index
      %get3A_892 = arith.constant 800 : index
      %get3A_893 = tpu.vector_load %arg11[%get3A_891, %get3A_892] {strides = array<i32>} : memref<32x1024xf32, #tpu.memory_space<vmem>>, vector<1x16xf32>,
      %get3A_894 = vector.shape_cast %get3A_893 : vector<1x16xf32> to vector<16xf32>
      %mul3A_895 = arith.mulf %get3A_894, %get3A_86 : vector<16xf32>
      %add3A_896 = arith.addf %mul3A_890, %mul3A_895 : vector<16xf32>
      %swap3A_897 = arith.index_cast %scan3A_75 : i32 to index
      %swap3A_898 = arith.constant 800 : index
      %swap3A_899 = tpu.vector_load %arg12[%swap3A_897, %swap3A_898] {strides = array<i32>} : memref<32x1024xf32, #tpu.memory_space<vmem>>, vector<1x16xf32>,
      %swap3A_900 = vector.shape_cast %swap3A_899 : vector<1x16xf32> to vector<16xf32>
      %swap3A_901 = vector.shape_cast %add3A_896 : vector<16xf32> to vector<1x16xf32>
      tpu.vector_store %arg12[%swap3A_897, %swap3A_898], %swap3A_901 {strides = array<i32>} : memref<32x1024xf32, #tpu.memory_space<vmem>>, vector<1x16xf32>,
      %get3A_902 = arith.index_cast %scan3A_75 : i32 to index
      %get3A_903 = arith.constant 816 : index
      %get3A_904 = tpu.vector_load %arg10[%get3A_902, %get3A_903] {strides = array<i32>} : memref<32x1024xf32, #tpu.memory_space<vmem>>, vector<1x16xf32>,
      %get3A_905 = vector.shape_cast %get3A_904 : vector<1x16xf32> to vector<16xf32>
      %mul3A_906 = arith.mulf %get3A_905, %get3A_80 : vector<16xf32>
      %get3A_907 = arith.index_cast %scan3A_75 : i32 to index
      %get3A_908 = arith.constant 816 : index
      %get3A_909 = tpu.vector_load %arg11[%get3A_907, %get3A_908] {strides = array<i32>} : memref<32x1024xf32, #tpu.memory_space<vmem>>, vector<1x16xf32>,
      %get3A_910 = vector.shape_cast %get3A_909 : vector<1x16xf32> to vector<16xf32>
      %mul3A_911 = arith.mulf %get3A_910, %get3A_86 : vector<16xf32>
      %add3A_912 = arith.addf %mul3A_906, %mul3A_911 : vector<16xf32>
      %swap3A_913 = arith.index_cast %scan3A_75 : i32 to index
      %swap3A_914 = arith.constant 816 : index
      %swap3A_915 = tpu.vector_load %arg12[%swap3A_913, %swap3A_914] {strides = array<i32>} : memref<32x1024xf32, #tpu.memory_space<vmem>>, vector<1x16xf32>,
      %swap3A_916 = vector.shape_cast %swap3A_915 : vector<1x16xf32> to vector<16xf32>
      %swap3A_917 = vector.shape_cast %add3A_912 : vector<16xf32> to vector<1x16xf32>
      tpu.vector_store %arg12[%swap3A_913, %swap3A_914], %swap3A_917 {strides = array<i32>} : memref<32x1024xf32, #tpu.memory_space<vmem>>, vector<1x16xf32>,
      %get3A_918 = arith.index_cast %scan3A_75 : i32 to index
      %get3A_919 = arith.constant 832 : index
      %get3A_920 = tpu.vector_load %arg10[%get3A_918, %get3A_919] {strides = array<i32>} : memref<32x1024xf32, #tpu.memory_space<vmem>>, vector<1x16xf32>,
      %get3A_921 = vector.shape_cast %get3A_920 : vector<1x16xf32> to vector<16xf32>
      %mul3A_922 = arith.mulf %get3A_921, %get3A_80 : vector<16xf32>
      %get3A_923 = arith.index_cast %scan3A_75 : i32 to index
      %get3A_924 = arith.constant 832 : index
      %get3A_925 = tpu.vector_load %arg11[%get3A_923, %get3A_924] {strides = array<i32>} : memref<32x1024xf32, #tpu.memory_space<vmem>>, vector<1x16xf32>,
      %get3A_926 = vector.shape_cast %get3A_925 : vector<1x16xf32> to vector<16xf32>
      %mul3A_927 = arith.mulf %get3A_926, %get3A_86 : vector<16xf32>
      %add3A_928 = arith.addf %mul3A_922, %mul3A_927 : vector<16xf32>
      %swap3A_929 = arith.index_cast %scan3A_75 : i32 to index
      %swap3A_930 = arith.constant 832 : index
      %swap3A_931 = tpu.vector_load %arg12[%swap3A_929, %swap3A_930] {strides = array<i32>} : memref<32x1024xf32, #tpu.memory_space<vmem>>, vector<1x16xf32>,
      %swap3A_932 = vector.shape_cast %swap3A_931 : vector<1x16xf32> to vector<16xf32>
      %swap3A_933 = vector.shape_cast %add3A_928 : vector<16xf32> to vector<1x16xf32>
      tpu.vector_store %arg12[%swap3A_929, %swap3A_930], %swap3A_933 {strides = array<i32>} : memref<32x1024xf32, #tpu.memory_space<vmem>>, vector<1x16xf32>,
      %get3A_934 = arith.index_cast %scan3A_75 : i32 to index
      %get3A_935 = arith.constant 848 : index
      %get3A_936 = tpu.vector_load %arg10[%get3A_934, %get3A_935] {strides = array<i32>} : memref<32x1024xf32, #tpu.memory_space<vmem>>, vector<1x16xf32>,
      %get3A_937 = vector.shape_cast %get3A_936 : vector<1x16xf32> to vector<16xf32>
      %mul3A_938 = arith.mulf %get3A_937, %get3A_80 : vector<16xf32>
      %get3A_939 = arith.index_cast %scan3A_75 : i32 to index
      %get3A_940 = arith.constant 848 : index
      %get3A_941 = tpu.vector_load %arg11[%get3A_939, %get3A_940] {strides = array<i32>} : memref<32x1024xf32, #tpu.memory_space<vmem>>, vector<1x16xf32>,
      %get3A_942 = vector.shape_cast %get3A_941 : vector<1x16xf32> to vector<16xf32>
      %mul3A_943 = arith.mulf %get3A_942, %get3A_86 : vector<16xf32>
      %add3A_944 = arith.addf %mul3A_938, %mul3A_943 : vector<16xf32>
      %swap3A_945 = arith.index_cast %scan3A_75 : i32 to index
      %swap3A_946 = arith.constant 848 : index
      %swap3A_947 = tpu.vector_load %arg12[%swap3A_945, %swap3A_946] {strides = array<i32>} : memref<32x1024xf32, #tpu.memory_space<vmem>>, vector<1x16xf32>,
      %swap3A_948 = vector.shape_cast %swap3A_947 : vector<1x16xf32> to vector<16xf32>
      %swap3A_949 = vector.shape_cast %add3A_944 : vector<16xf32> to vector<1x16xf32>
      tpu.vector_store %arg12[%swap3A_945, %swap3A_946], %swap3A_949 {strides = array<i32>} : memref<32x1024xf32, #tpu.memory_space<vmem>>, vector<1x16xf32>,
      %get3A_950 = arith.index_cast %scan3A_75 : i32 to index
      %get3A_951 = arith.constant 864 : index
      %get3A_952 = tpu.vector_load %arg10[%get3A_950, %get3A_951] {strides = array<i32>} : memref<32x1024xf32, #tpu.memory_space<vmem>>, vector<1x16xf32>,
      %get3A_953 = vector.shape_cast %get3A_952 : vector<1x16xf32> to vector<16xf32>
      %mul3A_954 = arith.mulf %get3A_953, %get3A_80 : vector<16xf32>
      %get3A_955 = arith.index_cast %scan3A_75 : i32 to index
      %get3A_956 = arith.constant 864 : index
      %get3A_957 = tpu.vector_load %arg11[%get3A_955, %get3A_956] {strides = array<i32>} : memref<32x1024xf32, #tpu.memory_space<vmem>>, vector<1x16xf32>,
      %get3A_958 = vector.shape_cast %get3A_957 : vector<1x16xf32> to vector<16xf32>
      %mul3A_959 = arith.mulf %get3A_958, %get3A_86 : vector<16xf32>
      %add3A_960 = arith.addf %mul3A_954, %mul3A_959 : vector<16xf32>
      %swap3A_961 = arith.index_cast %scan3A_75 : i32 to index
      %swap3A_962 = arith.constant 864 : index
      %swap3A_963 = tpu.vector_load %arg12[%swap3A_961, %swap3A_962] {strides = array<i32>} : memref<32x1024xf32, #tpu.memory_space<vmem>>, vector<1x16xf32>,
      %swap3A_964 = vector.shape_cast %swap3A_963 : vector<1x16xf32> to vector<16xf32>
      %swap3A_965 = vector.shape_cast %add3A_960 : vector<16xf32> to vector<1x16xf32>
      tpu.vector_store %arg12[%swap3A_961, %swap3A_962], %swap3A_965 {strides = array<i32>} : memref<32x1024xf32, #tpu.memory_space<vmem>>, vector<1x16xf32>,
      %get3A_966 = arith.index_cast %scan3A_75 : i32 to index
      %get3A_967 = arith.constant 880 : index
      %get3A_968 = tpu.vector_load %arg10[%get3A_966, %get3A_967] {strides = array<i32>} : memref<32x1024xf32, #tpu.memory_space<vmem>>, vector<1x16xf32>,
      %get3A_969 = vector.shape_cast %get3A_968 : vector<1x16xf32> to vector<16xf32>
      %mul3A_970 = arith.mulf %get3A_969, %get3A_80 : vector<16xf32>
      %get3A_971 = arith.index_cast %scan3A_75 : i32 to index
      %get3A_972 = arith.constant 880 : index
      %get3A_973 = tpu.vector_load %arg11[%get3A_971, %get3A_972] {strides = array<i32>} : memref<32x1024xf32, #tpu.memory_space<vmem>>, vector<1x16xf32>,
      %get3A_974 = vector.shape_cast %get3A_973 : vector<1x16xf32> to vector<16xf32>
      %mul3A_975 = arith.mulf %get3A_974, %get3A_86 : vector<16xf32>
      %add3A_976 = arith.addf %mul3A_970, %mul3A_975 : vector<16xf32>
      %swap3A_977 = arith.index_cast %scan3A_75 : i32 to index
      %swap3A_978 = arith.constant 880 : index
      %swap3A_979 = tpu.vector_load %arg12[%swap3A_977, %swap3A_978] {strides = array<i32>} : memref<32x1024xf32, #tpu.memory_space<vmem>>, vector<1x16xf32>,
      %swap3A_980 = vector.shape_cast %swap3A_979 : vector<1x16xf32> to vector<16xf32>
      %swap3A_981 = vector.shape_cast %add3A_976 : vector<16xf32> to vector<1x16xf32>
      tpu.vector_store %arg12[%swap3A_977, %swap3A_978], %swap3A_981 {strides = array<i32>} : memref<32x1024xf32, #tpu.memory_space<vmem>>, vector<1x16xf32>,
      %get3A_982 = arith.index_cast %scan3A_75 : i32 to index
      %get3A_983 = arith.constant 896 : index
      %get3A_984 = tpu.vector_load %arg10[%get3A_982, %get3A_983] {strides = array<i32>} : memref<32x1024xf32, #tpu.memory_space<vmem>>, vector<1x16xf32>,
      %get3A_985 = vector.shape_cast %get3A_984 : vector<1x16xf32> to vector<16xf32>
      %mul3A_986 = arith.mulf %get3A_985, %get3A_80 : vector<16xf32>
      %get3A_987 = arith.index_cast %scan3A_75 : i32 to index
      %get3A_988 = arith.constant 896 : index
      %get3A_989 = tpu.vector_load %arg11[%get3A_987, %get3A_988] {strides = array<i32>} : memref<32x1024xf32, #tpu.memory_space<vmem>>, vector<1x16xf32>,
      %get3A_990 = vector.shape_cast %get3A_989 : vector<1x16xf32> to vector<16xf32>
      %mul3A_991 = arith.mulf %get3A_990, %get3A_86 : vector<16xf32>
      %add3A_992 = arith.addf %mul3A_986, %mul3A_991 : vector<16xf32>
      %swap3A_993 = arith.index_cast %scan3A_75 : i32 to index
      %swap3A_994 = arith.constant 896 : index
      %swap3A_995 = tpu.vector_load %arg12[%swap3A_993, %swap3A_994] {strides = array<i32>} : memref<32x1024xf32, #tpu.memory_space<vmem>>, vector<1x16xf32>,
      %swap3A_996 = vector.shape_cast %swap3A_995 : vector<1x16xf32> to vector<16xf32>
      %swap3A_997 = vector.shape_cast %add3A_992 : vector<16xf32> to vector<1x16xf32>
      tpu.vector_store %arg12[%swap3A_993, %swap3A_994], %swap3A_997 {strides = array<i32>} : memref<32x1024xf32, #tpu.memory_space<vmem>>, vector<1x16xf32>,
      %get3A_998 = arith.index_cast %scan3A_75 : i32 to index
      %get3A_999 = arith.constant 912 : index
      %get3A_1000 = tpu.vector_load %arg10[%get3A_998, %get3A_999] {strides = array<i32>} : memref<32x1024xf32, #tpu.memory_space<vmem>>, vector<1x16xf32>,
      %get3A_1001 = vector.shape_cast %get3A_1000 : vector<1x16xf32> to vector<16xf32>
      %mul3A_1002 = arith.mulf %get3A_1001, %get3A_80 : vector<16xf32>
      %get3A_1003 = arith.index_cast %scan3A_75 : i32 to index
      %get3A_1004 = arith.constant 912 : index
      %get3A_1005 = tpu.vector_load %arg11[%get3A_1003, %get3A_1004] {strides = array<i32>} : memref<32x1024xf32, #tpu.memory_space<vmem>>, vector<1x16xf32>,
      %get3A_1006 = vector.shape_cast %get3A_1005 : vector<1x16xf32> to vector<16xf32>
      %mul3A_1007 = arith.mulf %get3A_1006, %get3A_86 : vector<16xf32>
      %add3A_1008 = arith.addf %mul3A_1002, %mul3A_1007 : vector<16xf32>
      %swap3A_1009 = arith.index_cast %scan3A_75 : i32 to index
      %swap3A_1010 = arith.constant 912 : index
      %swap3A_1011 = tpu.vector_load %arg12[%swap3A_1009, %swap3A_1010] {strides = array<i32>} : memref<32x1024xf32, #tpu.memory_space<vmem>>, vector<1x16xf32>,
      %swap3A_1012 = vector.shape_cast %swap3A_1011 : vector<1x16xf32> to vector<16xf32>
      %swap3A_1013 = vector.shape_cast %add3A_1008 : vector<16xf32> to vector<1x16xf32>
      tpu.vector_store %arg12[%swap3A_1009, %swap3A_1010], %swap3A_1013 {strides = array<i32>} : memref<32x1024xf32, #tpu.memory_space<vmem>>, vector<1x16xf32>,
      %get3A_1014 = arith.index_cast %scan3A_75 : i32 to index
      %get3A_1015 = arith.constant 928 : index
      %get3A_1016 = tpu.vector_load %arg10[%get3A_1014, %get3A_1015] {strides = array<i32>} : memref<32x1024xf32, #tpu.memory_space<vmem>>, vector<1x16xf32>,
      %get3A_1017 = vector.shape_cast %get3A_1016 : vector<1x16xf32> to vector<16xf32>
      %mul3A_1018 = arith.mulf %get3A_1017, %get3A_80 : vector<16xf32>
      %get3A_1019 = arith.index_cast %scan3A_75 : i32 to index
      %get3A_1020 = arith.constant 928 : index
      %get3A_1021 = tpu.vector_load %arg11[%get3A_1019, %get3A_1020] {strides = array<i32>} : memref<32x1024xf32, #tpu.memory_space<vmem>>, vector<1x16xf32>,
      %get3A_1022 = vector.shape_cast %get3A_1021 : vector<1x16xf32> to vector<16xf32>
      %mul3A_1023 = arith.mulf %get3A_1022, %get3A_86 : vector<16xf32>
      %add3A_1024 = arith.addf %mul3A_1018, %mul3A_1023 : vector<16xf32>
      %swap3A_1025 = arith.index_cast %scan3A_75 : i32 to index
      %swap3A_1026 = arith.constant 928 : index
      %swap3A_1027 = tpu.vector_load %arg12[%swap3A_1025, %swap3A_1026] {strides = array<i32>} : memref<32x1024xf32, #tpu.memory_space<vmem>>, vector<1x16xf32>,
      %swap3A_1028 = vector.shape_cast %swap3A_1027 : vector<1x16xf32> to vector<16xf32>
      %swap3A_1029 = vector.shape_cast %add3A_1024 : vector<16xf32> to vector<1x16xf32>
      tpu.vector_store %arg12[%swap3A_1025, %swap3A_1026], %swap3A_1029 {strides = array<i32>} : memref<32x1024xf32, #tpu.memory_space<vmem>>, vector<1x16xf32>,
      %get3A_1030 = arith.index_cast %scan3A_75 : i32 to index
      %get3A_1031 = arith.constant 944 : index
      %get3A_1032 = tpu.vector_load %arg10[%get3A_1030, %get3A_1031] {strides = array<i32>} : memref<32x1024xf32, #tpu.memory_space<vmem>>, vector<1x16xf32>,
      %get3A_1033 = vector.shape_cast %get3A_1032 : vector<1x16xf32> to vector<16xf32>
      %mul3A_1034 = arith.mulf %get3A_1033, %get3A_80 : vector<16xf32>
      %get3A_1035 = arith.index_cast %scan3A_75 : i32 to index
      %get3A_1036 = arith.constant 944 : index
      %get3A_1037 = tpu.vector_load %arg11[%get3A_1035, %get3A_1036] {strides = array<i32>} : memref<32x1024xf32, #tpu.memory_space<vmem>>, vector<1x16xf32>,
      %get3A_1038 = vector.shape_cast %get3A_1037 : vector<1x16xf32> to vector<16xf32>
      %mul3A_1039 = arith.mulf %get3A_1038, %get3A_86 : vector<16xf32>
      %add3A_1040 = arith.addf %mul3A_1034, %mul3A_1039 : vector<16xf32>
      %swap3A_1041 = arith.index_cast %scan3A_75 : i32 to index
      %swap3A_1042 = arith.constant 944 : index
      %swap3A_1043 = tpu.vector_load %arg12[%swap3A_1041, %swap3A_1042] {strides = array<i32>} : memref<32x1024xf32, #tpu.memory_space<vmem>>, vector<1x16xf32>,
      %swap3A_1044 = vector.shape_cast %swap3A_1043 : vector<1x16xf32> to vector<16xf32>
      %swap3A_1045 = vector.shape_cast %add3A_1040 : vector<16xf32> to vector<1x16xf32>
      tpu.vector_store %arg12[%swap3A_1041, %swap3A_1042], %swap3A_1045 {strides = array<i32>} : memref<32x1024xf32, #tpu.memory_space<vmem>>, vector<1x16xf32>,
      %get3A_1046 = arith.index_cast %scan3A_75 : i32 to index
      %get3A_1047 = arith.constant 960 : index
      %get3A_1048 = tpu.vector_load %arg10[%get3A_1046, %get3A_1047] {strides = array<i32>} : memref<32x1024xf32, #tpu.memory_space<vmem>>, vector<1x16xf32>,
      %get3A_1049 = vector.shape_cast %get3A_1048 : vector<1x16xf32> to vector<16xf32>
      %mul3A_1050 = arith.mulf %get3A_1049, %get3A_80 : vector<16xf32>
      %get3A_1051 = arith.index_cast %scan3A_75 : i32 to index
      %get3A_1052 = arith.constant 960 : index
      %get3A_1053 = tpu.vector_load %arg11[%get3A_1051, %get3A_1052] {strides = array<i32>} : memref<32x1024xf32, #tpu.memory_space<vmem>>, vector<1x16xf32>,
      %get3A_1054 = vector.shape_cast %get3A_1053 : vector<1x16xf32> to vector<16xf32>
      %mul3A_1055 = arith.mulf %get3A_1054, %get3A_86 : vector<16xf32>
      %add3A_1056 = arith.addf %mul3A_1050, %mul3A_1055 : vector<16xf32>
      %swap3A_1057 = arith.index_cast %scan3A_75 : i32 to index
      %swap3A_1058 = arith.constant 960 : index
      %swap3A_1059 = tpu.vector_load %arg12[%swap3A_1057, %swap3A_1058] {strides = array<i32>} : memref<32x1024xf32, #tpu.memory_space<vmem>>, vector<1x16xf32>,
      %swap3A_1060 = vector.shape_cast %swap3A_1059 : vector<1x16xf32> to vector<16xf32>
      %swap3A_1061 = vector.shape_cast %add3A_1056 : vector<16xf32> to vector<1x16xf32>
      tpu.vector_store %arg12[%swap3A_1057, %swap3A_1058], %swap3A_1061 {strides = array<i32>} : memref<32x1024xf32, #tpu.memory_space<vmem>>, vector<1x16xf32>,
      %get3A_1062 = arith.index_cast %scan3A_75 : i32 to index
      %get3A_1063 = arith.constant 976 : index
      %get3A_1064 = tpu.vector_load %arg10[%get3A_1062, %get3A_1063] {strides = array<i32>} : memref<32x1024xf32, #tpu.memory_space<vmem>>, vector<1x16xf32>,
      %get3A_1065 = vector.shape_cast %get3A_1064 : vector<1x16xf32> to vector<16xf32>
      %mul3A_1066 = arith.mulf %get3A_1065, %get3A_80 : vector<16xf32>
      %get3A_1067 = arith.index_cast %scan3A_75 : i32 to index
      %get3A_1068 = arith.constant 976 : index
      %get3A_1069 = tpu.vector_load %arg11[%get3A_1067, %get3A_1068] {strides = array<i32>} : memref<32x1024xf32, #tpu.memory_space<vmem>>, vector<1x16xf32>,
      %get3A_1070 = vector.shape_cast %get3A_1069 : vector<1x16xf32> to vector<16xf32>
      %mul3A_1071 = arith.mulf %get3A_1070, %get3A_86 : vector<16xf32>
      %add3A_1072 = arith.addf %mul3A_1066, %mul3A_1071 : vector<16xf32>
      %swap3A_1073 = arith.index_cast %scan3A_75 : i32 to index
      %swap3A_1074 = arith.constant 976 : index
      %swap3A_1075 = tpu.vector_load %arg12[%swap3A_1073, %swap3A_1074] {strides = array<i32>} : memref<32x1024xf32, #tpu.memory_space<vmem>>, vector<1x16xf32>,
      %swap3A_1076 = vector.shape_cast %swap3A_1075 : vector<1x16xf32> to vector<16xf32>
      %swap3A_1077 = vector.shape_cast %add3A_1072 : vector<16xf32> to vector<1x16xf32>
      tpu.vector_store %arg12[%swap3A_1073, %swap3A_1074], %swap3A_1077 {strides = array<i32>} : memref<32x1024xf32, #tpu.memory_space<vmem>>, vector<1x16xf32>,
      %get3A_1078 = arith.index_cast %scan3A_75 : i32 to index
      %get3A_1079 = arith.constant 992 : index
      %get3A_1080 = tpu.vector_load %arg10[%get3A_1078, %get3A_1079] {strides = array<i32>} : memref<32x1024xf32, #tpu.memory_space<vmem>>, vector<1x16xf32>,
      %get3A_1081 = vector.shape_cast %get3A_1080 : vector<1x16xf32> to vector<16xf32>
      %mul3A_1082 = arith.mulf %get3A_1081, %get3A_80 : vector<16xf32>
      %get3A_1083 = arith.index_cast %scan3A_75 : i32 to index
      %get3A_1084 = arith.constant 992 : index
      %get3A_1085 = tpu.vector_load %arg11[%get3A_1083, %get3A_1084] {strides = array<i32>} : memref<32x1024xf32, #tpu.memory_space<vmem>>, vector<1x16xf32>,
      %get3A_1086 = vector.shape_cast %get3A_1085 : vector<1x16xf32> to vector<16xf32>
      %mul3A_1087 = arith.mulf %get3A_1086, %get3A_86 : vector<16xf32>
      %add3A_1088 = arith.addf %mul3A_1082, %mul3A_1087 : vector<16xf32>
      %swap3A_1089 = arith.index_cast %scan3A_75 : i32 to index
      %swap3A_1090 = arith.constant 992 : index
      %swap3A_1091 = tpu.vector_load %arg12[%swap3A_1089, %swap3A_1090] {strides = array<i32>} : memref<32x1024xf32, #tpu.memory_space<vmem>>, vector<1x16xf32>,
      %swap3A_1092 = vector.shape_cast %swap3A_1091 : vector<1x16xf32> to vector<16xf32>
      %swap3A_1093 = vector.shape_cast %add3A_1088 : vector<16xf32> to vector<1x16xf32>
      tpu.vector_store %arg12[%swap3A_1089, %swap3A_1090], %swap3A_1093 {strides = array<i32>} : memref<32x1024xf32, #tpu.memory_space<vmem>>, vector<1x16xf32>,
      %get3A_1094 = arith.index_cast %scan3A_75 : i32 to index
      %get3A_1095 = arith.constant 1008 : index
      %get3A_1096 = tpu.vector_load %arg10[%get3A_1094, %get3A_1095] {strides = array<i32>} : memref<32x1024xf32, #tpu.memory_space<vmem>>, vector<1x16xf32>,
      %get3A_1097 = vector.shape_cast %get3A_1096 : vector<1x16xf32> to vector<16xf32>
      %mul3A_1098 = arith.mulf %get3A_1097, %get3A_80 : vector<16xf32>
      %get3A_1099 = arith.index_cast %scan3A_75 : i32 to index
      %get3A_1100 = arith.constant 1008 : index
      %get3A_1101 = tpu.vector_load %arg11[%get3A_1099, %get3A_1100] {strides = array<i32>} : memref<32x1024xf32, #tpu.memory_space<vmem>>, vector<1x16xf32>,
      %get3A_1102 = vector.shape_cast %get3A_1101 : vector<1x16xf32> to vector<16xf32>
      %mul3A_1103 = arith.mulf %get3A_1102, %get3A_86 : vector<16xf32>
      %add3A_1104 = arith.addf %mul3A_1098, %mul3A_1103 : vector<16xf32>
      %swap3A_1105 = arith.index_cast %scan3A_75 : i32 to index
      %swap3A_1106 = arith.constant 1008 : index
      %swap3A_1107 = tpu.vector_load %arg12[%swap3A_1105, %swap3A_1106] {strides = array<i32>} : memref<32x1024xf32, #tpu.memory_space<vmem>>, vector<1x16xf32>,
      %swap3A_1108 = vector.shape_cast %swap3A_1107 : vector<1x16xf32> to vector<16xf32>
      %swap3A_1109 = vector.shape_cast %add3A_1104 : vector<16xf32> to vector<1x16xf32>
      tpu.vector_store %arg12[%swap3A_1105, %swap3A_1106], %swap3A_1109 {strides = array<i32>} : memref<32x1024xf32, #tpu.memory_space<vmem>>, vector<1x16xf32>,
    }
    %scan3A_72 = arith.constant 32 : i32
    %add3A_73 = arith.constant 32 : i32
    %add3A_74 = arith.addi %mul3A_2, %add3A_73 : i32
    "tpu.region"() ({
      %run_scoped3A_75 = tpu.sem_alloc : memref<!tpu.dma_semaphore, #tpu.memory_space<semaphore_mem>>
      %dma_start3A_76 = arith.constant 0 : i32
      %dma_start3A_77 = tpu.memref_slice %arg6[%add3A_74, %dma_start3A_76] : memref<2048x1024xf32, #tpu.memory_space<hbm>> -> memref<32x1024xf32, #tpu.memory_space<hbm>>
      %dma_start3A_78 = arith.constant 0 : i32
      %dma_start3A_79 = tpu.memref_slice %arg6[%add3A_74, %dma_start3A_78] : memref<2048x1024xf32, #tpu.memory_space<hbm>> -> memref<32x1024xf32, #tpu.memory_space<hbm>>
      tpu.enqueue_dma source(%arg12 : memref<32x1024xf32, #tpu.memory_space<vmem>>) target(%dma_start3A_79 : memref<32x1024xf32, #tpu.memory_space<hbm>>) target_semaphore(%run_scoped3A_75 : memref<!tpu.dma_semaphore, #tpu.memory_space<semaphore_mem>>)
      %dma_wait3A_80 = arith.constant 0 : i32
      %dma_wait3A_81 = tpu.memref_slice %arg6[%add3A_74, %dma_wait3A_80] : memref<2048x1024xf32, #tpu.memory_space<hbm>> -> memref<32x1024xf32, #tpu.memory_space<hbm>>
      %dma_wait3A_82 = arith.constant 0 : i32
      %dma_wait3A_83 = tpu.memref_slice %arg6[%add3A_74, %dma_wait3A_82] : memref<2048x1024xf32, #tpu.memory_space<hbm>> -> memref<32x1024xf32, #tpu.memory_space<hbm>>
      tpu.wait_dma2 semaphore(%run_scoped3A_75 : memref<!tpu.dma_semaphore, #tpu.memory_space<semaphore_mem>>) src(%arg12 : memref<32x1024xf32, #tpu.memory_space<vmem>>) dst(%dma_wait3A_83 : memref<32x1024xf32, #tpu.memory_space<hbm>>)
      tpu.yield
    }) : () -> ()
    return
  }
}

#map = affine_map<(d0, d1) -> (0, 0)>
module attributes {stable_mosaic.version = 14 : i64} {
  func.func @_dispatch_sc(%arg0: i32, %arg1: i32, %arg2: memref<8x2048xi32, #tpu.memory_space<hbm>>, %arg3: memref<2048x1024xf32, #tpu.memory_space<hbm>>, %arg4: memref<6144x1024xf32, #tpu.memory_space<hbm>>, %arg5: memref<2x64xi32, #tpu.memory_space<vmem>>, %arg6: memref<64x1024xf32, #tpu.memory_space<vmem>>, %arg7: memref<!tpu.dma_semaphore, #tpu.memory_space<semaphore_mem>>, %arg8: memref<!tpu.dma_semaphore, #tpu.memory_space<semaphore_mem>>) attributes {dimension_semantics = [#tpu.dimension_semantics<core_parallel>, #tpu.dimension_semantics<subcore_parallel>], iteration_bounds = array<i64: 2, 16>, scalar_prefetch = 0 : i64, scratch_operands = 4 : i64, tpu.core_type = #tpu.core_type<sc_vector_subcore>, window_params = [{transform_indices = #map}, {transform_indices = #map}, {transform_indices = #map}]} {
    %mul3A = arith.constant 2 : i32
    %mul3A_0 = arith.muli %arg1, %mul3A : i32
    %add3A = arith.addi %mul3A_0, %arg0 : i32
    %mul3A_1 = arith.constant 64 : i32
    %mul3A_2 = arith.muli %add3A, %mul3A_1 : i32
    %run_scoped3A = arith.constant 0 : i32
    %run_scoped3A_3 = arith.constant 0 : i32
    "tpu.region"() ({
      %run_scoped3A_32 = tpu.sem_alloc : memref<!tpu.dma_semaphore, #tpu.memory_space<semaphore_mem>>
      %dma_start3A_33 = arith.constant 0 : i32
      %dma_start3A_34 = tpu.memref_slice %arg5[%run_scoped3A_3, %dma_start3A_33] : memref<2x64xi32, #tpu.memory_space<vmem>> -> memref<1x64xi32, #tpu.memory_space<vmem>>
      %dma_start3A_35 = tpu.memref_squeeze %dma_start3A_34 : memref<1x64xi32, #tpu.memory_space<vmem>> -> memref<64xi32, #tpu.memory_space<vmem>>
      %dma_start3A_36 = tpu.memref_slice %arg2[%run_scoped3A, %mul3A_2] : memref<8x2048xi32, #tpu.memory_space<hbm>> -> memref<1x64xi32, #tpu.memory_space<hbm>>
      %dma_start3A_37 = tpu.memref_squeeze %dma_start3A_36 : memref<1x64xi32, #tpu.memory_space<hbm>> -> memref<64xi32, #tpu.memory_space<hbm>>
      %dma_start3A_38 = arith.constant 0 : i32
      %dma_start3A_39 = tpu.memref_slice %arg5[%run_scoped3A_3, %dma_start3A_38] : memref<2x64xi32, #tpu.memory_space<vmem>> -> memref<1x64xi32, #tpu.memory_space<vmem>>
      %dma_start3A_40 = tpu.memref_squeeze %dma_start3A_39 : memref<1x64xi32, #tpu.memory_space<vmem>> -> memref<64xi32, #tpu.memory_space<vmem>>
      %dma_start3A_41 = tpu.memref_slice %arg2[%run_scoped3A, %mul3A_2] : memref<8x2048xi32, #tpu.memory_space<hbm>> -> memref<1x64xi32, #tpu.memory_space<hbm>>
      %dma_start3A_42 = tpu.memref_squeeze %dma_start3A_41 : memref<1x64xi32, #tpu.memory_space<hbm>> -> memref<64xi32, #tpu.memory_space<hbm>>
      tpu.enqueue_dma source(%dma_start3A_42 : memref<64xi32, #tpu.memory_space<hbm>>) target(%dma_start3A_40 : memref<64xi32, #tpu.memory_space<vmem>>) target_semaphore(%run_scoped3A_32 : memref<!tpu.dma_semaphore, #tpu.memory_space<semaphore_mem>>)
      %dma_wait3A_43 = arith.constant 0 : i32
      %dma_wait3A_44 = tpu.memref_slice %arg5[%run_scoped3A_3, %dma_wait3A_43] : memref<2x64xi32, #tpu.memory_space<vmem>> -> memref<1x64xi32, #tpu.memory_space<vmem>>
      %dma_wait3A_45 = tpu.memref_squeeze %dma_wait3A_44 : memref<1x64xi32, #tpu.memory_space<vmem>> -> memref<64xi32, #tpu.memory_space<vmem>>
      %dma_wait3A_46 = tpu.memref_slice %arg2[%run_scoped3A, %mul3A_2] : memref<8x2048xi32, #tpu.memory_space<hbm>> -> memref<1x64xi32, #tpu.memory_space<hbm>>
      %dma_wait3A_47 = tpu.memref_squeeze %dma_wait3A_46 : memref<1x64xi32, #tpu.memory_space<hbm>> -> memref<64xi32, #tpu.memory_space<hbm>>
      %dma_wait3A_48 = arith.constant 0 : i32
      %dma_wait3A_49 = tpu.memref_slice %arg5[%run_scoped3A_3, %dma_wait3A_48] : memref<2x64xi32, #tpu.memory_space<vmem>> -> memref<1x64xi32, #tpu.memory_space<vmem>>
      %dma_wait3A_50 = tpu.memref_squeeze %dma_wait3A_49 : memref<1x64xi32, #tpu.memory_space<vmem>> -> memref<64xi32, #tpu.memory_space<vmem>>
      %dma_wait3A_51 = tpu.memref_slice %arg2[%run_scoped3A, %mul3A_2] : memref<8x2048xi32, #tpu.memory_space<hbm>> -> memref<1x64xi32, #tpu.memory_space<hbm>>
      %dma_wait3A_52 = tpu.memref_squeeze %dma_wait3A_51 : memref<1x64xi32, #tpu.memory_space<hbm>> -> memref<64xi32, #tpu.memory_space<hbm>>
      tpu.wait_dma2 semaphore(%run_scoped3A_32 : memref<!tpu.dma_semaphore, #tpu.memory_space<semaphore_mem>>) src(%dma_wait3A_52 : memref<64xi32, #tpu.memory_space<hbm>>) dst(%dma_wait3A_50 : memref<64xi32, #tpu.memory_space<vmem>>)
      tpu.yield
    }) : () -> ()
    %run_scoped3A_4 = arith.constant 1 : i32
    %run_scoped3A_5 = arith.constant 1 : i32
    "tpu.region"() ({
      %run_scoped3A_32 = tpu.sem_alloc : memref<!tpu.dma_semaphore, #tpu.memory_space<semaphore_mem>>
      %dma_start3A_33 = arith.constant 0 : i32
      %dma_start3A_34 = tpu.memref_slice %arg5[%run_scoped3A_5, %dma_start3A_33] : memref<2x64xi32, #tpu.memory_space<vmem>> -> memref<1x64xi32, #tpu.memory_space<vmem>>
      %dma_start3A_35 = tpu.memref_squeeze %dma_start3A_34 : memref<1x64xi32, #tpu.memory_space<vmem>> -> memref<64xi32, #tpu.memory_space<vmem>>
      %dma_start3A_36 = tpu.memref_slice %arg2[%run_scoped3A_4, %mul3A_2] : memref<8x2048xi32, #tpu.memory_space<hbm>> -> memref<1x64xi32, #tpu.memory_space<hbm>>
      %dma_start3A_37 = tpu.memref_squeeze %dma_start3A_36 : memref<1x64xi32, #tpu.memory_space<hbm>> -> memref<64xi32, #tpu.memory_space<hbm>>
      %dma_start3A_38 = arith.constant 0 : i32
      %dma_start3A_39 = tpu.memref_slice %arg5[%run_scoped3A_5, %dma_start3A_38] : memref<2x64xi32, #tpu.memory_space<vmem>> -> memref<1x64xi32, #tpu.memory_space<vmem>>
      %dma_start3A_40 = tpu.memref_squeeze %dma_start3A_39 : memref<1x64xi32, #tpu.memory_space<vmem>> -> memref<64xi32, #tpu.memory_space<vmem>>
      %dma_start3A_41 = tpu.memref_slice %arg2[%run_scoped3A_4, %mul3A_2] : memref<8x2048xi32, #tpu.memory_space<hbm>> -> memref<1x64xi32, #tpu.memory_space<hbm>>
      %dma_start3A_42 = tpu.memref_squeeze %dma_start3A_41 : memref<1x64xi32, #tpu.memory_space<hbm>> -> memref<64xi32, #tpu.memory_space<hbm>>
      tpu.enqueue_dma source(%dma_start3A_42 : memref<64xi32, #tpu.memory_space<hbm>>) target(%dma_start3A_40 : memref<64xi32, #tpu.memory_space<vmem>>) target_semaphore(%run_scoped3A_32 : memref<!tpu.dma_semaphore, #tpu.memory_space<semaphore_mem>>)
      %dma_wait3A_43 = arith.constant 0 : i32
      %dma_wait3A_44 = tpu.memref_slice %arg5[%run_scoped3A_5, %dma_wait3A_43] : memref<2x64xi32, #tpu.memory_space<vmem>> -> memref<1x64xi32, #tpu.memory_space<vmem>>
      %dma_wait3A_45 = tpu.memref_squeeze %dma_wait3A_44 : memref<1x64xi32, #tpu.memory_space<vmem>> -> memref<64xi32, #tpu.memory_space<vmem>>
      %dma_wait3A_46 = tpu.memref_slice %arg2[%run_scoped3A_4, %mul3A_2] : memref<8x2048xi32, #tpu.memory_space<hbm>> -> memref<1x64xi32, #tpu.memory_space<hbm>>
      %dma_wait3A_47 = tpu.memref_squeeze %dma_wait3A_46 : memref<1x64xi32, #tpu.memory_space<hbm>> -> memref<64xi32, #tpu.memory_space<hbm>>
      %dma_wait3A_48 = arith.constant 0 : i32
      %dma_wait3A_49 = tpu.memref_slice %arg5[%run_scoped3A_5, %dma_wait3A_48] : memref<2x64xi32, #tpu.memory_space<vmem>> -> memref<1x64xi32, #tpu.memory_space<vmem>>
      %dma_wait3A_50 = tpu.memref_squeeze %dma_wait3A_49 : memref<1x64xi32, #tpu.memory_space<vmem>> -> memref<64xi32, #tpu.memory_space<vmem>>
      %dma_wait3A_51 = tpu.memref_slice %arg2[%run_scoped3A_4, %mul3A_2] : memref<8x2048xi32, #tpu.memory_space<hbm>> -> memref<1x64xi32, #tpu.memory_space<hbm>>
      %dma_wait3A_52 = tpu.memref_squeeze %dma_wait3A_51 : memref<1x64xi32, #tpu.memory_space<hbm>> -> memref<64xi32, #tpu.memory_space<hbm>>
      tpu.wait_dma2 semaphore(%run_scoped3A_32 : memref<!tpu.dma_semaphore, #tpu.memory_space<semaphore_mem>>) src(%dma_wait3A_52 : memref<64xi32, #tpu.memory_space<hbm>>) dst(%dma_wait3A_50 : memref<64xi32, #tpu.memory_space<vmem>>)
      tpu.yield
    }) : () -> ()
    "tpu.region"() ({
      %run_scoped3A_32 = tpu.sem_alloc : memref<!tpu.dma_semaphore, #tpu.memory_space<semaphore_mem>>
      %dma_start3A_33 = arith.constant 0 : i32
      %dma_start3A_34 = tpu.memref_slice %arg3[%mul3A_2, %dma_start3A_33] : memref<2048x1024xf32, #tpu.memory_space<hbm>> -> memref<64x1024xf32, #tpu.memory_space<hbm>>
      %dma_start3A_35 = arith.constant 0 : i32
      %dma_start3A_36 = tpu.memref_slice %arg3[%mul3A_2, %dma_start3A_35] : memref<2048x1024xf32, #tpu.memory_space<hbm>> -> memref<64x1024xf32, #tpu.memory_space<hbm>>
      tpu.enqueue_dma source(%dma_start3A_36 : memref<64x1024xf32, #tpu.memory_space<hbm>>) target(%arg6 : memref<64x1024xf32, #tpu.memory_space<vmem>>) target_semaphore(%run_scoped3A_32 : memref<!tpu.dma_semaphore, #tpu.memory_space<semaphore_mem>>)
      %dma_wait3A_37 = arith.constant 0 : i32
      %dma_wait3A_38 = tpu.memref_slice %arg3[%mul3A_2, %dma_wait3A_37] : memref<2048x1024xf32, #tpu.memory_space<hbm>> -> memref<64x1024xf32, #tpu.memory_space<hbm>>
      %dma_wait3A_39 = arith.constant 0 : i32
      %dma_wait3A_40 = tpu.memref_slice %arg3[%mul3A_2, %dma_wait3A_39] : memref<2048x1024xf32, #tpu.memory_space<hbm>> -> memref<64x1024xf32, #tpu.memory_space<hbm>>
      tpu.wait_dma2 semaphore(%run_scoped3A_32 : memref<!tpu.dma_semaphore, #tpu.memory_space<semaphore_mem>>) src(%dma_wait3A_40 : memref<64x1024xf32, #tpu.memory_space<hbm>>) dst(%arg6 : memref<64x1024xf32, #tpu.memory_space<vmem>>)
      tpu.yield
    }) : () -> ()
    %dma_start3A = arith.constant 0 : i32
    %dma_start3A_6 = arith.constant 0 : i32
    %dma_start3A_7 = tpu.memref_slice %arg5[%dma_start3A, %dma_start3A_6] : memref<2x64xi32, #tpu.memory_space<vmem>> -> memref<1x64xi32, #tpu.memory_space<vmem>>
    %dma_start3A_8 = tpu.memref_squeeze %dma_start3A_7 : memref<1x64xi32, #tpu.memory_space<vmem>> -> memref<64xi32, #tpu.memory_space<vmem>>
    %dma_start3A_9 = arith.constant 0 : i32
    %dma_start3A_10 = arith.constant 0 : i32
    %dma_start3A_11 = tpu.memref_slice %arg4[%dma_start3A_9, %dma_start3A_10] : memref<6144x1024xf32, #tpu.memory_space<hbm>> -> memref<6144x1024xf32, #tpu.memory_space<hbm>>
    tpu.enqueue_indirect_dma source(%arg6 : memref<64x1024xf32, #tpu.memory_space<vmem>>) target(%dma_start3A_11 : memref<6144x1024xf32, #tpu.memory_space<hbm>>) offsets(%dma_start3A_8 : memref<64xi32, #tpu.memory_space<vmem>>) semaphore(%arg7 : memref<!tpu.dma_semaphore, #tpu.memory_space<semaphore_mem>>)
    %dma_start3A_12 = arith.constant 1 : i32
    %dma_start3A_13 = arith.constant 0 : i32
    %dma_start3A_14 = tpu.memref_slice %arg5[%dma_start3A_12, %dma_start3A_13] : memref<2x64xi32, #tpu.memory_space<vmem>> -> memref<1x64xi32, #tpu.memory_space<vmem>>
    %dma_start3A_15 = tpu.memref_squeeze %dma_start3A_14 : memref<1x64xi32, #tpu.memory_space<vmem>> -> memref<64xi32, #tpu.memory_space<vmem>>
    %dma_start3A_16 = arith.constant 0 : i32
    %dma_start3A_17 = arith.constant 0 : i32
    %dma_start3A_18 = tpu.memref_slice %arg4[%dma_start3A_16, %dma_start3A_17] : memref<6144x1024xf32, #tpu.memory_space<hbm>> -> memref<6144x1024xf32, #tpu.memory_space<hbm>>
    tpu.enqueue_indirect_dma source(%arg6 : memref<64x1024xf32, #tpu.memory_space<vmem>>) target(%dma_start3A_18 : memref<6144x1024xf32, #tpu.memory_space<hbm>>) offsets(%dma_start3A_15 : memref<64xi32, #tpu.memory_space<vmem>>) semaphore(%arg8 : memref<!tpu.dma_semaphore, #tpu.memory_space<semaphore_mem>>)
    %dma_wait3A = arith.constant 0 : i32
    %dma_wait3A_19 = arith.constant 0 : i32
    %dma_wait3A_20 = tpu.memref_slice %arg5[%dma_wait3A, %dma_wait3A_19] : memref<2x64xi32, #tpu.memory_space<vmem>> -> memref<1x64xi32, #tpu.memory_space<vmem>>
    %dma_wait3A_21 = tpu.memref_squeeze %dma_wait3A_20 : memref<1x64xi32, #tpu.memory_space<vmem>> -> memref<64xi32, #tpu.memory_space<vmem>>
    %dma_wait3A_22 = arith.constant 0 : i32
    %dma_wait3A_23 = arith.constant 0 : i32
    %dma_wait3A_24 = tpu.memref_slice %arg4[%dma_wait3A_22, %dma_wait3A_23] : memref<6144x1024xf32, #tpu.memory_space<hbm>> -> memref<6144x1024xf32, #tpu.memory_space<hbm>>
    tpu.wait_indirect_dma semaphore(%arg7 : memref<!tpu.dma_semaphore, #tpu.memory_space<semaphore_mem>>) src(%arg6 : memref<64x1024xf32, #tpu.memory_space<vmem>>) dst(%dma_wait3A_24 : memref<6144x1024xf32, #tpu.memory_space<hbm>>)
    %dma_wait3A_25 = arith.constant 1 : i32
    %dma_wait3A_26 = arith.constant 0 : i32
    %dma_wait3A_27 = tpu.memref_slice %arg5[%dma_wait3A_25, %dma_wait3A_26] : memref<2x64xi32, #tpu.memory_space<vmem>> -> memref<1x64xi32, #tpu.memory_space<vmem>>
    %dma_wait3A_28 = tpu.memref_squeeze %dma_wait3A_27 : memref<1x64xi32, #tpu.memory_space<vmem>> -> memref<64xi32, #tpu.memory_space<vmem>>
    %dma_wait3A_29 = arith.constant 0 : i32
    %dma_wait3A_30 = arith.constant 0 : i32
    %dma_wait3A_31 = tpu.memref_slice %arg4[%dma_wait3A_29, %dma_wait3A_30] : memref<6144x1024xf32, #tpu.memory_space<hbm>> -> memref<6144x1024xf32, #tpu.memory_space<hbm>>
    tpu.wait_indirect_dma semaphore(%arg8 : memref<!tpu.dma_semaphore, #tpu.memory_space<semaphore_mem>>) src(%arg6 : memref<64x1024xf32, #tpu.memory_space<vmem>>) dst(%dma_wait3A_31 : memref<6144x1024xf32, #tpu.memory_space<hbm>>)
    return
  }
}

module attributes {stable_mosaic.version = 14 : i64} {
  func.func @_meta_kernel(%arg0: memref<2048x1024xf32, #tpu.memory_space<vmem>>, %arg1: memref<1024x16xf32, #tpu.memory_space<vmem>>, %arg2: memref<1x16xf32, #tpu.memory_space<vmem>>, %arg3: memref<8x2048xi32, #tpu.memory_space<vmem>>, %arg4: memref<2048x16xf32, #tpu.memory_space<vmem>>, %arg5: memref<2048x16xf32, #tpu.memory_space<vmem>>, %arg6: memref<64x8xi32, #tpu.memory_space<vmem>>, %arg7: memref<8x128xf32, #tpu.memory_space<vmem>>) attributes {dimension_semantics = [], scalar_prefetch = 0 : i64, scratch_operands = 0 : i64, tpu.core_type = #tpu.core_type<tc>} {
    %get3A = arith.constant 0 : index
    %get3A_0 = arith.constant 0 : index
    %get3A_1 = vector.load %arg0[%get3A, %get3A_0] : memref<2048x1024xf32, #tpu.memory_space<vmem>>, vector<2048x1024xf32>
    %get3A_2 = arith.constant 0 : index
    %get3A_3 = arith.constant 0 : index
    %get3A_4 = vector.load %arg1[%get3A_2, %get3A_3] : memref<1024x16xf32, #tpu.memory_space<vmem>>, vector<1024x16xf32>
    %dot_general3A = arith.constant dense<0.000000e+00> : vector<2048x16xf32>
    %dot_general3A_5 = tpu.matmul %get3A_1, %get3A_4, %dot_general3A {dimension_numbers = #tpu.dot_dimension_numbers<[1], [0], [0], [1], [0, 0, 1, 1], [], []>, transpose_lhs_hint = false} : vector<2048x1024xf32>, vector<1024x16xf32>, vector<2048x16xf32> -> vector<2048x16xf32>
    %get3A_6 = arith.constant 0 : index
    %get3A_7 = arith.constant 0 : index
    %get3A_8 = vector.load %arg2[%get3A_6, %get3A_7] : memref<1x16xf32, #tpu.memory_space<vmem>>, vector<1x16xf32>
    %add3A = vector.broadcast %get3A_8 : vector<1x16xf32> to vector<2048x16xf32>
    %add3A_9 = arith.addf %dot_general3A_5, %add3A : vector<2048x16xf32>
    %iota3A = tpu.iota {dimensions = array<i32: 1>} : vector<2048x16xi32>
    %reduce_max3A = arith.constant dense<0xFF800000> : vector<2048xf32>
    %reduce_max3A_10 = vector.multi_reduction <maximumf>, %add3A_9, %reduce_max3A [1] : vector<2048x16xf32> to vector<2048xf32>
    %broadcast_in_dim3A = vector.shape_cast %reduce_max3A_10 : vector<2048xf32> to vector<2048x1xf32>
    %eq3A = vector.broadcast %broadcast_in_dim3A : vector<2048x1xf32> to vector<2048x16xf32>
    %eq3A_11 = arith.cmpf oeq, %add3A_9, %eq3A : vector<2048x16xf32>
    %jit3A = arith.constant 1073741824 : i32
    %broadcast_in_dim3A_12 = vector.broadcast %jit3A : i32 to vector<2048x16xi32>
    %select_n3A = arith.select %eq3A_11, %iota3A, %broadcast_in_dim3A_12 : vector<2048x16xi1>, vector<2048x16xi32>
    %reduce_min3A = arith.constant dense<2147483647> : vector<2048xi32>
    %reduce_min3A_13 = vector.multi_reduction <minsi>, %select_n3A, %reduce_min3A [1] : vector<2048x16xi32> to vector<2048xi32>
    %broadcast_in_dim3A_14 = vector.shape_cast %reduce_min3A_13 : vector<2048xi32> to vector<2048x1xi32>
    %eq3A_15 = vector.broadcast %broadcast_in_dim3A_14 : vector<2048x1xi32> to vector<2048x16xi32>
    %eq3A_16 = arith.cmpi eq, %iota3A, %eq3A_15 : vector<2048x16xi32>
    %convert_element_type3A = arith.extui %eq3A_16 : vector<2048x16xi1> to vector<2048x16xi32>
    %convert_element_type3A_17 = arith.sitofp %convert_element_type3A : vector<2048x16xi32> to vector<2048x16xf32>
    %gt3A = arith.constant 0.000000e+00 : f32
    %gt3A_18 = vector.broadcast %gt3A : f32 to vector<2048x16xf32>
    %gt3A_19 = arith.cmpf ogt, %convert_element_type3A_17, %gt3A_18 : vector<2048x16xf32>
    %jit3A_20 = arith.constant -1.000000e+30 : f32
    %broadcast_in_dim3A_21 = vector.broadcast %jit3A_20 : f32 to vector<2048x16xf32>
    %select_n3A_22 = arith.select %gt3A_19, %broadcast_in_dim3A_21, %add3A_9 : vector<2048x16xi1>, vector<2048x16xf32>
    %reduce_max3A_23 = arith.constant dense<0xFF800000> : vector<2048xf32>
    %reduce_max3A_24 = vector.multi_reduction <maximumf>, %select_n3A_22, %reduce_max3A_23 [1] : vector<2048x16xf32> to vector<2048xf32>
    %broadcast_in_dim3A_25 = vector.shape_cast %reduce_max3A_24 : vector<2048xf32> to vector<2048x1xf32>
    %eq3A_26 = vector.broadcast %broadcast_in_dim3A_25 : vector<2048x1xf32> to vector<2048x16xf32>
    %eq3A_27 = arith.cmpf oeq, %select_n3A_22, %eq3A_26 : vector<2048x16xf32>
    %jit3A_28 = arith.constant 1073741824 : i32
    %broadcast_in_dim3A_29 = vector.broadcast %jit3A_28 : i32 to vector<2048x16xi32>
    %select_n3A_30 = arith.select %eq3A_27, %iota3A, %broadcast_in_dim3A_29 : vector<2048x16xi1>, vector<2048x16xi32>
    %reduce_min3A_31 = arith.constant dense<2147483647> : vector<2048xi32>
    %reduce_min3A_32 = vector.multi_reduction <minsi>, %select_n3A_30, %reduce_min3A_31 [1] : vector<2048x16xi32> to vector<2048xi32>
    %broadcast_in_dim3A_33 = vector.shape_cast %reduce_min3A_32 : vector<2048xi32> to vector<2048x1xi32>
    %eq3A_34 = vector.broadcast %broadcast_in_dim3A_33 : vector<2048x1xi32> to vector<2048x16xi32>
    %eq3A_35 = arith.cmpi eq, %iota3A, %eq3A_34 : vector<2048x16xi32>
    %convert_element_type3A_36 = arith.extui %eq3A_35 : vector<2048x16xi1> to vector<2048x16xi32>
    %convert_element_type3A_37 = arith.sitofp %convert_element_type3A_36 : vector<2048x16xi32> to vector<2048x16xf32>
    %mul3A = arith.mulf %dot_general3A_5, %convert_element_type3A_17 : vector<2048x16xf32>
    %reduce_sum3A = arith.constant dense<0.000000e+00> : vector<2048xf32>
    %reduce_sum3A_38 = vector.multi_reduction <add>, %mul3A, %reduce_sum3A [1] : vector<2048x16xf32> to vector<2048xf32>
    %broadcast_in_dim3A_39 = vector.shape_cast %reduce_sum3A_38 : vector<2048xf32> to vector<2048x1xf32>
    %mul3A_40 = arith.mulf %dot_general3A_5, %convert_element_type3A_37 : vector<2048x16xf32>
    %reduce_sum3A_41 = arith.constant dense<0.000000e+00> : vector<2048xf32>
    %reduce_sum3A_42 = vector.multi_reduction <add>, %mul3A_40, %reduce_sum3A_41 [1] : vector<2048x16xf32> to vector<2048xf32>
    %broadcast_in_dim3A_43 = vector.shape_cast %reduce_sum3A_42 : vector<2048xf32> to vector<2048x1xf32>
    %logistic3A = arith.negf %broadcast_in_dim3A_39 : vector<2048x1xf32>
    %logistic3A_44 = math.exp %logistic3A : vector<2048x1xf32>
    %logistic3A_45 = arith.constant 1.000000e+00 : f32
    %logistic3A_46 = vector.broadcast %logistic3A_45 : f32 to vector<2048x1xf32>
    %logistic3A_47 = arith.addf %logistic3A_46, %logistic3A_44 : vector<2048x1xf32>
    %logistic3A_48 = arith.divf %logistic3A_46, %logistic3A_47 : vector<2048x1xf32>
    %logistic3A_49 = arith.negf %broadcast_in_dim3A_43 : vector<2048x1xf32>
    %logistic3A_50 = math.exp %logistic3A_49 : vector<2048x1xf32>
    %logistic3A_51 = arith.constant 1.000000e+00 : f32
    %logistic3A_52 = vector.broadcast %logistic3A_51 : f32 to vector<2048x1xf32>
    %logistic3A_53 = arith.addf %logistic3A_52, %logistic3A_50 : vector<2048x1xf32>
    %logistic3A_54 = arith.divf %logistic3A_52, %logistic3A_53 : vector<2048x1xf32>
    %add3A_55 = arith.addf %logistic3A_48, %logistic3A_54 : vector<2048x1xf32>
    %div3A = arith.divf %logistic3A_48, %add3A_55 : vector<2048x1xf32>
    %broadcast_in_dim3A_56 = vector.shape_cast %div3A : vector<2048x1xf32> to vector<2048x1xf32>
    %broadcast_in_dim3A_57 = vector.broadcast %broadcast_in_dim3A_56 : vector<2048x1xf32> to vector<2048x16xf32>
    %swap3A = arith.constant 0 : index
    %swap3A_58 = arith.constant 0 : index
    %swap3A_59 = vector.load %arg4[%swap3A, %swap3A_58] : memref<2048x16xf32, #tpu.memory_space<vmem>>, vector<2048x16xf32>
    tpu.vector_store %arg4[%swap3A, %swap3A_58], %broadcast_in_dim3A_57 {strides = array<i32>} : memref<2048x16xf32, #tpu.memory_space<vmem>>, vector<2048x16xf32>,
    %div3A_60 = arith.divf %logistic3A_54, %add3A_55 : vector<2048x1xf32>
    %broadcast_in_dim3A_61 = vector.shape_cast %div3A_60 : vector<2048x1xf32> to vector<2048x1xf32>
    %broadcast_in_dim3A_62 = vector.broadcast %broadcast_in_dim3A_61 : vector<2048x1xf32> to vector<2048x16xf32>
    %swap3A_63 = arith.constant 0 : index
    %swap3A_64 = arith.constant 0 : index
    %swap3A_65 = vector.load %arg5[%swap3A_63, %swap3A_64] : memref<2048x16xf32, #tpu.memory_space<vmem>>, vector<2048x16xf32>
    tpu.vector_store %arg5[%swap3A_63, %swap3A_64], %broadcast_in_dim3A_62 {strides = array<i32>} : memref<2048x16xf32, #tpu.memory_space<vmem>>, vector<2048x16xf32>,
    %reduce_sum3A_66 = arith.constant dense<0.000000e+00> : vector<16xf32>
    %reduce_sum3A_67 = vector.multi_reduction <add>, %convert_element_type3A_17, %reduce_sum3A_66 [0] : vector<2048x16xf32> to vector<16xf32>
    %broadcast_in_dim3A_68 = vector.shape_cast %reduce_sum3A_67 : vector<16xf32> to vector<1x16xf32>
    %reduce_sum3A_69 = arith.constant dense<0.000000e+00> : vector<16xf32>
    %reduce_sum3A_70 = vector.multi_reduction <add>, %convert_element_type3A_37, %reduce_sum3A_69 [0] : vector<2048x16xf32> to vector<16xf32>
    %broadcast_in_dim3A_71 = vector.shape_cast %reduce_sum3A_70 : vector<16xf32> to vector<1x16xf32>
    %add3A_72 = arith.addf %broadcast_in_dim3A_68, %broadcast_in_dim3A_71 : vector<1x16xf32>
    %reduce_sum3A_73 = vector.shape_cast %add3A_72 : vector<1x16xf32> to vector<1x1x16xf32>
    %reduce_sum3A_74 = arith.constant dense<0.000000e+00> : vector<1xf32>
    %reduce_sum3A_75 = vector.multi_reduction <add>, %reduce_sum3A_73, %reduce_sum3A_74 [1, 2] : vector<1x1x16xf32> to vector<1xf32>
    %reduce_sum3A_76 = vector.shape_cast %reduce_sum3A_75 : vector<1xf32> to vector<1x1x1xf32>
    %reduce_sum3A_77 = vector.extract %reduce_sum3A_76[0, 0, 0] : f32 from vector<1x1x1xf32>
    %max3A = arith.constant 1.000000e+00 : f32
    %max3A_78 = arith.maximumf %reduce_sum3A_77, %max3A : f32
    %div3A_79 = vector.broadcast %max3A_78 : f32 to vector<1x16xf32>
    %div3A_80 = arith.divf %add3A_72, %div3A_79 : vector<1x16xf32>
    %add3A_81 = arith.constant 9.99999997E-7 : f32
    %add3A_82 = vector.broadcast %add3A_81 : f32 to vector<1x16xf32>
    %add3A_83 = arith.addf %div3A_80, %add3A_82 : vector<1x16xf32>
    %log3A = math.log %add3A_83 : vector<1x16xf32>
    %mul3A_84 = arith.mulf %div3A_80, %log3A : vector<1x16xf32>
    %reduce_sum3A_85 = vector.shape_cast %mul3A_84 : vector<1x16xf32> to vector<1x1x16xf32>
    %reduce_sum3A_86 = arith.constant dense<0.000000e+00> : vector<1xf32>
    %reduce_sum3A_87 = vector.multi_reduction <add>, %reduce_sum3A_85, %reduce_sum3A_86 [1, 2] : vector<1x1x16xf32> to vector<1xf32>
    %reduce_sum3A_88 = vector.shape_cast %reduce_sum3A_87 : vector<1xf32> to vector<1x1x1xf32>
    %reduce_sum3A_89 = vector.extract %reduce_sum3A_88[0, 0, 0] : f32 from vector<1x1x1xf32>
    %neg3A = arith.constant 0.000000e+00 : f32
    %neg3A_90 = arith.subf %neg3A, %reduce_sum3A_89 : f32
    %swap3A_91 = arith.constant 0 : index
    %swap3A_92 = arith.constant 0 : index
    %swap3A_93 = vector.load %arg7[%swap3A_91, %swap3A_92] : memref<8x128xf32, #tpu.memory_space<vmem>>, vector<1x16xf32>
    tpu.vector_store %arg7[%swap3A_91, %swap3A_92], %add3A_72 {strides = array<i32>} : memref<8x128xf32, #tpu.memory_space<vmem>>, vector<1x16xf32>,
    %broadcast_in_dim3A_94 = vector.broadcast %neg3A_90 : f32 to vector<1x128xf32>
    %swap3A_95 = arith.constant 1 : index
    %swap3A_96 = arith.constant 0 : index
    %swap3A_97 = vector.load %arg7[%swap3A_95, %swap3A_96] : memref<8x128xf32, #tpu.memory_space<vmem>>, vector<1x128xf32>
    tpu.vector_store %arg7[%swap3A_95, %swap3A_96], %broadcast_in_dim3A_94 {strides = array<i32>} : memref<8x128xf32, #tpu.memory_space<vmem>>, vector<1x128xf32>,
    %iota3A_98 = tpu.iota {dimensions = array<i32: 0>} : vector<2048x2048xi32>
    %iota3A_99 = tpu.iota {dimensions = array<i32: 1>} : vector<2048x2048xi32>
    %lt3A = arith.cmpi slt, %iota3A_99, %iota3A_98 : vector<2048x2048xi32>
    %convert_element_type3A_100 = arith.extui %lt3A : vector<2048x2048xi1> to vector<2048x2048xi32>
    %convert_element_type3A_101 = arith.sitofp %convert_element_type3A_100 : vector<2048x2048xi32> to vector<2048x2048xf32>
    %dot_general3A_102 = arith.constant dense<0.000000e+00> : vector<2048x16xf32>
    %dot_general3A_103 = tpu.matmul %convert_element_type3A_101, %convert_element_type3A_17, %dot_general3A_102 {dimension_numbers = #tpu.dot_dimension_numbers<[1], [0], [0], [1], [0, 0, 1, 1], [], []>, transpose_lhs_hint = false} : vector<2048x2048xf32>, vector<2048x16xf32>, vector<2048x16xf32> -> vector<2048x16xf32>
    %dot_general3A_104 = arith.constant dense<0.000000e+00> : vector<2048x16xf32>
    %dot_general3A_105 = tpu.matmul %convert_element_type3A_101, %convert_element_type3A_37, %dot_general3A_104 {dimension_numbers = #tpu.dot_dimension_numbers<[1], [0], [0], [1], [0, 0, 1, 1], [], []>, transpose_lhs_hint = false} : vector<2048x2048xf32>, vector<2048x16xf32>, vector<2048x16xf32> -> vector<2048x16xf32>
    %mul3A_106 = arith.mulf %dot_general3A_103, %convert_element_type3A_17 : vector<2048x16xf32>
    %reduce_sum3A_107 = arith.constant dense<0.000000e+00> : vector<2048xf32>
    %reduce_sum3A_108 = vector.multi_reduction <add>, %mul3A_106, %reduce_sum3A_107 [1] : vector<2048x16xf32> to vector<2048xf32>
    %broadcast_in_dim3A_109 = vector.shape_cast %reduce_sum3A_108 : vector<2048xf32> to vector<2048x1xf32>
    %mul3A_110 = arith.mulf %dot_general3A_105, %convert_element_type3A_37 : vector<2048x16xf32>
    %reduce_sum3A_111 = arith.constant dense<0.000000e+00> : vector<2048xf32>
    %reduce_sum3A_112 = vector.multi_reduction <add>, %mul3A_110, %reduce_sum3A_111 [1] : vector<2048x16xf32> to vector<2048xf32>
    %broadcast_in_dim3A_113 = vector.shape_cast %reduce_sum3A_112 : vector<2048xf32> to vector<2048x1xf32>
    %mul3A_114 = vector.broadcast %broadcast_in_dim3A_68 : vector<1x16xf32> to vector<2048x16xf32>
    %mul3A_115 = arith.mulf %mul3A_114, %convert_element_type3A_37 : vector<2048x16xf32>
    %reduce_sum3A_116 = arith.constant dense<0.000000e+00> : vector<2048xf32>
    %reduce_sum3A_117 = vector.multi_reduction <add>, %mul3A_115, %reduce_sum3A_116 [1] : vector<2048x16xf32> to vector<2048xf32>
    %broadcast_in_dim3A_118 = vector.shape_cast %reduce_sum3A_117 : vector<2048xf32> to vector<2048x1xf32>
    %add3A_119 = arith.addf %broadcast_in_dim3A_113, %broadcast_in_dim3A_118 : vector<2048x1xf32>
    %div3A_120 = arith.constant 1.280000e+02 : f32
    %div3A_121 = vector.broadcast %div3A_120 : f32 to vector<1x16xf32>
    %div3A_122 = arith.divf %add3A_72, %div3A_121 : vector<1x16xf32>
    %ceil3A = math.ceil %div3A_122 : vector<1x16xf32>
    %mul3A_123 = arith.constant 1.280000e+02 : f32
    %mul3A_124 = vector.broadcast %mul3A_123 : f32 to vector<1x16xf32>
    %mul3A_125 = arith.mulf %ceil3A, %mul3A_124 : vector<1x16xf32>
    %iota3A_126 = tpu.iota {dimensions = array<i32: 0>} : vector<16x16xi32>
    %iota3A_127 = tpu.iota {dimensions = array<i32: 1>} : vector<16x16xi32>
    %lt3A_128 = arith.cmpi slt, %iota3A_126, %iota3A_127 : vector<16x16xi32>
    %convert_element_type3A_129 = arith.extui %lt3A_128 : vector<16x16xi1> to vector<16x16xi32>
    %convert_element_type3A_130 = arith.sitofp %convert_element_type3A_129 : vector<16x16xi32> to vector<16x16xf32>
    %dot_general3A_131 = arith.constant dense<0.000000e+00> : vector<1x16xf32>
    %dot_general3A_132 = tpu.matmul %mul3A_125, %convert_element_type3A_130, %dot_general3A_131 {dimension_numbers = #tpu.dot_dimension_numbers<[1], [0], [0], [1], [0, 0, 1, 1], [], []>, transpose_lhs_hint = false} : vector<1x16xf32>, vector<16x16xf32>, vector<1x16xf32> -> vector<1x16xf32>
    %mul3A_133 = vector.broadcast %dot_general3A_132 : vector<1x16xf32> to vector<2048x16xf32>
    %mul3A_134 = arith.mulf %mul3A_133, %convert_element_type3A_17 : vector<2048x16xf32>
    %reduce_sum3A_135 = arith.constant dense<0.000000e+00> : vector<2048xf32>
    %reduce_sum3A_136 = vector.multi_reduction <add>, %mul3A_134, %reduce_sum3A_135 [1] : vector<2048x16xf32> to vector<2048xf32>
    %broadcast_in_dim3A_137 = vector.shape_cast %reduce_sum3A_136 : vector<2048xf32> to vector<2048x1xf32>
    %add3A_138 = arith.addf %broadcast_in_dim3A_137, %broadcast_in_dim3A_109 : vector<2048x1xf32>
    %mul3A_139 = vector.broadcast %dot_general3A_132 : vector<1x16xf32> to vector<2048x16xf32>
    %mul3A_140 = arith.mulf %mul3A_139, %convert_element_type3A_37 : vector<2048x16xf32>
    %reduce_sum3A_141 = arith.constant dense<0.000000e+00> : vector<2048xf32>
    %reduce_sum3A_142 = vector.multi_reduction <add>, %mul3A_140, %reduce_sum3A_141 [1] : vector<2048x16xf32> to vector<2048xf32>
    %broadcast_in_dim3A_143 = vector.shape_cast %reduce_sum3A_142 : vector<2048xf32> to vector<2048x1xf32>
    %add3A_144 = arith.addf %broadcast_in_dim3A_143, %add3A_119 : vector<2048x1xf32>
    %convert_element_type3A_145 = arith.fptosi %add3A_138 : vector<2048x1xf32> to vector<2048x1xi32>
    %transpose3A = tpu.transpose %convert_element_type3A_145, [1, 0] : vector<2048x1xi32> -> vector<1x2048xi32>
    %swap3A_146 = arith.constant 0 : index
    %swap3A_147 = arith.constant 0 : index
    %swap3A_148 = vector.load %arg3[%swap3A_146, %swap3A_147] : memref<8x2048xi32, #tpu.memory_space<vmem>>, vector<1x2048xi32>
    tpu.vector_store %arg3[%swap3A_146, %swap3A_147], %transpose3A {strides = array<i32>} : memref<8x2048xi32, #tpu.memory_space<vmem>>, vector<1x2048xi32>,
    %convert_element_type3A_149 = arith.fptosi %add3A_144 : vector<2048x1xf32> to vector<2048x1xi32>
    %transpose3A_150 = tpu.transpose %convert_element_type3A_149, [1, 0] : vector<2048x1xi32> -> vector<1x2048xi32>
    %swap3A_151 = arith.constant 1 : index
    %swap3A_152 = arith.constant 0 : index
    %swap3A_153 = vector.load %arg3[%swap3A_151, %swap3A_152] : memref<8x2048xi32, #tpu.memory_space<vmem>>, vector<1x2048xi32>
    tpu.vector_store %arg3[%swap3A_151, %swap3A_152], %transpose3A_150 {strides = array<i32>} : memref<8x2048xi32, #tpu.memory_space<vmem>>, vector<1x2048xi32>,
    %add3A_154 = arith.addf %dot_general3A_132, %mul3A_125 : vector<1x16xf32>
    %iota3A_155 = tpu.iota {dimensions = array<i32: 0>} : vector<64x1xi32>
    %mul3A_156 = arith.constant 128 : i32
    %mul3A_157 = vector.broadcast %mul3A_156 : i32 to vector<64x1xi32>
    %mul3A_158 = arith.muli %iota3A_155, %mul3A_157 : vector<64x1xi32>
    %convert_element_type3A_159 = arith.sitofp %mul3A_158 : vector<64x1xi32> to vector<64x1xf32>
    %le3A = vector.broadcast %add3A_154 : vector<1x16xf32> to vector<64x16xf32>
    %le3A_160 = vector.broadcast %convert_element_type3A_159 : vector<64x1xf32> to vector<64x16xf32>
    %le3A_161 = arith.cmpf ole, %le3A, %le3A_160 : vector<64x16xf32>
    %convert_element_type3A_162 = arith.extui %le3A_161 : vector<64x16xi1> to vector<64x16xi32>
    %convert_element_type3A_163 = arith.sitofp %convert_element_type3A_162 : vector<64x16xi32> to vector<64x16xf32>
    %reduce_sum3A_164 = arith.constant dense<0.000000e+00> : vector<64xf32>
    %reduce_sum3A_165 = vector.multi_reduction <add>, %convert_element_type3A_163, %reduce_sum3A_164 [1] : vector<64x16xf32> to vector<64xf32>
    %broadcast_in_dim3A_166 = vector.shape_cast %reduce_sum3A_165 : vector<64xf32> to vector<64x1xf32>
    %jit3A_167 = arith.constant 0.000000e+00 : f32
    %jit3A_168 = arith.constant 1.500000e+01 : f32
    %max3A_169 = vector.broadcast %jit3A_167 : f32 to vector<64x1xf32>
    %max3A_170 = arith.maximumf %max3A_169, %broadcast_in_dim3A_166 : vector<64x1xf32>
    %min3A = vector.broadcast %jit3A_168 : f32 to vector<64x1xf32>
    %min3A_171 = arith.minimumf %min3A, %max3A_170 : vector<64x1xf32>
    %convert_element_type3A_172 = arith.fptosi %min3A_171 : vector<64x1xf32> to vector<64x1xi32>
    %swap3A_173 = arith.constant 0 : index
    %swap3A_174 = arith.constant 0 : index
    %swap3A_175 = vector.load %arg6[%swap3A_173, %swap3A_174] : memref<64x8xi32, #tpu.memory_space<vmem>>, vector<64x1xi32>
    tpu.vector_store %arg6[%swap3A_173, %swap3A_174], %convert_element_type3A_172 {strides = array<i32>} : memref<64x8xi32, #tpu.memory_space<vmem>>, vector<64x1xi32>,
    return
  }
}

module attributes {stable_mosaic.version = 14 : i64} {
  func.func @_expert_kernel(%arg0: i32, %arg1: memref<64x8xi32, #tpu.memory_space<smem>>, %arg2: memref<128x1024xf32, #tpu.memory_space<vmem>>, %arg3: memref<1x1024x1024xf32, #tpu.memory_space<vmem>>, %arg4: memref<1x512x1024xf32, #tpu.memory_space<vmem>>, %arg5: memref<128x1024xf32, #tpu.memory_space<vmem>>) attributes {dimension_semantics = [#tpu.dimension_semantics<arbitrary>], iteration_bounds = array<i64: 48>, scalar_prefetch = 1 : i64, scratch_operands = 0 : i64, tpu.core_type = #tpu.core_type<tc>, window_params = [{transform_indices = @transform_0, window_bounds = array<i64: 128, 1024>}, {transform_indices = @transform_1, window_bounds = array<i64: 1, 1024, 1024>}, {transform_indices = @transform_2, window_bounds = array<i64: 1, 512, 1024>}, {transform_indices = @transform_3, window_bounds = array<i64: 128, 1024>}]} {
    %get3A = arith.constant 0 : index
    %get3A_0 = arith.constant 0 : index
    %get3A_1 = vector.load %arg2[%get3A, %get3A_0] : memref<128x1024xf32, #tpu.memory_space<vmem>>, vector<128x1024xf32>
    %get3A_2 = arith.constant 0 : index
    %get3A_3 = arith.constant 0 : index
    %get3A_4 = arith.constant 0 : index
    %get3A_5 = vector.load %arg3[%get3A_2, %get3A_3, %get3A_4] : memref<1x1024x1024xf32, #tpu.memory_space<vmem>>, vector<1x1024x1024xf32>
    %get3A_6 = vector.shape_cast %get3A_5 : vector<1x1024x1024xf32> to vector<1024x1024xf32>
    %dot_general3A = arith.constant dense<0.000000e+00> : vector<128x1024xf32>
    %dot_general3A_7 = tpu.matmul %get3A_1, %get3A_6, %dot_general3A {dimension_numbers = #tpu.dot_dimension_numbers<[1], [0], [0], [1], [0, 0, 1, 1], [], []>, transpose_lhs_hint = false} : vector<128x1024xf32>, vector<1024x1024xf32>, vector<128x1024xf32> -> vector<128x1024xf32>
    %slice3A = vector.extract_strided_slice %dot_general3A_7 {offsets = [0, 0], sizes = [128, 512], strides = [1, 1]} : vector<128x1024xf32> to vector<128x512xf32>
    %slice3A_8 = vector.extract_strided_slice %dot_general3A_7 {offsets = [0, 512], sizes = [128, 512], strides = [1, 1]} : vector<128x1024xf32> to vector<128x512xf32>
    %logistic3A = arith.negf %slice3A : vector<128x512xf32>
    %logistic3A_9 = math.exp %logistic3A : vector<128x512xf32>
    %logistic3A_10 = arith.constant 1.000000e+00 : f32
    %logistic3A_11 = vector.broadcast %logistic3A_10 : f32 to vector<128x512xf32>
    %logistic3A_12 = arith.addf %logistic3A_11, %logistic3A_9 : vector<128x512xf32>
    %logistic3A_13 = arith.divf %logistic3A_11, %logistic3A_12 : vector<128x512xf32>
    %mul3A = arith.mulf %slice3A, %logistic3A_13 : vector<128x512xf32>
    %mul3A_14 = arith.mulf %mul3A, %slice3A_8 : vector<128x512xf32>
    %get3A_15 = arith.constant 0 : index
    %get3A_16 = arith.constant 0 : index
    %get3A_17 = arith.constant 0 : index
    %get3A_18 = vector.load %arg4[%get3A_15, %get3A_16, %get3A_17] : memref<1x512x1024xf32, #tpu.memory_space<vmem>>, vector<1x512x1024xf32>
    %get3A_19 = vector.shape_cast %get3A_18 : vector<1x512x1024xf32> to vector<512x1024xf32>
    %dot_general3A_20 = arith.constant dense<0.000000e+00> : vector<128x1024xf32>
    %dot_general3A_21 = tpu.matmul %mul3A_14, %get3A_19, %dot_general3A_20 {dimension_numbers = #tpu.dot_dimension_numbers<[1], [0], [0], [1], [0, 0, 1, 1], [], []>, transpose_lhs_hint = false} : vector<128x512xf32>, vector<512x1024xf32>, vector<128x1024xf32> -> vector<128x1024xf32>
    %swap3A = arith.constant 0 : index
    %swap3A_22 = arith.constant 0 : index
    %swap3A_23 = vector.load %arg5[%swap3A, %swap3A_22] : memref<128x1024xf32, #tpu.memory_space<vmem>>, vector<128x1024xf32>
    tpu.vector_store %arg5[%swap3A, %swap3A_22], %dot_general3A_21 {strides = array<i32>} : memref<128x1024xf32, #tpu.memory_space<vmem>>, vector<128x1024xf32>,
    return
  }
  func.func @transform_0(%arg0: i32, %arg1: memref<64x8xi32, #tpu.memory_space<smem>>) -> (i32, i32) {
    %c0_i32 = arith.constant 0 : i32
    %c0_i32_0 = arith.constant 0 : i32
    return %arg0, %c0_i32 : i32, i32
  }
  func.func @transform_1(%arg0: i32, %arg1: memref<64x8xi32, #tpu.memory_space<smem>>) -> (i32, i32, i32) {
    %get3A = arith.index_cast %arg0 : i32 to index
    %get3A_0 = arith.constant 0 : index
    %get3A_1 = memref.load %arg1[%get3A, %get3A_0] : memref<64x8xi32, #tpu.memory_space<smem>>
    %c0_i32 = arith.constant 0 : i32
    %c0_i32_2 = arith.constant 0 : i32
    %c0_i32_3 = arith.constant 0 : i32
    return %get3A_1, %c0_i32, %c0_i32_2 : i32, i32, i32
  }
  func.func @transform_2(%arg0: i32, %arg1: memref<64x8xi32, #tpu.memory_space<smem>>) -> (i32, i32, i32) {
    %get3A = arith.index_cast %arg0 : i32 to index
    %get3A_0 = arith.constant 0 : index
    %get3A_1 = memref.load %arg1[%get3A, %get3A_0] : memref<64x8xi32, #tpu.memory_space<smem>>
    %c0_i32 = arith.constant 0 : i32
    %c0_i32_2 = arith.constant 0 : i32
    %c0_i32_3 = arith.constant 0 : i32
    return %get3A_1, %c0_i32, %c0_i32_2 : i32, i32, i32
  }
  func.func @transform_3(%arg0: i32, %arg1: memref<64x8xi32, #tpu.memory_space<smem>>) -> (i32, i32) {
    %c0_i32 = arith.constant 0 : i32
    %c0_i32_0 = arith.constant 0 : i32
    return %arg0, %c0_i32 : i32, i32
  }
}

</mosaic_0001>

<sc_bundles>
// kernel: kernel.6.cloned.1.call-start
scs
__scs_entry_jumppad:
0x0: {  	(pc) =	sbr.rel $0x88, $3  }
0x1: {  	(tag) =	ssettag $0x0;
	lr =	simm.s32 $0x1  }
0x2: {  	[smem:$0x3F9C] =	sst lr;
	_ =	strace $0xD0000000  }
0x3: {  	_ = 	snop  }
0x4: {  	_ = 	snop  }
0x5: {  	_ = 	snop  }
0x6: {  	_ = 	snop  }
0x7: {  	_ = 	snop  }
__scs_overlays_trampoline_lowered:
0x8: {  	[smem:$0x3FAB] =	sst s0  }
0x9: {  	[smem:$0x3FAC] =	sst s1  }
0xa: {  	[smem:$0x3FAD] =	sst s2  }
0xb: {  	[smem:$0x3FAE] =	sst s3  }
0xc: {  	[smem:$0x3FAF] =	sst s4  }
0xd: {  	[smem:$0x3FB0] =	sst s5  }
0xe: {  	[smem:$0x3FB1] =	sst s6  }
0xf: {  	[smem:$0x3FB2] =	sst s7  }
0x10: {  	[smem:$0x3FB3] =	sst s8  }
0x11: {  	[smem:$0x3FB4] =	sst s9;
	s0 =	simm.s32 @!p0 $0x0  }
0x12: {  	s1 =	sld [smem:$0x3F9A];
	s0 =	simm.s32 @p0 $0x1  }
0x13: {  	[smem:$0x3FB5] =	sst s0;
	s0 =	simm.s32 @!p1 $0x0  }
0x14: {  	s2 =	sld [smem:$0x3F99];
	s0 =	simm.s32 @p1 $0x1  }
0x15: {  	[smem:$0x3FB6] =	sst s0;
	s0 =	simm.s32 @!p2 $0x0  }
0x16: {  	s3 =	sld [smem:$0x3FDB];
	s0 =	simm.s32 @p2 $0x1  }
0x17: {  	s4 =	simm.s32 $0x1BF5;
	[smem:$0x3FB8] =	sst s0  }
0x18: {  	s0 =	sld [smem:$0x3F9B];
	_ =	swait.ge [sflag:s4], $0x0  }
0x19: {  	s7 =	sld [smem:$0x3F9C]  }
0x1a: {  	s8 =	sadd.s32 $0xFFFFE003, lr  }
0x1b: {  	s9 =	sadd.s32 $0xFFFFFEF7, lr;
	s5 =	simm.s32 $0xFFFFFFFF;
	p2 =	slt.u32 s8, $0xFFFFF086  }
0x1c: {  	p1 =	slt.u32 s9, $0xF7A;
	s5 =	simm.s32 @!p2 $0x0  }
0x1d: {  	s5 =	simm.s32 @p1 $0x1;
	p0 =	seq.s32 s7, s2  }
0x1e: {  	s7 =	smul.u32 @!p0 $0xF7A, s2;
	p2 =	seq.s32 @!p0 s5, $0x0  }
0x1f: {  	s9 =	smul.u32 $0xF7A, s1;
	s8 =	simm.s32 @!p0 $0x1BF5;
	p2 =	por !p2, p0  }
0x20: {  	[sflag:s8] =	ssyncset.s32 @!p0 $0xFFFFF086;
	s6 =	sadd.s32 @!p0 s3, s7;
	s7 =	simm.s32 @!p0 $0x108  }
0x21: {  	s3 =	sadd.s32 s3, s9;
	s6 =	sadd.s32 @!p0 $0x88, s6;
	s7 =	simm.s32 @p2 $0x1082  }
0x22: {  	[simem:s7], [sflag:s8] =	dma.local @!p0 [hbm:s6], $0xF7A  }
0x23: {  	s9 =	sor.u32 $0xD0000000, s2;
	s6 =	simm.s32 $0x108;
	_ =	swait.ge @!p0 [sflag:s8], $0x0  }
0x24: {  	s3 =	sadd.s32 $0x88, s3;
	s6 =	simm.s32 @!p1 $0x1082;
	[sflag:s4] =	ssyncset.s32 $0xFFFFF086  }
0x25: {  	[simem:s6], [sflag:s4] =	dma.local [hbm:s3], $0xF7A  }
0x26: {  	[smem:$0x3F9C] =	sst s1;
	(tag) =	ssettag s2;
	_ =	strace s9  }
0x27: {  	s1 =	sld [smem:$0x3FAC]  }
0x28: {  	s2 =	sld [smem:$0x3FAD]  }
0x29: {  	s4 =	sld [smem:$0x3FAF]  }
0x2a: {  	p0 =	seq.s32 s5, $0x0;
	s5 =	sld [smem:$0x3FB0]  }
0x2b: {  	s6 =	sld [smem:$0x3FB1]  }
0x2c: {  	s7 =	sld [smem:$0x3FB2]  }
0x2d: {  	s3 =	simm.s32 $0x108;
	s8 =	sld [smem:$0x3FB3]  }
0x2e: {  	s3 =	simm.s32 @!p0 $0x1082;
	s9 =	sld [smem:$0x3FB4]  }
0x2f: {  	lr =	sadd.s32 s0, s3;
	s0 =	sld [smem:$0x3FAB]  }
0x30: {  	s3 =	sld [smem:$0x3FAE]  }
0x31: {  	[smem:$0x3FB7] =	sst s10  }
0x32: {  	s10 =	sld [smem:$0x3FB5];
	_ =	sdelay $0x3  }
0x33: {  	p0 =	seq.s32 s10, $0x1;
	s10 =	sld [smem:$0x3FB7];
	_ =	sdelay $0x3  }
0x34: {  	[smem:$0x3FB7] =	sst s10  }
0x35: {  	s10 =	sld [smem:$0x3FB6];
	_ =	sdelay $0x3  }
0x36: {  	p1 =	seq.s32 s10, $0x1;
	s10 =	sld [smem:$0x3FB7];
	_ =	sdelay $0x3  }
0x37: {  	[smem:$0x3FB7] =	sst s10  }
0x38: {  	s10 =	sld [smem:$0x3FB8]  }
0x39: {  	_ = 	snop;
	(pc) =	sbr.ind lr, $3  }
0x3a: {  	_ = 	snop  }
0x3b: {  	_ = 	snop  }
0x3c: {  	p2 =	seq.s32 s10, $0x1;
	s10 =	sld [smem:$0x3FB7]  }
0x3d: {  	_ =	shalt  }
0x3e: {  	_ =	shalt  }
0x3f: {  	_ =	shalt  }
0x40: {  	_ =	shalt  }
0x41: {  	_ =	shalt  }
0x42: {  	_ =	shalt  }
0x43: {  	_ =	shalt  }
0x44: {  	_ =	shalt  }
0x45: {  	_ =	shalt  }
0x46: {  	_ =	shalt  }
0x47: {  	_ =	shalt  }
0x48: {  	_ =	shalt  }
0x49: {  	_ =	shalt  }
0x4a: {  	_ =	shalt  }
0x4b: {  	_ =	shalt  }
0x4c: {  	_ =	shalt  }
0x4d: {  	_ =	shalt  }
0x4e: {  	_ =	shalt  }
0x4f: {  	_ =	shalt  }
0x50: {  	_ =	shalt  }
0x51: {  	_ =	shalt  }
0x52: {  	_ =	shalt  }
0x53: {  	_ =	shalt  }
0x54: {  	_ =	shalt  }
0x55: {  	_ =	shalt  }
0x56: {  	_ =	shalt  }
0x57: {  	_ =	shalt  }
0x58: {  	_ =	shalt  }
0x59: {  	_ =	shalt  }
0x5a: {  	_ =	shalt  }
0x5b: {  	_ =	shalt  }
0x5c: {  	_ =	shalt  }
0x5d: {  	_ =	shalt  }
0x5e: {  	_ =	shalt  }
0x5f: {  	_ =	shalt  }
0x60: {  	_ =	shalt  }
0x61: {  	_ =	shalt  }
0x62: {  	_ =	shalt  }
0x63: {  	_ =	shalt  }
0x64: {  	_ =	shalt  }
0x65: {  	_ =	shalt  }
0x66: {  	_ =	shalt  }
0x67: {  	_ =	shalt  }
0x68: {  	_ =	shalt  }
0x69: {  	_ =	shalt  }
0x6a: {  	_ =	shalt  }
0x6b: {  	_ =	shalt  }
0x6c: {  	_ =	shalt  }
0x6d: {  	_ =	shalt  }
0x6e: {  	_ =	shalt  }
0x6f: {  	_ =	shalt  }
0x70: {  	_ =	shalt  }
0x71: {  	_ =	shalt  }
0x72: {  	_ =	shalt  }
0x73: {  	_ =	shalt  }
0x74: {  	_ =	shalt  }
0x75: {  	_ =	shalt  }
0x76: {  	_ =	shalt  }
0x77: {  	_ =	shalt  }
0x78: {  	_ =	shalt  }
0x79: {  	_ =	shalt  }
0x7a: {  	_ =	shalt  }
0x7b: {  	_ =	shalt  }
0x7c: {  	_ =	shalt  }
0x7d: {  	_ =	shalt  }
0x7e: {  	_ =	shalt  }
0x7f: {  	_ =	shalt  }
0x80: {  	_ =	shalt  }
0x81: {  	_ =	shalt  }
0x82: {  	_ =	shalt  }
0x83: {  	_ =	shalt  }
0x84: {  	_ =	shalt  }
0x85: {  	_ =	shalt  }
0x86: {  	_ =	shalt  }
0x87: {  	_ =	shalt  }
.Lfunc_end0:
.L_simem_size_0:
called_computation_lowered:
.L_overlay_start_0:
0x88: {  	s2 =	sld [smem:$0x3FD9]  }
0x89: {  	s3 =	sld [smem:$0x3FFE];
	_ =	sdelay $0x1  }
0x8a: {  	s1 =	srdreg.scid  }
0x8b: {  	s0 =	sand.u32 $0x1, s1  }
0x8c: {  	s17 =	sshll.u32 s0, $0xA;
	s2 =	sadd.s32 s3, s2  }
0x8d: {  	s2 =	sadd.s32 s2, s17  }
0x8e: {  	[smem:$0x3FC3] =	sst s2  }
0x8f: {  	_ = 	snop  }
0x90: {  	s2 =	sld [smem:$0x3FC9];
	(tm) =	ssettm $0x1  }
0x91: {  	s18 =	sld [smem:$0x3FFB];
	_ =	sdelay $0x3  }
0x92: {  	_ =	strace s18  }
0x93: {  	s3 =	sld [smem:$0x3FFC];
	_ =	sdelay $0x3  }
0x94: {  	_ =	strace s3  }
0x95: {  	s3 =	sld [smem:$0x3FFD];
	_ =	sdelay $0x3  }
0x96: {  	_ =	strace s3  }
0x97: {  	_ =	strace $0x8FFFFFFF  }
0x98: {  	s19 =	sld [smem:$0x3FDB];
	_ =	sdelay $0x1  }
0x99: {  	s4 =	simm.s32 $_scs_section_size  }
0x9a: {  	s5 =	simm.s32 $_size__tile_overlayer_lowered;
	s6 =	simm.s32 $_tile_overlayer_lowered  }
0x9b: {  	s22 =	simm.s32 $0x1BFF;
	s21 =	sshll.u32 s6, $0x1;
	s3 =	sadd.s32 s4, s19  }
0x9c: {  	s7 =	simm.s32 $0x0;
	s20 =	sshll.u32 s5, $0x1;
	s5 =	sadd.s32 s21, s3  }
0x9d: {  	[timem:s7], [sflag:s22] =	dma.local [hbm:s5], s20  }
0x9e: {  	_ =	swait.ge [sflag:s22], s20  }
0x9f: {  	s4 =	ssub.s32 $0x0, s20;
	[sflag:s22] =	ssyncset.done $0x0  }
0xa0: {  	[sflag:s22] =	ssyncadd.s32 s4;
	_ =	sdelay $0x1  }
0xa1: {  	s23 =	simm.s32 $0x1B8B  }
0xa2: {  	_ =	swait.ge [sflag:s23], $0x1  }
0xa3: {  	[sflag:s23] =	ssyncset.done $0x0  }
0xa4: {  	s25 =	simm.s32 $0x1B8E;
	s24 =	sld [smem:$0x3FFE];
	[sflag:s23] =	ssyncadd.s32 $0xFFFFFFFF  }
0xa5: {  	s26 =	simm.s32 $execute0_lowered;
	[smem:$0x3FD2] =	sst s25  }
0xa6: {  	s5 =	sshll.u32 s26, $0x1;
	_ =	strace $0x80000046;
	[dreg:$0x1] =	wrdreg $0xFFFFFFFF  }
0xa7: {  	s28 =	simm.s32 $_size_execute0_lowered;
	s3 =	sadd.s32 s3, s5;
	[dreg:$0x0] =	wrdreg $0x0  }
0xa8: {  	s5 =	sshll.u32 s28, $0x1;
	[dreg:$0x2] =	wrdreg s3  }
0xa9: {  	[dreg:$0x3] =	wrdreg s5  }
0xaa: {  	[dreg:$0x4] =	wrdreg $0xC0  }
0xab: {  	_ =	task [dreg:s7], $0x5FFFF  }
0xac: {  	[dreg:$0x1] =	wrdreg $0xFFFFFFFF  }
0xad: {  	[dreg:$0x0] =	wrdreg $0x60  }
0xae: {  	[dreg:$0x2] =	wrdreg s24  }
0xaf: {  	[dreg:$0x3] =	wrdreg s2  }
0xb0: {  	[dreg:$0x4] =	wrdreg $0x9  }
0xb1: {  	_ =	task.clear_ibuf [dreg:s7], $0x5FFFF;
	_ =	strace $0x90000046  }
0xb2: {  	s29 =	simm.s32 $0x9;
	_ =	strace $0x80000048  }
0xb3: {  	_ =	swait.ge [sflag:s29], $0x1  }
0xb4: {  	[sflag:s29] =	ssyncadd.s32 $0xFFFFFFFF  }
0xb5: {  	_ =	strace $0x90000048  }
0xb6: {  	_ =	sfence  }
0xb7: {  	s30 =	sld [smem:$0x0];
	_ =	sdelay $0x2  }
0xb8: {  	s31 =	sshll.u32 s1, $0xD;
	s1 =	sshrl.u32 s1, $0x2  }
0xb9: {  	s3 =	sand.u32 $0x4000, s31;
	s1 =	sadd.s32 s1, s30  }
0xba: {  	s0 =	sor.u32 s3, s0;
	s1 =	sshll.u32 s1, $0x11  }
0xbb: {  	s0 =	sor.u32 s1, s0  }
0xbc: {  	s0 =	sadd.s32 $0x8F2B, s0  }
0xbd: {  	[sflag:s0] =	ssyncadd.remote.s32 $0x1  }
0xbe: {  	_ =	sfence.sel $0xFFFF  }
0xbf: {  	[dreg:$0x0] =	wrdreg $0xFFFFFFFF;
	(pc) =	sbr.abs _section_cstart, $3  }
0xc0: {  	[dreg:$0x1] =	wrdreg $0xFFFFFFFF  }
0xc1: {  	_ =	task.clear_ibuf [dreg:s7], $0x2FFFF;
	_ =	strace $0x9FFFFFFF  }
0xc2: {  	(tm) =	ssettm $0x7FFFFFFF  }
0xc3: {  	_ =	shalt  }
tec
execute0_lowered:
.L_overlay_start_1:
0x0: {  	(tag) =	ssettag $0x1  }
0x1: {  	s0 =	rddreg [dreg:$0x0]  }
0x2: {  	s1 =	rddreg [dreg:$0x1];
	s2 =	srdreg.scid  }
0x3: {  	s9 =	stileid.u32;
	s26 =	simm.s32 $0x80;
	s22 =	simm.s32 $0x1900  }
0x4: {  	s23 =	simm.s32 $0x2100;
	s24 =	simm.s32 $0x2900;
	s28 =	simm.s32 $0x4100  }
0x5: {  	s29 =	simm.s32 $0x4900;
	s30 =	simm.s32 $0x5100;
	s31 =	simm.s32 $0x5900  }
0x6: {  	s10 =	simm.s32 $0x7100;
	s11 =	simm.s32 $0x7900;
	s12 =	simm.s32 $0x8100  }
0x7: {  	s13 =	simm.s32 $0x8900;
	s14 =	simm.s32 $0x9100;
	s15 =	simm.s32 $0x9900  }
0x8: {  	s16 =	simm.s32 $0xA100;
	s17 =	simm.s32 $0xA900;
	s19 =	simm.s32 $0xB900  }
0x9: {  	s4 =	sand.u32 $0x1, s2;
	s2 =	simm.s32 $0x0;
	s5 =	sshll.u32 s9, $0x7  }
0xa: {  	s25 =	sshll.u32 s9, $0xE;
	s9 =	simm.s32 $0xB100;
	s3 =	sshll.u32 s4, $0x3  }
0xb: {  	[smem:$0x7FF] =	sst s2;
	s6 =	ssub.s32 $0x2, s4;
	s4 =	sshll.u32 s4, $0xD  }
0xc: {  	s3 =	sor.u32 s3, s5;
	_ =	strace $0x80000047;
	s8 =	sshrl.u32 s6, $0x1  }
0xd: {  	s1 =	sadd.s32 s1, s4;
	s4 =	sadd.s32 $0x11D00, s0;
	[dreg:$0x6] =	wrdreg s26  }
0xe: {  	s26 =	simm.s32 $0x3900;
	s5 =	sadd.s32 s3, s0;
	s1 =	sadd.s32 s25, s1  }
0xf: {  	s3 =	sadd.s32 $0x11C00, s0;
	s7 =	sadd.s32 $0x1400, s5;
	[dreg:$0x5] =	wrdreg s1  }
0x10: {  	v2 =	vlaneseq.u32;
	s8 =	ssub.s32 s6, s8;
	s5 =	sadd.s32 $0x1410, s5;
	[dreg:$0x3] =	wrdreg s7  }
0x11: {  	vm0 =	vmmov $0xffff;
	v1 =	vshrl.u32 v2, $0x3;
	s6 =	sadd.s32 $0x11F00, s0;
	s25 =	simm.s32 $0x3100;
	[dreg:$0x4] =	wrdreg s5  }
0x12: {  	v0 =	vand.u32 $0x7, v2;
	v2 =	vor.u32 $0x8, v2;
	v1 =	vmul.u32 $0x8, v1;
	s5 =	sadd.s32 $0x11E00, s0;
	s7 =	smax.u32 s8, $0x1;
	s8 =	simm.s32 $0x3  }
.LBB2_1:
0x13: {  	s20 =	rddreg [dreg:$0x3]  }
0x14: {  	[tilespmem:s2], [sflag:$0x3] =	stream.linear.gather [hbm4b:s20+s2], $0x40, $0x38;
	[tilespmem:$0x10100] =	vst v63  }
0x15: {  	_ =	swait.ge [sflag:s8], $0x40  }
0x16: {  	s0 =	rddreg [dreg:$0x4];
	[sflag:s8] =	ssyncset.done $0x0  }
0x17: {  	s21 =	rddreg [dreg:$0x6];
	[sflag:s8] =	ssyncadd.s32 $0xFFFFFFC0  }
0x18: {  	[tilespmem:s21], [sflag:$0x3] =	stream.linear.gather [hbm4b:s0+s2], $0x40, $0x38;
	[tilespmem:$0x10100] =	vst v63  }
0x19: {  	_ =	swait.ge [sflag:s8], $0x40  }
0x1a: {  	[sflag:s8] =	ssyncset.done $0x0  }
0x1b: {  	s18 =	simm.s32 $0x100;
	s1 =	rddreg [dreg:$0x5];
	[sflag:s8] =	ssyncadd.s32 $0xFFFFFFC0  }
0x1c: {  	[tilespmem:s18], [sflag:$0x3] =	stream.linear.gather [hbm4b:s1+s2], $0x10000, $0x38;
	[tilespmem:$0x10100] =	vst v63  }
0x1d: {  	_ =	swait.ge [sflag:s8], $0x10000  }
0x1e: {  	[sflag:s8] =	ssyncset.done $0x0  }
0x1f: {  	[sflag:s8] =	ssyncadd.s32 $0xFFFF0000  }
0x20: {  	v3 =	vld [tilespmem:$0x0];
	_ =	sdelay $0x4  }
0x21: {  	v4 =	vshll.u32 v3, $0x3  }
0x22: {  	v3 =	vand.u32 $0x7, v3;
	v4 =	vand.u32 $0xFFFFFFC0, v4  }
0x23: {  	v3 =	vor.u32 v3, v4  }
0x24: {  	v4 =	vperm.xlane v3, v0;
	_ =	sdelay $0x1  }
0x25: {  	v4 =	vadd.s32 v1, v4;
	_ =	sdelay $0x4  }
0x26: {  	[hbm4b:s3+s2] =	stream.indirect_vreg.scatter [tilespmem:s18], [sflag:$0x1], $0x80, v4, vm0, $0xb8;
	[tilespmem:$0x10100] =	vst v63  }
0x27: {  	s20 =	simm.s32 $0x900;
	v3 =	vperm.xlane v3, v2  }
0x28: {  	[hbm4b:s4+s2] =	stream.indirect_vreg.scatter [tilespmem:s20], [sflag:$0x1], $0x80, v4, vm0, $0xb8;
	[tilespmem:$0x10100] =	vst v63  }
0x29: {  	s21 =	simm.s32 $0x1100;
	v3 =	vadd.s32 v1, v3  }
0x2a: {  	[hbm4b:s5+s2] =	stream.indirect_vreg.scatter [tilespmem:s21], [sflag:$0x1], $0x80, v4, vm0, $0xb8;
	[tilespmem:$0x10100] =	vst v63  }
0x2b: {  	_ = 	snop  }
0x2c: {  	[hbm4b:s6+s2] =	stream.indirect_vreg.scatter [tilespmem:s22], [sflag:$0x1], $0x80, v4, vm0, $0xb8;
	[tilespmem:$0x10100] =	vst v63  }
0x2d: {  	_ = 	snop  }
0x2e: {  	[hbm4b:s3+s2] =	stream.indirect_vreg.scatter [tilespmem:s23], [sflag:$0x1], $0x80, v3, vm0, $0xb8;
	[tilespmem:$0x10100] =	vst v63  }
0x2f: {  	_ = 	snop  }
0x30: {  	[hbm4b:s4+s2] =	stream.indirect_vreg.scatter [tilespmem:s24], [sflag:$0x1], $0x80, v3, vm0, $0xb8;
	[tilespmem:$0x10100] =	vst v63  }
0x31: {  	_ = 	snop  }
0x32: {  	[hbm4b:s5+s2] =	stream.indirect_vreg.scatter [tilespmem:s25], [sflag:$0x1], $0x80, v3, vm0, $0xb8;
	[tilespmem:$0x10100] =	vst v63  }
0x33: {  	_ = 	snop  }
0x34: {  	[hbm4b:s6+s2] =	stream.indirect_vreg.scatter [tilespmem:s26], [sflag:$0x1], $0x80, v3, vm0, $0xb8;
	[tilespmem:$0x10100] =	vst v63  }
0x35: {  	v3 =	vld [tilespmem:$0x10];
	_ =	sdelay $0x4  }
0x36: {  	v57 =	vshll.u32 v3, $0x3  }
0x37: {  	v3 =	vand.u32 $0x7, v3;
	v4 =	vand.u32 $0xFFFFFFC0, v57  }
0x38: {  	v3 =	vor.u32 v3, v4  }
0x39: {  	v4 =	vperm.xlane v3, v0;
	_ =	sdelay $0x1  }
0x3a: {  	v4 =	vadd.s32 v1, v4;
	_ =	sdelay $0x4  }
0x3b: {  	[hbm4b:s3+s2] =	stream.indirect_vreg.scatter [tilespmem:s28], [sflag:$0x1], $0x80, v4, vm0, $0xb8;
	[tilespmem:$0x10100] =	vst v63  }
0x3c: {  	v3 =	vperm.xlane v3, v2  }
0x3d: {  	[hbm4b:s4+s2] =	stream.indirect_vreg.scatter [tilespmem:s29], [sflag:$0x1], $0x80, v4, vm0, $0xb8;
	[tilespmem:$0x10100] =	vst v63  }
0x3e: {  	v3 =	vadd.s32 v1, v3  }
0x3f: {  	[hbm4b:s5+s2] =	stream.indirect_vreg.scatter [tilespmem:s30], [sflag:$0x1], $0x80, v4, vm0, $0xb8;
	[tilespmem:$0x10100] =	vst v63  }
0x40: {  	_ = 	snop  }
0x41: {  	[hbm4b:s6+s2] =	stream.indirect_vreg.scatter [tilespmem:s31], [sflag:$0x1], $0x80, v4, vm0, $0xb8;
	[tilespmem:$0x10100] =	vst v63  }
0x42: {  	s0 =	simm.s32 $0x6100  }
0x43: {  	[hbm4b:s3+s2] =	stream.indirect_vreg.scatter [tilespmem:s0], [sflag:$0x1], $0x80, v3, vm0, $0xb8;
	[tilespmem:$0x10100] =	vst v63  }
0x44: {  	s1 =	simm.s32 $0x6900  }
0x45: {  	[hbm4b:s4+s2] =	stream.indirect_vreg.scatter [tilespmem:s1], [sflag:$0x1], $0x80, v3, vm0, $0xb8;
	[tilespmem:$0x10100] =	vst v63  }
0x46: {  	_ = 	snop  }
0x47: {  	[hbm4b:s5+s2] =	stream.indirect_vreg.scatter [tilespmem:s10], [sflag:$0x1], $0x80, v3, vm0, $0xb8;
	[tilespmem:$0x10100] =	vst v63  }
0x48: {  	_ = 	snop  }
0x49: {  	[hbm4b:s6+s2] =	stream.indirect_vreg.scatter [tilespmem:s11], [sflag:$0x1], $0x80, v3, vm0, $0xb8;
	[tilespmem:$0x10100] =	vst v63  }
0x4a: {  	v3 =	vld [tilespmem:$0x20];
	_ =	sdelay $0x4  }
0x4b: {  	v58 =	vshll.u32 v3, $0x3  }
0x4c: {  	v3 =	vand.u32 $0x7, v3;
	v4 =	vand.u32 $0xFFFFFFC0, v58  }
0x4d: {  	v3 =	vor.u32 v3, v4  }
0x4e: {  	v4 =	vperm.xlane v3, v0;
	_ =	sdelay $0x1  }
0x4f: {  	v4 =	vadd.s32 v1, v4;
	_ =	sdelay $0x4  }
0x50: {  	[hbm4b:s3+s2] =	stream.indirect_vreg.scatter [tilespmem:s12], [sflag:$0x1], $0x80, v4, vm0, $0xb8;
	[tilespmem:$0x10100] =	vst v63  }
0x51: {  	v3 =	vperm.xlane v3, v2  }
0x52: {  	[hbm4b:s4+s2] =	stream.indirect_vreg.scatter [tilespmem:s13], [sflag:$0x1], $0x80, v4, vm0, $0xb8;
	[tilespmem:$0x10100] =	vst v63  }
0x53: {  	v3 =	vadd.s32 v1, v3  }
0x54: {  	[hbm4b:s5+s2] =	stream.indirect_vreg.scatter [tilespmem:s14], [sflag:$0x1], $0x80, v4, vm0, $0xb8;
	[tilespmem:$0x10100] =	vst v63  }
0x55: {  	_ = 	snop  }
0x56: {  	[hbm4b:s6+s2] =	stream.indirect_vreg.scatter [tilespmem:s15], [sflag:$0x1], $0x80, v4, vm0, $0xb8;
	[tilespmem:$0x10100] =	vst v63  }
0x57: {  	_ = 	snop  }
0x58: {  	[hbm4b:s3+s2] =	stream.indirect_vreg.scatter [tilespmem:s16], [sflag:$0x1], $0x80, v3, vm0, $0xb8;
	[tilespmem:$0x10100] =	vst v63  }
0x59: {  	_ = 	snop  }
0x5a: {  	[hbm4b:s4+s2] =	stream.indirect_vreg.scatter [tilespmem:s17], [sflag:$0x1], $0x80, v3, vm0, $0xb8;
	[tilespmem:$0x10100] =	vst v63  }
0x5b: {  	_ = 	snop  }
0x5c: {  	[hbm4b:s5+s2] =	stream.indirect_vreg.scatter [tilespmem:s9], [sflag:$0x1], $0x80, v3, vm0, $0xb8;
	[tilespmem:$0x10100] =	vst v63  }
0x5d: {  	_ = 	snop  }
0x5e: {  	[hbm4b:s6+s2] =	stream.indirect_vreg.scatter [tilespmem:s19], [sflag:$0x1], $0x80, v3, vm0, $0xb8;
	[tilespmem:$0x10100] =	vst v63  }
0x5f: {  	v3 =	vld [tilespmem:$0x30];
	_ =	sdelay $0x4  }
0x60: {  	v59 =	vshll.u32 v3, $0x3  }
0x61: {  	v3 =	vand.u32 $0x7, v3;
	v4 =	vand.u32 $0xFFFFFFC0, v59  }
0x62: {  	v3 =	vor.u32 v3, v4  }
0x63: {  	v4 =	vperm.xlane v3, v0;
	_ =	sdelay $0x1  }
0x64: {  	v4 =	vadd.s32 v1, v4;
	_ =	sdelay $0x3  }
0x65: {  	s0 =	simm.s32 $0xC100  }
0x66: {  	[hbm4b:s3+s2] =	stream.indirect_vreg.scatter [tilespmem:s0], [sflag:$0x1], $0x80, v4, vm0, $0xb8;
	[tilespmem:$0x10100] =	vst v63  }
0x67: {  	v3 =	vperm.xlane v3, v2;
	s0 =	simm.s32 $0xC900  }
0x68: {  	[hbm4b:s4+s2] =	stream.indirect_vreg.scatter [tilespmem:s0], [sflag:$0x1], $0x80, v4, vm0, $0xb8;
	[tilespmem:$0x10100] =	vst v63  }
0x69: {  	v3 =	vadd.s32 v1, v3;
	s0 =	simm.s32 $0xD100  }
0x6a: {  	[hbm4b:s5+s2] =	stream.indirect_vreg.scatter [tilespmem:s0], [sflag:$0x1], $0x80, v4, vm0, $0xb8;
	[tilespmem:$0x10100] =	vst v63  }
0x6b: {  	s0 =	simm.s32 $0xD900  }
0x6c: {  	[hbm4b:s6+s2] =	stream.indirect_vreg.scatter [tilespmem:s0], [sflag:$0x1], $0x80, v4, vm0, $0xb8;
	[tilespmem:$0x10100] =	vst v63  }
0x6d: {  	s0 =	simm.s32 $0xE100  }
0x6e: {  	[hbm4b:s3+s2] =	stream.indirect_vreg.scatter [tilespmem:s0], [sflag:$0x1], $0x80, v3, vm0, $0xb8;
	[tilespmem:$0x10100] =	vst v63  }
0x6f: {  	s0 =	simm.s32 $0xE900  }
0x70: {  	[hbm4b:s4+s2] =	stream.indirect_vreg.scatter [tilespmem:s0], [sflag:$0x1], $0x80, v3, vm0, $0xb8;
	[tilespmem:$0x10100] =	vst v63  }
0x71: {  	s0 =	simm.s32 $0xF100  }
0x72: {  	[hbm4b:s5+s2] =	stream.indirect_vreg.scatter [tilespmem:s0], [sflag:$0x1], $0x80, v3, vm0, $0xb8;
	[tilespmem:$0x10100] =	vst v63  }
0x73: {  	s0 =	simm.s32 $0xF900  }
0x74: {  	[hbm4b:s6+s2] =	stream.indirect_vreg.scatter [tilespmem:s0], [sflag:$0x1], $0x80, v3, vm0, $0xb8;
	[tilespmem:$0x10100] =	vst v63  }
0x75: {  	v3 =	vld [tilespmem:$0x80];
	_ =	sdelay $0x4  }
0x76: {  	v60 =	vshll.u32 v3, $0x3  }
0x77: {  	v3 =	vand.u32 $0x7, v3;
	v4 =	vand.u32 $0xFFFFFFC0, v60  }
0x78: {  	v3 =	vor.u32 v3, v4  }
0x79: {  	v4 =	vperm.xlane v3, v0;
	_ =	sdelay $0x1  }
0x7a: {  	v4 =	vadd.s32 v1, v4;
	_ =	sdelay $0x4  }
0x7b: {  	[hbm4b:s3+s2] =	stream.indirect_vreg.scatter [tilespmem:s18], [sflag:$0x2], $0x80, v4, vm0, $0xb8;
	[tilespmem:$0x10100] =	vst v63  }
0x7c: {  	v3 =	vperm.xlane v3, v2  }
0x7d: {  	[hbm4b:s4+s2] =	stream.indirect_vreg.scatter [tilespmem:s20], [sflag:$0x2], $0x80, v4, vm0, $0xb8;
	[tilespmem:$0x10100] =	vst v63  }
0x7e: {  	v3 =	vadd.s32 v1, v3  }
0x7f: {  	[hbm4b:s5+s2] =	stream.indirect_vreg.scatter [tilespmem:s21], [sflag:$0x2], $0x80, v4, vm0, $0xb8;
	[tilespmem:$0x10100] =	vst v63  }
0x80: {  	_ = 	snop  }
0x81: {  	[hbm4b:s6+s2] =	stream.indirect_vreg.scatter [tilespmem:s22], [sflag:$0x2], $0x80, v4, vm0, $0xb8;
	[tilespmem:$0x10100] =	vst v63  }
0x82: {  	_ = 	snop  }
0x83: {  	[hbm4b:s3+s2] =	stream.indirect_vreg.scatter [tilespmem:s23], [sflag:$0x2], $0x80, v3, vm0, $0xb8;
	[tilespmem:$0x10100] =	vst v63  }
0x84: {  	_ = 	snop  }
0x85: {  	[hbm4b:s4+s2] =	stream.indirect_vreg.scatter [tilespmem:s24], [sflag:$0x2], $0x80, v3, vm0, $0xb8;
	[tilespmem:$0x10100] =	vst v63  }
0x86: {  	_ = 	snop  }
0x87: {  	[hbm4b:s5+s2] =	stream.indirect_vreg.scatter [tilespmem:s25], [sflag:$0x2], $0x80, v3, vm0, $0xb8;
	[tilespmem:$0x10100] =	vst v63  }
0x88: {  	_ = 	snop  }
0x89: {  	[hbm4b:s6+s2] =	stream.indirect_vreg.scatter [tilespmem:s26], [sflag:$0x2], $0x80, v3, vm0, $0xb8;
	[tilespmem:$0x10100] =	vst v63  }
0x8a: {  	v3 =	vld [tilespmem:$0x90];
	_ =	sdelay $0x4  }
0x8b: {  	v61 =	vshll.u32 v3, $0x3  }
0x8c: {  	v3 =	vand.u32 $0x7, v3;
	v4 =	vand.u32 $0xFFFFFFC0, v61  }
0x8d: {  	v3 =	vor.u32 v3, v4  }
0x8e: {  	v4 =	vperm.xlane v3, v0;
	_ =	sdelay $0x1  }
0x8f: {  	v4 =	vadd.s32 v1, v4;
	_ =	sdelay $0x4  }
0x90: {  	[hbm4b:s3+s2] =	stream.indirect_vreg.scatter [tilespmem:s28], [sflag:$0x2], $0x80, v4, vm0, $0xb8;
	[tilespmem:$0x10100] =	vst v63  }
0x91: {  	v3 =	vperm.xlane v3, v2  }
0x92: {  	[hbm4b:s4+s2] =	stream.indirect_vreg.scatter [tilespmem:s29], [sflag:$0x2], $0x80, v4, vm0, $0xb8;
	[tilespmem:$0x10100] =	vst v63  }
0x93: {  	v3 =	vadd.s32 v1, v3  }
0x94: {  	[hbm4b:s5+s2] =	stream.indirect_vreg.scatter [tilespmem:s30], [sflag:$0x2], $0x80, v4, vm0, $0xb8;
	[tilespmem:$0x10100] =	vst v63  }
0x95: {  	_ = 	snop  }
0x96: {  	[hbm4b:s6+s2] =	stream.indirect_vreg.scatter [tilespmem:s31], [sflag:$0x2], $0x80, v4, vm0, $0xb8;
	[tilespmem:$0x10100] =	vst v63  }
0x97: {  	s21 =	simm.s32 $0x6100  }
0x98: {  	[hbm4b:s3+s2] =	stream.indirect_vreg.scatter [tilespmem:s21], [sflag:$0x2], $0x80, v3, vm0, $0xb8;
	[tilespmem:$0x10100] =	vst v63  }
0x99: {  	_ = 	snop  }
0x9a: {  	[hbm4b:s4+s2] =	stream.indirect_vreg.scatter [tilespmem:s1], [sflag:$0x2], $0x80, v3, vm0, $0xb8;
	[tilespmem:$0x10100] =	vst v63  }
0x9b: {  	_ = 	snop  }
0x9c: {  	[hbm4b:s5+s2] =	stream.indirect_vreg.scatter [tilespmem:s10], [sflag:$0x2], $0x80, v3, vm0, $0xb8;
	[tilespmem:$0x10100] =	vst v63  }
0x9d: {  	_ = 	snop  }
0x9e: {  	[hbm4b:s6+s2] =	stream.indirect_vreg.scatter [tilespmem:s11], [sflag:$0x2], $0x80, v3, vm0, $0xb8;
	[tilespmem:$0x10100] =	vst v63  }
0x9f: {  	v3 =	vld [tilespmem:$0xA0];
	_ =	sdelay $0x4  }
0xa0: {  	v62 =	vshll.u32 v3, $0x3  }
0xa1: {  	v3 =	vand.u32 $0x7, v3;
	v4 =	vand.u32 $0xFFFFFFC0, v62  }
0xa2: {  	v3 =	vor.u32 v3, v4  }
0xa3: {  	v4 =	vperm.xlane v3, v0;
	_ =	sdelay $0x1  }
0xa4: {  	v4 =	vadd.s32 v1, v4;
	_ =	sdelay $0x4  }
0xa5: {  	[hbm4b:s3+s2] =	stream.indirect_vreg.scatter [tilespmem:s12], [sflag:$0x2], $0x80, v4, vm0, $0xb8;
	[tilespmem:$0x10100] =	vst v63  }
0xa6: {  	v3 =	vperm.xlane v3, v2  }
0xa7: {  	[hbm4b:s4+s2] =	stream.indirect_vreg.scatter [tilespmem:s13], [sflag:$0x2], $0x80, v4, vm0, $0xb8;
	[tilespmem:$0x10100] =	vst v63  }
0xa8: {  	v3 =	vadd.s32 v1, v3  }
0xa9: {  	[hbm4b:s5+s2] =	stream.indirect_vreg.scatter [tilespmem:s14], [sflag:$0x2], $0x80, v4, vm0, $0xb8;
	[tilespmem:$0x10100] =	vst v63  }
0xaa: {  	_ = 	snop  }
0xab: {  	[hbm4b:s6+s2] =	stream.indirect_vreg.scatter [tilespmem:s15], [sflag:$0x2], $0x80, v4, vm0, $0xb8;
	[tilespmem:$0x10100] =	vst v63  }
0xac: {  	_ = 	snop  }
0xad: {  	[hbm4b:s3+s2] =	stream.indirect_vreg.scatter [tilespmem:s16], [sflag:$0x2], $0x80, v3, vm0, $0xb8;
	[tilespmem:$0x10100] =	vst v63  }
0xae: {  	_ = 	snop  }
0xaf: {  	[hbm4b:s4+s2] =	stream.indirect_vreg.scatter [tilespmem:s17], [sflag:$0x2], $0x80, v3, vm0, $0xb8;
	[tilespmem:$0x10100] =	vst v63  }
0xb0: {  	_ = 	snop  }
0xb1: {  	[hbm4b:s5+s2] =	stream.indirect_vreg.scatter [tilespmem:s9], [sflag:$0x2], $0x80, v3, vm0, $0xb8;
	[tilespmem:$0x10100] =	vst v63  }
0xb2: {  	_ = 	snop  }
0xb3: {  	[hbm4b:s6+s2] =	stream.indirect_vreg.scatter [tilespmem:s19], [sflag:$0x2], $0x80, v3, vm0, $0xb8;
	[tilespmem:$0x10100] =	vst v63  }
0xb4: {  	v3 =	vld [tilespmem:$0xB0];
	_ =	sdelay $0x4  }
0xb5: {  	v63 =	vshll.u32 v3, $0x3  }
0xb6: {  	v3 =	vand.u32 $0x7, v3;
	v4 =	vand.u32 $0xFFFFFFC0, v63  }
0xb7: {  	v3 =	vor.u32 v3, v4  }
0xb8: {  	v4 =	vperm.xlane v3, v0;
	_ =	sdelay $0x1  }
0xb9: {  	v4 =	vadd.s32 v1, v4;
	_ =	sdelay $0x3  }
0xba: {  	s18 =	simm.s32 $0xC100  }
0xbb: {  	[hbm4b:s3+s2] =	stream.indirect_vreg.scatter [tilespmem:s18], [sflag:$0x2], $0x80, v4, vm0, $0xb8;
	[tilespmem:$0x10100] =	vst v63  }
0xbc: {  	s20 =	simm.s32 $0xC900;
	v3 =	vperm.xlane v3, v2  }
0xbd: {  	[hbm4b:s4+s2] =	stream.indirect_vreg.scatter [tilespmem:s20], [sflag:$0x2], $0x80, v4, vm0, $0xb8;
	[tilespmem:$0x10100] =	vst v63  }
0xbe: {  	s21 =	simm.s32 $0xD100;
	v3 =	vadd.s32 v1, v3  }
0xbf: {  	[hbm4b:s5+s2] =	stream.indirect_vreg.scatter [tilespmem:s21], [sflag:$0x2], $0x80, v4, vm0, $0xb8;
	[tilespmem:$0x10100] =	vst v63  }
0xc0: {  	s18 =	simm.s32 $0xD900  }
0xc1: {  	[hbm4b:s6+s2] =	stream.indirect_vreg.scatter [tilespmem:s18], [sflag:$0x2], $0x80, v4, vm0, $0xb8;
	[tilespmem:$0x10100] =	vst v63  }
0xc2: {  	s20 =	simm.s32 $0xE100  }
0xc3: {  	[hbm4b:s3+s2] =	stream.indirect_vreg.scatter [tilespmem:s20], [sflag:$0x2], $0x80, v3, vm0, $0xb8;
	[tilespmem:$0x10100] =	vst v63  }
0xc4: {  	s21 =	simm.s32 $0xE900  }
0xc5: {  	[hbm4b:s4+s2] =	stream.indirect_vreg.scatter [tilespmem:s21], [sflag:$0x2], $0x80, v3, vm0, $0xb8;
	[tilespmem:$0x10100] =	vst v63  }
0xc6: {  	s18 =	simm.s32 $0xF100  }
0xc7: {  	[hbm4b:s5+s2] =	stream.indirect_vreg.scatter [tilespmem:s18], [sflag:$0x2], $0x80, v3, vm0, $0xb8;
	[tilespmem:$0x10100] =	vst v63  }
0xc8: {  	s20 =	simm.s32 $0x1  }
0xc9: {  	[hbm4b:s6+s2] =	stream.indirect_vreg.scatter [tilespmem:s0], [sflag:$0x2], $0x80, v3, vm0, $0xb8;
	[tilespmem:$0x10100] =	vst v63  }
0xca: {  	p0 =	sne.s32 s7, $0x1;
	_ =	swait.ge [sflag:s20], $0x10000  }
.Ltmp0:
0xcb: {  	[sflag:s20] =	ssyncset.done $0x0;
	(pc) =	sbr.rel @p0 .LBB2_1-.Ltmp0, $4  }
0xcc: {  	s21 =	simm.s32 $0x2;
	[sflag:s20] =	ssyncadd.s32 $0xFFFF0000  }
0xcd: {  	_ =	swait.ge [sflag:s21], $0x10000  }
0xce: {  	[sflag:s21] =	ssyncset.done $0x0  }
0xcf: {  	s7 =	sadd.s32 $0xFFFFFFFF, s7;
	[sflag:s21] =	ssyncadd.s32 $0xFFFF0000  }
0xd0: {  	_ =	sfence.sel $0x180000  }
0xd1: {  	[bflag:$0x0] =	sbarrier.arrive $0xFFFF  }
0xd2: {  	_ =	strace $0x90000047  }
0xd3: {  	s0 =	stileid.u32;
	[bflag:$0x2] =	sbarrier.arrive $0xFFFF  }
0xd4: {  	p0 =	sne.s32 s0, $0x0;
	s0 =	rddreg [dreg:$0x2]  }
0xd5: {  	s0 =	sadd.s32 @!p0 $0x100000, s0  }
0xd6: {  	[sflag:s0] =	ssyncadd.tile.s32 @!p0 $0x1;
	_ =	shalt  }
.Lfunc_end2:
_tile_overlayer_lowered:
.L_overlay_start_2:
0xd7: {  	(tag) =	ssettag $0x2  }
0xd8: {  	s0 =	rddreg [dreg:$0x0];
	s2 =	stileid.u32  }
0xd9: {  	s1 =	rddreg [dreg:$0x1];
	p0 =	sne.s32 s2, $0x0  }
0xda: {  	s3 =	rddreg [dreg:$0x2];
	[bflag:$0x3] =	sbarrier.arrive $0xFFFF;
	s2 =	simm.s32 @!p0 $0x1C03  }
0xdb: {  	[timem:s3], [sflag:s2] =	dma.local @!p0 [hbm:s0], s1  }
0xdc: {  	s0 =	simm.s32 @!p0 $0x3  }
0xdd: {  	_ =	swait.ge @!p0 [sflag:s0], s1  }
0xde: {  	s1 =	ssub.s32 @!p0 $0x0, s1;
	[sflag:s0] =	ssyncset.done @!p0 $0x0  }
0xdf: {  	[sflag:s0] =	ssyncadd.s32 @!p0 s1  }
0xe0: {  	[bflag:$0x3] =	sbarrier.arrive $0xFFFF  }
0xe1: {  	_ =	shalt  }

// kernel: kernel.9.cloned.1.call-start
scs
__scs_entry_jumppad:
0x0: {  	(pc) =	sbr.rel $0x88, $3  }
0x1: {  	(tag) =	ssettag $0x0;
	lr =	simm.s32 $0x1  }
0x2: {  	[smem:$0x3F9C] =	sst lr;
	_ =	strace $0xD0000000  }
0x3: {  	_ = 	snop  }
0x4: {  	_ = 	snop  }
0x5: {  	_ = 	snop  }
0x6: {  	_ = 	snop  }
0x7: {  	_ = 	snop  }
__scs_overlays_trampoline_lowered:
0x8: {  	[smem:$0x3FAB] =	sst s0  }
0x9: {  	[smem:$0x3FAC] =	sst s1  }
0xa: {  	[smem:$0x3FAD] =	sst s2  }
0xb: {  	[smem:$0x3FAE] =	sst s3  }
0xc: {  	[smem:$0x3FAF] =	sst s4  }
0xd: {  	[smem:$0x3FB0] =	sst s5  }
0xe: {  	[smem:$0x3FB1] =	sst s6  }
0xf: {  	[smem:$0x3FB2] =	sst s7  }
0x10: {  	[smem:$0x3FB3] =	sst s8  }
0x11: {  	[smem:$0x3FB4] =	sst s9;
	s0 =	simm.s32 @!p0 $0x0  }
0x12: {  	s1 =	sld [smem:$0x3F9A];
	s0 =	simm.s32 @p0 $0x1  }
0x13: {  	[smem:$0x3FB5] =	sst s0;
	s0 =	simm.s32 @!p1 $0x0  }
0x14: {  	s2 =	sld [smem:$0x3F99];
	s0 =	simm.s32 @p1 $0x1  }
0x15: {  	[smem:$0x3FB6] =	sst s0;
	s0 =	simm.s32 @!p2 $0x0  }
0x16: {  	s3 =	sld [smem:$0x3FDB];
	s0 =	simm.s32 @p2 $0x1  }
0x17: {  	s4 =	simm.s32 $0x1BF5;
	[smem:$0x3FB8] =	sst s0  }
0x18: {  	s0 =	sld [smem:$0x3F9B];
	_ =	swait.ge [sflag:s4], $0x0  }
0x19: {  	s7 =	sld [smem:$0x3F9C]  }
0x1a: {  	s8 =	sadd.s32 $0xFFFFE003, lr  }
0x1b: {  	s9 =	sadd.s32 $0xFFFFFEF7, lr;
	s5 =	simm.s32 $0xFFFFFFFF;
	p2 =	slt.u32 s8, $0xFFFFF086  }
0x1c: {  	p1 =	slt.u32 s9, $0xF7A;
	s5 =	simm.s32 @!p2 $0x0  }
0x1d: {  	s5 =	simm.s32 @p1 $0x1;
	p0 =	seq.s32 s7, s2  }
0x1e: {  	s7 =	smul.u32 @!p0 $0xF7A, s2;
	p2 =	seq.s32 @!p0 s5, $0x0  }
0x1f: {  	s9 =	smul.u32 $0xF7A, s1;
	s8 =	simm.s32 @!p0 $0x1BF5;
	p2 =	por !p2, p0  }
0x20: {  	[sflag:s8] =	ssyncset.s32 @!p0 $0xFFFFF086;
	s6 =	sadd.s32 @!p0 s3, s7;
	s7 =	simm.s32 @!p0 $0x108  }
0x21: {  	s3 =	sadd.s32 s3, s9;
	s6 =	sadd.s32 @!p0 $0x88, s6;
	s7 =	simm.s32 @p2 $0x1082  }
0x22: {  	[simem:s7], [sflag:s8] =	dma.local @!p0 [hbm:s6], $0xF7A  }
0x23: {  	s9 =	sor.u32 $0xD0000000, s2;
	s6 =	simm.s32 $0x108;
	_ =	swait.ge @!p0 [sflag:s8], $0x0  }
0x24: {  	s3 =	sadd.s32 $0x88, s3;
	s6 =	simm.s32 @!p1 $0x1082;
	[sflag:s4] =	ssyncset.s32 $0xFFFFF086  }
0x25: {  	[simem:s6], [sflag:s4] =	dma.local [hbm:s3], $0xF7A  }
0x26: {  	[smem:$0x3F9C] =	sst s1;
	(tag) =	ssettag s2;
	_ =	strace s9  }
0x27: {  	s1 =	sld [smem:$0x3FAC]  }
0x28: {  	s2 =	sld [smem:$0x3FAD]  }
0x29: {  	s4 =	sld [smem:$0x3FAF]  }
0x2a: {  	p0 =	seq.s32 s5, $0x0;
	s5 =	sld [smem:$0x3FB0]  }
0x2b: {  	s6 =	sld [smem:$0x3FB1]  }
0x2c: {  	s7 =	sld [smem:$0x3FB2]  }
0x2d: {  	s3 =	simm.s32 $0x108;
	s8 =	sld [smem:$0x3FB3]  }
0x2e: {  	s3 =	simm.s32 @!p0 $0x1082;
	s9 =	sld [smem:$0x3FB4]  }
0x2f: {  	lr =	sadd.s32 s0, s3;
	s0 =	sld [smem:$0x3FAB]  }
0x30: {  	s3 =	sld [smem:$0x3FAE]  }
0x31: {  	[smem:$0x3FB7] =	sst s10  }
0x32: {  	s10 =	sld [smem:$0x3FB5];
	_ =	sdelay $0x3  }
0x33: {  	p0 =	seq.s32 s10, $0x1;
	s10 =	sld [smem:$0x3FB7];
	_ =	sdelay $0x3  }
0x34: {  	[smem:$0x3FB7] =	sst s10  }
0x35: {  	s10 =	sld [smem:$0x3FB6];
	_ =	sdelay $0x3  }
0x36: {  	p1 =	seq.s32 s10, $0x1;
	s10 =	sld [smem:$0x3FB7];
	_ =	sdelay $0x3  }
0x37: {  	[smem:$0x3FB7] =	sst s10  }
0x38: {  	s10 =	sld [smem:$0x3FB8]  }
0x39: {  	_ = 	snop;
	(pc) =	sbr.ind lr, $3  }
0x3a: {  	_ = 	snop  }
0x3b: {  	_ = 	snop  }
0x3c: {  	p2 =	seq.s32 s10, $0x1;
	s10 =	sld [smem:$0x3FB7]  }
0x3d: {  	_ =	shalt  }
0x3e: {  	_ =	shalt  }
0x3f: {  	_ =	shalt  }
0x40: {  	_ =	shalt  }
0x41: {  	_ =	shalt  }
0x42: {  	_ =	shalt  }
0x43: {  	_ =	shalt  }
0x44: {  	_ =	shalt  }
0x45: {  	_ =	shalt  }
0x46: {  	_ =	shalt  }
0x47: {  	_ =	shalt  }
0x48: {  	_ =	shalt  }
0x49: {  	_ =	shalt  }
0x4a: {  	_ =	shalt  }
0x4b: {  	_ =	shalt  }
0x4c: {  	_ =	shalt  }
0x4d: {  	_ =	shalt  }
0x4e: {  	_ =	shalt  }
0x4f: {  	_ =	shalt  }
0x50: {  	_ =	shalt  }
0x51: {  	_ =	shalt  }
0x52: {  	_ =	shalt  }
0x53: {  	_ =	shalt  }
0x54: {  	_ =	shalt  }
0x55: {  	_ =	shalt  }
0x56: {  	_ =	shalt  }
0x57: {  	_ =	shalt  }
0x58: {  	_ =	shalt  }
0x59: {  	_ =	shalt  }
0x5a: {  	_ =	shalt  }
0x5b: {  	_ =	shalt  }
0x5c: {  	_ =	shalt  }
0x5d: {  	_ =	shalt  }
0x5e: {  	_ =	shalt  }
0x5f: {  	_ =	shalt  }
0x60: {  	_ =	shalt  }
0x61: {  	_ =	shalt  }
0x62: {  	_ =	shalt  }
0x63: {  	_ =	shalt  }
0x64: {  	_ =	shalt  }
0x65: {  	_ =	shalt  }
0x66: {  	_ =	shalt  }
0x67: {  	_ =	shalt  }
0x68: {  	_ =	shalt  }
0x69: {  	_ =	shalt  }
0x6a: {  	_ =	shalt  }
0x6b: {  	_ =	shalt  }
0x6c: {  	_ =	shalt  }
0x6d: {  	_ =	shalt  }
0x6e: {  	_ =	shalt  }
0x6f: {  	_ =	shalt  }
0x70: {  	_ =	shalt  }
0x71: {  	_ =	shalt  }
0x72: {  	_ =	shalt  }
0x73: {  	_ =	shalt  }
0x74: {  	_ =	shalt  }
0x75: {  	_ =	shalt  }
0x76: {  	_ =	shalt  }
0x77: {  	_ =	shalt  }
0x78: {  	_ =	shalt  }
0x79: {  	_ =	shalt  }
0x7a: {  	_ =	shalt  }
0x7b: {  	_ =	shalt  }
0x7c: {  	_ =	shalt  }
0x7d: {  	_ =	shalt  }
0x7e: {  	_ =	shalt  }
0x7f: {  	_ =	shalt  }
0x80: {  	_ =	shalt  }
0x81: {  	_ =	shalt  }
0x82: {  	_ =	shalt  }
0x83: {  	_ =	shalt  }
0x84: {  	_ =	shalt  }
0x85: {  	_ =	shalt  }
0x86: {  	_ =	shalt  }
0x87: {  	_ =	shalt  }
.Lfunc_end0:
.L_simem_size_0:
called_computation.1_lowered:
.L_overlay_start_0:
0x88: {  	s2 =	sld [smem:$0x3FD9]  }
0x89: {  	s3 =	sld [smem:$0x3FFE];
	_ =	sdelay $0x1  }
0x8a: {  	s1 =	srdreg.scid  }
0x8b: {  	s0 =	sand.u32 $0x1, s1  }
0x8c: {  	s14 =	sshll.u32 s0, $0xA;
	s2 =	sadd.s32 s3, s2  }
0x8d: {  	s2 =	sadd.s32 s2, s14  }
0x8e: {  	[smem:$0x3FC3] =	sst s2  }
0x8f: {  	_ = 	snop  }
0x90: {  	s2 =	sld [smem:$0x3FD0];
	_ =	sdelay $0x2  }
0x91: {  	s15 =	simm.s32 $0xA;
	s4 =	simm.s32 $0x10  }
0x92: {  	[smem:s4], [sflag:s15] =	dma.local [hbm:s2], $0x1  }
0x93: {  	_ =	swait.eq [sflag:s15], $0x1  }
0x94: {  	[sflag:s15] =	ssyncset.done $0x0  }
0x95: {  	[sflag:s15] =	ssyncadd.s32 $0xFFFFFFFF  }
0x96: {  	s16 =	sld [smem:$0x10];
	(tm) =	ssettm $0x1  }
0x97: {  	s17 =	sld [smem:$0x3FFB];
	_ =	sdelay $0x3  }
0x98: {  	_ =	strace s17  }
0x99: {  	s3 =	sld [smem:$0x3FFC];
	_ =	sdelay $0x3  }
0x9a: {  	_ =	strace s3  }
0x9b: {  	s3 =	sld [smem:$0x3FFD];
	_ =	sdelay $0x3  }
0x9c: {  	_ =	strace s3  }
0x9d: {  	_ =	strace $0x8FFFFFFF  }
0x9e: {  	s18 =	sld [smem:$0x3FDB];
	_ =	sdelay $0x1  }
0x9f: {  	s19 =	simm.s32 $_scs_section_size  }
0xa0: {  	s5 =	simm.s32 $_size__tile_overlayer_lowered;
	s6 =	simm.s32 $_tile_overlayer_lowered  }
0xa1: {  	s22 =	simm.s32 $0x1BFF;
	s21 =	sshll.u32 s6, $0x1;
	s3 =	sadd.s32 s19, s18  }
0xa2: {  	s7 =	simm.s32 $0x0;
	s20 =	sshll.u32 s5, $0x1;
	s5 =	sadd.s32 s21, s3  }
0xa3: {  	[timem:s7], [sflag:s22] =	dma.local [hbm:s5], s20  }
0xa4: {  	_ =	swait.ge [sflag:s22], s20  }
0xa5: {  	s4 =	ssub.s32 $0x0, s20;
	[sflag:s22] =	ssyncset.done $0x0  }
0xa6: {  	[sflag:s22] =	ssyncadd.s32 s4;
	_ =	sdelay $0x1  }
0xa7: {  	s23 =	simm.s32 $0x1B8B  }
0xa8: {  	_ =	swait.ge [sflag:s23], $0x1  }
0xa9: {  	[sflag:s23] =	ssyncset.done $0x0  }
0xaa: {  	s25 =	simm.s32 $0x1B8E;
	s24 =	sld [smem:$0x3FFE];
	[sflag:s23] =	ssyncadd.s32 $0xFFFFFFFF  }
0xab: {  	s26 =	simm.s32 $execute0_lowered;
	[smem:$0x3FD2] =	sst s25  }
0xac: {  	s5 =	sshll.u32 s26, $0x1;
	_ =	strace $0x80000049;
	[dreg:$0x1] =	wrdreg $0xFFFFFFFF  }
0xad: {  	s28 =	simm.s32 $_size_execute0_lowered;
	s3 =	sadd.s32 s3, s5;
	[dreg:$0x0] =	wrdreg $0x0  }
0xae: {  	s5 =	sshll.u32 s28, $0x1;
	[dreg:$0x2] =	wrdreg s3  }
0xaf: {  	[dreg:$0x3] =	wrdreg s5  }
0xb0: {  	[dreg:$0x4] =	wrdreg $0xC0  }
0xb1: {  	_ =	task [dreg:s7], $0x5FFFF  }
0xb2: {  	[dreg:$0x1] =	wrdreg $0xFFFFFFFF  }
0xb3: {  	[dreg:$0x0] =	wrdreg $0x60  }
0xb4: {  	[dreg:$0x2] =	wrdreg s24  }
0xb5: {  	[dreg:$0x3] =	wrdreg s16  }
0xb6: {  	[dreg:$0x4] =	wrdreg $0x9  }
0xb7: {  	_ =	task.clear_ibuf [dreg:s7], $0x5FFFF;
	_ =	strace $0x90000049  }
0xb8: {  	s29 =	simm.s32 $0x9;
	_ =	strace $0x8000004B  }
0xb9: {  	_ =	swait.ge [sflag:s29], $0x1  }
0xba: {  	[sflag:s29] =	ssyncadd.s32 $0xFFFFFFFF  }
0xbb: {  	_ =	strace $0x9000004B  }
0xbc: {  	_ =	sfence  }
0xbd: {  	s30 =	sld [smem:$0x0];
	_ =	sdelay $0x2  }
0xbe: {  	s31 =	sshll.u32 s1, $0xD;
	s1 =	sshrl.u32 s1, $0x2  }
0xbf: {  	s3 =	sand.u32 $0x4000, s31;
	s1 =	sadd.s32 s1, s30  }
0xc0: {  	s0 =	sor.u32 s3, s0;
	s1 =	sshll.u32 s1, $0x11  }
0xc1: {  	s0 =	sor.u32 s1, s0  }
0xc2: {  	s0 =	sadd.s32 $0x8F2B, s0  }
0xc3: {  	[sflag:s0] =	ssyncadd.remote.s32 $0x1  }
0xc4: {  	_ =	sfence.sel $0xFFFF  }
0xc5: {  	[dreg:$0x0] =	wrdreg $0xFFFFFFFF;
	(pc) =	sbr.abs _section_cstart, $3  }
0xc6: {  	[dreg:$0x1] =	wrdreg $0xFFFFFFFF  }
0xc7: {  	_ =	task.clear_ibuf [dreg:s7], $0x2FFFF;
	_ =	strace $0x9FFFFFFF  }
0xc8: {  	(tm) =	ssettm $0x7FFFFFFF  }
0xc9: {  	_ =	shalt  }
tec
execute0_lowered:
.L_overlay_start_1:
0x0: {  	(tag) =	ssettag $0x1  }
0x1: {  	s0 =	rddreg [dreg:$0x0]  }
0x2: {  	s1 =	rddreg [dreg:$0x1]  }
0x3: {  	s2 =	simm.s32 $0x0;
	s3 =	srdreg.scid;
	s6 =	stileid.u32  }
0x4: {  	s14 =	simm.s32 $0x3;
	s17 =	simm.s32 $0xD900;
	s18 =	simm.s32 $0xE100  }
0x5: {  	s19 =	simm.s32 $0xE900;
	s20 =	simm.s32 $0xF900;
	s21 =	simm.s32 $0x10900  }
0x6: {  	s22 =	simm.s32 $0x11900;
	s23 =	simm.s32 $0x12100;
	s28 =	simm.s32 $0x2  }
0x7: {  	s29 =	simm.s32 $0x14100;
	s12 =	simm.s32 $0x0;
	[smem:$0x7FF] =	sst s2  }
0x8: {  	s3 =	sand.u32 $0x1, s3;
	s5 =	sshll.u32 s6, $0xA;
	s6 =	sshll.u32 s6, $0x7  }
0x9: {  	s10 =	sadd.s32 $0xD1E00, s0;
	s11 =	sadd.s32 $0xD1F00, s0;
	s4 =	sshll.u32 s3, $0x6  }
0xa: {  	_ =	strace $0x8000004A;
	s7 =	ssub.s32 $0x2, s3;
	s3 =	sadd.s32 $0xD1C00, s0  }
0xb: {  	s5 =	sor.u32 s4, s5;
	s4 =	sor.u32 s4, s6;
	s8 =	sshrl.u32 s7, $0x1  }
0xc: {  	s5 =	sshrl.u32 s5, $0x3;
	s6 =	sshll.u32 s4, $0x4;
	s7 =	ssub.s32 s7, s8  }
0xd: {  	s4 =	sshll.u32 s4, $0x7;
	s5 =	sadd.s32 s5, s0;
	s31 =	smax.u32 s7, $0x1  }
0xe: {  	s8 =	sadd.s32 $0xD1D00, s0;
	s24 =	sadd.s32 $0x1400, s5;
	[dreg:$0x8] =	wrdreg s31  }
0xf: {  	s6 =	sadd.s32 s6, s0;
	s5 =	sadd.s32 $0x1410, s5;
	[dreg:$0x3] =	wrdreg s24  }
0x10: {  	v2 =	vlaneseq.u32;
	s9 =	sadd.s32 s1, s4;
	s25 =	sadd.s32 $0x1C00, s6;
	[dreg:$0x4] =	wrdreg s5  }
0x11: {  	v0 =	vand.u32 $0x7, v2;
	v1 =	vshrl.u32 v2, $0x3;
	s4 =	simm.s32 $0xF100;
	s26 =	sadd.s32 $0x9C00, s6;
	[dreg:$0x5] =	wrdreg s25  }
0x12: {  	v63 =	vor.u32 $0x8, v2;
	[tilespmem:$0x1FFD0] =	vst v0;
	v62 =	vmul.u32 $0x8, v1;
	s7 =	simm.s32 $0x12900;
	s30 =	sadd.s32 $0x1000, s9;
	[dreg:$0x6] =	wrdreg s26  }
0x13: {  	[tilespmem:$0x1FFF0] =	vst v63;
	s6 =	simm.s32 $0x11100;
	[dreg:$0x7] =	wrdreg s30;
	s5 =	simm.s32 $0x10100  }
0x14: {  	vm0 =	vmmov $0xffff;
	[tilespmem:$0x1FFE0] =	vst v62;
	s24 =	simm.s32 $0x13100;
	s25 =	simm.s32 $0x13900;
	s26 =	simm.s32 $0x1  }
.LBB2_1:
0x15: {  	s0 =	rddreg [dreg:$0x3]  }
0x16: {  	[tilespmem:s2], [sflag:$0x3] =	stream.linear.gather [hbm4b:s0+s2], $0x40, $0x38;
	[tilespmem:$0x1C100] =	vst v63  }
0x17: {  	_ =	swait.ge [sflag:s14], $0x40  }
0x18: {  	[sflag:s14] =	ssyncset.done $0x0  }
0x19: {  	s1 =	simm.s32 $0x80;
	s16 =	rddreg [dreg:$0x4];
	[sflag:s14] =	ssyncadd.s32 $0xFFFFFFC0  }
0x1a: {  	[tilespmem:s1], [sflag:$0x3] =	stream.linear.gather [hbm4b:s16+s2], $0x40, $0x38;
	[tilespmem:$0x1C100] =	vst v63  }
0x1b: {  	_ =	swait.ge [sflag:s14], $0x40  }
0x1c: {  	[sflag:s14] =	ssyncset.done $0x0  }
0x1d: {  	s30 =	simm.s32 $0x100;
	s13 =	rddreg [dreg:$0x5];
	[sflag:s14] =	ssyncadd.s32 $0xFFFFFFC0  }
0x1e: {  	[tilespmem:s30], [sflag:$0x3] =	stream.linear.gather [hbm4b:s13+s2], $0x2000, $0x38;
	[tilespmem:$0x1C100] =	vst v63  }
0x1f: {  	_ =	swait.ge [sflag:s14], $0x2000  }
0x20: {  	[sflag:s14] =	ssyncset.done $0x0  }
0x21: {  	s13 =	simm.s32 $0x2100;
	s15 =	rddreg [dreg:$0x6];
	[sflag:s14] =	ssyncadd.s32 $0xFFFFE000  }
0x22: {  	[tilespmem:s13], [sflag:$0x3] =	stream.linear.gather [hbm4b:s15+s2], $0x2000, $0x38;
	[tilespmem:$0x1C100] =	vst v63  }
0x23: {  	_ =	swait.ge [sflag:s14], $0x2000  }
0x24: {  	[sflag:s14] =	ssyncset.done $0x0  }
0x25: {  	[sflag:s14] =	ssyncadd.s32 $0xFFFFE000  }
0x26: {  	v3 =	vld [tilespmem:$0x0];
	_ =	sdelay $0x2  }
0x27: {  	v0 =	vld [tilespmem:$0x1FFD0];
	_ =	sdelay $0x1  }
0x28: {  	v1 =	vld [tilespmem:$0x1FFE0];
	v4 =	vshll.u32 v3, $0x3  }
0x29: {  	v3 =	vand.u32 $0x7, v3;
	v4 =	vand.u32 $0xFFFFFFC0, v4  }
0x2a: {  	v3 =	vor.u32 v3, v4  }
0x2b: {  	v4 =	vperm.xlane v3, v0;
	_ =	sdelay $0x1  }
0x2c: {  	v4 =	vadd.s32 v1, v4  }
0x2d: {  	v2 =	vld [tilespmem:$0x1FFF0];
	_ =	sdelay $0x2  }
0x2e: {  	s16 =	simm.s32 $0x4100  }
0x2f: {  	[tilespmem:s16], [sflag:$0x1] =	stream.indirect_vreg.gather [hbm4b:s3+s2], $0x80, v4, vm0, $0xb8;
	[tilespmem:$0x1C100] =	vst v63  }
0x30: {  	s1 =	simm.s32 $0x4900;
	v3 =	vperm.xlane v3, v2  }
0x31: {  	[tilespmem:s1], [sflag:$0x1] =	stream.indirect_vreg.gather [hbm4b:s8+s2], $0x80, v4, vm0, $0xb8;
	[tilespmem:$0x1C100] =	vst v63  }
0x32: {  	s15 =	simm.s32 $0x5100;
	v3 =	vadd.s32 v1, v3  }
0x33: {  	[tilespmem:s15], [sflag:$0x1] =	stream.indirect_vreg.gather [hbm4b:s10+s2], $0x80, v4, vm0, $0xb8;
	[tilespmem:$0x1C100] =	vst v63  }
0x34: {  	s16 =	simm.s32 $0x5900  }
0x35: {  	[tilespmem:s16], [sflag:$0x1] =	stream.indirect_vreg.gather [hbm4b:s11+s2], $0x80, v4, vm0, $0xb8;
	[tilespmem:$0x1C100] =	vst v63  }
0x36: {  	s1 =	simm.s32 $0x6100  }
0x37: {  	[tilespmem:s1], [sflag:$0x1] =	stream.indirect_vreg.gather [hbm4b:s3+s2], $0x80, v3, vm0, $0xb8;
	[tilespmem:$0x1C100] =	vst v63  }
0x38: {  	s15 =	simm.s32 $0x6900  }
0x39: {  	[tilespmem:s15], [sflag:$0x1] =	stream.indirect_vreg.gather [hbm4b:s8+s2], $0x80, v3, vm0, $0xb8;
	[tilespmem:$0x1C100] =	vst v63  }
0x3a: {  	s16 =	simm.s32 $0x7100  }
0x3b: {  	[tilespmem:s16], [sflag:$0x1] =	stream.indirect_vreg.gather [hbm4b:s10+s2], $0x80, v3, vm0, $0xb8;
	[tilespmem:$0x1C100] =	vst v63  }
0x3c: {  	s1 =	simm.s32 $0x7900  }
0x3d: {  	[tilespmem:s1], [sflag:$0x1] =	stream.indirect_vreg.gather [hbm4b:s11+s2], $0x80, v3, vm0, $0xb8;
	[tilespmem:$0x1C100] =	vst v63  }
0x3e: {  	v3 =	vld [tilespmem:$0x10];
	_ =	sdelay $0x4  }
0x3f: {  	v61 =	vshll.u32 v3, $0x3  }
0x40: {  	v3 =	vand.u32 $0x7, v3;
	v4 =	vand.u32 $0xFFFFFFC0, v61  }
0x41: {  	v3 =	vor.u32 v3, v4  }
0x42: {  	v4 =	vperm.xlane v3, v0;
	_ =	sdelay $0x1  }
0x43: {  	v4 =	vadd.s32 v1, v4;
	_ =	sdelay $0x3  }
0x44: {  	s15 =	simm.s32 $0x8100  }
0x45: {  	[tilespmem:s15], [sflag:$0x1] =	stream.indirect_vreg.gather [hbm4b:s3+s2], $0x80, v4, vm0, $0xb8;
	[tilespmem:$0x1C100] =	vst v63  }
0x46: {  	s16 =	simm.s32 $0x8900;
	v3 =	vperm.xlane v3, v2  }
0x47: {  	[tilespmem:s16], [sflag:$0x1] =	stream.indirect_vreg.gather [hbm4b:s8+s2], $0x80, v4, vm0, $0xb8;
	[tilespmem:$0x1C100] =	vst v63  }
0x48: {  	s1 =	simm.s32 $0x9100;
	v3 =	vadd.s32 v1, v3  }
0x49: {  	[tilespmem:s1], [sflag:$0x1] =	stream.indirect_vreg.gather [hbm4b:s10+s2], $0x80, v4, vm0, $0xb8;
	[tilespmem:$0x1C100] =	vst v63  }
0x4a: {  	s15 =	simm.s32 $0x9900  }
0x4b: {  	[tilespmem:s15], [sflag:$0x1] =	stream.indirect_vreg.gather [hbm4b:s11+s2], $0x80, v4, vm0, $0xb8;
	[tilespmem:$0x1C100] =	vst v63  }
0x4c: {  	s16 =	simm.s32 $0xA100  }
0x4d: {  	[tilespmem:s16], [sflag:$0x1] =	stream.indirect_vreg.gather [hbm4b:s3+s2], $0x80, v3, vm0, $0xb8;
	[tilespmem:$0x1C100] =	vst v63  }
0x4e: {  	s1 =	simm.s32 $0xA900  }
0x4f: {  	[tilespmem:s1], [sflag:$0x1] =	stream.indirect_vreg.gather [hbm4b:s8+s2], $0x80, v3, vm0, $0xb8;
	[tilespmem:$0x1C100] =	vst v63  }
0x50: {  	s15 =	simm.s32 $0xB100  }
0x51: {  	[tilespmem:s15], [sflag:$0x1] =	stream.indirect_vreg.gather [hbm4b:s10+s2], $0x80, v3, vm0, $0xb8;
	[tilespmem:$0x1C100] =	vst v63  }
0x52: {  	s16 =	simm.s32 $0xB900  }
0x53: {  	[tilespmem:s16], [sflag:$0x1] =	stream.indirect_vreg.gather [hbm4b:s11+s2], $0x80, v3, vm0, $0xb8;
	[tilespmem:$0x1C100] =	vst v63  }
0x54: {  	v3 =	vld [tilespmem:$0x80];
	_ =	sdelay $0x4  }
0x55: {  	v62 =	vshll.u32 v3, $0x3  }
0x56: {  	v3 =	vand.u32 $0x7, v3;
	v4 =	vand.u32 $0xFFFFFFC0, v62  }
0x57: {  	v3 =	vor.u32 v3, v4  }
0x58: {  	v4 =	vperm.xlane v3, v0;
	_ =	sdelay $0x1  }
0x59: {  	v4 =	vadd.s32 v1, v4;
	_ =	sdelay $0x3  }
0x5a: {  	s1 =	simm.s32 $0xC100  }
0x5b: {  	[tilespmem:s1], [sflag:$0x2] =	stream.indirect_vreg.gather [hbm4b:s3+s2], $0x80, v4, vm0, $0xb8;
	[tilespmem:$0x1C100] =	vst v63  }
0x5c: {  	s15 =	simm.s32 $0xC900;
	v3 =	vperm.xlane v3, v2  }
0x5d: {  	[tilespmem:s15], [sflag:$0x2] =	stream.indirect_vreg.gather [hbm4b:s8+s2], $0x80, v4, vm0, $0xb8;
	[tilespmem:$0x1C100] =	vst v63  }
0x5e: {  	s16 =	simm.s32 $0xD100;
	v3 =	vadd.s32 v1, v3  }
0x5f: {  	[tilespmem:s16], [sflag:$0x2] =	stream.indirect_vreg.gather [hbm4b:s10+s2], $0x80, v4, vm0, $0xb8;
	[tilespmem:$0x1C100] =	vst v63  }
0x60: {  	_ = 	snop  }
0x61: {  	[tilespmem:s17], [sflag:$0x2] =	stream.indirect_vreg.gather [hbm4b:s11+s2], $0x80, v4, vm0, $0xb8;
	[tilespmem:$0x1C100] =	vst v63  }
0x62: {  	_ = 	snop  }
0x63: {  	[tilespmem:s18], [sflag:$0x2] =	stream.indirect_vreg.gather [hbm4b:s3+s2], $0x80, v3, vm0, $0xb8;
	[tilespmem:$0x1C100] =	vst v63  }
0x64: {  	_ = 	snop  }
0x65: {  	[tilespmem:s19], [sflag:$0x2] =	stream.indirect_vreg.gather [hbm4b:s8+s2], $0x80, v3, vm0, $0xb8;
	[tilespmem:$0x1C100] =	vst v63  }
0x66: {  	_ = 	snop  }
0x67: {  	[tilespmem:s4], [sflag:$0x2] =	stream.indirect_vreg.gather [hbm4b:s10+s2], $0x80, v3, vm0, $0xb8;
	[tilespmem:$0x1C100] =	vst v63  }
0x68: {  	_ = 	snop  }
0x69: {  	[tilespmem:s20], [sflag:$0x2] =	stream.indirect_vreg.gather [hbm4b:s11+s2], $0x80, v3, vm0, $0xb8;
	[tilespmem:$0x1C100] =	vst v63  }
0x6a: {  	v3 =	vld [tilespmem:$0x90];
	_ =	sdelay $0x4  }
0x6b: {  	v63 =	vshll.u32 v3, $0x3  }
0x6c: {  	v3 =	vand.u32 $0x7, v3;
	v4 =	vand.u32 $0xFFFFFFC0, v63  }
0x6d: {  	v3 =	vor.u32 v3, v4  }
0x6e: {  	v4 =	vperm.xlane v3, v0;
	_ =	sdelay $0x1  }
0x6f: {  	v4 =	vadd.s32 v1, v4;
	_ =	sdelay $0x4  }
0x70: {  	[tilespmem:s5], [sflag:$0x2] =	stream.indirect_vreg.gather [hbm4b:s3+s2], $0x80, v4, vm0, $0xb8;
	[tilespmem:$0x1C100] =	vst v63  }
0x71: {  	v3 =	vperm.xlane v3, v2  }
0x72: {  	[tilespmem:s21], [sflag:$0x2] =	stream.indirect_vreg.gather [hbm4b:s8+s2], $0x80, v4, vm0, $0xb8;
	[tilespmem:$0x1C100] =	vst v63  }
0x73: {  	v3 =	vadd.s32 v1, v3  }
0x74: {  	[tilespmem:s6], [sflag:$0x2] =	stream.indirect_vreg.gather [hbm4b:s10+s2], $0x80, v4, vm0, $0xb8;
	[tilespmem:$0x1C100] =	vst v63  }
0x75: {  	_ = 	snop  }
0x76: {  	[tilespmem:s22], [sflag:$0x2] =	stream.indirect_vreg.gather [hbm4b:s11+s2], $0x80, v4, vm0, $0xb8;
	[tilespmem:$0x1C100] =	vst v63  }
0x77: {  	_ = 	snop  }
0x78: {  	[tilespmem:s23], [sflag:$0x2] =	stream.indirect_vreg.gather [hbm4b:s3+s2], $0x80, v3, vm0, $0xb8;
	[tilespmem:$0x1C100] =	vst v63  }
0x79: {  	_ = 	snop  }
0x7a: {  	[tilespmem:s7], [sflag:$0x2] =	stream.indirect_vreg.gather [hbm4b:s8+s2], $0x80, v3, vm0, $0xb8;
	[tilespmem:$0x1C100] =	vst v63  }
0x7b: {  	_ = 	snop  }
0x7c: {  	[tilespmem:s24], [sflag:$0x2] =	stream.indirect_vreg.gather [hbm4b:s10+s2], $0x80, v3, vm0, $0xb8;
	[tilespmem:$0x1C100] =	vst v63  }
0x7d: {  	_ = 	snop  }
0x7e: {  	[tilespmem:s25], [sflag:$0x2] =	stream.indirect_vreg.gather [hbm4b:s11+s2], $0x80, v3, vm0, $0xb8;
	[tilespmem:$0x1C100] =	vst v63  }
0x7f: {  	_ =	swait.ge [sflag:s26], $0x8000  }
0x80: {  	[sflag:s26] =	ssyncset.done $0x0  }
0x81: {  	[sflag:s26] =	ssyncadd.s32 $0xFFFF8000  }
0x82: {  	_ =	swait.ge [sflag:s28], $0x8000  }
0x83: {  	s31 =	simm.s32 $0x0;
	[sflag:s28] =	ssyncset.done $0x0  }
0x84: {  	s0 =	simm.s32 $0x0;
	s1 =	simm.s32 $0x0;
	[sflag:s28] =	ssyncadd.s32 $0xFFFF8000  }
.LBB2_2:
0x85: {  	v3 =	vld [tilespmem:s30+$0x0];
	s15 =	sand.u32 $0x6000, s0;
	s16 =	sand.u32 $0x380, s1  }
0x86: {  	v4 =	vld [tilespmem:s13+$0x0];
	s15 =	sor.u32 s16, s15  }
0x87: {  	v6 =	vld [tilespmem:s15+$0x4100]  }
0x88: {  	v7 =	vld [tilespmem:s15+$0xC100]  }
0x89: {  	v10 =	vld [tilespmem:s15+$0x4110]  }
0x8a: {  	v11 =	vld [tilespmem:s15+$0xC110]  }
0x8b: {  	v14 =	vld [tilespmem:s15+$0x4120]  }
0x8c: {  	v17 =	vld [tilespmem:s15+$0xC120]  }
0x8d: {  	v20 =	vld [tilespmem:s15+$0x4130]  }
0x8e: {  	v21 =	vld [tilespmem:s15+$0xC130]  }
0x8f: {  	v26 =	vld [tilespmem:s15+$0x4140]  }
0x90: {  	v27 =	vld [tilespmem:s15+$0xC140]  }
0x91: {  	v28 =	vld [tilespmem:s15+$0x4150]  }
0x92: {  	v29 =	vld [tilespmem:s15+$0xC150]  }
0x93: {  	v30 =	vld [tilespmem:s15+$0x4160]  }
0x94: {  	v31 =	vld [tilespmem:s15+$0xC160]  }
0x95: {  	v32 =	vld [tilespmem:s15+$0x4170]  }
0x96: {  	v33 =	vld [tilespmem:s15+$0xC170]  }
0x97: {  	v34 =	vld [tilespmem:s15+$0x4500]  }
0x98: {  	v35 =	vld [tilespmem:s15+$0xC500]  }
0x99: {  	v36 =	vld [tilespmem:s15+$0x4510]  }
0x9a: {  	v37 =	vld [tilespmem:s15+$0xC510]  }
0x9b: {  	v38 =	vld [tilespmem:s15+$0x4520]  }
0x9c: {  	v39 =	vld [tilespmem:s15+$0xC520]  }
0x9d: {  	v40 =	vld [tilespmem:s15+$0x4530]  }
0x9e: {  	v41 =	vld [tilespmem:s15+$0xC530]  }
0x9f: {  	v42 =	vld [tilespmem:s15+$0x4540]  }
0xa0: {  	v43 =	vld [tilespmem:s15+$0xC540]  }
0xa1: {  	v44 =	vld [tilespmem:s15+$0x4550]  }
0xa2: {  	v45 =	vld [tilespmem:s15+$0xC550]  }
0xa3: {  	v46 =	vld [tilespmem:s15+$0x4560]  }
0xa4: {  	v47 =	vld [tilespmem:s15+$0xC560]  }
0xa5: {  	v48 =	vld [tilespmem:s15+$0x4570]  }
0xa6: {  	v49 =	vld [tilespmem:s15+$0xC570]  }
0xa7: {  	v50 =	vld [tilespmem:s15+$0x4900]  }
0xa8: {  	v51 =	vld [tilespmem:s15+$0xC900]  }
0xa9: {  	v52 =	vld [tilespmem:s15+$0x4910]  }
0xaa: {  	v53 =	vld [tilespmem:s15+$0xC910]  }
0xab: {  	v54 =	vld [tilespmem:s15+$0x4920]  }
0xac: {  	v55 =	vld [tilespmem:s15+$0xC920]  }
0xad: {  	v56 =	vld [tilespmem:s15+$0x4930]  }
0xae: {  	v57 =	vld [tilespmem:s15+$0xC930]  }
0xaf: {  	v58 =	vld [tilespmem:s15+$0x4940]  }
0xb0: {  	v59 =	vld [tilespmem:s15+$0xC940]  }
0xb1: {  	v60 =	vld [tilespmem:s15+$0x4950]  }
0xb2: {  	v61 =	vld [tilespmem:s15+$0xC950]  }
0xb3: {  	v62 =	vld [tilespmem:s15+$0x4960]  }
0xb4: {  	v63 =	vld [tilespmem:s15+$0xC960]  }
0xb5: {  	v5 =	vld [tilespmem:s15+$0x4970]  }
0xb6: {  	v2 =	vld [tilespmem:s15+$0xC970]  }
0xb7: {  	v24 =	vld [tilespmem:s15+$0x4D00]  }
0xb8: {  	v25 =	vld [tilespmem:s15+$0xCD00]  }
0xb9: {  	v22 =	vld [tilespmem:s15+$0x4D10]  }
0xba: {  	v23 =	vld [tilespmem:s15+$0xCD10]  }
0xbb: {  	v18 =	vld [tilespmem:s15+$0x4D20]  }
0xbc: {  	v19 =	vld [tilespmem:s15+$0xCD20]  }
0xbd: {  	v15 =	vld [tilespmem:s15+$0x4D30]  }
0xbe: {  	v0 =	vld [tilespmem:s15+$0x4D60]  }
0xbf: {  	v16 =	vld [tilespmem:s15+$0xCD30]  }
0xc0: {  	v12 =	vld [tilespmem:s15+$0x4D40]  }
0xc1: {  	v13 =	vld [tilespmem:s15+$0xCD40]  }
0xc2: {  	v8 =	vld [tilespmem:s15+$0x4D50];
	v1 =	vmul.f32 v6, v3  }
0xc3: {  	v9 =	vld [tilespmem:s15+$0xCD50];
	[tilespmem:$0x1FFC0] =	vst v0;
	v0 =	vmul.f32 v7, v4;
	v10 =	vmul.f32 v10, v3  }
0xc4: {  	v7 =	vld [tilespmem:s15+$0xCD60];
	v11 =	vmul.f32 v11, v4;
	v14 =	vmul.f32 v14, v3  }
0xc5: {  	v6 =	vld [tilespmem:s15+$0x4D70];
	v17 =	vmul.f32 v17, v4;
	v20 =	vmul.f32 v20, v3  }
0xc6: {  	v21 =	vmul.f32 v21, v4;
	v26 =	vmul.f32 v26, v3;
	v1 =	vadd.f32 v0, v1;
	v0 =	vld [tilespmem:s15+$0xCD70]  }
0xc7: {  	v5 =	vmul.f32 v5, v3;
	v2 =	vmul.f32 v2, v4;
	v10 =	vadd.f32 v11, v10;
	v11 =	vld [tilespmem:s15+$0x5100]  }
0xc8: {  	v24 =	vmul.f32 v24, v3;
	v25 =	vmul.f32 v25, v4;
	[tilespmem:s15+$0x14100] =	vst v1;
	v1 =	vadd.f32 v17, v14;
	v14 =	vld [tilespmem:s15+$0xD100]  }
0xc9: {  	[tilespmem:s15+$0x14110] =	vst v10;
	v10 =	vadd.f32 v21, v20;
	v21 =	vmul.f32 v28, v3;
	v28 =	vmul.f32 v29, v4;
	v17 =	vld [tilespmem:s15+$0x5110]  }
0xca: {  	v27 =	vmul.f32 v27, v4;
	v34 =	vmul.f32 v34, v3;
	v2 =	vadd.f32 v2, v5;
	v20 =	vld [tilespmem:s15+$0xD110]  }
0xcb: {  	v35 =	vmul.f32 v35, v4;
	v25 =	vadd.f32 v25, v24;
	[tilespmem:s15+$0x14130] =	vst v10;
	v10 =	vadd.f32 v28, v21;
	v21 =	vld [tilespmem:s15+$0x5120]  }
0xcc: {  	v29 =	vmul.f32 v33, v4;
	[tilespmem:s15+$0x14120] =	vst v1;
	v1 =	vadd.f32 v27, v26;
	v27 =	vmul.f32 v31, v4;
	v31 =	vld [tilespmem:s15+$0x5130]  }
0xcd: {  	[tilespmem:s15+$0x14970] =	vst v2;
	v26 =	vmul.f32 v30, v3;
	v28 =	vmul.f32 v32, v3;
	v32 =	vld [tilespmem:s15+$0xD130]  }
0xce: {  	v38 =	vmul.f32 v38, v3;
	[tilespmem:s15+$0x14D00] =	vst v25;
	v30 =	vmul.f32 v15, v3;
	v15 =	vld [tilespmem:s15+$0x5540]  }
0xcf: {  	v39 =	vmul.f32 v39, v4;
	v33 =	vadd.f32 v27, v26;
	v26 =	vld [tilespmem:s15+$0xD120];
	[tilespmem:s15+$0x14150] =	vst v10;
	v10 =	vadd.f32 v29, v28  }
0xd0: {  	[tilespmem:s15+$0x14140] =	vst v1;
	v28 =	vmul.f32 v36, v3;
	v36 =	vmul.f32 v37, v4;
	v37 =	vadd.f32 v35, v34;
	v34 =	vld [tilespmem:s15+$0xD140]  }
0xd1: {  	v40 =	vmul.f32 v40, v3;
	v52 =	vmul.f32 v52, v3;
	v35 =	vld [tilespmem:s15+$0x5150];
	[tilespmem:s15+$0x14160] =	vst v33  }
0xd2: {  	v18 =	vmul.f32 v18, v3;
	v27 =	vld [tilespmem:s15+$0xD520];
	[tilespmem:s15+$0x14170] =	vst v10;
	v10 =	vadd.f32 v36, v28;
	v36 =	vmul.f32 v41, v4  }
0xd3: {  	v33 =	vld [tilespmem:s15+$0x5140];
	[tilespmem:s15+$0x14500] =	vst v37;
	v37 =	vadd.f32 v39, v38;
	v38 =	vmul.f32 v42, v3;
	v39 =	vmul.f32 v43, v4  }
0xd4: {  	v41 =	vmul.f32 v45, v4;
	v28 =	vld [tilespmem:s15+$0x5520];
	[tilespmem:s15+$0x14510] =	vst v10;
	v10 =	vadd.f32 v36, v40;
	v40 =	vmul.f32 v44, v3  }
0xd5: {  	v43 =	vmul.f32 v46, v3;
	[tilespmem:s15+$0x14520] =	vst v37;
	v42 =	vadd.f32 v39, v38;
	v44 =	vmul.f32 v47, v4;
	v36 =	vld [tilespmem:s15+$0xD150]  }
0xd6: {  	v46 =	vmul.f32 v48, v3;
	v47 =	vmul.f32 v49, v4;
	v37 =	vld [tilespmem:s15+$0x5160];
	[tilespmem:s15+$0x14530] =	vst v10;
	v45 =	vadd.f32 v41, v40  }
0xd7: {  	v49 =	vmul.f32 v50, v3;
	v50 =	vmul.f32 v51, v4;
	v38 =	vld [tilespmem:s15+$0xD160];
	[tilespmem:s15+$0x14540] =	vst v42;
	v48 =	vadd.f32 v44, v43  }
0xd8: {  	v19 =	vmul.f32 v19, v4;
	v39 =	vld [tilespmem:s15+$0x5170];
	v51 =	vadd.f32 v47, v46;
	v44 =	vmul.f32 v53, v4;
	[tilespmem:s15+$0x14550] =	vst v45  }
0xd9: {  	v46 =	vmul.f32 v54, v3;
	v47 =	vmul.f32 v55, v4;
	v40 =	vld [tilespmem:s15+$0xD170];
	[tilespmem:s15+$0x14560] =	vst v48;
	v45 =	vadd.f32 v50, v49  }
0xda: {  	v41 =	vld [tilespmem:s15+$0x5500];
	v53 =	vmul.f32 v59, v4;
	v55 =	vmul.f32 v60, v3;
	[tilespmem:s15+$0x14570] =	vst v51;
	v48 =	vadd.f32 v44, v52  }
0xdb: {  	v42 =	vld [tilespmem:s15+$0xD500];
	v49 =	vmul.f32 v56, v3;
	v50 =	vmul.f32 v57, v4;
	v51 =	vadd.f32 v47, v46;
	[tilespmem:s15+$0x14900] =	vst v45  }
0xdc: {  	v43 =	vld [tilespmem:s15+$0x5510];
	v59 =	vmul.f32 v63, v4;
	v52 =	vmul.f32 v58, v3;
	v46 =	vadd.f32 v19, v18;
	[tilespmem:s15+$0x14910] =	vst v48  }
0xdd: {  	v63 =	vmul.f32 v23, v4;
	v23 =	vld [tilespmem:s15+$0xD530];
	v56 =	vmul.f32 v61, v4;
	v54 =	vadd.f32 v50, v49;
	[tilespmem:s15+$0x14920] =	vst v51  }
0xde: {  	v58 =	vmul.f32 v62, v3;
	v44 =	vld [tilespmem:s15+$0xD510];
	v57 =	vadd.f32 v53, v52;
	[tilespmem:s15+$0x14D20] =	vst v46  }
0xdf: {  	v62 =	vmul.f32 v22, v3;
	v22 =	vld [tilespmem:s15+$0x5530];
	v60 =	vadd.f32 v56, v55;
	[tilespmem:s15+$0x14930] =	vst v54  }
0xe0: {  	v12 =	vmul.f32 v12, v3;
	v13 =	vmul.f32 v13, v4;
	v18 =	vld [tilespmem:s15+$0x5910];
	v61 =	vadd.f32 v59, v58;
	[tilespmem:s15+$0x14940] =	vst v57  }
0xe1: {  	v25 =	vmul.f32 v34, v4;
	v24 =	vmul.f32 v33, v3;
	v19 =	vld [tilespmem:s15+$0xD910];
	v29 =	vadd.f32 v63, v62;
	[tilespmem:s15+$0x14950] =	vst v60  }
0xe2: {  	v45 =	vmul.f32 v16, v4;
	v16 =	vld [tilespmem:s15+$0xD540];
	v48 =	vmul.f32 v8, v3;
	v50 =	vadd.f32 v13, v12;
	[tilespmem:s15+$0x14960] =	vst v61  }
0xe3: {  	v49 =	vmul.f32 v9, v4;
	v9 =	vld [tilespmem:s15+$0x5550];
	v63 =	vmul.f32 v31, v3;
	v31 =	vadd.f32 v25, v24;
	[tilespmem:s15+$0x14D10] =	vst v29  }
0xe4: {  	v0 =	vmul.f32 v0, v4;
	v51 =	vld [tilespmem:$0x1FFC0];
	v53 =	vmul.f32 v6, v3;
	v47 =	vadd.f32 v45, v30;
	[tilespmem:s15+$0x14D40] =	vst v50  }
0xe5: {  	v12 =	vld [tilespmem:s15+$0xD550];
	v55 =	vmul.f32 v11, v3;
	v56 =	vmul.f32 v14, v4;
	v52 =	vadd.f32 v49, v48;
	[tilespmem:s15+$0x15140] =	vst v31  }
0xe6: {  	v6 =	vld [tilespmem:s15+$0x5560];
	v58 =	vmul.f32 v20, v4;
	v20 =	vmul.f32 v32, v4;
	v0 =	vadd.f32 v0, v53;
	[tilespmem:s15+$0x14D30] =	vst v47  }
0xe7: {  	v33 =	vmul.f32 v38, v4;
	v11 =	vld [tilespmem:s15+$0x5570];
	v32 =	vmul.f32 v37, v3;
	v59 =	vadd.f32 v56, v55;
	[tilespmem:s15+$0x14D50] =	vst v52  }
0xe8: {  	v13 =	vld [tilespmem:s15+$0xD570];
	v57 =	vmul.f32 v17, v3;
	v61 =	vmul.f32 v26, v4;
	v26 =	vadd.f32 v20, v63;
	[tilespmem:s15+$0x14D70] =	vst v0  }
0xe9: {  	v7 =	vmul.f32 v7, v4;
	v14 =	vld [tilespmem:s15+$0x5900];
	v60 =	vmul.f32 v21, v3;
	v37 =	vadd.f32 v33, v32;
	[tilespmem:s15+$0x15100] =	vst v59  }
0xea: {  	v17 =	vld [tilespmem:s15+$0xD900];
	v29 =	vmul.f32 v35, v3;
	v30 =	vmul.f32 v36, v4;
	v62 =	vadd.f32 v58, v57;
	[tilespmem:s15+$0x15130] =	vst v26  }
0xeb: {  	v35 =	vmul.f32 v39, v3;
	v36 =	vmul.f32 v40, v4;
	v20 =	vld [tilespmem:s15+$0x5920];
	v21 =	vadd.f32 v61, v60;
	[tilespmem:s15+$0x15160] =	vst v37  }
0xec: {  	v38 =	vmul.f32 v41, v3;
	v39 =	vmul.f32 v42, v4;
	v40 =	vld [tilespmem:s15+$0xD920];
	v34 =	vadd.f32 v30, v29;
	[tilespmem:s15+$0x15110] =	vst v62  }
0xed: {  	v42 =	vmul.f32 v43, v3;
	v48 =	vld [tilespmem:s15+$0xD930];
	v43 =	vmul.f32 v44, v4;
	v41 =	vadd.f32 v36, v35;
	[tilespmem:s15+$0x15120] =	vst v21  }
0xee: {  	v46 =	vmul.f32 v28, v3;
	v56 =	vld [tilespmem:s15+$0xD940];
	v45 =	vadd.f32 v39, v38;
	v47 =	vmul.f32 v27, v4;
	[tilespmem:s15+$0x15150] =	vst v34  }
0xef: {  	v63 =	vld [tilespmem:s15+$0xD950];
	v50 =	vmul.f32 v22, v3;
	v10 =	vmul.f32 v51, v3;
	v49 =	vadd.f32 v43, v42;
	[tilespmem:s15+$0x15170] =	vst v41  }
0xf0: {  	v31 =	vld [tilespmem:s15+$0xD960];
	v33 =	vmul.f32 v18, v3;
	v51 =	vmul.f32 v23, v4;
	[tilespmem:s15+$0x15500] =	vst v45;
	v53 =	vadd.f32 v47, v46  }
0xf1: {  	v44 =	vld [tilespmem:s15+$0x5930];
	v58 =	vmul.f32 v9, v3;
	v59 =	vmul.f32 v12, v4;
	v54 =	vadd.f32 v7, v10;
	[tilespmem:s15+$0x15510] =	vst v49  }
0xf2: {  	v52 =	vld [tilespmem:s15+$0x5940];
	v23 =	vmul.f32 v11, v3;
	v26 =	vmul.f32 v13, v4;
	v57 =	vadd.f32 v51, v50;
	[tilespmem:s15+$0x15520] =	vst v53  }
0xf3: {  	v60 =	vld [tilespmem:s15+$0x5950];
	v55 =	vmul.f32 v16, v4;
	v34 =	vmul.f32 v19, v4;
	v16 =	vadd.f32 v59, v58;
	[tilespmem:s15+$0x14D60] =	vst v54  }
0xf4: {  	v27 =	vld [tilespmem:s15+$0x5960];
	v29 =	vmul.f32 v14, v3;
	v30 =	vmul.f32 v17, v4;
	v32 =	vadd.f32 v26, v23;
	[tilespmem:s15+$0x15530] =	vst v57  }
0xf5: {  	v35 =	vld [tilespmem:s15+$0x5970];
	v37 =	vmul.f32 v20, v3;
	v38 =	vmul.f32 v40, v4;
	v40 =	vadd.f32 v34, v33;
	[tilespmem:s15+$0x15550] =	vst v16  }
0xf6: {  	v39 =	vld [tilespmem:s15+$0xD970];
	v42 =	vmul.f32 v48, v4;
	v41 =	vmul.f32 v44, v3;
	v36 =	vadd.f32 v30, v29;
	[tilespmem:s15+$0x15570] =	vst v32  }
0xf7: {  	v10 =	vld [tilespmem:s15+$0xD560];
	v54 =	vmul.f32 v15, v3;
	v43 =	vadd.f32 v38, v37;
	[tilespmem:s15+$0x15910] =	vst v40  }
0xf8: {  	v45 =	vmul.f32 v56, v4;
	v44 =	vmul.f32 v52, v3;
	v46 =	vadd.f32 v42, v41;
	[tilespmem:s15+$0x15900] =	vst v36  }
0xf9: {  	v48 =	vmul.f32 v63, v4;
	v47 =	vmul.f32 v60, v3;
	v61 =	vadd.f32 v55, v54;
	[tilespmem:s15+$0x15920] =	vst v43  }
0xfa: {  	v51 =	vmul.f32 v31, v4;
	v50 =	vmul.f32 v27, v3;
	v49 =	vadd.f32 v45, v44;
	[tilespmem:s15+$0x15930] =	vst v46  }
0xfb: {  	v53 =	vmul.f32 v35, v3;
	v52 =	vadd.f32 v48, v47;
	v54 =	vmul.f32 v39, v4;
	[tilespmem:s15+$0x15540] =	vst v61  }
0xfc: {  	v6 =	vmul.f32 v6, v3;
	v55 =	vadd.f32 v51, v50;
	v62 =	vmul.f32 v10, v4;
	[tilespmem:s15+$0x15940] =	vst v49  }
0xfd: {  	s16 =	sand.u32 $0x7, s31;
	[tilespmem:s15+$0x15950] =	vst v52;
	v56 =	vadd.f32 v54, v53  }
0xfe: {  	s16 =	sshll.u32 s16, $0x7;
	[tilespmem:s15+$0x15960] =	vst v55;
	v28 =	vadd.f32 v62, v6  }
0xff: {  	s16 =	sadd.s32 s16, s0;
	[tilespmem:s15+$0x15970] =	vst v56  }
0x100: {  	[tilespmem:s15+$0x15560] =	vst v28;
	s15 =	sor.u32 $0x1C00, s16  }
0x101: {  	v0 =	vld [tilespmem:s15+$0x4100]  }
0x102: {  	v1 =	vld [tilespmem:s15+$0xC100];
	_ =	sdelay $0x4  }
0x103: {  	v0 =	vmul.f32 v0, v3;
	v1 =	vmul.f32 v1, v4;
	_ =	sdelay $0x1  }
0x104: {  	v0 =	vadd.f32 v1, v0;
	_ =	sdelay $0x1  }
0x105: {  	[tilespmem:s15+$0x14100] =	vst v0;
	s15 =	sor.u32 $0x1C10, s16  }
0x106: {  	v0 =	vld [tilespmem:s15+$0x4100]  }
0x107: {  	v57 =	vld [tilespmem:s15+$0xC100];
	_ =	sdelay $0x4  }
0x108: {  	v0 =	vmul.f32 v0, v3;
	v1 =	vmul.f32 v57, v4;
	_ =	sdelay $0x1  }
0x109: {  	v0 =	vadd.f32 v1, v0;
	_ =	sdelay $0x1  }
0x10a: {  	[tilespmem:s15+$0x14100] =	vst v0;
	s15 =	sor.u32 $0x1C20, s16  }
0x10b: {  	v0 =	vld [tilespmem:s15+$0x4100]  }
0x10c: {  	v58 =	vld [tilespmem:s15+$0xC100];
	_ =	sdelay $0x4  }
0x10d: {  	v0 =	vmul.f32 v0, v3;
	v1 =	vmul.f32 v58, v4;
	_ =	sdelay $0x1  }
0x10e: {  	v0 =	vadd.f32 v1, v0;
	_ =	sdelay $0x1  }
0x10f: {  	[tilespmem:s15+$0x14100] =	vst v0;
	s15 =	sor.u32 $0x1C30, s16  }
0x110: {  	v0 =	vld [tilespmem:s15+$0x4100]  }
0x111: {  	v59 =	vld [tilespmem:s15+$0xC100];
	_ =	sdelay $0x4  }
0x112: {  	v0 =	vmul.f32 v0, v3;
	v1 =	vmul.f32 v59, v4;
	_ =	sdelay $0x1  }
0x113: {  	v0 =	vadd.f32 v1, v0;
	_ =	sdelay $0x1  }
0x114: {  	[tilespmem:s15+$0x14100] =	vst v0;
	s15 =	sor.u32 $0x1C40, s16  }
0x115: {  	v0 =	vld [tilespmem:s15+$0x4100]  }
0x116: {  	v60 =	vld [tilespmem:s15+$0xC100];
	_ =	sdelay $0x4  }
0x117: {  	v0 =	vmul.f32 v0, v3;
	v1 =	vmul.f32 v60, v4;
	_ =	sdelay $0x1  }
0x118: {  	v0 =	vadd.f32 v1, v0;
	_ =	sdelay $0x1  }
0x119: {  	[tilespmem:s15+$0x14100] =	vst v0;
	s15 =	sor.u32 $0x1C50, s16  }
0x11a: {  	v0 =	vld [tilespmem:s15+$0x4100]  }
0x11b: {  	v61 =	vld [tilespmem:s15+$0xC100];
	_ =	sdelay $0x4  }
0x11c: {  	v0 =	vmul.f32 v0, v3;
	v1 =	vmul.f32 v61, v4;
	_ =	sdelay $0x1  }
0x11d: {  	v0 =	vadd.f32 v1, v0;
	_ =	sdelay $0x1  }
0x11e: {  	[tilespmem:s15+$0x14100] =	vst v0;
	s15 =	sor.u32 $0x1C60, s16  }
0x11f: {  	v0 =	vld [tilespmem:s15+$0x4100]  }
0x120: {  	v62 =	vld [tilespmem:s15+$0xC100];
	_ =	sdelay $0x4  }
0x121: {  	v0 =	vmul.f32 v0, v3;
	v1 =	vmul.f32 v62, v4;
	_ =	sdelay $0x1  }
0x122: {  	v0 =	vadd.f32 v1, v0;
	_ =	sdelay $0x1  }
0x123: {  	s16 =	sor.u32 $0x1C70, s16;
	[tilespmem:s15+$0x14100] =	vst v0  }
0x124: {  	v0 =	vld [tilespmem:s16+$0x4100]  }
0x125: {  	v63 =	vld [tilespmem:s16+$0xC100];
	_ =	sdelay $0x3  }
0x126: {  	p0 =	sne.s32 s1, $0xF80  }
.Ltmp0:
0x127: {  	v0 =	vmul.f32 v0, v3;
	v1 =	vmul.f32 v63, v4;
	(pc) =	sbr.rel @p0 .LBB2_2-.Ltmp0, $4  }
0x128: {  	_ = 	snop  }
0x129: {  	v0 =	vadd.f32 v1, v0  }
0x12a: {  	s30 =	sadd.s32 $0x80, s30;
	s13 =	sadd.s32 $0x80, s13  }
0x12b: {  	s1 =	sadd.s32 $0x80, s1;
	s31 =	sadd.s32 $0x1, s31;
	s0 =	sadd.s32 $0x400, s0;
	[tilespmem:s16+$0x14100] =	vst v0  }
0x12c: {  	s30 =	simm.s32 $0x0  }
0x12d: {  	[hbm4b:s9+s30] =	stream.linear.scatter [tilespmem:s29], [sflag:$0x3], $0x8000, $0x38;
	[tilespmem:$0x1C100] =	vst v63  }
0x12e: {  	_ =	swait.ge [sflag:s14], $0x8000  }
0x12f: {  	[sflag:s14] =	ssyncset.done $0x0  }
0x130: {  	[sflag:s14] =	ssyncadd.s32 $0xFFFF8000  }
0x131: {  	v0 =	vld [tilespmem:$0x20];
	_ =	sdelay $0x2  }
0x132: {  	v2 =	vld [tilespmem:$0x1FFD0];
	_ =	sdelay $0x1  }
0x133: {  	v3 =	vld [tilespmem:$0x1FFE0];
	v1 =	vshll.u32 v0, $0x3  }
0x134: {  	v0 =	vand.u32 $0x7, v0;
	v1 =	vand.u32 $0xFFFFFFC0, v1  }
0x135: {  	v0 =	vor.u32 v0, v1  }
0x136: {  	v1 =	vperm.xlane v0, v2;
	_ =	sdelay $0x1  }
0x137: {  	v1 =	vadd.s32 v3, v1  }
0x138: {  	v4 =	vld [tilespmem:$0x1FFF0];
	_ =	sdelay $0x2  }
0x139: {  	s0 =	simm.s32 $0x4100  }
0x13a: {  	[tilespmem:s0], [sflag:$0x1] =	stream.indirect_vreg.gather [hbm4b:s3+s30], $0x80, v1, vm0, $0xb8;
	[tilespmem:$0x1C100] =	vst v63  }
0x13b: {  	s15 =	simm.s32 $0x4900;
	v0 =	vperm.xlane v0, v4  }
0x13c: {  	[tilespmem:s15], [sflag:$0x1] =	stream.indirect_vreg.gather [hbm4b:s8+s30], $0x80, v1, vm0, $0xb8;
	[tilespmem:$0x1C100] =	vst v63  }
0x13d: {  	s16 =	simm.s32 $0x5100;
	v0 =	vadd.s32 v3, v0  }
0x13e: {  	[tilespmem:s16], [sflag:$0x1] =	stream.indirect_vreg.gather [hbm4b:s10+s30], $0x80, v1, vm0, $0xb8;
	[tilespmem:$0x1C100] =	vst v63  }
0x13f: {  	s1 =	simm.s32 $0x5900  }
0x140: {  	[tilespmem:s1], [sflag:$0x1] =	stream.indirect_vreg.gather [hbm4b:s11+s30], $0x80, v1, vm0, $0xb8;
	[tilespmem:$0x1C100] =	vst v63  }
0x141: {  	s13 =	simm.s32 $0x6100  }
0x142: {  	[tilespmem:s13], [sflag:$0x1] =	stream.indirect_vreg.gather [hbm4b:s3+s30], $0x80, v0, vm0, $0xb8;
	[tilespmem:$0x1C100] =	vst v63  }
0x143: {  	s15 =	simm.s32 $0x6900  }
0x144: {  	[tilespmem:s15], [sflag:$0x1] =	stream.indirect_vreg.gather [hbm4b:s8+s30], $0x80, v0, vm0, $0xb8;
	[tilespmem:$0x1C100] =	vst v63  }
0x145: {  	s16 =	simm.s32 $0x7100  }
0x146: {  	[tilespmem:s16], [sflag:$0x1] =	stream.indirect_vreg.gather [hbm4b:s10+s30], $0x80, v0, vm0, $0xb8;
	[tilespmem:$0x1C100] =	vst v63  }
0x147: {  	s1 =	simm.s32 $0x7900  }
0x148: {  	[tilespmem:s1], [sflag:$0x1] =	stream.indirect_vreg.gather [hbm4b:s11+s30], $0x80, v0, vm0, $0xb8;
	[tilespmem:$0x1C100] =	vst v63  }
0x149: {  	v0 =	vld [tilespmem:$0x30];
	_ =	sdelay $0x4  }
0x14a: {  	v61 =	vshll.u32 v0, $0x3  }
0x14b: {  	v0 =	vand.u32 $0x7, v0;
	v1 =	vand.u32 $0xFFFFFFC0, v61  }
0x14c: {  	v0 =	vor.u32 v0, v1  }
0x14d: {  	v1 =	vperm.xlane v0, v2;
	_ =	sdelay $0x1  }
0x14e: {  	v1 =	vadd.s32 v3, v1;
	_ =	sdelay $0x3  }
0x14f: {  	s13 =	simm.s32 $0x8100  }
0x150: {  	[tilespmem:s13], [sflag:$0x1] =	stream.indirect_vreg.gather [hbm4b:s3+s30], $0x80, v1, vm0, $0xb8;
	[tilespmem:$0x1C100] =	vst v63  }
0x151: {  	s15 =	simm.s32 $0x8900;
	v0 =	vperm.xlane v0, v4  }
0x152: {  	[tilespmem:s15], [sflag:$0x1] =	stream.indirect_vreg.gather [hbm4b:s8+s30], $0x80, v1, vm0, $0xb8;
	[tilespmem:$0x1C100] =	vst v63  }
0x153: {  	s16 =	simm.s32 $0x9100;
	v0 =	vadd.s32 v3, v0  }
0x154: {  	[tilespmem:s16], [sflag:$0x1] =	stream.indirect_vreg.gather [hbm4b:s10+s30], $0x80, v1, vm0, $0xb8;
	[tilespmem:$0x1C100] =	vst v63  }
0x155: {  	s1 =	simm.s32 $0x9900  }
0x156: {  	[tilespmem:s1], [sflag:$0x1] =	stream.indirect_vreg.gather [hbm4b:s11+s30], $0x80, v1, vm0, $0xb8;
	[tilespmem:$0x1C100] =	vst v63  }
0x157: {  	s13 =	simm.s32 $0xA100  }
0x158: {  	[tilespmem:s13], [sflag:$0x1] =	stream.indirect_vreg.gather [hbm4b:s3+s30], $0x80, v0, vm0, $0xb8;
	[tilespmem:$0x1C100] =	vst v63  }
0x159: {  	s15 =	simm.s32 $0xA900  }
0x15a: {  	[tilespmem:s15], [sflag:$0x1] =	stream.indirect_vreg.gather [hbm4b:s8+s30], $0x80, v0, vm0, $0xb8;
	[tilespmem:$0x1C100] =	vst v63  }
0x15b: {  	s16 =	simm.s32 $0xB100  }
0x15c: {  	[tilespmem:s16], [sflag:$0x1] =	stream.indirect_vreg.gather [hbm4b:s10+s30], $0x80, v0, vm0, $0xb8;
	[tilespmem:$0x1C100] =	vst v63  }
0x15d: {  	s1 =	simm.s32 $0xB900  }
0x15e: {  	[tilespmem:s1], [sflag:$0x1] =	stream.indirect_vreg.gather [hbm4b:s11+s30], $0x80, v0, vm0, $0xb8;
	[tilespmem:$0x1C100] =	vst v63  }
0x15f: {  	v0 =	vld [tilespmem:$0xA0];
	_ =	sdelay $0x4  }
0x160: {  	v62 =	vshll.u32 v0, $0x3  }
0x161: {  	v0 =	vand.u32 $0x7, v0;
	v1 =	vand.u32 $0xFFFFFFC0, v62  }
0x162: {  	v0 =	vor.u32 v0, v1  }
0x163: {  	v1 =	vperm.xlane v0, v2;
	_ =	sdelay $0x1  }
0x164: {  	v1 =	vadd.s32 v3, v1;
	_ =	sdelay $0x3  }
0x165: {  	s13 =	simm.s32 $0xC100  }
0x166: {  	[tilespmem:s13], [sflag:$0x2] =	stream.indirect_vreg.gather [hbm4b:s3+s30], $0x80, v1, vm0, $0xb8;
	[tilespmem:$0x1C100] =	vst v63  }
0x167: {  	s15 =	simm.s32 $0xC900;
	v0 =	vperm.xlane v0, v4  }
0x168: {  	[tilespmem:s15], [sflag:$0x2] =	stream.indirect_vreg.gather [hbm4b:s8+s30], $0x80, v1, vm0, $0xb8;
	[tilespmem:$0x1C100] =	vst v63  }
0x169: {  	s16 =	simm.s32 $0xD100;
	v0 =	vadd.s32 v3, v0  }
0x16a: {  	[tilespmem:s16], [sflag:$0x2] =	stream.indirect_vreg.gather [hbm4b:s10+s30], $0x80, v1, vm0, $0xb8;
	[tilespmem:$0x1C100] =	vst v63  }
0x16b: {  	_ = 	snop  }
0x16c: {  	[tilespmem:s17], [sflag:$0x2] =	stream.indirect_vreg.gather [hbm4b:s11+s30], $0x80, v1, vm0, $0xb8;
	[tilespmem:$0x1C100] =	vst v63  }
0x16d: {  	_ = 	snop  }
0x16e: {  	[tilespmem:s18], [sflag:$0x2] =	stream.indirect_vreg.gather [hbm4b:s3+s30], $0x80, v0, vm0, $0xb8;
	[tilespmem:$0x1C100] =	vst v63  }
0x16f: {  	_ = 	snop  }
0x170: {  	[tilespmem:s19], [sflag:$0x2] =	stream.indirect_vreg.gather [hbm4b:s8+s30], $0x80, v0, vm0, $0xb8;
	[tilespmem:$0x1C100] =	vst v63  }
0x171: {  	_ = 	snop  }
0x172: {  	[tilespmem:s4], [sflag:$0x2] =	stream.indirect_vreg.gather [hbm4b:s10+s30], $0x80, v0, vm0, $0xb8;
	[tilespmem:$0x1C100] =	vst v63  }
0x173: {  	_ = 	snop  }
0x174: {  	[tilespmem:s20], [sflag:$0x2] =	stream.indirect_vreg.gather [hbm4b:s11+s30], $0x80, v0, vm0, $0xb8;
	[tilespmem:$0x1C100] =	vst v63  }
0x175: {  	v0 =	vld [tilespmem:$0xB0];
	_ =	sdelay $0x4  }
0x176: {  	v63 =	vshll.u32 v0, $0x3  }
0x177: {  	v0 =	vand.u32 $0x7, v0;
	v1 =	vand.u32 $0xFFFFFFC0, v63  }
0x178: {  	v0 =	vor.u32 v0, v1  }
0x179: {  	v1 =	vperm.xlane v0, v2;
	_ =	sdelay $0x1  }
0x17a: {  	v1 =	vadd.s32 v3, v1;
	_ =	sdelay $0x4  }
0x17b: {  	[tilespmem:s5], [sflag:$0x2] =	stream.indirect_vreg.gather [hbm4b:s3+s30], $0x80, v1, vm0, $0xb8;
	[tilespmem:$0x1C100] =	vst v63  }
0x17c: {  	v0 =	vperm.xlane v0, v4  }
0x17d: {  	[tilespmem:s21], [sflag:$0x2] =	stream.indirect_vreg.gather [hbm4b:s8+s30], $0x80, v1, vm0, $0xb8;
	[tilespmem:$0x1C100] =	vst v63  }
0x17e: {  	v0 =	vadd.s32 v3, v0  }
0x17f: {  	[tilespmem:s6], [sflag:$0x2] =	stream.indirect_vreg.gather [hbm4b:s10+s30], $0x80, v1, vm0, $0xb8;
	[tilespmem:$0x1C100] =	vst v63  }
0x180: {  	_ = 	snop  }
0x181: {  	[tilespmem:s22], [sflag:$0x2] =	stream.indirect_vreg.gather [hbm4b:s11+s30], $0x80, v1, vm0, $0xb8;
	[tilespmem:$0x1C100] =	vst v63  }
0x182: {  	_ = 	snop  }
0x183: {  	[tilespmem:s23], [sflag:$0x2] =	stream.indirect_vreg.gather [hbm4b:s3+s30], $0x80, v0, vm0, $0xb8;
	[tilespmem:$0x1C100] =	vst v63  }
0x184: {  	_ = 	snop  }
0x185: {  	[tilespmem:s7], [sflag:$0x2] =	stream.indirect_vreg.gather [hbm4b:s8+s30], $0x80, v0, vm0, $0xb8;
	[tilespmem:$0x1C100] =	vst v63  }
0x186: {  	_ = 	snop  }
0x187: {  	[tilespmem:s24], [sflag:$0x2] =	stream.indirect_vreg.gather [hbm4b:s10+s30], $0x80, v0, vm0, $0xb8;
	[tilespmem:$0x1C100] =	vst v63  }
0x188: {  	_ = 	snop  }
0x189: {  	[tilespmem:s25], [sflag:$0x2] =	stream.indirect_vreg.gather [hbm4b:s11+s30], $0x80, v0, vm0, $0xb8;
	[tilespmem:$0x1C100] =	vst v63  }
0x18a: {  	_ =	swait.ge [sflag:s26], $0x8000  }
0x18b: {  	[sflag:s26] =	ssyncset.done $0x0  }
0x18c: {  	[sflag:s26] =	ssyncadd.s32 $0xFFFF8000  }
0x18d: {  	_ =	swait.ge [sflag:s28], $0x8000  }
0x18e: {  	s31 =	simm.s32 $0x3100;
	s0 =	simm.s32 $0x0;
	[sflag:s28] =	ssyncset.done $0x0  }
0x18f: {  	s1 =	simm.s32 $0x0;
	s13 =	simm.s32 $0x1100;
	[sflag:s28] =	ssyncadd.s32 $0xFFFF8000  }
.LBB2_4:
0x190: {  	v3 =	vld [tilespmem:s13+$0x0];
	s15 =	sand.u32 $0x6000, s0;
	s16 =	sand.u32 $0x380, s1  }
0x191: {  	v4 =	vld [tilespmem:s31+$0x0];
	s15 =	sor.u32 s16, s15  }
0x192: {  	v0 =	vld [tilespmem:s15+$0x4100]  }
0x193: {  	v1 =	vld [tilespmem:s15+$0xC100]  }
0x194: {  	v2 =	vld [tilespmem:s15+$0x4110]  }
0x195: {  	v6 =	vld [tilespmem:s15+$0xC110]  }
0x196: {  	v10 =	vld [tilespmem:s15+$0x4120]  }
0x197: {  	v11 =	vld [tilespmem:s15+$0xC120]  }
0x198: {  	v14 =	vld [tilespmem:s15+$0x4130]  }
0x199: {  	v17 =	vld [tilespmem:s15+$0xC130]  }
0x19a: {  	v20 =	vld [tilespmem:s15+$0x4140]  }
0x19b: {  	v21 =	vld [tilespmem:s15+$0xC140]  }
0x19c: {  	v26 =	vld [tilespmem:s15+$0x4150]  }
0x19d: {  	v27 =	vld [tilespmem:s15+$0xC150]  }
0x19e: {  	v28 =	vld [tilespmem:s15+$0x4160]  }
0x19f: {  	v29 =	vld [tilespmem:s15+$0xC160]  }
0x1a0: {  	v30 =	vld [tilespmem:s15+$0x4170]  }
0x1a1: {  	v31 =	vld [tilespmem:s15+$0xC170]  }
0x1a2: {  	v32 =	vld [tilespmem:s15+$0x4500]  }
0x1a3: {  	v33 =	vld [tilespmem:s15+$0xC500]  }
0x1a4: {  	v34 =	vld [tilespmem:s15+$0x4510]  }
0x1a5: {  	v35 =	vld [tilespmem:s15+$0xC510]  }
0x1a6: {  	v36 =	vld [tilespmem:s15+$0x4520]  }
0x1a7: {  	v37 =	vld [tilespmem:s15+$0xC520]  }
0x1a8: {  	v38 =	vld [tilespmem:s15+$0x4530]  }
0x1a9: {  	v39 =	vld [tilespmem:s15+$0xC530]  }
0x1aa: {  	v40 =	vld [tilespmem:s15+$0x4540]  }
0x1ab: {  	v41 =	vld [tilespmem:s15+$0xC540]  }
0x1ac: {  	v42 =	vld [tilespmem:s15+$0x4550]  }
0x1ad: {  	v43 =	vld [tilespmem:s15+$0xC550]  }
0x1ae: {  	v44 =	vld [tilespmem:s15+$0x4560]  }
0x1af: {  	v45 =	vld [tilespmem:s15+$0xC560]  }
0x1b0: {  	v46 =	vld [tilespmem:s15+$0x4570]  }
0x1b1: {  	v47 =	vld [tilespmem:s15+$0xC570]  }
0x1b2: {  	v48 =	vld [tilespmem:s15+$0x4900]  }
0x1b3: {  	v49 =	vld [tilespmem:s15+$0xC900]  }
0x1b4: {  	v50 =	vld [tilespmem:s15+$0x4910]  }
0x1b5: {  	v51 =	vld [tilespmem:s15+$0xC910]  }
0x1b6: {  	v52 =	vld [tilespmem:s15+$0x4920]  }
0x1b7: {  	v53 =	vld [tilespmem:s15+$0xC920]  }
0x1b8: {  	v54 =	vld [tilespmem:s15+$0x4930]  }
0x1b9: {  	v55 =	vld [tilespmem:s15+$0xC930]  }
0x1ba: {  	v56 =	vld [tilespmem:s15+$0x4940]  }
0x1bb: {  	v57 =	vld [tilespmem:s15+$0xC940]  }
0x1bc: {  	v58 =	vld [tilespmem:s15+$0x4950]  }
0x1bd: {  	v59 =	vld [tilespmem:s15+$0xC950]  }
0x1be: {  	v60 =	vld [tilespmem:s15+$0x4960]  }
0x1bf: {  	v61 =	vld [tilespmem:s15+$0xC960]  }
0x1c0: {  	v62 =	vld [tilespmem:s15+$0x4970]  }
0x1c1: {  	v63 =	vld [tilespmem:s15+$0xC970]  }
0x1c2: {  	v24 =	vld [tilespmem:s15+$0x4D00]  }
0x1c3: {  	v25 =	vld [tilespmem:s15+$0xCD00]  }
0x1c4: {  	v22 =	vld [tilespmem:s15+$0x4D10]  }
0x1c5: {  	v23 =	vld [tilespmem:s15+$0xCD10]  }
0x1c6: {  	v18 =	vld [tilespmem:s15+$0x4D20]  }
0x1c7: {  	v19 =	vld [tilespmem:s15+$0xCD20]  }
0x1c8: {  	v15 =	vld [tilespmem:s15+$0x4D30]  }
0x1c9: {  	v16 =	vld [tilespmem:s15+$0xCD30]  }
0x1ca: {  	v5 =	vld [tilespmem:s15+$0x4D60]  }
0x1cb: {  	v12 =	vld [tilespmem:s15+$0x4D40]  }
0x1cc: {  	v13 =	vld [tilespmem:s15+$0xCD40]  }
0x1cd: {  	v8 =	vld [tilespmem:s15+$0x4D50]  }
0x1ce: {  	v9 =	vld [tilespmem:s15+$0xCD50];
	v0 =	vmul.f32 v0, v3;
	v1 =	vmul.f32 v1, v4  }
0x1cf: {  	v7 =	vld [tilespmem:s15+$0xCD60];
	[tilespmem:$0x1FFA0] =	vst v5;
	v5 =	vmul.f32 v2, v3;
	v2 =	vmul.f32 v6, v4  }
0x1d0: {  	v6 =	vld [tilespmem:s15+$0x4D70];
	v17 =	vmul.f32 v17, v4;
	v0 =	vadd.f32 v1, v0  }
0x1d1: {  	v1 =	vmul.f32 v10, v3;
	v10 =	vld [tilespmem:s15+$0xCD70];
	v5 =	vadd.f32 v2, v5;
	v2 =	vmul.f32 v14, v3  }
0x1d2: {  	v11 =	vmul.f32 v11, v4;
	v14 =	vld [tilespmem:s15+$0xD100]  }
0x1d3: {  	v26 =	vmul.f32 v26, v3;
	v2 =	vadd.f32 v17, v2;
	v17 =	vld [tilespmem:s15+$0x5110]  }
0x1d4: {  	[tilespmem:s15+$0x14100] =	vst v0;
	v0 =	vadd.f32 v11, v1;
	v1 =	vmul.f32 v20, v3;
	v11 =	vmul.f32 v21, v4;
	v20 =	vld [tilespmem:s15+$0xD110]  }
0x1d5: {  	v27 =	vmul.f32 v27, v4;
	v30 =	vmul.f32 v30, v3;
	v21 =	vld [tilespmem:s15+$0x5120];
	[tilespmem:$0x1FFB0] =	vst v6  }
0x1d6: {  	v31 =	vmul.f32 v31, v4;
	v33 =	vmul.f32 v33, v4;
	v6 =	vld [tilespmem:s15+$0x5100];
	[tilespmem:s15+$0x14120] =	vst v0;
	v0 =	vadd.f32 v11, v1  }
0x1d7: {  	v1 =	vmul.f32 v28, v3;
	v11 =	vmul.f32 v29, v4;
	[tilespmem:s15+$0x14130] =	vst v2;
	v2 =	vadd.f32 v27, v26;
	v26 =	vld [tilespmem:s15+$0xD120]  }
0x1d8: {  	[tilespmem:s15+$0x14110] =	vst v5;
	v5 =	vmul.f32 v34, v3;
	v34 =	vmul.f32 v37, v4;
	v28 =	vld [tilespmem:s15+$0x5130]  }
0x1d9: {  	v37 =	vmul.f32 v39, v4;
	v29 =	vld [tilespmem:s15+$0xD130];
	[tilespmem:s15+$0x14140] =	vst v0;
	v0 =	vadd.f32 v11, v1;
	v1 =	vmul.f32 v32, v3  }
0x1da: {  	v27 =	vmul.f32 v16, v4;
	v16 =	vld [tilespmem:s15+$0x5540];
	[tilespmem:s15+$0x14150] =	vst v2;
	v2 =	vadd.f32 v31, v30;
	v32 =	vmul.f32 v35, v4  }
0x1db: {  	v30 =	vld [tilespmem:s15+$0x5140];
	[tilespmem:s15+$0x14160] =	vst v0;
	v0 =	vadd.f32 v33, v1;
	v33 =	vmul.f32 v36, v3;
	v36 =	vmul.f32 v38, v3  }
0x1dc: {  	v39 =	vmul.f32 v40, v3;
	v40 =	vmul.f32 v41, v4;
	v31 =	vld [tilespmem:s15+$0xD140];
	[tilespmem:s15+$0x14170] =	vst v2;
	v35 =	vadd.f32 v32, v5  }
0x1dd: {  	v42 =	vmul.f32 v42, v3;
	v11 =	vld [tilespmem:s15+$0xD550];
	[tilespmem:s15+$0x14500] =	vst v0;
	v38 =	vadd.f32 v34, v33;
	v41 =	vadd.f32 v37, v36  }
0x1de: {  	v32 =	vld [tilespmem:s15+$0x5150];
	[tilespmem:s15+$0x14510] =	vst v35;
	v36 =	vmul.f32 v43, v4;
	v37 =	vadd.f32 v40, v39;
	v39 =	vmul.f32 v45, v4  }
0x1df: {  	v33 =	vld [tilespmem:s15+$0xD150];
	v45 =	vmul.f32 v49, v4;
	[tilespmem:s15+$0x14520] =	vst v38;
	v38 =	vmul.f32 v44, v3  }
0x1e0: {  	v34 =	vld [tilespmem:s15+$0x5160];
	[tilespmem:s15+$0x14530] =	vst v41;
	v40 =	vadd.f32 v36, v42;
	v41 =	vmul.f32 v46, v3;
	v42 =	vmul.f32 v47, v4  }
0x1e1: {  	v35 =	vld [tilespmem:s15+$0xD160];
	[tilespmem:s15+$0x14540] =	vst v37;
	v44 =	vmul.f32 v48, v3;
	v47 =	vmul.f32 v50, v3;
	v43 =	vadd.f32 v39, v38  }
0x1e2: {  	v48 =	vmul.f32 v51, v4;
	v36 =	vld [tilespmem:s15+$0x5170];
	v50 =	vmul.f32 v52, v3;
	[tilespmem:s15+$0x14550] =	vst v40;
	v46 =	vadd.f32 v42, v41  }
0x1e3: {  	v51 =	vmul.f32 v53, v4;
	v37 =	vld [tilespmem:s15+$0xD170];
	v53 =	vmul.f32 v54, v3;
	v49 =	vadd.f32 v45, v44;
	[tilespmem:s15+$0x14560] =	vst v43  }
0x1e4: {  	v54 =	vmul.f32 v55, v4;
	v52 =	vadd.f32 v48, v47;
	v38 =	vld [tilespmem:s15+$0x5500];
	v44 =	vmul.f32 v56, v3;
	[tilespmem:s15+$0x14570] =	vst v46  }
0x1e5: {  	v55 =	vadd.f32 v51, v50;
	v45 =	vmul.f32 v57, v4;
	v39 =	vld [tilespmem:s15+$0xD500];
	v47 =	vmul.f32 v58, v3;
	[tilespmem:s15+$0x14900] =	vst v49  }
0x1e6: {  	v48 =	vmul.f32 v59, v4;
	v40 =	vld [tilespmem:s15+$0x5510];
	v50 =	vmul.f32 v60, v3;
	[tilespmem:s15+$0x14910] =	vst v52;
	v46 =	vadd.f32 v54, v53  }
0x1e7: {  	v51 =	vmul.f32 v61, v4;
	v41 =	vld [tilespmem:s15+$0xD510];
	v56 =	vmul.f32 v24, v3;
	[tilespmem:s15+$0x14920] =	vst v55;
	v49 =	vadd.f32 v45, v44  }
0x1e8: {  	v42 =	vld [tilespmem:s15+$0x5520];
	v57 =	vmul.f32 v25, v4;
	v59 =	vmul.f32 v22, v3;
	v52 =	vadd.f32 v48, v47;
	[tilespmem:s15+$0x14930] =	vst v46  }
0x1e9: {  	v24 =	vld [tilespmem:s15+$0xD520];
	v60 =	vmul.f32 v23, v4;
	v25 =	vmul.f32 v15, v3;
	v55 =	vadd.f32 v51, v50;
	[tilespmem:s15+$0x14940] =	vst v49  }
0x1ea: {  	v23 =	vld [tilespmem:s15+$0x5530];
	v53 =	vmul.f32 v62, v3;
	v54 =	vmul.f32 v63, v4;
	v61 =	vadd.f32 v57, v56;
	[tilespmem:s15+$0x14950] =	vst v52  }
0x1eb: {  	v15 =	vld [tilespmem:s15+$0x5900];
	v62 =	vmul.f32 v18, v3;
	v63 =	vmul.f32 v19, v4;
	v22 =	vadd.f32 v60, v59;
	[tilespmem:s15+$0x14960] =	vst v55  }
0x1ec: {  	v18 =	vld [tilespmem:s15+$0xD530];
	v44 =	vmul.f32 v12, v3;
	v45 =	vmul.f32 v13, v4;
	v58 =	vadd.f32 v54, v53;
	[tilespmem:s15+$0x14D00] =	vst v61  }
0x1ed: {  	v12 =	vld [tilespmem:s15+$0xD540];
	v47 =	vmul.f32 v8, v3;
	v48 =	vmul.f32 v9, v4;
	v43 =	vadd.f32 v63, v62;
	[tilespmem:s15+$0x14D10] =	vst v22  }
0x1ee: {  	v9 =	vld [tilespmem:s15+$0x5550];
	v56 =	vmul.f32 v14, v4;
	v59 =	vmul.f32 v20, v4;
	v46 =	vadd.f32 v27, v25;
	[tilespmem:s15+$0x14970] =	vst v58  }
0x1ef: {  	v50 =	vld [tilespmem:$0x1FFA0];
	v20 =	vmul.f32 v28, v3;
	v49 =	vadd.f32 v45, v44;
	v55 =	vmul.f32 v6, v3;
	[tilespmem:s15+$0x14D20] =	vst v43  }
0x1f0: {  	v13 =	vld [tilespmem:s15+$0x5570];
	v51 =	vadd.f32 v48, v47;
	v61 =	vmul.f32 v21, v3;
	v62 =	vmul.f32 v26, v4;
	[tilespmem:s15+$0x14D30] =	vst v46  }
0x1f1: {  	v14 =	vld [tilespmem:s15+$0xD570];
	v28 =	vmul.f32 v32, v3;
	v21 =	vmul.f32 v29, v4;
	[tilespmem:s15+$0x14D40] =	vst v49;
	v60 =	vadd.f32 v56, v55  }
0x1f2: {  	v19 =	vld [tilespmem:s15+$0x5910];
	v25 =	vmul.f32 v30, v3;
	v26 =	vmul.f32 v31, v4;
	[tilespmem:s15+$0x14D50] =	vst v51;
	v22 =	vadd.f32 v62, v61  }
0x1f3: {  	v32 =	vmul.f32 v35, v4;
	v52 =	vld [tilespmem:$0x1FFB0];
	v29 =	vmul.f32 v33, v4;
	v27 =	vadd.f32 v21, v20;
	[tilespmem:s15+$0x15100] =	vst v60  }
0x1f4: {  	v53 =	vmul.f32 v10, v4;
	v10 =	vld [tilespmem:s15+$0x5560];
	v31 =	vmul.f32 v34, v3;
	v30 =	vadd.f32 v26, v25;
	[tilespmem:s15+$0x15120] =	vst v22  }
0x1f5: {  	v35 =	vmul.f32 v37, v4;
	v34 =	vmul.f32 v36, v3;
	v44 =	vld [tilespmem:s15+$0x5930];
	v33 =	vadd.f32 v29, v28;
	[tilespmem:s15+$0x15130] =	vst v27  }
0x1f6: {  	v48 =	vld [tilespmem:s15+$0xD930];
	v37 =	vmul.f32 v38, v3;
	v38 =	vmul.f32 v39, v4;
	v36 =	vadd.f32 v32, v31;
	[tilespmem:s15+$0x15140] =	vst v30  }
0x1f7: {  	v58 =	vmul.f32 v17, v3;
	v17 =	vld [tilespmem:s15+$0xD900];
	v39 =	vadd.f32 v35, v34;
	[tilespmem:s15+$0x15150] =	vst v33  }
0x1f8: {  	v40 =	vmul.f32 v40, v3;
	v20 =	vld [tilespmem:s15+$0xD910];
	v43 =	vmul.f32 v41, v4;
	v45 =	vadd.f32 v38, v37;
	[tilespmem:s15+$0x15160] =	vst v36  }
0x1f9: {  	v7 =	vmul.f32 v7, v4;
	v21 =	vld [tilespmem:s15+$0x5920];
	v1 =	vmul.f32 v50, v3;
	v63 =	vadd.f32 v59, v58;
	[tilespmem:s15+$0x15170] =	vst v39  }
0x1fa: {  	v56 =	vld [tilespmem:s15+$0xD940];
	v49 =	vadd.f32 v43, v40;
	v58 =	vmul.f32 v9, v3;
	v59 =	vmul.f32 v11, v4;
	[tilespmem:s15+$0x15500] =	vst v45  }
0x1fb: {  	v28 =	vld [tilespmem:s15+$0x5960];
	v26 =	vmul.f32 v13, v3;
	v27 =	vmul.f32 v14, v4;
	v54 =	vadd.f32 v7, v1;
	[tilespmem:s15+$0x15110] =	vst v63  }
0x1fc: {  	v32 =	vld [tilespmem:s15+$0xD960];
	v50 =	vmul.f32 v23, v3;
	v5 =	vmul.f32 v52, v3;
	[tilespmem:s15+$0x15510] =	vst v49;
	v23 =	vadd.f32 v59, v58  }
0x1fd: {  	v47 =	vmul.f32 v24, v4;
	v46 =	vmul.f32 v42, v3;
	v22 =	vld [tilespmem:s15+$0xD920];
	v33 =	vadd.f32 v27, v26;
	[tilespmem:s15+$0x14D60] =	vst v54  }
0x1fe: {  	v60 =	vld [tilespmem:s15+$0x5950];
	v42 =	vmul.f32 v44, v3;
	v43 =	vmul.f32 v48, v4;
	v57 =	vadd.f32 v53, v5;
	[tilespmem:s15+$0x15550] =	vst v23  }
0x1ff: {  	v51 =	vmul.f32 v18, v4;
	v36 =	vld [tilespmem:s15+$0x5970];
	v53 =	vadd.f32 v47, v46;
	[tilespmem:s15+$0x15570] =	vst v33  }
0x200: {  	v55 =	vmul.f32 v12, v4;
	v40 =	vld [tilespmem:s15+$0xD970];
	v54 =	vmul.f32 v16, v3;
	v47 =	vadd.f32 v43, v42;
	[tilespmem:s15+$0x14D70] =	vst v57  }
0x201: {  	v30 =	vmul.f32 v15, v3;
	v7 =	vld [tilespmem:s15+$0xD560];
	v31 =	vmul.f32 v17, v4;
	v57 =	vadd.f32 v51, v50;
	[tilespmem:s15+$0x15520] =	vst v53  }
0x202: {  	v34 =	vmul.f32 v19, v3;
	v52 =	vld [tilespmem:s15+$0x5940];
	v35 =	vmul.f32 v20, v4;
	v61 =	vadd.f32 v55, v54;
	[tilespmem:s15+$0x15930] =	vst v47  }
0x203: {  	v16 =	vld [tilespmem:s15+$0xD950];
	v38 =	vmul.f32 v21, v3;
	v37 =	vadd.f32 v31, v30;
	v39 =	vmul.f32 v22, v4;
	[tilespmem:s15+$0x15530] =	vst v57  }
0x204: {  	v41 =	vadd.f32 v35, v34;
	v50 =	vmul.f32 v28, v3;
	v51 =	vmul.f32 v32, v4;
	[tilespmem:s15+$0x15540] =	vst v61  }
0x205: {  	v53 =	vmul.f32 v36, v3;
	v54 =	vmul.f32 v40, v4;
	[tilespmem:s15+$0x15900] =	vst v37;
	v44 =	vadd.f32 v39, v38  }
0x206: {  	v62 =	vmul.f32 v10, v3;
	v63 =	vmul.f32 v7, v4;
	[tilespmem:s15+$0x15910] =	vst v41;
	v55 =	vadd.f32 v51, v50  }
0x207: {  	v46 =	vmul.f32 v56, v4;
	v45 =	vmul.f32 v52, v3;
	v56 =	vadd.f32 v54, v53;
	[tilespmem:s15+$0x15920] =	vst v44  }
0x208: {  	v48 =	vmul.f32 v60, v3;
	v29 =	vadd.f32 v63, v62;
	v7 =	vmul.f32 v16, v4;
	[tilespmem:s15+$0x15960] =	vst v55  }
0x209: {  	s16 =	sand.u32 $0x7, s30;
	v49 =	vadd.f32 v46, v45;
	[tilespmem:s15+$0x15970] =	vst v56  }
0x20a: {  	s16 =	sshll.u32 s16, $0x7;
	[tilespmem:s15+$0x15560] =	vst v29;
	v52 =	vadd.f32 v7, v48  }
0x20b: {  	s16 =	sadd.s32 s16, s0;
	[tilespmem:s15+$0x15940] =	vst v49  }
0x20c: {  	[tilespmem:s15+$0x15950] =	vst v52;
	s15 =	sor.u32 $0x1C00, s16  }
0x20d: {  	v0 =	vld [tilespmem:s15+$0x4100]  }
0x20e: {  	v1 =	vld [tilespmem:s15+$0xC100];
	_ =	sdelay $0x4  }
0x20f: {  	v0 =	vmul.f32 v0, v3;
	v1 =	vmul.f32 v1, v4;
	_ =	sdelay $0x1  }
0x210: {  	v0 =	vadd.f32 v1, v0;
	_ =	sdelay $0x1  }
0x211: {  	[tilespmem:s15+$0x14100] =	vst v0;
	s15 =	sor.u32 $0x1C10, s16  }
0x212: {  	v0 =	vld [tilespmem:s15+$0x4100]  }
0x213: {  	v57 =	vld [tilespmem:s15+$0xC100];
	_ =	sdelay $0x4  }
0x214: {  	v0 =	vmul.f32 v0, v3;
	v1 =	vmul.f32 v57, v4;
	_ =	sdelay $0x1  }
0x215: {  	v0 =	vadd.f32 v1, v0;
	_ =	sdelay $0x1  }
0x216: {  	[tilespmem:s15+$0x14100] =	vst v0;
	s15 =	sor.u32 $0x1C20, s16  }
0x217: {  	v0 =	vld [tilespmem:s15+$0x4100]  }
0x218: {  	v58 =	vld [tilespmem:s15+$0xC100];
	_ =	sdelay $0x4  }
0x219: {  	v0 =	vmul.f32 v0, v3;
	v1 =	vmul.f32 v58, v4;
	_ =	sdelay $0x1  }
0x21a: {  	v0 =	vadd.f32 v1, v0;
	_ =	sdelay $0x1  }
0x21b: {  	[tilespmem:s15+$0x14100] =	vst v0;
	s15 =	sor.u32 $0x1C30, s16  }
0x21c: {  	v0 =	vld [tilespmem:s15+$0x4100]  }
0x21d: {  	v59 =	vld [tilespmem:s15+$0xC100];
	_ =	sdelay $0x4  }
0x21e: {  	v0 =	vmul.f32 v0, v3;
	v1 =	vmul.f32 v59, v4;
	_ =	sdelay $0x1  }
0x21f: {  	v0 =	vadd.f32 v1, v0;
	_ =	sdelay $0x1  }
0x220: {  	[tilespmem:s15+$0x14100] =	vst v0;
	s15 =	sor.u32 $0x1C40, s16  }
0x221: {  	v0 =	vld [tilespmem:s15+$0x4100]  }
0x222: {  	v60 =	vld [tilespmem:s15+$0xC100];
	_ =	sdelay $0x4  }
0x223: {  	v0 =	vmul.f32 v0, v3;
	v1 =	vmul.f32 v60, v4;
	_ =	sdelay $0x1  }
0x224: {  	v0 =	vadd.f32 v1, v0;
	_ =	sdelay $0x1  }
0x225: {  	[tilespmem:s15+$0x14100] =	vst v0;
	s15 =	sor.u32 $0x1C50, s16  }
0x226: {  	v0 =	vld [tilespmem:s15+$0x4100]  }
0x227: {  	v61 =	vld [tilespmem:s15+$0xC100];
	_ =	sdelay $0x4  }
0x228: {  	v0 =	vmul.f32 v0, v3;
	v1 =	vmul.f32 v61, v4;
	_ =	sdelay $0x1  }
0x229: {  	v0 =	vadd.f32 v1, v0;
	_ =	sdelay $0x1  }
0x22a: {  	[tilespmem:s15+$0x14100] =	vst v0;
	s15 =	sor.u32 $0x1C60, s16  }
0x22b: {  	v0 =	vld [tilespmem:s15+$0x4100]  }
0x22c: {  	v62 =	vld [tilespmem:s15+$0xC100];
	_ =	sdelay $0x4  }
0x22d: {  	v0 =	vmul.f32 v0, v3;
	v1 =	vmul.f32 v62, v4;
	_ =	sdelay $0x1  }
0x22e: {  	v0 =	vadd.f32 v1, v0;
	_ =	sdelay $0x1  }
0x22f: {  	s16 =	sor.u32 $0x1C70, s16;
	[tilespmem:s15+$0x14100] =	vst v0  }
0x230: {  	v0 =	vld [tilespmem:s16+$0x4100]  }
0x231: {  	v63 =	vld [tilespmem:s16+$0xC100];
	_ =	sdelay $0x3  }
0x232: {  	p0 =	sne.s32 s1, $0xF80  }
.Ltmp1:
0x233: {  	v0 =	vmul.f32 v0, v3;
	v1 =	vmul.f32 v63, v4;
	(pc) =	sbr.rel @p0 .LBB2_4-.Ltmp1, $4  }
0x234: {  	_ = 	snop  }
0x235: {  	v0 =	vadd.f32 v1, v0  }
0x236: {  	s13 =	sadd.s32 $0x80, s13;
	s31 =	sadd.s32 $0x80, s31  }
0x237: {  	s1 =	sadd.s32 $0x80, s1;
	s30 =	sadd.s32 $0x1, s30;
	s0 =	sadd.s32 $0x400, s0;
	[tilespmem:s16+$0x14100] =	vst v0  }
0x238: {  	s0 =	rddreg [dreg:$0x7]  }
0x239: {  	[hbm4b:s0+s2] =	stream.linear.scatter [tilespmem:s29], [sflag:$0x3], $0x8000, $0x38;
	[tilespmem:$0x1C100] =	vst v63  }
0x23a: {  	_ =	swait.ge [sflag:s14], $0x8000  }
0x23b: {  	s12 =	sadd.s32 $0x1, s12;
	s31 =	rddreg [dreg:$0x8]  }
0x23c: {  	p0 =	sne.s32 s12, s31  }
.Ltmp2:
0x23d: {  	_ = 	snop;
	(pc) =	sbr.rel @p0 .LBB2_1-.Ltmp2, $3  }
0x23e: {  	_ =	sdelay $0x1  }
0x23f: {  	[sflag:s14] =	ssyncset.done $0x0  }
0x240: {  	[sflag:s14] =	ssyncadd.s32 $0xFFFF8000  }
0x241: {  	_ =	sfence.sel $0x180000  }
0x242: {  	[bflag:$0x0] =	sbarrier.arrive $0xFFFF  }
0x243: {  	_ =	strace $0x9000004A  }
0x244: {  	s0 =	stileid.u32;
	[bflag:$0x2] =	sbarrier.arrive $0xFFFF  }
0x245: {  	p0 =	sne.s32 s0, $0x0;
	s0 =	rddreg [dreg:$0x2]  }
0x246: {  	s0 =	sadd.s32 @!p0 $0x100000, s0  }
0x247: {  	[sflag:s0] =	ssyncadd.tile.s32 @!p0 $0x1;
	_ =	shalt  }
.Lfunc_end2:
_tile_overlayer_lowered:
.L_overlay_start_2:
0x248: {  	(tag) =	ssettag $0x2  }
0x249: {  	s0 =	rddreg [dreg:$0x0];
	s2 =	stileid.u32  }
0x24a: {  	s1 =	rddreg [dreg:$0x1];
	p0 =	sne.s32 s2, $0x0  }
0x24b: {  	s3 =	rddreg [dreg:$0x2];
	[bflag:$0x3] =	sbarrier.arrive $0xFFFF;
	s2 =	simm.s32 @!p0 $0x1C03  }
0x24c: {  	[timem:s3], [sflag:s2] =	dma.local @!p0 [hbm:s0], s1  }
0x24d: {  	s0 =	simm.s32 @!p0 $0x3  }
0x24e: {  	_ =	swait.ge @!p0 [sflag:s0], s1  }
0x24f: {  	s1 =	ssub.s32 @!p0 $0x0, s1;
	[sflag:s0] =	ssyncset.done @!p0 $0x0  }
0x250: {  	[sflag:s0] =	ssyncadd.s32 @!p0 s1  }
0x251: {  	[bflag:$0x3] =	sbarrier.arrive $0xFFFF  }
0x252: {  	_ =	shalt  }

</sc_bundles>
